<compile_context>
chip_gen: v7x
topology: tpu7x:2x2x1
jax: 0.10.2.dev20260603
libtpu: 0.0.44.dev20260713+nightly
codegen_flags: <defaults>
</compile_context>

<pallas_src>
import numpy as np
import jax
import jax.numpy as jnp
from jax import lax
from jax.experimental import pallas as pl
from jax.experimental.pallas import tpu as pltpu
from jax.experimental.pallas import tpu_sc as plsc

_B, _T, _C = 16, 2048, 512
_N = _B * _T

_SB = 9
_NB = _B - _SB
_NSC = _SB * _T

_TK = 256
_NT = _T // _TK
_WIN = 3 * _TK

_NW = 32
_RPW = _NSC // _NW
_K = 16
_NCH = _RPW // _K
_NBUF = 4


def _static_plan():
    rng = np.random.RandomState(0)
    min_len_seg, max_len_seg = 19, 32
    max_num_seg = _T // min_len_seg + 1
    n = _B * max_num_seg
    indices = np.broadcast_to(
        np.arange(max_len_seg * 2)[None, :], (n, max_len_seg * 2))
    scales = rng.rand(n) + 0.5
    idx_scaled = indices / scales[:, None]
    idx_scaled_fl = np.floor(idx_scaled)
    lambda_ = idx_scaled - idx_scaled_fl
    len_seg = rng.randint(min_len_seg, max_len_seg, size=(n, 1))
    idx_mask = idx_scaled_fl < (len_seg - 1)
    offset = np.cumsum(len_seg.reshape(_B, -1), axis=-1)
    offset = np.pad(offset[:, :-1], ((0, 0), (1, 0)),
                    constant_values=0).reshape(-1, 1)
    idx_scaled_org = idx_scaled_fl + offset
    idx_mask_org = idx_scaled_org < (_T - 1)
    m = idx_mask & idx_mask_org
    counts = m.sum(axis=-1).reshape(_B, -1).sum(axis=-1)
    i1 = np.repeat(np.arange(_B), counts)
    i2 = idx_scaled_org[m].astype(np.int64)
    lam = lambda_[m]
    starts = np.concatenate([[0], np.cumsum(counts)[:-1]])
    pos = np.arange(i1.shape[0]) - starts[i1]
    keep = pos < _T
    i1, i2, lam, pos = i1[keep], i2[keep], lam[keep], pos[keep]

    flat = i1 * _T + pos
    g = np.zeros(_N, np.int64)
    g[flat] = i1 * _T + i2
    gsc = g[:_NSC]
    gpair = np.stack([gsc, gsc + 1], axis=1).reshape(-1).astype(np.int32)
    wv = np.zeros((_NSC, 32), np.float32)
    sel = flat < _NSC
    wv[flat[sel], :16] = (1.0 - lam[sel])[:, None]
    wv[flat[sel], 16:] = lam[sel][:, None]

    glocal = np.broadcast_to(np.arange(_T)[None, :], (_B, _T)).copy()
    glocal[i1, pos] = i2
    w0_t = np.zeros((_B, _T), np.float32)
    w1_t = np.zeros((_B, _T), np.float32)
    w0_t[i1, pos] = 1.0 - lam
    w1_t[i1, pos] = lam
    tile0 = (np.arange(_T) // _TK) * _TK
    lidx = (glocal - tile0[None, :] + _TK).astype(np.int32)
    assert lidx.min() >= 0 and lidx.max() + 1 < _WIN
    return (gpair, wv,
            lidx[_SB:].reshape(_NB, 1, _T),
            w0_t[_SB:].reshape(_NB, 1, _T),
            w1_t[_SB:].reshape(_NB, 1, _T))


_GPAIR, _WV, _IDXT, _W0T, _W1T = _static_plan()


def _sc_body(x_hbm, gp_hbm, wv_hbm, out_hbm,
             gidx_all,
             wv0, wv1, wv2, wv3,
             rows0, rows1, rows2, rows3,
             ob0, ob1, ob2, ob3,
             gs0, gs1, gs2, gs3,
             os0, os1, os2, os3):
    wvb = (wv0, wv1, wv2, wv3)
    rows = (rows0, rows1, rows2, rows3)
    outb = (ob0, ob1, ob2, ob3)
    gs = (gs0, gs1, gs2, gs3)
    osem = (os0, os1, os2, os3)
    wid = lax.axis_index("s") * 2 + lax.axis_index("c")
    row0 = wid * _RPW

    pltpu.sync_copy(gp_hbm.at[pl.ds(2 * row0, 2 * _RPW)], gidx_all)

    def start(c, b):
        pltpu.async_copy(
            x_hbm.at[gidx_all.at[pl.ds(c * 2 * _K, 2 * _K)]], rows[b], gs[b])
        pltpu.async_copy(
            wv_hbm.at[pl.ds(row0 + c * _K, _K)], wvb[b], gs[b])

    for b in range(_NBUF):
        start(b, b)

    def iter_fn(g, carry):
        for b in range(_NBUF):
            c = _NBUF * g + b
            base = row0 + c * _K
            pltpu.make_async_copy(
                x_hbm.at[gidx_all.at[pl.ds(0, 2 * _K)]], rows[b],
                gs[b]).wait()
            pltpu.make_async_copy(
                wv_hbm.at[pl.ds(0, _K)], wvb[b], gs[b]).wait()

            @pl.when(g > 0)
            def _wait_out():
                pltpu.make_async_copy(
                    outb[b], out_hbm.at[pl.ds(base, _K)], osem[b]).wait()

            def rowfn(r, c2):
                w0 = wvb[b][r, pl.ds(0, 16)]
                w1 = wvb[b][r, pl.ds(16, 16)]
                for j in range(_C // 16):
                    av = rows[b][2 * r, pl.ds(j * 16, 16)]
                    bv = rows[b][2 * r + 1, pl.ds(j * 16, 16)]
                    outb[b][r, pl.ds(j * 16, 16)] = w0 * av + w1 * bv
                return c2

            lax.fori_loop(0, _K, rowfn, 0)
            pltpu.async_copy(outb[b], out_hbm.at[pl.ds(base, _K)], osem[b])

            @pl.when(c + _NBUF < _NCH)
            def _prefetch():
                start(c + _NBUF, b)
        return carry

    lax.fori_loop(0, _NCH // _NBUF, iter_fn, 0)
    for b in range(_NBUF):
        pltpu.make_async_copy(
            outb[b], out_hbm.at[pl.ds(row0, _K)], osem[b]).wait()


def _tc_body(x0_ref, x1_ref, x2_ref, idx_ref, w0_ref, w1_ref, o_ref):
    win = jnp.concatenate(
        [x0_ref[0], x1_ref[0], x2_ref[0]], axis=0)
    q = idx_ref[0, 0]
    w0 = w0_ref[0, 0]
    w1 = w1_ref[0, 0]
    iota = lax.broadcasted_iota(jnp.int32, (_TK, _WIN), 1)
    s = (jnp.where(iota == q[:, None], w0[:, None], 0.0)
         + jnp.where(iota == q[:, None] + 1, w1[:, None], 0.0))
    o_ref[0] = jnp.dot(s, win, preferred_element_type=jnp.float32)


def kernel(x):
    xf = x.reshape(_N, _C)
    gp = jnp.asarray(_GPAIR)
    wv = jnp.asarray(_WV)
    mesh = plsc.VectorSubcoreMesh(core_axis_name="c", subcore_axis_name="s")
    f = pl.kernel(
        _sc_body,
        out_type=jax.ShapeDtypeStruct((_NSC, _C), jnp.float32),
        mesh=mesh,
        scratch_types=(
            [pltpu.VMEM((2 * _RPW,), jnp.int32)]
            + [pltpu.VMEM((_K, 32), jnp.float32) for _ in range(_NBUF)]
            + [pltpu.VMEM((2 * _K, _C), jnp.float32) for _ in range(_NBUF)]
            + [pltpu.VMEM((_K, _C), jnp.float32) for _ in range(_NBUF)]
            + [pltpu.SemaphoreType.DMA for _ in range(2 * _NBUF)]
        ),
    )
    out_sc = f(xf, gp, wv).reshape(_SB, _T, _C)

    def _xspec(k):
        return pl.BlockSpec(
            (1, _TK, _C),
            lambda b, t, k=k: (b, jnp.clip(t - 1 + k, 0, _NT - 1), 0))

    out_tc = pl.pallas_call(
        _tc_body,
        grid=(_NB, _NT),
        in_specs=[
            _xspec(0), _xspec(1), _xspec(2),
            pl.BlockSpec((1, 1, _TK), lambda b, t: (b, 0, t)),
            pl.BlockSpec((1, 1, _TK), lambda b, t: (b, 0, t)),
            pl.BlockSpec((1, 1, _TK), lambda b, t: (b, 0, t)),
        ],
        out_specs=pl.BlockSpec((1, _TK, _C), lambda b, t: (b, t, 0)),
        out_shape=jax.ShapeDtypeStruct((_NB, _T, _C), jnp.float32),
    )(x[_SB:], x[_SB:], x[_SB:],
      jnp.asarray(_IDXT), jnp.asarray(_W0T), jnp.asarray(_W1T))

    return jnp.concatenate([out_sc, out_tc], axis=0)

# --- scband reference (transcript-rebuilt; emitter-appended) ---
"""Pipeline reference for scband-interp-lnr-32942399161078 (READ-ONLY COPY).

The authoritative reference and input builder live on the scoring server;
editing this copy changes nothing except your own understanding.
"""

import jax, jax.numpy as jnp
import numpy as np


def _build_indices(batch_size, max_len_seq, seed=0):
    # Mirrors the torch module's internal random segment construction.
    rng = np.random.RandomState(seed)
    min_len_seg = 19
    max_len_seg = 32
    max_num_seg = max_len_seq // min_len_seg + 1
    n = batch_size * max_num_seg
    indices = np.broadcast_to(np.arange(max_len_seg * 2)[None, :], (n, max_len_seg * 2))
    scales = rng.rand(n) + 0.5  # uniform [0.5, 1.5)
    idx_scaled = indices / scales[:, None]
    idx_scaled_fl = np.floor(idx_scaled)
    lambda_ = idx_scaled - idx_scaled_fl
    len_seg = rng.randint(min_len_seg, max_len_seg, size=(n, 1))  # high exclusive, like torch.randint
    idx_mask = idx_scaled_fl < (len_seg - 1)
    offset = np.cumsum(len_seg.reshape(batch_size, -1), axis=-1)
    offset = np.pad(offset[:, :-1], ((0, 0), (1, 0)), constant_values=0).reshape(-1, 1)
    idx_scaled_org = idx_scaled_fl + offset
    # len_seq == max_len_pad == max_len_seq for every batch element
    idx_mask_org = idx_scaled_org < (max_len_seq - 1)
    idx_mask_final = idx_mask & idx_mask_org
    counts = idx_mask_final.sum(axis=-1).reshape(batch_size, -1).sum(axis=-1)
    index_1 = np.repeat(np.arange(batch_size), counts)
    index_2_fl = idx_scaled_org[idx_mask_final].astype(np.int64)
    lambda_f = lambda_[idx_mask_final]
    # position of each gathered row inside its batch element's output sequence
    starts = np.concatenate([[0], np.cumsum(counts)[:-1]])
    pos = np.arange(index_1.shape[0]) - starts[index_1]
    # torch pad_sequences truncates each sequence to max_len_pad rows
    keep = pos < max_len_seq
    return (index_1[keep], index_2_fl[keep], lambda_f[keep], pos[keep])


def setup_inputs(seed: int = 0) -> dict:
    key = jax.random.key(seed)
    x = jax.random.normal(key, (16, 2048, 512), dtype=jnp.float32)
    return {"x": x}


def reference(x):
    B, T, C = x.shape
    i1_np, i2_np, lam_np, pos_np = _build_indices(B, T)
    i1 = jnp.asarray(i1_np)
    i2 = jnp.asarray(i2_np)
    pos = jnp.asarray(pos_np)
    lam = jnp.asarray(lam_np, dtype=x.dtype)[:, None]
    y_fl = x[i1, i2, :]
    y_cl = x[i1, i2 + 1, :]
    y = (1.0 - lam) * y_fl + lam * y_cl
    out = jnp.zeros((B, T, C), dtype=x.dtype).at[i1, pos].set(y)
    return out

if __name__ == "__main__":
    import jax
    _d = setup_inputs()
    print(jax.jit(kernel)(*tuple(_d.values())))

</pallas_src>

<mosaic_0001>
#map = affine_map<(d0, d1) -> (0, 0)>
#map1 = affine_map<(d0, d1) -> (0)>
module attributes {stable_mosaic.version = 14 : i64} {
  func.func @_sc_body(%arg0: i32, %arg1: i32, %arg2: memref<32768x512xf32, #tpu.memory_space<hbm>>, %arg3: memref<36864xi32, #tpu.memory_space<hbm>>, %arg4: memref<18432x32xf32, #tpu.memory_space<hbm>>, %arg5: memref<18432x512xf32, #tpu.memory_space<hbm>>, %arg6: memref<1152xi32, #tpu.memory_space<vmem>>, %arg7: memref<16x32xf32, #tpu.memory_space<vmem>>, %arg8: memref<16x32xf32, #tpu.memory_space<vmem>>, %arg9: memref<16x32xf32, #tpu.memory_space<vmem>>, %arg10: memref<16x32xf32, #tpu.memory_space<vmem>>, %arg11: memref<32x512xf32, #tpu.memory_space<vmem>>, %arg12: memref<32x512xf32, #tpu.memory_space<vmem>>, %arg13: memref<32x512xf32, #tpu.memory_space<vmem>>, %arg14: memref<32x512xf32, #tpu.memory_space<vmem>>, %arg15: memref<16x512xf32, #tpu.memory_space<vmem>>, %arg16: memref<16x512xf32, #tpu.memory_space<vmem>>, %arg17: memref<16x512xf32, #tpu.memory_space<vmem>>, %arg18: memref<16x512xf32, #tpu.memory_space<vmem>>, %arg19: memref<!tpu.dma_semaphore, #tpu.memory_space<semaphore_mem>>, %arg20: memref<!tpu.dma_semaphore, #tpu.memory_space<semaphore_mem>>, %arg21: memref<!tpu.dma_semaphore, #tpu.memory_space<semaphore_mem>>, %arg22: memref<!tpu.dma_semaphore, #tpu.memory_space<semaphore_mem>>, %arg23: memref<!tpu.dma_semaphore, #tpu.memory_space<semaphore_mem>>, %arg24: memref<!tpu.dma_semaphore, #tpu.memory_space<semaphore_mem>>, %arg25: memref<!tpu.dma_semaphore, #tpu.memory_space<semaphore_mem>>, %arg26: memref<!tpu.dma_semaphore, #tpu.memory_space<semaphore_mem>>) attributes {dimension_semantics = [#tpu.dimension_semantics<core_parallel>, #tpu.dimension_semantics<subcore_parallel>], iteration_bounds = array<i64: 2, 16>, scalar_prefetch = 0 : i64, scratch_operands = 21 : i64, tpu.core_type = #tpu.core_type<sc_vector_subcore>, window_params = [{transform_indices = #map}, {transform_indices = #map1}, {transform_indices = #map}, {transform_indices = #map}]} {
    %mul3A = arith.constant 2 : i32
    %mul3A_0 = arith.muli %arg1, %mul3A : i32
    %add3A = arith.addi %mul3A_0, %arg0 : i32
    %mul3A_1 = arith.constant 576 : i32
    %mul3A_2 = arith.muli %add3A, %mul3A_1 : i32
    %mul3A_3 = arith.constant 2 : i32
    %mul3A_4 = arith.muli %mul3A_3, %mul3A_2 : i32
    "tpu.region"() ({
      %run_scoped3A = tpu.sem_alloc : memref<!tpu.dma_semaphore, #tpu.memory_space<semaphore_mem>>
      %dma_start3A_68 = tpu.memref_slice %arg3[%mul3A_4] : memref<36864xi32, #tpu.memory_space<hbm>> -> memref<1152xi32, #tpu.memory_space<hbm>>
      %dma_start3A_69 = tpu.memref_slice %arg3[%mul3A_4] : memref<36864xi32, #tpu.memory_space<hbm>> -> memref<1152xi32, #tpu.memory_space<hbm>>
      tpu.enqueue_dma source(%dma_start3A_69 : memref<1152xi32, #tpu.memory_space<hbm>>) target(%arg6 : memref<1152xi32, #tpu.memory_space<vmem>>) target_semaphore(%run_scoped3A : memref<!tpu.dma_semaphore, #tpu.memory_space<semaphore_mem>>)
      %dma_wait3A_70 = tpu.memref_slice %arg3[%mul3A_4] : memref<36864xi32, #tpu.memory_space<hbm>> -> memref<1152xi32, #tpu.memory_space<hbm>>
      %dma_wait3A_71 = tpu.memref_slice %arg3[%mul3A_4] : memref<36864xi32, #tpu.memory_space<hbm>> -> memref<1152xi32, #tpu.memory_space<hbm>>
      tpu.wait_dma2 semaphore(%run_scoped3A : memref<!tpu.dma_semaphore, #tpu.memory_space<semaphore_mem>>) src(%dma_wait3A_71 : memref<1152xi32, #tpu.memory_space<hbm>>) dst(%arg6 : memref<1152xi32, #tpu.memory_space<vmem>>)
      tpu.yield
    }) : () -> ()
    %dma_start3A = arith.constant 0 : i32
    %dma_start3A_5 = tpu.memref_slice %arg6[%dma_start3A] : memref<1152xi32, #tpu.memory_space<vmem>> -> memref<32xi32, #tpu.memory_space<vmem>>
    %dma_start3A_6 = arith.constant 0 : i32
    %dma_start3A_7 = arith.constant 0 : i32
    %dma_start3A_8 = tpu.memref_slice %arg2[%dma_start3A_6, %dma_start3A_7] : memref<32768x512xf32, #tpu.memory_space<hbm>> -> memref<32768x512xf32, #tpu.memory_space<hbm>>
    tpu.enqueue_indirect_dma source(%dma_start3A_8 : memref<32768x512xf32, #tpu.memory_space<hbm>>) target(%arg11 : memref<32x512xf32, #tpu.memory_space<vmem>>) offsets(%dma_start3A_5 : memref<32xi32, #tpu.memory_space<vmem>>) semaphore(%arg19 : memref<!tpu.dma_semaphore, #tpu.memory_space<semaphore_mem>>)
    %add3A_9 = arith.constant 0 : i32
    %add3A_10 = arith.addi %mul3A_2, %add3A_9 : i32
    %dma_start3A_11 = arith.constant 0 : i32
    %dma_start3A_12 = tpu.memref_slice %arg4[%add3A_10, %dma_start3A_11] : memref<18432x32xf32, #tpu.memory_space<hbm>> -> memref<16x32xf32, #tpu.memory_space<hbm>>
    %dma_start3A_13 = arith.constant 0 : i32
    %dma_start3A_14 = tpu.memref_slice %arg4[%add3A_10, %dma_start3A_13] : memref<18432x32xf32, #tpu.memory_space<hbm>> -> memref<16x32xf32, #tpu.memory_space<hbm>>
    tpu.enqueue_dma source(%dma_start3A_14 : memref<16x32xf32, #tpu.memory_space<hbm>>) target(%arg7 : memref<16x32xf32, #tpu.memory_space<vmem>>) target_semaphore(%arg19 : memref<!tpu.dma_semaphore, #tpu.memory_space<semaphore_mem>>)
    %dma_start3A_15 = arith.constant 32 : i32
    %dma_start3A_16 = tpu.memref_slice %arg6[%dma_start3A_15] : memref<1152xi32, #tpu.memory_space<vmem>> -> memref<32xi32, #tpu.memory_space<vmem>>
    %dma_start3A_17 = arith.constant 0 : i32
    %dma_start3A_18 = arith.constant 0 : i32
    %dma_start3A_19 = tpu.memref_slice %arg2[%dma_start3A_17, %dma_start3A_18] : memref<32768x512xf32, #tpu.memory_space<hbm>> -> memref<32768x512xf32, #tpu.memory_space<hbm>>
    tpu.enqueue_indirect_dma source(%dma_start3A_19 : memref<32768x512xf32, #tpu.memory_space<hbm>>) target(%arg12 : memref<32x512xf32, #tpu.memory_space<vmem>>) offsets(%dma_start3A_16 : memref<32xi32, #tpu.memory_space<vmem>>) semaphore(%arg20 : memref<!tpu.dma_semaphore, #tpu.memory_space<semaphore_mem>>)
    %add3A_20 = arith.constant 16 : i32
    %add3A_21 = arith.addi %mul3A_2, %add3A_20 : i32
    %dma_start3A_22 = arith.constant 0 : i32
    %dma_start3A_23 = tpu.memref_slice %arg4[%add3A_21, %dma_start3A_22] : memref<18432x32xf32, #tpu.memory_space<hbm>> -> memref<16x32xf32, #tpu.memory_space<hbm>>
    %dma_start3A_24 = arith.constant 0 : i32
    %dma_start3A_25 = tpu.memref_slice %arg4[%add3A_21, %dma_start3A_24] : memref<18432x32xf32, #tpu.memory_space<hbm>> -> memref<16x32xf32, #tpu.memory_space<hbm>>
    tpu.enqueue_dma source(%dma_start3A_25 : memref<16x32xf32, #tpu.memory_space<hbm>>) target(%arg8 : memref<16x32xf32, #tpu.memory_space<vmem>>) target_semaphore(%arg20 : memref<!tpu.dma_semaphore, #tpu.memory_space<semaphore_mem>>)
    %dma_start3A_26 = arith.constant 64 : i32
    %dma_start3A_27 = tpu.memref_slice %arg6[%dma_start3A_26] : memref<1152xi32, #tpu.memory_space<vmem>> -> memref<32xi32, #tpu.memory_space<vmem>>
    %dma_start3A_28 = arith.constant 0 : i32
    %dma_start3A_29 = arith.constant 0 : i32
    %dma_start3A_30 = tpu.memref_slice %arg2[%dma_start3A_28, %dma_start3A_29] : memref<32768x512xf32, #tpu.memory_space<hbm>> -> memref<32768x512xf32, #tpu.memory_space<hbm>>
    tpu.enqueue_indirect_dma source(%dma_start3A_30 : memref<32768x512xf32, #tpu.memory_space<hbm>>) target(%arg13 : memref<32x512xf32, #tpu.memory_space<vmem>>) offsets(%dma_start3A_27 : memref<32xi32, #tpu.memory_space<vmem>>) semaphore(%arg21 : memref<!tpu.dma_semaphore, #tpu.memory_space<semaphore_mem>>)
    %add3A_31 = arith.constant 32 : i32
    %add3A_32 = arith.addi %mul3A_2, %add3A_31 : i32
    %dma_start3A_33 = arith.constant 0 : i32
    %dma_start3A_34 = tpu.memref_slice %arg4[%add3A_32, %dma_start3A_33] : memref<18432x32xf32, #tpu.memory_space<hbm>> -> memref<16x32xf32, #tpu.memory_space<hbm>>
    %dma_start3A_35 = arith.constant 0 : i32
    %dma_start3A_36 = tpu.memref_slice %arg4[%add3A_32, %dma_start3A_35] : memref<18432x32xf32, #tpu.memory_space<hbm>> -> memref<16x32xf32, #tpu.memory_space<hbm>>
    tpu.enqueue_dma source(%dma_start3A_36 : memref<16x32xf32, #tpu.memory_space<hbm>>) target(%arg9 : memref<16x32xf32, #tpu.memory_space<vmem>>) target_semaphore(%arg21 : memref<!tpu.dma_semaphore, #tpu.memory_space<semaphore_mem>>)
    %dma_start3A_37 = arith.constant 96 : i32
    %dma_start3A_38 = tpu.memref_slice %arg6[%dma_start3A_37] : memref<1152xi32, #tpu.memory_space<vmem>> -> memref<32xi32, #tpu.memory_space<vmem>>
    %dma_start3A_39 = arith.constant 0 : i32
    %dma_start3A_40 = arith.constant 0 : i32
    %dma_start3A_41 = tpu.memref_slice %arg2[%dma_start3A_39, %dma_start3A_40] : memref<32768x512xf32, #tpu.memory_space<hbm>> -> memref<32768x512xf32, #tpu.memory_space<hbm>>
    tpu.enqueue_indirect_dma source(%dma_start3A_41 : memref<32768x512xf32, #tpu.memory_space<hbm>>) target(%arg14 : memref<32x512xf32, #tpu.memory_space<vmem>>) offsets(%dma_start3A_38 : memref<32xi32, #tpu.memory_space<vmem>>) semaphore(%arg22 : memref<!tpu.dma_semaphore, #tpu.memory_space<semaphore_mem>>)
    %add3A_42 = arith.constant 48 : i32
    %add3A_43 = arith.addi %mul3A_2, %add3A_42 : i32
    %dma_start3A_44 = arith.constant 0 : i32
    %dma_start3A_45 = tpu.memref_slice %arg4[%add3A_43, %dma_start3A_44] : memref<18432x32xf32, #tpu.memory_space<hbm>> -> memref<16x32xf32, #tpu.memory_space<hbm>>
    %dma_start3A_46 = arith.constant 0 : i32
    %dma_start3A_47 = tpu.memref_slice %arg4[%add3A_43, %dma_start3A_46] : memref<18432x32xf32, #tpu.memory_space<hbm>> -> memref<16x32xf32, #tpu.memory_space<hbm>>
    tpu.enqueue_dma source(%dma_start3A_47 : memref<16x32xf32, #tpu.memory_space<hbm>>) target(%arg10 : memref<16x32xf32, #tpu.memory_space<vmem>>) target_semaphore(%arg22 : memref<!tpu.dma_semaphore, #tpu.memory_space<semaphore_mem>>)
    %scan3A = arith.constant 0 : i32
    %scan3A_48 = arith.constant 0 : i32
    %scan3A_49 = arith.constant 9 : i32
    %scan3A_50 = arith.addi %scan3A_48, %scan3A_49 : i32
    %scan3A_51 = arith.constant 1 : i32
    scf.for %scan3A_68 = %scan3A_48 to %scan3A_50 step %scan3A_51  : i32 {
      %mul3A_69 = arith.constant 4 : i32
      %mul3A_70 = arith.muli %mul3A_69, %scan3A_68 : i32
      %add3A_71 = arith.constant 0 : i32
      %add3A_72 = arith.addi %mul3A_70, %add3A_71 : i32
      %mul3A_73 = arith.constant 16 : i32
      %mul3A_74 = arith.muli %add3A_72, %mul3A_73 : i32
      %add3A_75 = arith.addi %mul3A_2, %mul3A_74 : i32
      %dma_wait3A_76 = arith.constant 0 : i32
      %dma_wait3A_77 = tpu.memref_slice %arg6[%dma_wait3A_76] : memref<1152xi32, #tpu.memory_space<vmem>> -> memref<32xi32, #tpu.memory_space<vmem>>
      %dma_wait3A_78 = arith.constant 0 : i32
      %dma_wait3A_79 = arith.constant 0 : i32
      %dma_wait3A_80 = tpu.memref_slice %arg2[%dma_wait3A_78, %dma_wait3A_79] : memref<32768x512xf32, #tpu.memory_space<hbm>> -> memref<32768x512xf32, #tpu.memory_space<hbm>>
      tpu.wait_indirect_dma semaphore(%arg19 : memref<!tpu.dma_semaphore, #tpu.memory_space<semaphore_mem>>) src(%dma_wait3A_80 : memref<32768x512xf32, #tpu.memory_space<hbm>>) dst(%arg11 : memref<32x512xf32, #tpu.memory_space<vmem>>)
      %dma_wait3A_81 = arith.constant 0 : i32
      %dma_wait3A_82 = arith.constant 0 : i32
      %dma_wait3A_83 = tpu.memref_slice %arg4[%dma_wait3A_81, %dma_wait3A_82] : memref<18432x32xf32, #tpu.memory_space<hbm>> -> memref<16x32xf32, #tpu.memory_space<hbm>>
      %dma_wait3A_84 = arith.constant 0 : i32
      %dma_wait3A_85 = arith.constant 0 : i32
      %dma_wait3A_86 = tpu.memref_slice %arg4[%dma_wait3A_84, %dma_wait3A_85] : memref<18432x32xf32, #tpu.memory_space<hbm>> -> memref<16x32xf32, #tpu.memory_space<hbm>>
      tpu.wait_dma2 semaphore(%arg19 : memref<!tpu.dma_semaphore, #tpu.memory_space<semaphore_mem>>) src(%dma_wait3A_86 : memref<16x32xf32, #tpu.memory_space<hbm>>) dst(%arg7 : memref<16x32xf32, #tpu.memory_space<vmem>>)
      %gt3A = arith.constant 0 : i32
      %gt3A_87 = arith.cmpi sgt, %scan3A_68, %gt3A : i32
      %convert_element_type3A = arith.extui %gt3A_87 : i1 to i32
      %cond3A = arith.constant 0 : i32
      %cond3A_88 = arith.cmpi ne, %convert_element_type3A, %cond3A : i32
      scf.if %cond3A_88 {
        %dma_wait3A_225 = arith.constant 0 : i32
        %dma_wait3A_226 = tpu.memref_slice %arg5[%add3A_75, %dma_wait3A_225] : memref<18432x512xf32, #tpu.memory_space<hbm>> -> memref<16x512xf32, #tpu.memory_space<hbm>>
        %dma_wait3A_227 = arith.constant 0 : i32
        %dma_wait3A_228 = tpu.memref_slice %arg5[%add3A_75, %dma_wait3A_227] : memref<18432x512xf32, #tpu.memory_space<hbm>> -> memref<16x512xf32, #tpu.memory_space<hbm>>
        tpu.wait_dma2 semaphore(%arg23 : memref<!tpu.dma_semaphore, #tpu.memory_space<semaphore_mem>>) src(%arg15 : memref<16x512xf32, #tpu.memory_space<vmem>>) dst(%dma_wait3A_228 : memref<16x512xf32, #tpu.memory_space<hbm>>)
      } else {
      }
      %scan3A_89 = arith.constant 0 : i32
      %scan3A_90 = arith.constant 0 : i32
      %scan3A_91 = arith.constant 16 : i32
      %scan3A_92 = arith.addi %scan3A_90, %scan3A_91 : i32
      %scan3A_93 = arith.constant 1 : i32
      scf.for %scan3A_225 = %scan3A_90 to %scan3A_92 step %scan3A_93  : i32 {
        %get3A = arith.index_cast %scan3A_225 : i32 to index
        %get3A_226 = arith.constant 0 : index
        %get3A_227 = tpu.vector_load %arg7[%get3A, %get3A_226] {strides = array<i32>} : memref<16x32xf32, #tpu.memory_space<vmem>>, vector<1x16xf32>,
        %get3A_228 = vector.shape_cast %get3A_227 : vector<1x16xf32> to vector<16xf32>
        %get3A_229 = arith.index_cast %scan3A_225 : i32 to index
        %get3A_230 = arith.constant 16 : index
        %get3A_231 = tpu.vector_load %arg7[%get3A_229, %get3A_230] {strides = array<i32>} : memref<16x32xf32, #tpu.memory_space<vmem>>, vector<1x16xf32>,
        %get3A_232 = vector.shape_cast %get3A_231 : vector<1x16xf32> to vector<16xf32>
        %mul3A_233 = arith.constant 2 : i32
        %mul3A_234 = arith.muli %mul3A_233, %scan3A_225 : i32
        %get3A_235 = arith.index_cast %mul3A_234 : i32 to index
        %get3A_236 = arith.constant 0 : index
        %get3A_237 = tpu.vector_load %arg11[%get3A_235, %get3A_236] {strides = array<i32>} : memref<32x512xf32, #tpu.memory_space<vmem>>, vector<1x16xf32>,
        %get3A_238 = vector.shape_cast %get3A_237 : vector<1x16xf32> to vector<16xf32>
        %mul3A_239 = arith.constant 2 : i32
        %mul3A_240 = arith.muli %mul3A_239, %scan3A_225 : i32
        %add3A_241 = arith.constant 1 : i32
        %add3A_242 = arith.addi %mul3A_240, %add3A_241 : i32
        %get3A_243 = arith.index_cast %add3A_242 : i32 to index
        %get3A_244 = arith.constant 0 : index
        %get3A_245 = tpu.vector_load %arg11[%get3A_243, %get3A_244] {strides = array<i32>} : memref<32x512xf32, #tpu.memory_space<vmem>>, vector<1x16xf32>,
        %get3A_246 = vector.shape_cast %get3A_245 : vector<1x16xf32> to vector<16xf32>
        %mul3A_247 = arith.mulf %get3A_228, %get3A_238 : vector<16xf32>
        %mul3A_248 = arith.mulf %get3A_232, %get3A_246 : vector<16xf32>
        %add3A_249 = arith.addf %mul3A_247, %mul3A_248 : vector<16xf32>
        %swap3A = arith.index_cast %scan3A_225 : i32 to index
        %swap3A_250 = arith.constant 0 : index
        %swap3A_251 = tpu.vector_load %arg15[%swap3A, %swap3A_250] {strides = array<i32>} : memref<16x512xf32, #tpu.memory_space<vmem>>, vector<1x16xf32>,
        %swap3A_252 = vector.shape_cast %swap3A_251 : vector<1x16xf32> to vector<16xf32>
        %swap3A_253 = vector.shape_cast %add3A_249 : vector<16xf32> to vector<1x16xf32>
        tpu.vector_store %arg15[%swap3A, %swap3A_250], %swap3A_253 {strides = array<i32>} : memref<16x512xf32, #tpu.memory_space<vmem>>, vector<1x16xf32>,
        %mul3A_254 = arith.constant 2 : i32
        %mul3A_255 = arith.muli %mul3A_254, %scan3A_225 : i32
        %get3A_256 = arith.index_cast %mul3A_255 : i32 to index
        %get3A_257 = arith.constant 16 : index
        %get3A_258 = tpu.vector_load %arg11[%get3A_256, %get3A_257] {strides = array<i32>} : memref<32x512xf32, #tpu.memory_space<vmem>>, vector<1x16xf32>,
        %get3A_259 = vector.shape_cast %get3A_258 : vector<1x16xf32> to vector<16xf32>
        %mul3A_260 = arith.constant 2 : i32
        %mul3A_261 = arith.muli %mul3A_260, %scan3A_225 : i32
        %add3A_262 = arith.constant 1 : i32
        %add3A_263 = arith.addi %mul3A_261, %add3A_262 : i32
        %get3A_264 = arith.index_cast %add3A_263 : i32 to index
        %get3A_265 = arith.constant 16 : index
        %get3A_266 = tpu.vector_load %arg11[%get3A_264, %get3A_265] {strides = array<i32>} : memref<32x512xf32, #tpu.memory_space<vmem>>, vector<1x16xf32>,
        %get3A_267 = vector.shape_cast %get3A_266 : vector<1x16xf32> to vector<16xf32>
        %mul3A_268 = arith.mulf %get3A_228, %get3A_259 : vector<16xf32>
        %mul3A_269 = arith.mulf %get3A_232, %get3A_267 : vector<16xf32>
        %add3A_270 = arith.addf %mul3A_268, %mul3A_269 : vector<16xf32>
        %swap3A_271 = arith.index_cast %scan3A_225 : i32 to index
        %swap3A_272 = arith.constant 16 : index
        %swap3A_273 = tpu.vector_load %arg15[%swap3A_271, %swap3A_272] {strides = array<i32>} : memref<16x512xf32, #tpu.memory_space<vmem>>, vector<1x16xf32>,
        %swap3A_274 = vector.shape_cast %swap3A_273 : vector<1x16xf32> to vector<16xf32>
        %swap3A_275 = vector.shape_cast %add3A_270 : vector<16xf32> to vector<1x16xf32>
        tpu.vector_store %arg15[%swap3A_271, %swap3A_272], %swap3A_275 {strides = array<i32>} : memref<16x512xf32, #tpu.memory_space<vmem>>, vector<1x16xf32>,
        %mul3A_276 = arith.constant 2 : i32
        %mul3A_277 = arith.muli %mul3A_276, %scan3A_225 : i32
        %get3A_278 = arith.index_cast %mul3A_277 : i32 to index
        %get3A_279 = arith.constant 32 : index
        %get3A_280 = tpu.vector_load %arg11[%get3A_278, %get3A_279] {strides = array<i32>} : memref<32x512xf32, #tpu.memory_space<vmem>>, vector<1x16xf32>,
        %get3A_281 = vector.shape_cast %get3A_280 : vector<1x16xf32> to vector<16xf32>
        %mul3A_282 = arith.constant 2 : i32
        %mul3A_283 = arith.muli %mul3A_282, %scan3A_225 : i32
        %add3A_284 = arith.constant 1 : i32
        %add3A_285 = arith.addi %mul3A_283, %add3A_284 : i32
        %get3A_286 = arith.index_cast %add3A_285 : i32 to index
        %get3A_287 = arith.constant 32 : index
        %get3A_288 = tpu.vector_load %arg11[%get3A_286, %get3A_287] {strides = array<i32>} : memref<32x512xf32, #tpu.memory_space<vmem>>, vector<1x16xf32>,
        %get3A_289 = vector.shape_cast %get3A_288 : vector<1x16xf32> to vector<16xf32>
        %mul3A_290 = arith.mulf %get3A_228, %get3A_281 : vector<16xf32>
        %mul3A_291 = arith.mulf %get3A_232, %get3A_289 : vector<16xf32>
        %add3A_292 = arith.addf %mul3A_290, %mul3A_291 : vector<16xf32>
        %swap3A_293 = arith.index_cast %scan3A_225 : i32 to index
        %swap3A_294 = arith.constant 32 : index
        %swap3A_295 = tpu.vector_load %arg15[%swap3A_293, %swap3A_294] {strides = array<i32>} : memref<16x512xf32, #tpu.memory_space<vmem>>, vector<1x16xf32>,
        %swap3A_296 = vector.shape_cast %swap3A_295 : vector<1x16xf32> to vector<16xf32>
        %swap3A_297 = vector.shape_cast %add3A_292 : vector<16xf32> to vector<1x16xf32>
        tpu.vector_store %arg15[%swap3A_293, %swap3A_294], %swap3A_297 {strides = array<i32>} : memref<16x512xf32, #tpu.memory_space<vmem>>, vector<1x16xf32>,
        %mul3A_298 = arith.constant 2 : i32
        %mul3A_299 = arith.muli %mul3A_298, %scan3A_225 : i32
        %get3A_300 = arith.index_cast %mul3A_299 : i32 to index
        %get3A_301 = arith.constant 48 : index
        %get3A_302 = tpu.vector_load %arg11[%get3A_300, %get3A_301] {strides = array<i32>} : memref<32x512xf32, #tpu.memory_space<vmem>>, vector<1x16xf32>,
        %get3A_303 = vector.shape_cast %get3A_302 : vector<1x16xf32> to vector<16xf32>
        %mul3A_304 = arith.constant 2 : i32
        %mul3A_305 = arith.muli %mul3A_304, %scan3A_225 : i32
        %add3A_306 = arith.constant 1 : i32
        %add3A_307 = arith.addi %mul3A_305, %add3A_306 : i32
        %get3A_308 = arith.index_cast %add3A_307 : i32 to index
        %get3A_309 = arith.constant 48 : index
        %get3A_310 = tpu.vector_load %arg11[%get3A_308, %get3A_309] {strides = array<i32>} : memref<32x512xf32, #tpu.memory_space<vmem>>, vector<1x16xf32>,
        %get3A_311 = vector.shape_cast %get3A_310 : vector<1x16xf32> to vector<16xf32>
        %mul3A_312 = arith.mulf %get3A_228, %get3A_303 : vector<16xf32>
        %mul3A_313 = arith.mulf %get3A_232, %get3A_311 : vector<16xf32>
        %add3A_314 = arith.addf %mul3A_312, %mul3A_313 : vector<16xf32>
        %swap3A_315 = arith.index_cast %scan3A_225 : i32 to index
        %swap3A_316 = arith.constant 48 : index
        %swap3A_317 = tpu.vector_load %arg15[%swap3A_315, %swap3A_316] {strides = array<i32>} : memref<16x512xf32, #tpu.memory_space<vmem>>, vector<1x16xf32>,
        %swap3A_318 = vector.shape_cast %swap3A_317 : vector<1x16xf32> to vector<16xf32>
        %swap3A_319 = vector.shape_cast %add3A_314 : vector<16xf32> to vector<1x16xf32>
        tpu.vector_store %arg15[%swap3A_315, %swap3A_316], %swap3A_319 {strides = array<i32>} : memref<16x512xf32, #tpu.memory_space<vmem>>, vector<1x16xf32>,
        %mul3A_320 = arith.constant 2 : i32
        %mul3A_321 = arith.muli %mul3A_320, %scan3A_225 : i32
        %get3A_322 = arith.index_cast %mul3A_321 : i32 to index
        %get3A_323 = arith.constant 64 : index
        %get3A_324 = tpu.vector_load %arg11[%get3A_322, %get3A_323] {strides = array<i32>} : memref<32x512xf32, #tpu.memory_space<vmem>>, vector<1x16xf32>,
        %get3A_325 = vector.shape_cast %get3A_324 : vector<1x16xf32> to vector<16xf32>
        %mul3A_326 = arith.constant 2 : i32
        %mul3A_327 = arith.muli %mul3A_326, %scan3A_225 : i32
        %add3A_328 = arith.constant 1 : i32
        %add3A_329 = arith.addi %mul3A_327, %add3A_328 : i32
        %get3A_330 = arith.index_cast %add3A_329 : i32 to index
        %get3A_331 = arith.constant 64 : index
        %get3A_332 = tpu.vector_load %arg11[%get3A_330, %get3A_331] {strides = array<i32>} : memref<32x512xf32, #tpu.memory_space<vmem>>, vector<1x16xf32>,
        %get3A_333 = vector.shape_cast %get3A_332 : vector<1x16xf32> to vector<16xf32>
        %mul3A_334 = arith.mulf %get3A_228, %get3A_325 : vector<16xf32>
        %mul3A_335 = arith.mulf %get3A_232, %get3A_333 : vector<16xf32>
        %add3A_336 = arith.addf %mul3A_334, %mul3A_335 : vector<16xf32>
        %swap3A_337 = arith.index_cast %scan3A_225 : i32 to index
        %swap3A_338 = arith.constant 64 : index
        %swap3A_339 = tpu.vector_load %arg15[%swap3A_337, %swap3A_338] {strides = array<i32>} : memref<16x512xf32, #tpu.memory_space<vmem>>, vector<1x16xf32>,
        %swap3A_340 = vector.shape_cast %swap3A_339 : vector<1x16xf32> to vector<16xf32>
        %swap3A_341 = vector.shape_cast %add3A_336 : vector<16xf32> to vector<1x16xf32>
        tpu.vector_store %arg15[%swap3A_337, %swap3A_338], %swap3A_341 {strides = array<i32>} : memref<16x512xf32, #tpu.memory_space<vmem>>, vector<1x16xf32>,
        %mul3A_342 = arith.constant 2 : i32
        %mul3A_343 = arith.muli %mul3A_342, %scan3A_225 : i32
        %get3A_344 = arith.index_cast %mul3A_343 : i32 to index
        %get3A_345 = arith.constant 80 : index
        %get3A_346 = tpu.vector_load %arg11[%get3A_344, %get3A_345] {strides = array<i32>} : memref<32x512xf32, #tpu.memory_space<vmem>>, vector<1x16xf32>,
        %get3A_347 = vector.shape_cast %get3A_346 : vector<1x16xf32> to vector<16xf32>
        %mul3A_348 = arith.constant 2 : i32
        %mul3A_349 = arith.muli %mul3A_348, %scan3A_225 : i32
        %add3A_350 = arith.constant 1 : i32
        %add3A_351 = arith.addi %mul3A_349, %add3A_350 : i32
        %get3A_352 = arith.index_cast %add3A_351 : i32 to index
        %get3A_353 = arith.constant 80 : index
        %get3A_354 = tpu.vector_load %arg11[%get3A_352, %get3A_353] {strides = array<i32>} : memref<32x512xf32, #tpu.memory_space<vmem>>, vector<1x16xf32>,
        %get3A_355 = vector.shape_cast %get3A_354 : vector<1x16xf32> to vector<16xf32>
        %mul3A_356 = arith.mulf %get3A_228, %get3A_347 : vector<16xf32>
        %mul3A_357 = arith.mulf %get3A_232, %get3A_355 : vector<16xf32>
        %add3A_358 = arith.addf %mul3A_356, %mul3A_357 : vector<16xf32>
        %swap3A_359 = arith.index_cast %scan3A_225 : i32 to index
        %swap3A_360 = arith.constant 80 : index
        %swap3A_361 = tpu.vector_load %arg15[%swap3A_359, %swap3A_360] {strides = array<i32>} : memref<16x512xf32, #tpu.memory_space<vmem>>, vector<1x16xf32>,
        %swap3A_362 = vector.shape_cast %swap3A_361 : vector<1x16xf32> to vector<16xf32>
        %swap3A_363 = vector.shape_cast %add3A_358 : vector<16xf32> to vector<1x16xf32>
        tpu.vector_store %arg15[%swap3A_359, %swap3A_360], %swap3A_363 {strides = array<i32>} : memref<16x512xf32, #tpu.memory_space<vmem>>, vector<1x16xf32>,
        %mul3A_364 = arith.constant 2 : i32
        %mul3A_365 = arith.muli %mul3A_364, %scan3A_225 : i32
        %get3A_366 = arith.index_cast %mul3A_365 : i32 to index
        %get3A_367 = arith.constant 96 : index
        %get3A_368 = tpu.vector_load %arg11[%get3A_366, %get3A_367] {strides = array<i32>} : memref<32x512xf32, #tpu.memory_space<vmem>>, vector<1x16xf32>,
        %get3A_369 = vector.shape_cast %get3A_368 : vector<1x16xf32> to vector<16xf32>
        %mul3A_370 = arith.constant 2 : i32
        %mul3A_371 = arith.muli %mul3A_370, %scan3A_225 : i32
        %add3A_372 = arith.constant 1 : i32
        %add3A_373 = arith.addi %mul3A_371, %add3A_372 : i32
        %get3A_374 = arith.index_cast %add3A_373 : i32 to index
        %get3A_375 = arith.constant 96 : index
        %get3A_376 = tpu.vector_load %arg11[%get3A_374, %get3A_375] {strides = array<i32>} : memref<32x512xf32, #tpu.memory_space<vmem>>, vector<1x16xf32>,
        %get3A_377 = vector.shape_cast %get3A_376 : vector<1x16xf32> to vector<16xf32>
        %mul3A_378 = arith.mulf %get3A_228, %get3A_369 : vector<16xf32>
        %mul3A_379 = arith.mulf %get3A_232, %get3A_377 : vector<16xf32>
        %add3A_380 = arith.addf %mul3A_378, %mul3A_379 : vector<16xf32>
        %swap3A_381 = arith.index_cast %scan3A_225 : i32 to index
        %swap3A_382 = arith.constant 96 : index
        %swap3A_383 = tpu.vector_load %arg15[%swap3A_381, %swap3A_382] {strides = array<i32>} : memref<16x512xf32, #tpu.memory_space<vmem>>, vector<1x16xf32>,
        %swap3A_384 = vector.shape_cast %swap3A_383 : vector<1x16xf32> to vector<16xf32>
        %swap3A_385 = vector.shape_cast %add3A_380 : vector<16xf32> to vector<1x16xf32>
        tpu.vector_store %arg15[%swap3A_381, %swap3A_382], %swap3A_385 {strides = array<i32>} : memref<16x512xf32, #tpu.memory_space<vmem>>, vector<1x16xf32>,
        %mul3A_386 = arith.constant 2 : i32
        %mul3A_387 = arith.muli %mul3A_386, %scan3A_225 : i32
        %get3A_388 = arith.index_cast %mul3A_387 : i32 to index
        %get3A_389 = arith.constant 112 : index
        %get3A_390 = tpu.vector_load %arg11[%get3A_388, %get3A_389] {strides = array<i32>} : memref<32x512xf32, #tpu.memory_space<vmem>>, vector<1x16xf32>,
        %get3A_391 = vector.shape_cast %get3A_390 : vector<1x16xf32> to vector<16xf32>
        %mul3A_392 = arith.constant 2 : i32
        %mul3A_393 = arith.muli %mul3A_392, %scan3A_225 : i32
        %add3A_394 = arith.constant 1 : i32
        %add3A_395 = arith.addi %mul3A_393, %add3A_394 : i32
        %get3A_396 = arith.index_cast %add3A_395 : i32 to index
        %get3A_397 = arith.constant 112 : index
        %get3A_398 = tpu.vector_load %arg11[%get3A_396, %get3A_397] {strides = array<i32>} : memref<32x512xf32, #tpu.memory_space<vmem>>, vector<1x16xf32>,
        %get3A_399 = vector.shape_cast %get3A_398 : vector<1x16xf32> to vector<16xf32>
        %mul3A_400 = arith.mulf %get3A_228, %get3A_391 : vector<16xf32>
        %mul3A_401 = arith.mulf %get3A_232, %get3A_399 : vector<16xf32>
        %add3A_402 = arith.addf %mul3A_400, %mul3A_401 : vector<16xf32>
        %swap3A_403 = arith.index_cast %scan3A_225 : i32 to index
        %swap3A_404 = arith.constant 112 : index
        %swap3A_405 = tpu.vector_load %arg15[%swap3A_403, %swap3A_404] {strides = array<i32>} : memref<16x512xf32, #tpu.memory_space<vmem>>, vector<1x16xf32>,
        %swap3A_406 = vector.shape_cast %swap3A_405 : vector<1x16xf32> to vector<16xf32>
        %swap3A_407 = vector.shape_cast %add3A_402 : vector<16xf32> to vector<1x16xf32>
        tpu.vector_store %arg15[%swap3A_403, %swap3A_404], %swap3A_407 {strides = array<i32>} : memref<16x512xf32, #tpu.memory_space<vmem>>, vector<1x16xf32>,
        %mul3A_408 = arith.constant 2 : i32
        %mul3A_409 = arith.muli %mul3A_408, %scan3A_225 : i32
        %get3A_410 = arith.index_cast %mul3A_409 : i32 to index
        %get3A_411 = arith.constant 128 : index
        %get3A_412 = tpu.vector_load %arg11[%get3A_410, %get3A_411] {strides = array<i32>} : memref<32x512xf32, #tpu.memory_space<vmem>>, vector<1x16xf32>,
        %get3A_413 = vector.shape_cast %get3A_412 : vector<1x16xf32> to vector<16xf32>
        %mul3A_414 = arith.constant 2 : i32
        %mul3A_415 = arith.muli %mul3A_414, %scan3A_225 : i32
        %add3A_416 = arith.constant 1 : i32
        %add3A_417 = arith.addi %mul3A_415, %add3A_416 : i32
        %get3A_418 = arith.index_cast %add3A_417 : i32 to index
        %get3A_419 = arith.constant 128 : index
        %get3A_420 = tpu.vector_load %arg11[%get3A_418, %get3A_419] {strides = array<i32>} : memref<32x512xf32, #tpu.memory_space<vmem>>, vector<1x16xf32>,
        %get3A_421 = vector.shape_cast %get3A_420 : vector<1x16xf32> to vector<16xf32>
        %mul3A_422 = arith.mulf %get3A_228, %get3A_413 : vector<16xf32>
        %mul3A_423 = arith.mulf %get3A_232, %get3A_421 : vector<16xf32>
        %add3A_424 = arith.addf %mul3A_422, %mul3A_423 : vector<16xf32>
        %swap3A_425 = arith.index_cast %scan3A_225 : i32 to index
        %swap3A_426 = arith.constant 128 : index
        %swap3A_427 = tpu.vector_load %arg15[%swap3A_425, %swap3A_426] {strides = array<i32>} : memref<16x512xf32, #tpu.memory_space<vmem>>, vector<1x16xf32>,
        %swap3A_428 = vector.shape_cast %swap3A_427 : vector<1x16xf32> to vector<16xf32>
        %swap3A_429 = vector.shape_cast %add3A_424 : vector<16xf32> to vector<1x16xf32>
        tpu.vector_store %arg15[%swap3A_425, %swap3A_426], %swap3A_429 {strides = array<i32>} : memref<16x512xf32, #tpu.memory_space<vmem>>, vector<1x16xf32>,
        %mul3A_430 = arith.constant 2 : i32
        %mul3A_431 = arith.muli %mul3A_430, %scan3A_225 : i32
        %get3A_432 = arith.index_cast %mul3A_431 : i32 to index
        %get3A_433 = arith.constant 144 : index
        %get3A_434 = tpu.vector_load %arg11[%get3A_432, %get3A_433] {strides = array<i32>} : memref<32x512xf32, #tpu.memory_space<vmem>>, vector<1x16xf32>,
        %get3A_435 = vector.shape_cast %get3A_434 : vector<1x16xf32> to vector<16xf32>
        %mul3A_436 = arith.constant 2 : i32
        %mul3A_437 = arith.muli %mul3A_436, %scan3A_225 : i32
        %add3A_438 = arith.constant 1 : i32
        %add3A_439 = arith.addi %mul3A_437, %add3A_438 : i32
        %get3A_440 = arith.index_cast %add3A_439 : i32 to index
        %get3A_441 = arith.constant 144 : index
        %get3A_442 = tpu.vector_load %arg11[%get3A_440, %get3A_441] {strides = array<i32>} : memref<32x512xf32, #tpu.memory_space<vmem>>, vector<1x16xf32>,
        %get3A_443 = vector.shape_cast %get3A_442 : vector<1x16xf32> to vector<16xf32>
        %mul3A_444 = arith.mulf %get3A_228, %get3A_435 : vector<16xf32>
        %mul3A_445 = arith.mulf %get3A_232, %get3A_443 : vector<16xf32>
        %add3A_446 = arith.addf %mul3A_444, %mul3A_445 : vector<16xf32>
        %swap3A_447 = arith.index_cast %scan3A_225 : i32 to index
        %swap3A_448 = arith.constant 144 : index
        %swap3A_449 = tpu.vector_load %arg15[%swap3A_447, %swap3A_448] {strides = array<i32>} : memref<16x512xf32, #tpu.memory_space<vmem>>, vector<1x16xf32>,
        %swap3A_450 = vector.shape_cast %swap3A_449 : vector<1x16xf32> to vector<16xf32>
        %swap3A_451 = vector.shape_cast %add3A_446 : vector<16xf32> to vector<1x16xf32>
        tpu.vector_store %arg15[%swap3A_447, %swap3A_448], %swap3A_451 {strides = array<i32>} : memref<16x512xf32, #tpu.memory_space<vmem>>, vector<1x16xf32>,
        %mul3A_452 = arith.constant 2 : i32
        %mul3A_453 = arith.muli %mul3A_452, %scan3A_225 : i32
        %get3A_454 = arith.index_cast %mul3A_453 : i32 to index
        %get3A_455 = arith.constant 160 : index
        %get3A_456 = tpu.vector_load %arg11[%get3A_454, %get3A_455] {strides = array<i32>} : memref<32x512xf32, #tpu.memory_space<vmem>>, vector<1x16xf32>,
        %get3A_457 = vector.shape_cast %get3A_456 : vector<1x16xf32> to vector<16xf32>
        %mul3A_458 = arith.constant 2 : i32
        %mul3A_459 = arith.muli %mul3A_458, %scan3A_225 : i32
        %add3A_460 = arith.constant 1 : i32
        %add3A_461 = arith.addi %mul3A_459, %add3A_460 : i32
        %get3A_462 = arith.index_cast %add3A_461 : i32 to index
        %get3A_463 = arith.constant 160 : index
        %get3A_464 = tpu.vector_load %arg11[%get3A_462, %get3A_463] {strides = array<i32>} : memref<32x512xf32, #tpu.memory_space<vmem>>, vector<1x16xf32>,
        %get3A_465 = vector.shape_cast %get3A_464 : vector<1x16xf32> to vector<16xf32>
        %mul3A_466 = arith.mulf %get3A_228, %get3A_457 : vector<16xf32>
        %mul3A_467 = arith.mulf %get3A_232, %get3A_465 : vector<16xf32>
        %add3A_468 = arith.addf %mul3A_466, %mul3A_467 : vector<16xf32>
        %swap3A_469 = arith.index_cast %scan3A_225 : i32 to index
        %swap3A_470 = arith.constant 160 : index
        %swap3A_471 = tpu.vector_load %arg15[%swap3A_469, %swap3A_470] {strides = array<i32>} : memref<16x512xf32, #tpu.memory_space<vmem>>, vector<1x16xf32>,
        %swap3A_472 = vector.shape_cast %swap3A_471 : vector<1x16xf32> to vector<16xf32>
        %swap3A_473 = vector.shape_cast %add3A_468 : vector<16xf32> to vector<1x16xf32>
        tpu.vector_store %arg15[%swap3A_469, %swap3A_470], %swap3A_473 {strides = array<i32>} : memref<16x512xf32, #tpu.memory_space<vmem>>, vector<1x16xf32>,
        %mul3A_474 = arith.constant 2 : i32
        %mul3A_475 = arith.muli %mul3A_474, %scan3A_225 : i32
        %get3A_476 = arith.index_cast %mul3A_475 : i32 to index
        %get3A_477 = arith.constant 176 : index
        %get3A_478 = tpu.vector_load %arg11[%get3A_476, %get3A_477] {strides = array<i32>} : memref<32x512xf32, #tpu.memory_space<vmem>>, vector<1x16xf32>,
        %get3A_479 = vector.shape_cast %get3A_478 : vector<1x16xf32> to vector<16xf32>
        %mul3A_480 = arith.constant 2 : i32
        %mul3A_481 = arith.muli %mul3A_480, %scan3A_225 : i32
        %add3A_482 = arith.constant 1 : i32
        %add3A_483 = arith.addi %mul3A_481, %add3A_482 : i32
        %get3A_484 = arith.index_cast %add3A_483 : i32 to index
        %get3A_485 = arith.constant 176 : index
        %get3A_486 = tpu.vector_load %arg11[%get3A_484, %get3A_485] {strides = array<i32>} : memref<32x512xf32, #tpu.memory_space<vmem>>, vector<1x16xf32>,
        %get3A_487 = vector.shape_cast %get3A_486 : vector<1x16xf32> to vector<16xf32>
        %mul3A_488 = arith.mulf %get3A_228, %get3A_479 : vector<16xf32>
        %mul3A_489 = arith.mulf %get3A_232, %get3A_487 : vector<16xf32>
        %add3A_490 = arith.addf %mul3A_488, %mul3A_489 : vector<16xf32>
        %swap3A_491 = arith.index_cast %scan3A_225 : i32 to index
        %swap3A_492 = arith.constant 176 : index
        %swap3A_493 = tpu.vector_load %arg15[%swap3A_491, %swap3A_492] {strides = array<i32>} : memref<16x512xf32, #tpu.memory_space<vmem>>, vector<1x16xf32>,
        %swap3A_494 = vector.shape_cast %swap3A_493 : vector<1x16xf32> to vector<16xf32>
        %swap3A_495 = vector.shape_cast %add3A_490 : vector<16xf32> to vector<1x16xf32>
        tpu.vector_store %arg15[%swap3A_491, %swap3A_492], %swap3A_495 {strides = array<i32>} : memref<16x512xf32, #tpu.memory_space<vmem>>, vector<1x16xf32>,
        %mul3A_496 = arith.constant 2 : i32
        %mul3A_497 = arith.muli %mul3A_496, %scan3A_225 : i32
        %get3A_498 = arith.index_cast %mul3A_497 : i32 to index
        %get3A_499 = arith.constant 192 : index
        %get3A_500 = tpu.vector_load %arg11[%get3A_498, %get3A_499] {strides = array<i32>} : memref<32x512xf32, #tpu.memory_space<vmem>>, vector<1x16xf32>,
        %get3A_501 = vector.shape_cast %get3A_500 : vector<1x16xf32> to vector<16xf32>
        %mul3A_502 = arith.constant 2 : i32
        %mul3A_503 = arith.muli %mul3A_502, %scan3A_225 : i32
        %add3A_504 = arith.constant 1 : i32
        %add3A_505 = arith.addi %mul3A_503, %add3A_504 : i32
        %get3A_506 = arith.index_cast %add3A_505 : i32 to index
        %get3A_507 = arith.constant 192 : index
        %get3A_508 = tpu.vector_load %arg11[%get3A_506, %get3A_507] {strides = array<i32>} : memref<32x512xf32, #tpu.memory_space<vmem>>, vector<1x16xf32>,
        %get3A_509 = vector.shape_cast %get3A_508 : vector<1x16xf32> to vector<16xf32>
        %mul3A_510 = arith.mulf %get3A_228, %get3A_501 : vector<16xf32>
        %mul3A_511 = arith.mulf %get3A_232, %get3A_509 : vector<16xf32>
        %add3A_512 = arith.addf %mul3A_510, %mul3A_511 : vector<16xf32>
        %swap3A_513 = arith.index_cast %scan3A_225 : i32 to index
        %swap3A_514 = arith.constant 192 : index
        %swap3A_515 = tpu.vector_load %arg15[%swap3A_513, %swap3A_514] {strides = array<i32>} : memref<16x512xf32, #tpu.memory_space<vmem>>, vector<1x16xf32>,
        %swap3A_516 = vector.shape_cast %swap3A_515 : vector<1x16xf32> to vector<16xf32>
        %swap3A_517 = vector.shape_cast %add3A_512 : vector<16xf32> to vector<1x16xf32>
        tpu.vector_store %arg15[%swap3A_513, %swap3A_514], %swap3A_517 {strides = array<i32>} : memref<16x512xf32, #tpu.memory_space<vmem>>, vector<1x16xf32>,
        %mul3A_518 = arith.constant 2 : i32
        %mul3A_519 = arith.muli %mul3A_518, %scan3A_225 : i32
        %get3A_520 = arith.index_cast %mul3A_519 : i32 to index
        %get3A_521 = arith.constant 208 : index
        %get3A_522 = tpu.vector_load %arg11[%get3A_520, %get3A_521] {strides = array<i32>} : memref<32x512xf32, #tpu.memory_space<vmem>>, vector<1x16xf32>,
        %get3A_523 = vector.shape_cast %get3A_522 : vector<1x16xf32> to vector<16xf32>
        %mul3A_524 = arith.constant 2 : i32
        %mul3A_525 = arith.muli %mul3A_524, %scan3A_225 : i32
        %add3A_526 = arith.constant 1 : i32
        %add3A_527 = arith.addi %mul3A_525, %add3A_526 : i32
        %get3A_528 = arith.index_cast %add3A_527 : i32 to index
        %get3A_529 = arith.constant 208 : index
        %get3A_530 = tpu.vector_load %arg11[%get3A_528, %get3A_529] {strides = array<i32>} : memref<32x512xf32, #tpu.memory_space<vmem>>, vector<1x16xf32>,
        %get3A_531 = vector.shape_cast %get3A_530 : vector<1x16xf32> to vector<16xf32>
        %mul3A_532 = arith.mulf %get3A_228, %get3A_523 : vector<16xf32>
        %mul3A_533 = arith.mulf %get3A_232, %get3A_531 : vector<16xf32>
        %add3A_534 = arith.addf %mul3A_532, %mul3A_533 : vector<16xf32>
        %swap3A_535 = arith.index_cast %scan3A_225 : i32 to index
        %swap3A_536 = arith.constant 208 : index
        %swap3A_537 = tpu.vector_load %arg15[%swap3A_535, %swap3A_536] {strides = array<i32>} : memref<16x512xf32, #tpu.memory_space<vmem>>, vector<1x16xf32>,
        %swap3A_538 = vector.shape_cast %swap3A_537 : vector<1x16xf32> to vector<16xf32>
        %swap3A_539 = vector.shape_cast %add3A_534 : vector<16xf32> to vector<1x16xf32>
        tpu.vector_store %arg15[%swap3A_535, %swap3A_536], %swap3A_539 {strides = array<i32>} : memref<16x512xf32, #tpu.memory_space<vmem>>, vector<1x16xf32>,
        %mul3A_540 = arith.constant 2 : i32
        %mul3A_541 = arith.muli %mul3A_540, %scan3A_225 : i32
        %get3A_542 = arith.index_cast %mul3A_541 : i32 to index
        %get3A_543 = arith.constant 224 : index
        %get3A_544 = tpu.vector_load %arg11[%get3A_542, %get3A_543] {strides = array<i32>} : memref<32x512xf32, #tpu.memory_space<vmem>>, vector<1x16xf32>,
        %get3A_545 = vector.shape_cast %get3A_544 : vector<1x16xf32> to vector<16xf32>
        %mul3A_546 = arith.constant 2 : i32
        %mul3A_547 = arith.muli %mul3A_546, %scan3A_225 : i32
        %add3A_548 = arith.constant 1 : i32
        %add3A_549 = arith.addi %mul3A_547, %add3A_548 : i32
        %get3A_550 = arith.index_cast %add3A_549 : i32 to index
        %get3A_551 = arith.constant 224 : index
        %get3A_552 = tpu.vector_load %arg11[%get3A_550, %get3A_551] {strides = array<i32>} : memref<32x512xf32, #tpu.memory_space<vmem>>, vector<1x16xf32>,
        %get3A_553 = vector.shape_cast %get3A_552 : vector<1x16xf32> to vector<16xf32>
        %mul3A_554 = arith.mulf %get3A_228, %get3A_545 : vector<16xf32>
        %mul3A_555 = arith.mulf %get3A_232, %get3A_553 : vector<16xf32>
        %add3A_556 = arith.addf %mul3A_554, %mul3A_555 : vector<16xf32>
        %swap3A_557 = arith.index_cast %scan3A_225 : i32 to index
        %swap3A_558 = arith.constant 224 : index
        %swap3A_559 = tpu.vector_load %arg15[%swap3A_557, %swap3A_558] {strides = array<i32>} : memref<16x512xf32, #tpu.memory_space<vmem>>, vector<1x16xf32>,
        %swap3A_560 = vector.shape_cast %swap3A_559 : vector<1x16xf32> to vector<16xf32>
        %swap3A_561 = vector.shape_cast %add3A_556 : vector<16xf32> to vector<1x16xf32>
        tpu.vector_store %arg15[%swap3A_557, %swap3A_558], %swap3A_561 {strides = array<i32>} : memref<16x512xf32, #tpu.memory_space<vmem>>, vector<1x16xf32>,
        %mul3A_562 = arith.constant 2 : i32
        %mul3A_563 = arith.muli %mul3A_562, %scan3A_225 : i32
        %get3A_564 = arith.index_cast %mul3A_563 : i32 to index
        %get3A_565 = arith.constant 240 : index
        %get3A_566 = tpu.vector_load %arg11[%get3A_564, %get3A_565] {strides = array<i32>} : memref<32x512xf32, #tpu.memory_space<vmem>>, vector<1x16xf32>,
        %get3A_567 = vector.shape_cast %get3A_566 : vector<1x16xf32> to vector<16xf32>
        %mul3A_568 = arith.constant 2 : i32
        %mul3A_569 = arith.muli %mul3A_568, %scan3A_225 : i32
        %add3A_570 = arith.constant 1 : i32
        %add3A_571 = arith.addi %mul3A_569, %add3A_570 : i32
        %get3A_572 = arith.index_cast %add3A_571 : i32 to index
        %get3A_573 = arith.constant 240 : index
        %get3A_574 = tpu.vector_load %arg11[%get3A_572, %get3A_573] {strides = array<i32>} : memref<32x512xf32, #tpu.memory_space<vmem>>, vector<1x16xf32>,
        %get3A_575 = vector.shape_cast %get3A_574 : vector<1x16xf32> to vector<16xf32>
        %mul3A_576 = arith.mulf %get3A_228, %get3A_567 : vector<16xf32>
        %mul3A_577 = arith.mulf %get3A_232, %get3A_575 : vector<16xf32>
        %add3A_578 = arith.addf %mul3A_576, %mul3A_577 : vector<16xf32>
        %swap3A_579 = arith.index_cast %scan3A_225 : i32 to index
        %swap3A_580 = arith.constant 240 : index
        %swap3A_581 = tpu.vector_load %arg15[%swap3A_579, %swap3A_580] {strides = array<i32>} : memref<16x512xf32, #tpu.memory_space<vmem>>, vector<1x16xf32>,
        %swap3A_582 = vector.shape_cast %swap3A_581 : vector<1x16xf32> to vector<16xf32>
        %swap3A_583 = vector.shape_cast %add3A_578 : vector<16xf32> to vector<1x16xf32>
        tpu.vector_store %arg15[%swap3A_579, %swap3A_580], %swap3A_583 {strides = array<i32>} : memref<16x512xf32, #tpu.memory_space<vmem>>, vector<1x16xf32>,
        %mul3A_584 = arith.constant 2 : i32
        %mul3A_585 = arith.muli %mul3A_584, %scan3A_225 : i32
        %get3A_586 = arith.index_cast %mul3A_585 : i32 to index
        %get3A_587 = arith.constant 256 : index
        %get3A_588 = tpu.vector_load %arg11[%get3A_586, %get3A_587] {strides = array<i32>} : memref<32x512xf32, #tpu.memory_space<vmem>>, vector<1x16xf32>,
        %get3A_589 = vector.shape_cast %get3A_588 : vector<1x16xf32> to vector<16xf32>
        %mul3A_590 = arith.constant 2 : i32
        %mul3A_591 = arith.muli %mul3A_590, %scan3A_225 : i32
        %add3A_592 = arith.constant 1 : i32
        %add3A_593 = arith.addi %mul3A_591, %add3A_592 : i32
        %get3A_594 = arith.index_cast %add3A_593 : i32 to index
        %get3A_595 = arith.constant 256 : index
        %get3A_596 = tpu.vector_load %arg11[%get3A_594, %get3A_595] {strides = array<i32>} : memref<32x512xf32, #tpu.memory_space<vmem>>, vector<1x16xf32>,
        %get3A_597 = vector.shape_cast %get3A_596 : vector<1x16xf32> to vector<16xf32>
        %mul3A_598 = arith.mulf %get3A_228, %get3A_589 : vector<16xf32>
        %mul3A_599 = arith.mulf %get3A_232, %get3A_597 : vector<16xf32>
        %add3A_600 = arith.addf %mul3A_598, %mul3A_599 : vector<16xf32>
        %swap3A_601 = arith.index_cast %scan3A_225 : i32 to index
        %swap3A_602 = arith.constant 256 : index
        %swap3A_603 = tpu.vector_load %arg15[%swap3A_601, %swap3A_602] {strides = array<i32>} : memref<16x512xf32, #tpu.memory_space<vmem>>, vector<1x16xf32>,
        %swap3A_604 = vector.shape_cast %swap3A_603 : vector<1x16xf32> to vector<16xf32>
        %swap3A_605 = vector.shape_cast %add3A_600 : vector<16xf32> to vector<1x16xf32>
        tpu.vector_store %arg15[%swap3A_601, %swap3A_602], %swap3A_605 {strides = array<i32>} : memref<16x512xf32, #tpu.memory_space<vmem>>, vector<1x16xf32>,
        %mul3A_606 = arith.constant 2 : i32
        %mul3A_607 = arith.muli %mul3A_606, %scan3A_225 : i32
        %get3A_608 = arith.index_cast %mul3A_607 : i32 to index
        %get3A_609 = arith.constant 272 : index
        %get3A_610 = tpu.vector_load %arg11[%get3A_608, %get3A_609] {strides = array<i32>} : memref<32x512xf32, #tpu.memory_space<vmem>>, vector<1x16xf32>,
        %get3A_611 = vector.shape_cast %get3A_610 : vector<1x16xf32> to vector<16xf32>
        %mul3A_612 = arith.constant 2 : i32
        %mul3A_613 = arith.muli %mul3A_612, %scan3A_225 : i32
        %add3A_614 = arith.constant 1 : i32
        %add3A_615 = arith.addi %mul3A_613, %add3A_614 : i32
        %get3A_616 = arith.index_cast %add3A_615 : i32 to index
        %get3A_617 = arith.constant 272 : index
        %get3A_618 = tpu.vector_load %arg11[%get3A_616, %get3A_617] {strides = array<i32>} : memref<32x512xf32, #tpu.memory_space<vmem>>, vector<1x16xf32>,
        %get3A_619 = vector.shape_cast %get3A_618 : vector<1x16xf32> to vector<16xf32>
        %mul3A_620 = arith.mulf %get3A_228, %get3A_611 : vector<16xf32>
        %mul3A_621 = arith.mulf %get3A_232, %get3A_619 : vector<16xf32>
        %add3A_622 = arith.addf %mul3A_620, %mul3A_621 : vector<16xf32>
        %swap3A_623 = arith.index_cast %scan3A_225 : i32 to index
        %swap3A_624 = arith.constant 272 : index
        %swap3A_625 = tpu.vector_load %arg15[%swap3A_623, %swap3A_624] {strides = array<i32>} : memref<16x512xf32, #tpu.memory_space<vmem>>, vector<1x16xf32>,
        %swap3A_626 = vector.shape_cast %swap3A_625 : vector<1x16xf32> to vector<16xf32>
        %swap3A_627 = vector.shape_cast %add3A_622 : vector<16xf32> to vector<1x16xf32>
        tpu.vector_store %arg15[%swap3A_623, %swap3A_624], %swap3A_627 {strides = array<i32>} : memref<16x512xf32, #tpu.memory_space<vmem>>, vector<1x16xf32>,
        %mul3A_628 = arith.constant 2 : i32
        %mul3A_629 = arith.muli %mul3A_628, %scan3A_225 : i32
        %get3A_630 = arith.index_cast %mul3A_629 : i32 to index
        %get3A_631 = arith.constant 288 : index
        %get3A_632 = tpu.vector_load %arg11[%get3A_630, %get3A_631] {strides = array<i32>} : memref<32x512xf32, #tpu.memory_space<vmem>>, vector<1x16xf32>,
        %get3A_633 = vector.shape_cast %get3A_632 : vector<1x16xf32> to vector<16xf32>
        %mul3A_634 = arith.constant 2 : i32
        %mul3A_635 = arith.muli %mul3A_634, %scan3A_225 : i32
        %add3A_636 = arith.constant 1 : i32
        %add3A_637 = arith.addi %mul3A_635, %add3A_636 : i32
        %get3A_638 = arith.index_cast %add3A_637 : i32 to index
        %get3A_639 = arith.constant 288 : index
        %get3A_640 = tpu.vector_load %arg11[%get3A_638, %get3A_639] {strides = array<i32>} : memref<32x512xf32, #tpu.memory_space<vmem>>, vector<1x16xf32>,
        %get3A_641 = vector.shape_cast %get3A_640 : vector<1x16xf32> to vector<16xf32>
        %mul3A_642 = arith.mulf %get3A_228, %get3A_633 : vector<16xf32>
        %mul3A_643 = arith.mulf %get3A_232, %get3A_641 : vector<16xf32>
        %add3A_644 = arith.addf %mul3A_642, %mul3A_643 : vector<16xf32>
        %swap3A_645 = arith.index_cast %scan3A_225 : i32 to index
        %swap3A_646 = arith.constant 288 : index
        %swap3A_647 = tpu.vector_load %arg15[%swap3A_645, %swap3A_646] {strides = array<i32>} : memref<16x512xf32, #tpu.memory_space<vmem>>, vector<1x16xf32>,
        %swap3A_648 = vector.shape_cast %swap3A_647 : vector<1x16xf32> to vector<16xf32>
        %swap3A_649 = vector.shape_cast %add3A_644 : vector<16xf32> to vector<1x16xf32>
        tpu.vector_store %arg15[%swap3A_645, %swap3A_646], %swap3A_649 {strides = array<i32>} : memref<16x512xf32, #tpu.memory_space<vmem>>, vector<1x16xf32>,
        %mul3A_650 = arith.constant 2 : i32
        %mul3A_651 = arith.muli %mul3A_650, %scan3A_225 : i32
        %get3A_652 = arith.index_cast %mul3A_651 : i32 to index
        %get3A_653 = arith.constant 304 : index
        %get3A_654 = tpu.vector_load %arg11[%get3A_652, %get3A_653] {strides = array<i32>} : memref<32x512xf32, #tpu.memory_space<vmem>>, vector<1x16xf32>,
        %get3A_655 = vector.shape_cast %get3A_654 : vector<1x16xf32> to vector<16xf32>
        %mul3A_656 = arith.constant 2 : i32
        %mul3A_657 = arith.muli %mul3A_656, %scan3A_225 : i32
        %add3A_658 = arith.constant 1 : i32
        %add3A_659 = arith.addi %mul3A_657, %add3A_658 : i32
        %get3A_660 = arith.index_cast %add3A_659 : i32 to index
        %get3A_661 = arith.constant 304 : index
        %get3A_662 = tpu.vector_load %arg11[%get3A_660, %get3A_661] {strides = array<i32>} : memref<32x512xf32, #tpu.memory_space<vmem>>, vector<1x16xf32>,
        %get3A_663 = vector.shape_cast %get3A_662 : vector<1x16xf32> to vector<16xf32>
        %mul3A_664 = arith.mulf %get3A_228, %get3A_655 : vector<16xf32>
        %mul3A_665 = arith.mulf %get3A_232, %get3A_663 : vector<16xf32>
        %add3A_666 = arith.addf %mul3A_664, %mul3A_665 : vector<16xf32>
        %swap3A_667 = arith.index_cast %scan3A_225 : i32 to index
        %swap3A_668 = arith.constant 304 : index
        %swap3A_669 = tpu.vector_load %arg15[%swap3A_667, %swap3A_668] {strides = array<i32>} : memref<16x512xf32, #tpu.memory_space<vmem>>, vector<1x16xf32>,
        %swap3A_670 = vector.shape_cast %swap3A_669 : vector<1x16xf32> to vector<16xf32>
        %swap3A_671 = vector.shape_cast %add3A_666 : vector<16xf32> to vector<1x16xf32>
        tpu.vector_store %arg15[%swap3A_667, %swap3A_668], %swap3A_671 {strides = array<i32>} : memref<16x512xf32, #tpu.memory_space<vmem>>, vector<1x16xf32>,
        %mul3A_672 = arith.constant 2 : i32
        %mul3A_673 = arith.muli %mul3A_672, %scan3A_225 : i32
        %get3A_674 = arith.index_cast %mul3A_673 : i32 to index
        %get3A_675 = arith.constant 320 : index
        %get3A_676 = tpu.vector_load %arg11[%get3A_674, %get3A_675] {strides = array<i32>} : memref<32x512xf32, #tpu.memory_space<vmem>>, vector<1x16xf32>,
        %get3A_677 = vector.shape_cast %get3A_676 : vector<1x16xf32> to vector<16xf32>
        %mul3A_678 = arith.constant 2 : i32
        %mul3A_679 = arith.muli %mul3A_678, %scan3A_225 : i32
        %add3A_680 = arith.constant 1 : i32
        %add3A_681 = arith.addi %mul3A_679, %add3A_680 : i32
        %get3A_682 = arith.index_cast %add3A_681 : i32 to index
        %get3A_683 = arith.constant 320 : index
        %get3A_684 = tpu.vector_load %arg11[%get3A_682, %get3A_683] {strides = array<i32>} : memref<32x512xf32, #tpu.memory_space<vmem>>, vector<1x16xf32>,
        %get3A_685 = vector.shape_cast %get3A_684 : vector<1x16xf32> to vector<16xf32>
        %mul3A_686 = arith.mulf %get3A_228, %get3A_677 : vector<16xf32>
        %mul3A_687 = arith.mulf %get3A_232, %get3A_685 : vector<16xf32>
        %add3A_688 = arith.addf %mul3A_686, %mul3A_687 : vector<16xf32>
        %swap3A_689 = arith.index_cast %scan3A_225 : i32 to index
        %swap3A_690 = arith.constant 320 : index
        %swap3A_691 = tpu.vector_load %arg15[%swap3A_689, %swap3A_690] {strides = array<i32>} : memref<16x512xf32, #tpu.memory_space<vmem>>, vector<1x16xf32>,
        %swap3A_692 = vector.shape_cast %swap3A_691 : vector<1x16xf32> to vector<16xf32>
        %swap3A_693 = vector.shape_cast %add3A_688 : vector<16xf32> to vector<1x16xf32>
        tpu.vector_store %arg15[%swap3A_689, %swap3A_690], %swap3A_693 {strides = array<i32>} : memref<16x512xf32, #tpu.memory_space<vmem>>, vector<1x16xf32>,
        %mul3A_694 = arith.constant 2 : i32
        %mul3A_695 = arith.muli %mul3A_694, %scan3A_225 : i32
        %get3A_696 = arith.index_cast %mul3A_695 : i32 to index
        %get3A_697 = arith.constant 336 : index
        %get3A_698 = tpu.vector_load %arg11[%get3A_696, %get3A_697] {strides = array<i32>} : memref<32x512xf32, #tpu.memory_space<vmem>>, vector<1x16xf32>,
        %get3A_699 = vector.shape_cast %get3A_698 : vector<1x16xf32> to vector<16xf32>
        %mul3A_700 = arith.constant 2 : i32
        %mul3A_701 = arith.muli %mul3A_700, %scan3A_225 : i32
        %add3A_702 = arith.constant 1 : i32
        %add3A_703 = arith.addi %mul3A_701, %add3A_702 : i32
        %get3A_704 = arith.index_cast %add3A_703 : i32 to index
        %get3A_705 = arith.constant 336 : index
        %get3A_706 = tpu.vector_load %arg11[%get3A_704, %get3A_705] {strides = array<i32>} : memref<32x512xf32, #tpu.memory_space<vmem>>, vector<1x16xf32>,
        %get3A_707 = vector.shape_cast %get3A_706 : vector<1x16xf32> to vector<16xf32>
        %mul3A_708 = arith.mulf %get3A_228, %get3A_699 : vector<16xf32>
        %mul3A_709 = arith.mulf %get3A_232, %get3A_707 : vector<16xf32>
        %add3A_710 = arith.addf %mul3A_708, %mul3A_709 : vector<16xf32>
        %swap3A_711 = arith.index_cast %scan3A_225 : i32 to index
        %swap3A_712 = arith.constant 336 : index
        %swap3A_713 = tpu.vector_load %arg15[%swap3A_711, %swap3A_712] {strides = array<i32>} : memref<16x512xf32, #tpu.memory_space<vmem>>, vector<1x16xf32>,
        %swap3A_714 = vector.shape_cast %swap3A_713 : vector<1x16xf32> to vector<16xf32>
        %swap3A_715 = vector.shape_cast %add3A_710 : vector<16xf32> to vector<1x16xf32>
        tpu.vector_store %arg15[%swap3A_711, %swap3A_712], %swap3A_715 {strides = array<i32>} : memref<16x512xf32, #tpu.memory_space<vmem>>, vector<1x16xf32>,
        %mul3A_716 = arith.constant 2 : i32
        %mul3A_717 = arith.muli %mul3A_716, %scan3A_225 : i32
        %get3A_718 = arith.index_cast %mul3A_717 : i32 to index
        %get3A_719 = arith.constant 352 : index
        %get3A_720 = tpu.vector_load %arg11[%get3A_718, %get3A_719] {strides = array<i32>} : memref<32x512xf32, #tpu.memory_space<vmem>>, vector<1x16xf32>,
        %get3A_721 = vector.shape_cast %get3A_720 : vector<1x16xf32> to vector<16xf32>
        %mul3A_722 = arith.constant 2 : i32
        %mul3A_723 = arith.muli %mul3A_722, %scan3A_225 : i32
        %add3A_724 = arith.constant 1 : i32
        %add3A_725 = arith.addi %mul3A_723, %add3A_724 : i32
        %get3A_726 = arith.index_cast %add3A_725 : i32 to index
        %get3A_727 = arith.constant 352 : index
        %get3A_728 = tpu.vector_load %arg11[%get3A_726, %get3A_727] {strides = array<i32>} : memref<32x512xf32, #tpu.memory_space<vmem>>, vector<1x16xf32>,
        %get3A_729 = vector.shape_cast %get3A_728 : vector<1x16xf32> to vector<16xf32>
        %mul3A_730 = arith.mulf %get3A_228, %get3A_721 : vector<16xf32>
        %mul3A_731 = arith.mulf %get3A_232, %get3A_729 : vector<16xf32>
        %add3A_732 = arith.addf %mul3A_730, %mul3A_731 : vector<16xf32>
        %swap3A_733 = arith.index_cast %scan3A_225 : i32 to index
        %swap3A_734 = arith.constant 352 : index
        %swap3A_735 = tpu.vector_load %arg15[%swap3A_733, %swap3A_734] {strides = array<i32>} : memref<16x512xf32, #tpu.memory_space<vmem>>, vector<1x16xf32>,
        %swap3A_736 = vector.shape_cast %swap3A_735 : vector<1x16xf32> to vector<16xf32>
        %swap3A_737 = vector.shape_cast %add3A_732 : vector<16xf32> to vector<1x16xf32>
        tpu.vector_store %arg15[%swap3A_733, %swap3A_734], %swap3A_737 {strides = array<i32>} : memref<16x512xf32, #tpu.memory_space<vmem>>, vector<1x16xf32>,
        %mul3A_738 = arith.constant 2 : i32
        %mul3A_739 = arith.muli %mul3A_738, %scan3A_225 : i32
        %get3A_740 = arith.index_cast %mul3A_739 : i32 to index
        %get3A_741 = arith.constant 368 : index
        %get3A_742 = tpu.vector_load %arg11[%get3A_740, %get3A_741] {strides = array<i32>} : memref<32x512xf32, #tpu.memory_space<vmem>>, vector<1x16xf32>,
        %get3A_743 = vector.shape_cast %get3A_742 : vector<1x16xf32> to vector<16xf32>
        %mul3A_744 = arith.constant 2 : i32
        %mul3A_745 = arith.muli %mul3A_744, %scan3A_225 : i32
        %add3A_746 = arith.constant 1 : i32
        %add3A_747 = arith.addi %mul3A_745, %add3A_746 : i32
        %get3A_748 = arith.index_cast %add3A_747 : i32 to index
        %get3A_749 = arith.constant 368 : index
        %get3A_750 = tpu.vector_load %arg11[%get3A_748, %get3A_749] {strides = array<i32>} : memref<32x512xf32, #tpu.memory_space<vmem>>, vector<1x16xf32>,
        %get3A_751 = vector.shape_cast %get3A_750 : vector<1x16xf32> to vector<16xf32>
        %mul3A_752 = arith.mulf %get3A_228, %get3A_743 : vector<16xf32>
        %mul3A_753 = arith.mulf %get3A_232, %get3A_751 : vector<16xf32>
        %add3A_754 = arith.addf %mul3A_752, %mul3A_753 : vector<16xf32>
        %swap3A_755 = arith.index_cast %scan3A_225 : i32 to index
        %swap3A_756 = arith.constant 368 : index
        %swap3A_757 = tpu.vector_load %arg15[%swap3A_755, %swap3A_756] {strides = array<i32>} : memref<16x512xf32, #tpu.memory_space<vmem>>, vector<1x16xf32>,
        %swap3A_758 = vector.shape_cast %swap3A_757 : vector<1x16xf32> to vector<16xf32>
        %swap3A_759 = vector.shape_cast %add3A_754 : vector<16xf32> to vector<1x16xf32>
        tpu.vector_store %arg15[%swap3A_755, %swap3A_756], %swap3A_759 {strides = array<i32>} : memref<16x512xf32, #tpu.memory_space<vmem>>, vector<1x16xf32>,
        %mul3A_760 = arith.constant 2 : i32
        %mul3A_761 = arith.muli %mul3A_760, %scan3A_225 : i32
        %get3A_762 = arith.index_cast %mul3A_761 : i32 to index
        %get3A_763 = arith.constant 384 : index
        %get3A_764 = tpu.vector_load %arg11[%get3A_762, %get3A_763] {strides = array<i32>} : memref<32x512xf32, #tpu.memory_space<vmem>>, vector<1x16xf32>,
        %get3A_765 = vector.shape_cast %get3A_764 : vector<1x16xf32> to vector<16xf32>
        %mul3A_766 = arith.constant 2 : i32
        %mul3A_767 = arith.muli %mul3A_766, %scan3A_225 : i32
        %add3A_768 = arith.constant 1 : i32
        %add3A_769 = arith.addi %mul3A_767, %add3A_768 : i32
        %get3A_770 = arith.index_cast %add3A_769 : i32 to index
        %get3A_771 = arith.constant 384 : index
        %get3A_772 = tpu.vector_load %arg11[%get3A_770, %get3A_771] {strides = array<i32>} : memref<32x512xf32, #tpu.memory_space<vmem>>, vector<1x16xf32>,
        %get3A_773 = vector.shape_cast %get3A_772 : vector<1x16xf32> to vector<16xf32>
        %mul3A_774 = arith.mulf %get3A_228, %get3A_765 : vector<16xf32>
        %mul3A_775 = arith.mulf %get3A_232, %get3A_773 : vector<16xf32>
        %add3A_776 = arith.addf %mul3A_774, %mul3A_775 : vector<16xf32>
        %swap3A_777 = arith.index_cast %scan3A_225 : i32 to index
        %swap3A_778 = arith.constant 384 : index
        %swap3A_779 = tpu.vector_load %arg15[%swap3A_777, %swap3A_778] {strides = array<i32>} : memref<16x512xf32, #tpu.memory_space<vmem>>, vector<1x16xf32>,
        %swap3A_780 = vector.shape_cast %swap3A_779 : vector<1x16xf32> to vector<16xf32>
        %swap3A_781 = vector.shape_cast %add3A_776 : vector<16xf32> to vector<1x16xf32>
        tpu.vector_store %arg15[%swap3A_777, %swap3A_778], %swap3A_781 {strides = array<i32>} : memref<16x512xf32, #tpu.memory_space<vmem>>, vector<1x16xf32>,
        %mul3A_782 = arith.constant 2 : i32
        %mul3A_783 = arith.muli %mul3A_782, %scan3A_225 : i32
        %get3A_784 = arith.index_cast %mul3A_783 : i32 to index
        %get3A_785 = arith.constant 400 : index
        %get3A_786 = tpu.vector_load %arg11[%get3A_784, %get3A_785] {strides = array<i32>} : memref<32x512xf32, #tpu.memory_space<vmem>>, vector<1x16xf32>,
        %get3A_787 = vector.shape_cast %get3A_786 : vector<1x16xf32> to vector<16xf32>
        %mul3A_788 = arith.constant 2 : i32
        %mul3A_789 = arith.muli %mul3A_788, %scan3A_225 : i32
        %add3A_790 = arith.constant 1 : i32
        %add3A_791 = arith.addi %mul3A_789, %add3A_790 : i32
        %get3A_792 = arith.index_cast %add3A_791 : i32 to index
        %get3A_793 = arith.constant 400 : index
        %get3A_794 = tpu.vector_load %arg11[%get3A_792, %get3A_793] {strides = array<i32>} : memref<32x512xf32, #tpu.memory_space<vmem>>, vector<1x16xf32>,
        %get3A_795 = vector.shape_cast %get3A_794 : vector<1x16xf32> to vector<16xf32>
        %mul3A_796 = arith.mulf %get3A_228, %get3A_787 : vector<16xf32>
        %mul3A_797 = arith.mulf %get3A_232, %get3A_795 : vector<16xf32>
        %add3A_798 = arith.addf %mul3A_796, %mul3A_797 : vector<16xf32>
        %swap3A_799 = arith.index_cast %scan3A_225 : i32 to index
        %swap3A_800 = arith.constant 400 : index
        %swap3A_801 = tpu.vector_load %arg15[%swap3A_799, %swap3A_800] {strides = array<i32>} : memref<16x512xf32, #tpu.memory_space<vmem>>, vector<1x16xf32>,
        %swap3A_802 = vector.shape_cast %swap3A_801 : vector<1x16xf32> to vector<16xf32>
        %swap3A_803 = vector.shape_cast %add3A_798 : vector<16xf32> to vector<1x16xf32>
        tpu.vector_store %arg15[%swap3A_799, %swap3A_800], %swap3A_803 {strides = array<i32>} : memref<16x512xf32, #tpu.memory_space<vmem>>, vector<1x16xf32>,
        %mul3A_804 = arith.constant 2 : i32
        %mul3A_805 = arith.muli %mul3A_804, %scan3A_225 : i32
        %get3A_806 = arith.index_cast %mul3A_805 : i32 to index
        %get3A_807 = arith.constant 416 : index
        %get3A_808 = tpu.vector_load %arg11[%get3A_806, %get3A_807] {strides = array<i32>} : memref<32x512xf32, #tpu.memory_space<vmem>>, vector<1x16xf32>,
        %get3A_809 = vector.shape_cast %get3A_808 : vector<1x16xf32> to vector<16xf32>
        %mul3A_810 = arith.constant 2 : i32
        %mul3A_811 = arith.muli %mul3A_810, %scan3A_225 : i32
        %add3A_812 = arith.constant 1 : i32
        %add3A_813 = arith.addi %mul3A_811, %add3A_812 : i32
        %get3A_814 = arith.index_cast %add3A_813 : i32 to index
        %get3A_815 = arith.constant 416 : index
        %get3A_816 = tpu.vector_load %arg11[%get3A_814, %get3A_815] {strides = array<i32>} : memref<32x512xf32, #tpu.memory_space<vmem>>, vector<1x16xf32>,
        %get3A_817 = vector.shape_cast %get3A_816 : vector<1x16xf32> to vector<16xf32>
        %mul3A_818 = arith.mulf %get3A_228, %get3A_809 : vector<16xf32>
        %mul3A_819 = arith.mulf %get3A_232, %get3A_817 : vector<16xf32>
        %add3A_820 = arith.addf %mul3A_818, %mul3A_819 : vector<16xf32>
        %swap3A_821 = arith.index_cast %scan3A_225 : i32 to index
        %swap3A_822 = arith.constant 416 : index
        %swap3A_823 = tpu.vector_load %arg15[%swap3A_821, %swap3A_822] {strides = array<i32>} : memref<16x512xf32, #tpu.memory_space<vmem>>, vector<1x16xf32>,
        %swap3A_824 = vector.shape_cast %swap3A_823 : vector<1x16xf32> to vector<16xf32>
        %swap3A_825 = vector.shape_cast %add3A_820 : vector<16xf32> to vector<1x16xf32>
        tpu.vector_store %arg15[%swap3A_821, %swap3A_822], %swap3A_825 {strides = array<i32>} : memref<16x512xf32, #tpu.memory_space<vmem>>, vector<1x16xf32>,
        %mul3A_826 = arith.constant 2 : i32
        %mul3A_827 = arith.muli %mul3A_826, %scan3A_225 : i32
        %get3A_828 = arith.index_cast %mul3A_827 : i32 to index
        %get3A_829 = arith.constant 432 : index
        %get3A_830 = tpu.vector_load %arg11[%get3A_828, %get3A_829] {strides = array<i32>} : memref<32x512xf32, #tpu.memory_space<vmem>>, vector<1x16xf32>,
        %get3A_831 = vector.shape_cast %get3A_830 : vector<1x16xf32> to vector<16xf32>
        %mul3A_832 = arith.constant 2 : i32
        %mul3A_833 = arith.muli %mul3A_832, %scan3A_225 : i32
        %add3A_834 = arith.constant 1 : i32
        %add3A_835 = arith.addi %mul3A_833, %add3A_834 : i32
        %get3A_836 = arith.index_cast %add3A_835 : i32 to index
        %get3A_837 = arith.constant 432 : index
        %get3A_838 = tpu.vector_load %arg11[%get3A_836, %get3A_837] {strides = array<i32>} : memref<32x512xf32, #tpu.memory_space<vmem>>, vector<1x16xf32>,
        %get3A_839 = vector.shape_cast %get3A_838 : vector<1x16xf32> to vector<16xf32>
        %mul3A_840 = arith.mulf %get3A_228, %get3A_831 : vector<16xf32>
        %mul3A_841 = arith.mulf %get3A_232, %get3A_839 : vector<16xf32>
        %add3A_842 = arith.addf %mul3A_840, %mul3A_841 : vector<16xf32>
        %swap3A_843 = arith.index_cast %scan3A_225 : i32 to index
        %swap3A_844 = arith.constant 432 : index
        %swap3A_845 = tpu.vector_load %arg15[%swap3A_843, %swap3A_844] {strides = array<i32>} : memref<16x512xf32, #tpu.memory_space<vmem>>, vector<1x16xf32>,
        %swap3A_846 = vector.shape_cast %swap3A_845 : vector<1x16xf32> to vector<16xf32>
        %swap3A_847 = vector.shape_cast %add3A_842 : vector<16xf32> to vector<1x16xf32>
        tpu.vector_store %arg15[%swap3A_843, %swap3A_844], %swap3A_847 {strides = array<i32>} : memref<16x512xf32, #tpu.memory_space<vmem>>, vector<1x16xf32>,
        %mul3A_848 = arith.constant 2 : i32
        %mul3A_849 = arith.muli %mul3A_848, %scan3A_225 : i32
        %get3A_850 = arith.index_cast %mul3A_849 : i32 to index
        %get3A_851 = arith.constant 448 : index
        %get3A_852 = tpu.vector_load %arg11[%get3A_850, %get3A_851] {strides = array<i32>} : memref<32x512xf32, #tpu.memory_space<vmem>>, vector<1x16xf32>,
        %get3A_853 = vector.shape_cast %get3A_852 : vector<1x16xf32> to vector<16xf32>
        %mul3A_854 = arith.constant 2 : i32
        %mul3A_855 = arith.muli %mul3A_854, %scan3A_225 : i32
        %add3A_856 = arith.constant 1 : i32
        %add3A_857 = arith.addi %mul3A_855, %add3A_856 : i32
        %get3A_858 = arith.index_cast %add3A_857 : i32 to index
        %get3A_859 = arith.constant 448 : index
        %get3A_860 = tpu.vector_load %arg11[%get3A_858, %get3A_859] {strides = array<i32>} : memref<32x512xf32, #tpu.memory_space<vmem>>, vector<1x16xf32>,
        %get3A_861 = vector.shape_cast %get3A_860 : vector<1x16xf32> to vector<16xf32>
        %mul3A_862 = arith.mulf %get3A_228, %get3A_853 : vector<16xf32>
        %mul3A_863 = arith.mulf %get3A_232, %get3A_861 : vector<16xf32>
        %add3A_864 = arith.addf %mul3A_862, %mul3A_863 : vector<16xf32>
        %swap3A_865 = arith.index_cast %scan3A_225 : i32 to index
        %swap3A_866 = arith.constant 448 : index
        %swap3A_867 = tpu.vector_load %arg15[%swap3A_865, %swap3A_866] {strides = array<i32>} : memref<16x512xf32, #tpu.memory_space<vmem>>, vector<1x16xf32>,
        %swap3A_868 = vector.shape_cast %swap3A_867 : vector<1x16xf32> to vector<16xf32>
        %swap3A_869 = vector.shape_cast %add3A_864 : vector<16xf32> to vector<1x16xf32>
        tpu.vector_store %arg15[%swap3A_865, %swap3A_866], %swap3A_869 {strides = array<i32>} : memref<16x512xf32, #tpu.memory_space<vmem>>, vector<1x16xf32>,
        %mul3A_870 = arith.constant 2 : i32
        %mul3A_871 = arith.muli %mul3A_870, %scan3A_225 : i32
        %get3A_872 = arith.index_cast %mul3A_871 : i32 to index
        %get3A_873 = arith.constant 464 : index
        %get3A_874 = tpu.vector_load %arg11[%get3A_872, %get3A_873] {strides = array<i32>} : memref<32x512xf32, #tpu.memory_space<vmem>>, vector<1x16xf32>,
        %get3A_875 = vector.shape_cast %get3A_874 : vector<1x16xf32> to vector<16xf32>
        %mul3A_876 = arith.constant 2 : i32
        %mul3A_877 = arith.muli %mul3A_876, %scan3A_225 : i32
        %add3A_878 = arith.constant 1 : i32
        %add3A_879 = arith.addi %mul3A_877, %add3A_878 : i32
        %get3A_880 = arith.index_cast %add3A_879 : i32 to index
        %get3A_881 = arith.constant 464 : index
        %get3A_882 = tpu.vector_load %arg11[%get3A_880, %get3A_881] {strides = array<i32>} : memref<32x512xf32, #tpu.memory_space<vmem>>, vector<1x16xf32>,
        %get3A_883 = vector.shape_cast %get3A_882 : vector<1x16xf32> to vector<16xf32>
        %mul3A_884 = arith.mulf %get3A_228, %get3A_875 : vector<16xf32>
        %mul3A_885 = arith.mulf %get3A_232, %get3A_883 : vector<16xf32>
        %add3A_886 = arith.addf %mul3A_884, %mul3A_885 : vector<16xf32>
        %swap3A_887 = arith.index_cast %scan3A_225 : i32 to index
        %swap3A_888 = arith.constant 464 : index
        %swap3A_889 = tpu.vector_load %arg15[%swap3A_887, %swap3A_888] {strides = array<i32>} : memref<16x512xf32, #tpu.memory_space<vmem>>, vector<1x16xf32>,
        %swap3A_890 = vector.shape_cast %swap3A_889 : vector<1x16xf32> to vector<16xf32>
        %swap3A_891 = vector.shape_cast %add3A_886 : vector<16xf32> to vector<1x16xf32>
        tpu.vector_store %arg15[%swap3A_887, %swap3A_888], %swap3A_891 {strides = array<i32>} : memref<16x512xf32, #tpu.memory_space<vmem>>, vector<1x16xf32>,
        %mul3A_892 = arith.constant 2 : i32
        %mul3A_893 = arith.muli %mul3A_892, %scan3A_225 : i32
        %get3A_894 = arith.index_cast %mul3A_893 : i32 to index
        %get3A_895 = arith.constant 480 : index
        %get3A_896 = tpu.vector_load %arg11[%get3A_894, %get3A_895] {strides = array<i32>} : memref<32x512xf32, #tpu.memory_space<vmem>>, vector<1x16xf32>,
        %get3A_897 = vector.shape_cast %get3A_896 : vector<1x16xf32> to vector<16xf32>
        %mul3A_898 = arith.constant 2 : i32
        %mul3A_899 = arith.muli %mul3A_898, %scan3A_225 : i32
        %add3A_900 = arith.constant 1 : i32
        %add3A_901 = arith.addi %mul3A_899, %add3A_900 : i32
        %get3A_902 = arith.index_cast %add3A_901 : i32 to index
        %get3A_903 = arith.constant 480 : index
        %get3A_904 = tpu.vector_load %arg11[%get3A_902, %get3A_903] {strides = array<i32>} : memref<32x512xf32, #tpu.memory_space<vmem>>, vector<1x16xf32>,
        %get3A_905 = vector.shape_cast %get3A_904 : vector<1x16xf32> to vector<16xf32>
        %mul3A_906 = arith.mulf %get3A_228, %get3A_897 : vector<16xf32>
        %mul3A_907 = arith.mulf %get3A_232, %get3A_905 : vector<16xf32>
        %add3A_908 = arith.addf %mul3A_906, %mul3A_907 : vector<16xf32>
        %swap3A_909 = arith.index_cast %scan3A_225 : i32 to index
        %swap3A_910 = arith.constant 480 : index
        %swap3A_911 = tpu.vector_load %arg15[%swap3A_909, %swap3A_910] {strides = array<i32>} : memref<16x512xf32, #tpu.memory_space<vmem>>, vector<1x16xf32>,
        %swap3A_912 = vector.shape_cast %swap3A_911 : vector<1x16xf32> to vector<16xf32>
        %swap3A_913 = vector.shape_cast %add3A_908 : vector<16xf32> to vector<1x16xf32>
        tpu.vector_store %arg15[%swap3A_909, %swap3A_910], %swap3A_913 {strides = array<i32>} : memref<16x512xf32, #tpu.memory_space<vmem>>, vector<1x16xf32>,
        %mul3A_914 = arith.constant 2 : i32
        %mul3A_915 = arith.muli %mul3A_914, %scan3A_225 : i32
        %get3A_916 = arith.index_cast %mul3A_915 : i32 to index
        %get3A_917 = arith.constant 496 : index
        %get3A_918 = tpu.vector_load %arg11[%get3A_916, %get3A_917] {strides = array<i32>} : memref<32x512xf32, #tpu.memory_space<vmem>>, vector<1x16xf32>,
        %get3A_919 = vector.shape_cast %get3A_918 : vector<1x16xf32> to vector<16xf32>
        %mul3A_920 = arith.constant 2 : i32
        %mul3A_921 = arith.muli %mul3A_920, %scan3A_225 : i32
        %add3A_922 = arith.constant 1 : i32
        %add3A_923 = arith.addi %mul3A_921, %add3A_922 : i32
        %get3A_924 = arith.index_cast %add3A_923 : i32 to index
        %get3A_925 = arith.constant 496 : index
        %get3A_926 = tpu.vector_load %arg11[%get3A_924, %get3A_925] {strides = array<i32>} : memref<32x512xf32, #tpu.memory_space<vmem>>, vector<1x16xf32>,
        %get3A_927 = vector.shape_cast %get3A_926 : vector<1x16xf32> to vector<16xf32>
        %mul3A_928 = arith.mulf %get3A_228, %get3A_919 : vector<16xf32>
        %mul3A_929 = arith.mulf %get3A_232, %get3A_927 : vector<16xf32>
        %add3A_930 = arith.addf %mul3A_928, %mul3A_929 : vector<16xf32>
        %swap3A_931 = arith.index_cast %scan3A_225 : i32 to index
        %swap3A_932 = arith.constant 496 : index
        %swap3A_933 = tpu.vector_load %arg15[%swap3A_931, %swap3A_932] {strides = array<i32>} : memref<16x512xf32, #tpu.memory_space<vmem>>, vector<1x16xf32>,
        %swap3A_934 = vector.shape_cast %swap3A_933 : vector<1x16xf32> to vector<16xf32>
        %swap3A_935 = vector.shape_cast %add3A_930 : vector<16xf32> to vector<1x16xf32>
        tpu.vector_store %arg15[%swap3A_931, %swap3A_932], %swap3A_935 {strides = array<i32>} : memref<16x512xf32, #tpu.memory_space<vmem>>, vector<1x16xf32>,
      }
      %scan3A_94 = arith.constant 16 : i32
      %dma_start3A_95 = arith.constant 0 : i32
      %dma_start3A_96 = tpu.memref_slice %arg5[%add3A_75, %dma_start3A_95] : memref<18432x512xf32, #tpu.memory_space<hbm>> -> memref<16x512xf32, #tpu.memory_space<hbm>>
      %dma_start3A_97 = arith.constant 0 : i32
      %dma_start3A_98 = tpu.memref_slice %arg5[%add3A_75, %dma_start3A_97] : memref<18432x512xf32, #tpu.memory_space<hbm>> -> memref<16x512xf32, #tpu.memory_space<hbm>>
      tpu.enqueue_dma source(%arg15 : memref<16x512xf32, #tpu.memory_space<vmem>>) target(%dma_start3A_98 : memref<16x512xf32, #tpu.memory_space<hbm>>) target_semaphore(%arg23 : memref<!tpu.dma_semaphore, #tpu.memory_space<semaphore_mem>>)
      %add3A_99 = arith.constant 4 : i32
      %add3A_100 = arith.addi %add3A_72, %add3A_99 : i32
      %lt3A = arith.constant 36 : i32
      %lt3A_101 = arith.cmpi slt, %add3A_100, %lt3A : i32
      %convert_element_type3A_102 = arith.extui %lt3A_101 : i1 to i32
      %cond3A_103 = arith.constant 0 : i32
      %cond3A_104 = arith.cmpi ne, %convert_element_type3A_102, %cond3A_103 : i32
      scf.if %cond3A_104 {
        %add3A_225 = arith.constant 4 : i32
        %add3A_226 = arith.addi %add3A_72, %add3A_225 : i32
        %mul3A_227 = arith.constant 2 : i32
        %mul3A_228 = arith.muli %add3A_226, %mul3A_227 : i32
        %mul3A_229 = arith.constant 16 : i32
        %mul3A_230 = arith.muli %mul3A_228, %mul3A_229 : i32
        %dma_start3A_231 = tpu.memref_slice %arg6[%mul3A_230] : memref<1152xi32, #tpu.memory_space<vmem>> -> memref<32xi32, #tpu.memory_space<vmem>>
        %dma_start3A_232 = arith.constant 0 : i32
        %dma_start3A_233 = arith.constant 0 : i32
        %dma_start3A_234 = tpu.memref_slice %arg2[%dma_start3A_232, %dma_start3A_233] : memref<32768x512xf32, #tpu.memory_space<hbm>> -> memref<32768x512xf32, #tpu.memory_space<hbm>>
        tpu.enqueue_indirect_dma source(%dma_start3A_234 : memref<32768x512xf32, #tpu.memory_space<hbm>>) target(%arg11 : memref<32x512xf32, #tpu.memory_space<vmem>>) offsets(%dma_start3A_231 : memref<32xi32, #tpu.memory_space<vmem>>) semaphore(%arg19 : memref<!tpu.dma_semaphore, #tpu.memory_space<semaphore_mem>>)
        %mul3A_235 = arith.constant 16 : i32
        %mul3A_236 = arith.muli %add3A_226, %mul3A_235 : i32
        %add3A_237 = arith.addi %mul3A_2, %mul3A_236 : i32
        %dma_start3A_238 = arith.constant 0 : i32
        %dma_start3A_239 = tpu.memref_slice %arg4[%add3A_237, %dma_start3A_238] : memref<18432x32xf32, #tpu.memory_space<hbm>> -> memref<16x32xf32, #tpu.memory_space<hbm>>
        %dma_start3A_240 = arith.constant 0 : i32
        %dma_start3A_241 = tpu.memref_slice %arg4[%add3A_237, %dma_start3A_240] : memref<18432x32xf32, #tpu.memory_space<hbm>> -> memref<16x32xf32, #tpu.memory_space<hbm>>
        tpu.enqueue_dma source(%dma_start3A_241 : memref<16x32xf32, #tpu.memory_space<hbm>>) target(%arg7 : memref<16x32xf32, #tpu.memory_space<vmem>>) target_semaphore(%arg19 : memref<!tpu.dma_semaphore, #tpu.memory_space<semaphore_mem>>)
      } else {
      }
      %mul3A_105 = arith.constant 4 : i32
      %mul3A_106 = arith.muli %mul3A_105, %scan3A_68 : i32
      %add3A_107 = arith.constant 1 : i32
      %add3A_108 = arith.addi %mul3A_106, %add3A_107 : i32
      %mul3A_109 = arith.constant 16 : i32
      %mul3A_110 = arith.muli %add3A_108, %mul3A_109 : i32
      %add3A_111 = arith.addi %mul3A_2, %mul3A_110 : i32
      %dma_wait3A_112 = arith.constant 0 : i32
      %dma_wait3A_113 = tpu.memref_slice %arg6[%dma_wait3A_112] : memref<1152xi32, #tpu.memory_space<vmem>> -> memref<32xi32, #tpu.memory_space<vmem>>
      %dma_wait3A_114 = arith.constant 0 : i32
      %dma_wait3A_115 = arith.constant 0 : i32
      %dma_wait3A_116 = tpu.memref_slice %arg2[%dma_wait3A_114, %dma_wait3A_115] : memref<32768x512xf32, #tpu.memory_space<hbm>> -> memref<32768x512xf32, #tpu.memory_space<hbm>>
      tpu.wait_indirect_dma semaphore(%arg20 : memref<!tpu.dma_semaphore, #tpu.memory_space<semaphore_mem>>) src(%dma_wait3A_116 : memref<32768x512xf32, #tpu.memory_space<hbm>>) dst(%arg12 : memref<32x512xf32, #tpu.memory_space<vmem>>)
      %dma_wait3A_117 = arith.constant 0 : i32
      %dma_wait3A_118 = arith.constant 0 : i32
      %dma_wait3A_119 = tpu.memref_slice %arg4[%dma_wait3A_117, %dma_wait3A_118] : memref<18432x32xf32, #tpu.memory_space<hbm>> -> memref<16x32xf32, #tpu.memory_space<hbm>>
      %dma_wait3A_120 = arith.constant 0 : i32
      %dma_wait3A_121 = arith.constant 0 : i32
      %dma_wait3A_122 = tpu.memref_slice %arg4[%dma_wait3A_120, %dma_wait3A_121] : memref<18432x32xf32, #tpu.memory_space<hbm>> -> memref<16x32xf32, #tpu.memory_space<hbm>>
      tpu.wait_dma2 semaphore(%arg20 : memref<!tpu.dma_semaphore, #tpu.memory_space<semaphore_mem>>) src(%dma_wait3A_122 : memref<16x32xf32, #tpu.memory_space<hbm>>) dst(%arg8 : memref<16x32xf32, #tpu.memory_space<vmem>>)
      %gt3A_123 = arith.constant 0 : i32
      %gt3A_124 = arith.cmpi sgt, %scan3A_68, %gt3A_123 : i32
      %convert_element_type3A_125 = arith.extui %gt3A_124 : i1 to i32
      %cond3A_126 = arith.constant 0 : i32
      %cond3A_127 = arith.cmpi ne, %convert_element_type3A_125, %cond3A_126 : i32
      scf.if %cond3A_127 {
        %dma_wait3A_225 = arith.constant 0 : i32
        %dma_wait3A_226 = tpu.memref_slice %arg5[%add3A_111, %dma_wait3A_225] : memref<18432x512xf32, #tpu.memory_space<hbm>> -> memref<16x512xf32, #tpu.memory_space<hbm>>
        %dma_wait3A_227 = arith.constant 0 : i32
        %dma_wait3A_228 = tpu.memref_slice %arg5[%add3A_111, %dma_wait3A_227] : memref<18432x512xf32, #tpu.memory_space<hbm>> -> memref<16x512xf32, #tpu.memory_space<hbm>>
        tpu.wait_dma2 semaphore(%arg24 : memref<!tpu.dma_semaphore, #tpu.memory_space<semaphore_mem>>) src(%arg16 : memref<16x512xf32, #tpu.memory_space<vmem>>) dst(%dma_wait3A_228 : memref<16x512xf32, #tpu.memory_space<hbm>>)
      } else {
      }
      %scan3A_128 = arith.constant 0 : i32
      %scan3A_129 = arith.constant 0 : i32
      %scan3A_130 = arith.constant 16 : i32
      %scan3A_131 = arith.addi %scan3A_129, %scan3A_130 : i32
      %scan3A_132 = arith.constant 1 : i32
      scf.for %scan3A_225 = %scan3A_129 to %scan3A_131 step %scan3A_132  : i32 {
        %get3A = arith.index_cast %scan3A_225 : i32 to index
        %get3A_226 = arith.constant 0 : index
        %get3A_227 = tpu.vector_load %arg8[%get3A, %get3A_226] {strides = array<i32>} : memref<16x32xf32, #tpu.memory_space<vmem>>, vector<1x16xf32>,
        %get3A_228 = vector.shape_cast %get3A_227 : vector<1x16xf32> to vector<16xf32>
        %get3A_229 = arith.index_cast %scan3A_225 : i32 to index
        %get3A_230 = arith.constant 16 : index
        %get3A_231 = tpu.vector_load %arg8[%get3A_229, %get3A_230] {strides = array<i32>} : memref<16x32xf32, #tpu.memory_space<vmem>>, vector<1x16xf32>,
        %get3A_232 = vector.shape_cast %get3A_231 : vector<1x16xf32> to vector<16xf32>
        %mul3A_233 = arith.constant 2 : i32
        %mul3A_234 = arith.muli %mul3A_233, %scan3A_225 : i32
        %get3A_235 = arith.index_cast %mul3A_234 : i32 to index
        %get3A_236 = arith.constant 0 : index
        %get3A_237 = tpu.vector_load %arg12[%get3A_235, %get3A_236] {strides = array<i32>} : memref<32x512xf32, #tpu.memory_space<vmem>>, vector<1x16xf32>,
        %get3A_238 = vector.shape_cast %get3A_237 : vector<1x16xf32> to vector<16xf32>
        %mul3A_239 = arith.constant 2 : i32
        %mul3A_240 = arith.muli %mul3A_239, %scan3A_225 : i32
        %add3A_241 = arith.constant 1 : i32
        %add3A_242 = arith.addi %mul3A_240, %add3A_241 : i32
        %get3A_243 = arith.index_cast %add3A_242 : i32 to index
        %get3A_244 = arith.constant 0 : index
        %get3A_245 = tpu.vector_load %arg12[%get3A_243, %get3A_244] {strides = array<i32>} : memref<32x512xf32, #tpu.memory_space<vmem>>, vector<1x16xf32>,
        %get3A_246 = vector.shape_cast %get3A_245 : vector<1x16xf32> to vector<16xf32>
        %mul3A_247 = arith.mulf %get3A_228, %get3A_238 : vector<16xf32>
        %mul3A_248 = arith.mulf %get3A_232, %get3A_246 : vector<16xf32>
        %add3A_249 = arith.addf %mul3A_247, %mul3A_248 : vector<16xf32>
        %swap3A = arith.index_cast %scan3A_225 : i32 to index
        %swap3A_250 = arith.constant 0 : index
        %swap3A_251 = tpu.vector_load %arg16[%swap3A, %swap3A_250] {strides = array<i32>} : memref<16x512xf32, #tpu.memory_space<vmem>>, vector<1x16xf32>,
        %swap3A_252 = vector.shape_cast %swap3A_251 : vector<1x16xf32> to vector<16xf32>
        %swap3A_253 = vector.shape_cast %add3A_249 : vector<16xf32> to vector<1x16xf32>
        tpu.vector_store %arg16[%swap3A, %swap3A_250], %swap3A_253 {strides = array<i32>} : memref<16x512xf32, #tpu.memory_space<vmem>>, vector<1x16xf32>,
        %mul3A_254 = arith.constant 2 : i32
        %mul3A_255 = arith.muli %mul3A_254, %scan3A_225 : i32
        %get3A_256 = arith.index_cast %mul3A_255 : i32 to index
        %get3A_257 = arith.constant 16 : index
        %get3A_258 = tpu.vector_load %arg12[%get3A_256, %get3A_257] {strides = array<i32>} : memref<32x512xf32, #tpu.memory_space<vmem>>, vector<1x16xf32>,
        %get3A_259 = vector.shape_cast %get3A_258 : vector<1x16xf32> to vector<16xf32>
        %mul3A_260 = arith.constant 2 : i32
        %mul3A_261 = arith.muli %mul3A_260, %scan3A_225 : i32
        %add3A_262 = arith.constant 1 : i32
        %add3A_263 = arith.addi %mul3A_261, %add3A_262 : i32
        %get3A_264 = arith.index_cast %add3A_263 : i32 to index
        %get3A_265 = arith.constant 16 : index
        %get3A_266 = tpu.vector_load %arg12[%get3A_264, %get3A_265] {strides = array<i32>} : memref<32x512xf32, #tpu.memory_space<vmem>>, vector<1x16xf32>,
        %get3A_267 = vector.shape_cast %get3A_266 : vector<1x16xf32> to vector<16xf32>
        %mul3A_268 = arith.mulf %get3A_228, %get3A_259 : vector<16xf32>
        %mul3A_269 = arith.mulf %get3A_232, %get3A_267 : vector<16xf32>
        %add3A_270 = arith.addf %mul3A_268, %mul3A_269 : vector<16xf32>
        %swap3A_271 = arith.index_cast %scan3A_225 : i32 to index
        %swap3A_272 = arith.constant 16 : index
        %swap3A_273 = tpu.vector_load %arg16[%swap3A_271, %swap3A_272] {strides = array<i32>} : memref<16x512xf32, #tpu.memory_space<vmem>>, vector<1x16xf32>,
        %swap3A_274 = vector.shape_cast %swap3A_273 : vector<1x16xf32> to vector<16xf32>
        %swap3A_275 = vector.shape_cast %add3A_270 : vector<16xf32> to vector<1x16xf32>
        tpu.vector_store %arg16[%swap3A_271, %swap3A_272], %swap3A_275 {strides = array<i32>} : memref<16x512xf32, #tpu.memory_space<vmem>>, vector<1x16xf32>,
        %mul3A_276 = arith.constant 2 : i32
        %mul3A_277 = arith.muli %mul3A_276, %scan3A_225 : i32
        %get3A_278 = arith.index_cast %mul3A_277 : i32 to index
        %get3A_279 = arith.constant 32 : index
        %get3A_280 = tpu.vector_load %arg12[%get3A_278, %get3A_279] {strides = array<i32>} : memref<32x512xf32, #tpu.memory_space<vmem>>, vector<1x16xf32>,
        %get3A_281 = vector.shape_cast %get3A_280 : vector<1x16xf32> to vector<16xf32>
        %mul3A_282 = arith.constant 2 : i32
        %mul3A_283 = arith.muli %mul3A_282, %scan3A_225 : i32
        %add3A_284 = arith.constant 1 : i32
        %add3A_285 = arith.addi %mul3A_283, %add3A_284 : i32
        %get3A_286 = arith.index_cast %add3A_285 : i32 to index
        %get3A_287 = arith.constant 32 : index
        %get3A_288 = tpu.vector_load %arg12[%get3A_286, %get3A_287] {strides = array<i32>} : memref<32x512xf32, #tpu.memory_space<vmem>>, vector<1x16xf32>,
        %get3A_289 = vector.shape_cast %get3A_288 : vector<1x16xf32> to vector<16xf32>
        %mul3A_290 = arith.mulf %get3A_228, %get3A_281 : vector<16xf32>
        %mul3A_291 = arith.mulf %get3A_232, %get3A_289 : vector<16xf32>
        %add3A_292 = arith.addf %mul3A_290, %mul3A_291 : vector<16xf32>
        %swap3A_293 = arith.index_cast %scan3A_225 : i32 to index
        %swap3A_294 = arith.constant 32 : index
        %swap3A_295 = tpu.vector_load %arg16[%swap3A_293, %swap3A_294] {strides = array<i32>} : memref<16x512xf32, #tpu.memory_space<vmem>>, vector<1x16xf32>,
        %swap3A_296 = vector.shape_cast %swap3A_295 : vector<1x16xf32> to vector<16xf32>
        %swap3A_297 = vector.shape_cast %add3A_292 : vector<16xf32> to vector<1x16xf32>
        tpu.vector_store %arg16[%swap3A_293, %swap3A_294], %swap3A_297 {strides = array<i32>} : memref<16x512xf32, #tpu.memory_space<vmem>>, vector<1x16xf32>,
        %mul3A_298 = arith.constant 2 : i32
        %mul3A_299 = arith.muli %mul3A_298, %scan3A_225 : i32
        %get3A_300 = arith.index_cast %mul3A_299 : i32 to index
        %get3A_301 = arith.constant 48 : index
        %get3A_302 = tpu.vector_load %arg12[%get3A_300, %get3A_301] {strides = array<i32>} : memref<32x512xf32, #tpu.memory_space<vmem>>, vector<1x16xf32>,
        %get3A_303 = vector.shape_cast %get3A_302 : vector<1x16xf32> to vector<16xf32>
        %mul3A_304 = arith.constant 2 : i32
        %mul3A_305 = arith.muli %mul3A_304, %scan3A_225 : i32
        %add3A_306 = arith.constant 1 : i32
        %add3A_307 = arith.addi %mul3A_305, %add3A_306 : i32
        %get3A_308 = arith.index_cast %add3A_307 : i32 to index
        %get3A_309 = arith.constant 48 : index
        %get3A_310 = tpu.vector_load %arg12[%get3A_308, %get3A_309] {strides = array<i32>} : memref<32x512xf32, #tpu.memory_space<vmem>>, vector<1x16xf32>,
        %get3A_311 = vector.shape_cast %get3A_310 : vector<1x16xf32> to vector<16xf32>
        %mul3A_312 = arith.mulf %get3A_228, %get3A_303 : vector<16xf32>
        %mul3A_313 = arith.mulf %get3A_232, %get3A_311 : vector<16xf32>
        %add3A_314 = arith.addf %mul3A_312, %mul3A_313 : vector<16xf32>
        %swap3A_315 = arith.index_cast %scan3A_225 : i32 to index
        %swap3A_316 = arith.constant 48 : index
        %swap3A_317 = tpu.vector_load %arg16[%swap3A_315, %swap3A_316] {strides = array<i32>} : memref<16x512xf32, #tpu.memory_space<vmem>>, vector<1x16xf32>,
        %swap3A_318 = vector.shape_cast %swap3A_317 : vector<1x16xf32> to vector<16xf32>
        %swap3A_319 = vector.shape_cast %add3A_314 : vector<16xf32> to vector<1x16xf32>
        tpu.vector_store %arg16[%swap3A_315, %swap3A_316], %swap3A_319 {strides = array<i32>} : memref<16x512xf32, #tpu.memory_space<vmem>>, vector<1x16xf32>,
        %mul3A_320 = arith.constant 2 : i32
        %mul3A_321 = arith.muli %mul3A_320, %scan3A_225 : i32
        %get3A_322 = arith.index_cast %mul3A_321 : i32 to index
        %get3A_323 = arith.constant 64 : index
        %get3A_324 = tpu.vector_load %arg12[%get3A_322, %get3A_323] {strides = array<i32>} : memref<32x512xf32, #tpu.memory_space<vmem>>, vector<1x16xf32>,
        %get3A_325 = vector.shape_cast %get3A_324 : vector<1x16xf32> to vector<16xf32>
        %mul3A_326 = arith.constant 2 : i32
        %mul3A_327 = arith.muli %mul3A_326, %scan3A_225 : i32
        %add3A_328 = arith.constant 1 : i32
        %add3A_329 = arith.addi %mul3A_327, %add3A_328 : i32
        %get3A_330 = arith.index_cast %add3A_329 : i32 to index
        %get3A_331 = arith.constant 64 : index
        %get3A_332 = tpu.vector_load %arg12[%get3A_330, %get3A_331] {strides = array<i32>} : memref<32x512xf32, #tpu.memory_space<vmem>>, vector<1x16xf32>,
        %get3A_333 = vector.shape_cast %get3A_332 : vector<1x16xf32> to vector<16xf32>
        %mul3A_334 = arith.mulf %get3A_228, %get3A_325 : vector<16xf32>
        %mul3A_335 = arith.mulf %get3A_232, %get3A_333 : vector<16xf32>
        %add3A_336 = arith.addf %mul3A_334, %mul3A_335 : vector<16xf32>
        %swap3A_337 = arith.index_cast %scan3A_225 : i32 to index
        %swap3A_338 = arith.constant 64 : index
        %swap3A_339 = tpu.vector_load %arg16[%swap3A_337, %swap3A_338] {strides = array<i32>} : memref<16x512xf32, #tpu.memory_space<vmem>>, vector<1x16xf32>,
        %swap3A_340 = vector.shape_cast %swap3A_339 : vector<1x16xf32> to vector<16xf32>
        %swap3A_341 = vector.shape_cast %add3A_336 : vector<16xf32> to vector<1x16xf32>
        tpu.vector_store %arg16[%swap3A_337, %swap3A_338], %swap3A_341 {strides = array<i32>} : memref<16x512xf32, #tpu.memory_space<vmem>>, vector<1x16xf32>,
        %mul3A_342 = arith.constant 2 : i32
        %mul3A_343 = arith.muli %mul3A_342, %scan3A_225 : i32
        %get3A_344 = arith.index_cast %mul3A_343 : i32 to index
        %get3A_345 = arith.constant 80 : index
        %get3A_346 = tpu.vector_load %arg12[%get3A_344, %get3A_345] {strides = array<i32>} : memref<32x512xf32, #tpu.memory_space<vmem>>, vector<1x16xf32>,
        %get3A_347 = vector.shape_cast %get3A_346 : vector<1x16xf32> to vector<16xf32>
        %mul3A_348 = arith.constant 2 : i32
        %mul3A_349 = arith.muli %mul3A_348, %scan3A_225 : i32
        %add3A_350 = arith.constant 1 : i32
        %add3A_351 = arith.addi %mul3A_349, %add3A_350 : i32
        %get3A_352 = arith.index_cast %add3A_351 : i32 to index
        %get3A_353 = arith.constant 80 : index
        %get3A_354 = tpu.vector_load %arg12[%get3A_352, %get3A_353] {strides = array<i32>} : memref<32x512xf32, #tpu.memory_space<vmem>>, vector<1x16xf32>,
        %get3A_355 = vector.shape_cast %get3A_354 : vector<1x16xf32> to vector<16xf32>
        %mul3A_356 = arith.mulf %get3A_228, %get3A_347 : vector<16xf32>
        %mul3A_357 = arith.mulf %get3A_232, %get3A_355 : vector<16xf32>
        %add3A_358 = arith.addf %mul3A_356, %mul3A_357 : vector<16xf32>
        %swap3A_359 = arith.index_cast %scan3A_225 : i32 to index
        %swap3A_360 = arith.constant 80 : index
        %swap3A_361 = tpu.vector_load %arg16[%swap3A_359, %swap3A_360] {strides = array<i32>} : memref<16x512xf32, #tpu.memory_space<vmem>>, vector<1x16xf32>,
        %swap3A_362 = vector.shape_cast %swap3A_361 : vector<1x16xf32> to vector<16xf32>
        %swap3A_363 = vector.shape_cast %add3A_358 : vector<16xf32> to vector<1x16xf32>
        tpu.vector_store %arg16[%swap3A_359, %swap3A_360], %swap3A_363 {strides = array<i32>} : memref<16x512xf32, #tpu.memory_space<vmem>>, vector<1x16xf32>,
        %mul3A_364 = arith.constant 2 : i32
        %mul3A_365 = arith.muli %mul3A_364, %scan3A_225 : i32
        %get3A_366 = arith.index_cast %mul3A_365 : i32 to index
        %get3A_367 = arith.constant 96 : index
        %get3A_368 = tpu.vector_load %arg12[%get3A_366, %get3A_367] {strides = array<i32>} : memref<32x512xf32, #tpu.memory_space<vmem>>, vector<1x16xf32>,
        %get3A_369 = vector.shape_cast %get3A_368 : vector<1x16xf32> to vector<16xf32>
        %mul3A_370 = arith.constant 2 : i32
        %mul3A_371 = arith.muli %mul3A_370, %scan3A_225 : i32
        %add3A_372 = arith.constant 1 : i32
        %add3A_373 = arith.addi %mul3A_371, %add3A_372 : i32
        %get3A_374 = arith.index_cast %add3A_373 : i32 to index
        %get3A_375 = arith.constant 96 : index
        %get3A_376 = tpu.vector_load %arg12[%get3A_374, %get3A_375] {strides = array<i32>} : memref<32x512xf32, #tpu.memory_space<vmem>>, vector<1x16xf32>,
        %get3A_377 = vector.shape_cast %get3A_376 : vector<1x16xf32> to vector<16xf32>
        %mul3A_378 = arith.mulf %get3A_228, %get3A_369 : vector<16xf32>
        %mul3A_379 = arith.mulf %get3A_232, %get3A_377 : vector<16xf32>
        %add3A_380 = arith.addf %mul3A_378, %mul3A_379 : vector<16xf32>
        %swap3A_381 = arith.index_cast %scan3A_225 : i32 to index
        %swap3A_382 = arith.constant 96 : index
        %swap3A_383 = tpu.vector_load %arg16[%swap3A_381, %swap3A_382] {strides = array<i32>} : memref<16x512xf32, #tpu.memory_space<vmem>>, vector<1x16xf32>,
        %swap3A_384 = vector.shape_cast %swap3A_383 : vector<1x16xf32> to vector<16xf32>
        %swap3A_385 = vector.shape_cast %add3A_380 : vector<16xf32> to vector<1x16xf32>
        tpu.vector_store %arg16[%swap3A_381, %swap3A_382], %swap3A_385 {strides = array<i32>} : memref<16x512xf32, #tpu.memory_space<vmem>>, vector<1x16xf32>,
        %mul3A_386 = arith.constant 2 : i32
        %mul3A_387 = arith.muli %mul3A_386, %scan3A_225 : i32
        %get3A_388 = arith.index_cast %mul3A_387 : i32 to index
        %get3A_389 = arith.constant 112 : index
        %get3A_390 = tpu.vector_load %arg12[%get3A_388, %get3A_389] {strides = array<i32>} : memref<32x512xf32, #tpu.memory_space<vmem>>, vector<1x16xf32>,
        %get3A_391 = vector.shape_cast %get3A_390 : vector<1x16xf32> to vector<16xf32>
        %mul3A_392 = arith.constant 2 : i32
        %mul3A_393 = arith.muli %mul3A_392, %scan3A_225 : i32
        %add3A_394 = arith.constant 1 : i32
        %add3A_395 = arith.addi %mul3A_393, %add3A_394 : i32
        %get3A_396 = arith.index_cast %add3A_395 : i32 to index
        %get3A_397 = arith.constant 112 : index
        %get3A_398 = tpu.vector_load %arg12[%get3A_396, %get3A_397] {strides = array<i32>} : memref<32x512xf32, #tpu.memory_space<vmem>>, vector<1x16xf32>,
        %get3A_399 = vector.shape_cast %get3A_398 : vector<1x16xf32> to vector<16xf32>
        %mul3A_400 = arith.mulf %get3A_228, %get3A_391 : vector<16xf32>
        %mul3A_401 = arith.mulf %get3A_232, %get3A_399 : vector<16xf32>
        %add3A_402 = arith.addf %mul3A_400, %mul3A_401 : vector<16xf32>
        %swap3A_403 = arith.index_cast %scan3A_225 : i32 to index
        %swap3A_404 = arith.constant 112 : index
        %swap3A_405 = tpu.vector_load %arg16[%swap3A_403, %swap3A_404] {strides = array<i32>} : memref<16x512xf32, #tpu.memory_space<vmem>>, vector<1x16xf32>,
        %swap3A_406 = vector.shape_cast %swap3A_405 : vector<1x16xf32> to vector<16xf32>
        %swap3A_407 = vector.shape_cast %add3A_402 : vector<16xf32> to vector<1x16xf32>
        tpu.vector_store %arg16[%swap3A_403, %swap3A_404], %swap3A_407 {strides = array<i32>} : memref<16x512xf32, #tpu.memory_space<vmem>>, vector<1x16xf32>,
        %mul3A_408 = arith.constant 2 : i32
        %mul3A_409 = arith.muli %mul3A_408, %scan3A_225 : i32
        %get3A_410 = arith.index_cast %mul3A_409 : i32 to index
        %get3A_411 = arith.constant 128 : index
        %get3A_412 = tpu.vector_load %arg12[%get3A_410, %get3A_411] {strides = array<i32>} : memref<32x512xf32, #tpu.memory_space<vmem>>, vector<1x16xf32>,
        %get3A_413 = vector.shape_cast %get3A_412 : vector<1x16xf32> to vector<16xf32>
        %mul3A_414 = arith.constant 2 : i32
        %mul3A_415 = arith.muli %mul3A_414, %scan3A_225 : i32
        %add3A_416 = arith.constant 1 : i32
        %add3A_417 = arith.addi %mul3A_415, %add3A_416 : i32
        %get3A_418 = arith.index_cast %add3A_417 : i32 to index
        %get3A_419 = arith.constant 128 : index
        %get3A_420 = tpu.vector_load %arg12[%get3A_418, %get3A_419] {strides = array<i32>} : memref<32x512xf32, #tpu.memory_space<vmem>>, vector<1x16xf32>,
        %get3A_421 = vector.shape_cast %get3A_420 : vector<1x16xf32> to vector<16xf32>
        %mul3A_422 = arith.mulf %get3A_228, %get3A_413 : vector<16xf32>
        %mul3A_423 = arith.mulf %get3A_232, %get3A_421 : vector<16xf32>
        %add3A_424 = arith.addf %mul3A_422, %mul3A_423 : vector<16xf32>
        %swap3A_425 = arith.index_cast %scan3A_225 : i32 to index
        %swap3A_426 = arith.constant 128 : index
        %swap3A_427 = tpu.vector_load %arg16[%swap3A_425, %swap3A_426] {strides = array<i32>} : memref<16x512xf32, #tpu.memory_space<vmem>>, vector<1x16xf32>,
        %swap3A_428 = vector.shape_cast %swap3A_427 : vector<1x16xf32> to vector<16xf32>
        %swap3A_429 = vector.shape_cast %add3A_424 : vector<16xf32> to vector<1x16xf32>
        tpu.vector_store %arg16[%swap3A_425, %swap3A_426], %swap3A_429 {strides = array<i32>} : memref<16x512xf32, #tpu.memory_space<vmem>>, vector<1x16xf32>,
        %mul3A_430 = arith.constant 2 : i32
        %mul3A_431 = arith.muli %mul3A_430, %scan3A_225 : i32
        %get3A_432 = arith.index_cast %mul3A_431 : i32 to index
        %get3A_433 = arith.constant 144 : index
        %get3A_434 = tpu.vector_load %arg12[%get3A_432, %get3A_433] {strides = array<i32>} : memref<32x512xf32, #tpu.memory_space<vmem>>, vector<1x16xf32>,
        %get3A_435 = vector.shape_cast %get3A_434 : vector<1x16xf32> to vector<16xf32>
        %mul3A_436 = arith.constant 2 : i32
        %mul3A_437 = arith.muli %mul3A_436, %scan3A_225 : i32
        %add3A_438 = arith.constant 1 : i32
        %add3A_439 = arith.addi %mul3A_437, %add3A_438 : i32
        %get3A_440 = arith.index_cast %add3A_439 : i32 to index
        %get3A_441 = arith.constant 144 : index
        %get3A_442 = tpu.vector_load %arg12[%get3A_440, %get3A_441] {strides = array<i32>} : memref<32x512xf32, #tpu.memory_space<vmem>>, vector<1x16xf32>,
        %get3A_443 = vector.shape_cast %get3A_442 : vector<1x16xf32> to vector<16xf32>
        %mul3A_444 = arith.mulf %get3A_228, %get3A_435 : vector<16xf32>
        %mul3A_445 = arith.mulf %get3A_232, %get3A_443 : vector<16xf32>
        %add3A_446 = arith.addf %mul3A_444, %mul3A_445 : vector<16xf32>
        %swap3A_447 = arith.index_cast %scan3A_225 : i32 to index
        %swap3A_448 = arith.constant 144 : index
        %swap3A_449 = tpu.vector_load %arg16[%swap3A_447, %swap3A_448] {strides = array<i32>} : memref<16x512xf32, #tpu.memory_space<vmem>>, vector<1x16xf32>,
        %swap3A_450 = vector.shape_cast %swap3A_449 : vector<1x16xf32> to vector<16xf32>
        %swap3A_451 = vector.shape_cast %add3A_446 : vector<16xf32> to vector<1x16xf32>
        tpu.vector_store %arg16[%swap3A_447, %swap3A_448], %swap3A_451 {strides = array<i32>} : memref<16x512xf32, #tpu.memory_space<vmem>>, vector<1x16xf32>,
        %mul3A_452 = arith.constant 2 : i32
        %mul3A_453 = arith.muli %mul3A_452, %scan3A_225 : i32
        %get3A_454 = arith.index_cast %mul3A_453 : i32 to index
        %get3A_455 = arith.constant 160 : index
        %get3A_456 = tpu.vector_load %arg12[%get3A_454, %get3A_455] {strides = array<i32>} : memref<32x512xf32, #tpu.memory_space<vmem>>, vector<1x16xf32>,
        %get3A_457 = vector.shape_cast %get3A_456 : vector<1x16xf32> to vector<16xf32>
        %mul3A_458 = arith.constant 2 : i32
        %mul3A_459 = arith.muli %mul3A_458, %scan3A_225 : i32
        %add3A_460 = arith.constant 1 : i32
        %add3A_461 = arith.addi %mul3A_459, %add3A_460 : i32
        %get3A_462 = arith.index_cast %add3A_461 : i32 to index
        %get3A_463 = arith.constant 160 : index
        %get3A_464 = tpu.vector_load %arg12[%get3A_462, %get3A_463] {strides = array<i32>} : memref<32x512xf32, #tpu.memory_space<vmem>>, vector<1x16xf32>,
        %get3A_465 = vector.shape_cast %get3A_464 : vector<1x16xf32> to vector<16xf32>
        %mul3A_466 = arith.mulf %get3A_228, %get3A_457 : vector<16xf32>
        %mul3A_467 = arith.mulf %get3A_232, %get3A_465 : vector<16xf32>
        %add3A_468 = arith.addf %mul3A_466, %mul3A_467 : vector<16xf32>
        %swap3A_469 = arith.index_cast %scan3A_225 : i32 to index
        %swap3A_470 = arith.constant 160 : index
        %swap3A_471 = tpu.vector_load %arg16[%swap3A_469, %swap3A_470] {strides = array<i32>} : memref<16x512xf32, #tpu.memory_space<vmem>>, vector<1x16xf32>,
        %swap3A_472 = vector.shape_cast %swap3A_471 : vector<1x16xf32> to vector<16xf32>
        %swap3A_473 = vector.shape_cast %add3A_468 : vector<16xf32> to vector<1x16xf32>
        tpu.vector_store %arg16[%swap3A_469, %swap3A_470], %swap3A_473 {strides = array<i32>} : memref<16x512xf32, #tpu.memory_space<vmem>>, vector<1x16xf32>,
        %mul3A_474 = arith.constant 2 : i32
        %mul3A_475 = arith.muli %mul3A_474, %scan3A_225 : i32
        %get3A_476 = arith.index_cast %mul3A_475 : i32 to index
        %get3A_477 = arith.constant 176 : index
        %get3A_478 = tpu.vector_load %arg12[%get3A_476, %get3A_477] {strides = array<i32>} : memref<32x512xf32, #tpu.memory_space<vmem>>, vector<1x16xf32>,
        %get3A_479 = vector.shape_cast %get3A_478 : vector<1x16xf32> to vector<16xf32>
        %mul3A_480 = arith.constant 2 : i32
        %mul3A_481 = arith.muli %mul3A_480, %scan3A_225 : i32
        %add3A_482 = arith.constant 1 : i32
        %add3A_483 = arith.addi %mul3A_481, %add3A_482 : i32
        %get3A_484 = arith.index_cast %add3A_483 : i32 to index
        %get3A_485 = arith.constant 176 : index
        %get3A_486 = tpu.vector_load %arg12[%get3A_484, %get3A_485] {strides = array<i32>} : memref<32x512xf32, #tpu.memory_space<vmem>>, vector<1x16xf32>,
        %get3A_487 = vector.shape_cast %get3A_486 : vector<1x16xf32> to vector<16xf32>
        %mul3A_488 = arith.mulf %get3A_228, %get3A_479 : vector<16xf32>
        %mul3A_489 = arith.mulf %get3A_232, %get3A_487 : vector<16xf32>
        %add3A_490 = arith.addf %mul3A_488, %mul3A_489 : vector<16xf32>
        %swap3A_491 = arith.index_cast %scan3A_225 : i32 to index
        %swap3A_492 = arith.constant 176 : index
        %swap3A_493 = tpu.vector_load %arg16[%swap3A_491, %swap3A_492] {strides = array<i32>} : memref<16x512xf32, #tpu.memory_space<vmem>>, vector<1x16xf32>,
        %swap3A_494 = vector.shape_cast %swap3A_493 : vector<1x16xf32> to vector<16xf32>
        %swap3A_495 = vector.shape_cast %add3A_490 : vector<16xf32> to vector<1x16xf32>
        tpu.vector_store %arg16[%swap3A_491, %swap3A_492], %swap3A_495 {strides = array<i32>} : memref<16x512xf32, #tpu.memory_space<vmem>>, vector<1x16xf32>,
        %mul3A_496 = arith.constant 2 : i32
        %mul3A_497 = arith.muli %mul3A_496, %scan3A_225 : i32
        %get3A_498 = arith.index_cast %mul3A_497 : i32 to index
        %get3A_499 = arith.constant 192 : index
        %get3A_500 = tpu.vector_load %arg12[%get3A_498, %get3A_499] {strides = array<i32>} : memref<32x512xf32, #tpu.memory_space<vmem>>, vector<1x16xf32>,
        %get3A_501 = vector.shape_cast %get3A_500 : vector<1x16xf32> to vector<16xf32>
        %mul3A_502 = arith.constant 2 : i32
        %mul3A_503 = arith.muli %mul3A_502, %scan3A_225 : i32
        %add3A_504 = arith.constant 1 : i32
        %add3A_505 = arith.addi %mul3A_503, %add3A_504 : i32
        %get3A_506 = arith.index_cast %add3A_505 : i32 to index
        %get3A_507 = arith.constant 192 : index
        %get3A_508 = tpu.vector_load %arg12[%get3A_506, %get3A_507] {strides = array<i32>} : memref<32x512xf32, #tpu.memory_space<vmem>>, vector<1x16xf32>,
        %get3A_509 = vector.shape_cast %get3A_508 : vector<1x16xf32> to vector<16xf32>
        %mul3A_510 = arith.mulf %get3A_228, %get3A_501 : vector<16xf32>
        %mul3A_511 = arith.mulf %get3A_232, %get3A_509 : vector<16xf32>
        %add3A_512 = arith.addf %mul3A_510, %mul3A_511 : vector<16xf32>
        %swap3A_513 = arith.index_cast %scan3A_225 : i32 to index
        %swap3A_514 = arith.constant 192 : index
        %swap3A_515 = tpu.vector_load %arg16[%swap3A_513, %swap3A_514] {strides = array<i32>} : memref<16x512xf32, #tpu.memory_space<vmem>>, vector<1x16xf32>,
        %swap3A_516 = vector.shape_cast %swap3A_515 : vector<1x16xf32> to vector<16xf32>
        %swap3A_517 = vector.shape_cast %add3A_512 : vector<16xf32> to vector<1x16xf32>
        tpu.vector_store %arg16[%swap3A_513, %swap3A_514], %swap3A_517 {strides = array<i32>} : memref<16x512xf32, #tpu.memory_space<vmem>>, vector<1x16xf32>,
        %mul3A_518 = arith.constant 2 : i32
        %mul3A_519 = arith.muli %mul3A_518, %scan3A_225 : i32
        %get3A_520 = arith.index_cast %mul3A_519 : i32 to index
        %get3A_521 = arith.constant 208 : index
        %get3A_522 = tpu.vector_load %arg12[%get3A_520, %get3A_521] {strides = array<i32>} : memref<32x512xf32, #tpu.memory_space<vmem>>, vector<1x16xf32>,
        %get3A_523 = vector.shape_cast %get3A_522 : vector<1x16xf32> to vector<16xf32>
        %mul3A_524 = arith.constant 2 : i32
        %mul3A_525 = arith.muli %mul3A_524, %scan3A_225 : i32
        %add3A_526 = arith.constant 1 : i32
        %add3A_527 = arith.addi %mul3A_525, %add3A_526 : i32
        %get3A_528 = arith.index_cast %add3A_527 : i32 to index
        %get3A_529 = arith.constant 208 : index
        %get3A_530 = tpu.vector_load %arg12[%get3A_528, %get3A_529] {strides = array<i32>} : memref<32x512xf32, #tpu.memory_space<vmem>>, vector<1x16xf32>,
        %get3A_531 = vector.shape_cast %get3A_530 : vector<1x16xf32> to vector<16xf32>
        %mul3A_532 = arith.mulf %get3A_228, %get3A_523 : vector<16xf32>
        %mul3A_533 = arith.mulf %get3A_232, %get3A_531 : vector<16xf32>
        %add3A_534 = arith.addf %mul3A_532, %mul3A_533 : vector<16xf32>
        %swap3A_535 = arith.index_cast %scan3A_225 : i32 to index
        %swap3A_536 = arith.constant 208 : index
        %swap3A_537 = tpu.vector_load %arg16[%swap3A_535, %swap3A_536] {strides = array<i32>} : memref<16x512xf32, #tpu.memory_space<vmem>>, vector<1x16xf32>,
        %swap3A_538 = vector.shape_cast %swap3A_537 : vector<1x16xf32> to vector<16xf32>
        %swap3A_539 = vector.shape_cast %add3A_534 : vector<16xf32> to vector<1x16xf32>
        tpu.vector_store %arg16[%swap3A_535, %swap3A_536], %swap3A_539 {strides = array<i32>} : memref<16x512xf32, #tpu.memory_space<vmem>>, vector<1x16xf32>,
        %mul3A_540 = arith.constant 2 : i32
        %mul3A_541 = arith.muli %mul3A_540, %scan3A_225 : i32
        %get3A_542 = arith.index_cast %mul3A_541 : i32 to index
        %get3A_543 = arith.constant 224 : index
        %get3A_544 = tpu.vector_load %arg12[%get3A_542, %get3A_543] {strides = array<i32>} : memref<32x512xf32, #tpu.memory_space<vmem>>, vector<1x16xf32>,
        %get3A_545 = vector.shape_cast %get3A_544 : vector<1x16xf32> to vector<16xf32>
        %mul3A_546 = arith.constant 2 : i32
        %mul3A_547 = arith.muli %mul3A_546, %scan3A_225 : i32
        %add3A_548 = arith.constant 1 : i32
        %add3A_549 = arith.addi %mul3A_547, %add3A_548 : i32
        %get3A_550 = arith.index_cast %add3A_549 : i32 to index
        %get3A_551 = arith.constant 224 : index
        %get3A_552 = tpu.vector_load %arg12[%get3A_550, %get3A_551] {strides = array<i32>} : memref<32x512xf32, #tpu.memory_space<vmem>>, vector<1x16xf32>,
        %get3A_553 = vector.shape_cast %get3A_552 : vector<1x16xf32> to vector<16xf32>
        %mul3A_554 = arith.mulf %get3A_228, %get3A_545 : vector<16xf32>
        %mul3A_555 = arith.mulf %get3A_232, %get3A_553 : vector<16xf32>
        %add3A_556 = arith.addf %mul3A_554, %mul3A_555 : vector<16xf32>
        %swap3A_557 = arith.index_cast %scan3A_225 : i32 to index
        %swap3A_558 = arith.constant 224 : index
        %swap3A_559 = tpu.vector_load %arg16[%swap3A_557, %swap3A_558] {strides = array<i32>} : memref<16x512xf32, #tpu.memory_space<vmem>>, vector<1x16xf32>,
        %swap3A_560 = vector.shape_cast %swap3A_559 : vector<1x16xf32> to vector<16xf32>
        %swap3A_561 = vector.shape_cast %add3A_556 : vector<16xf32> to vector<1x16xf32>
        tpu.vector_store %arg16[%swap3A_557, %swap3A_558], %swap3A_561 {strides = array<i32>} : memref<16x512xf32, #tpu.memory_space<vmem>>, vector<1x16xf32>,
        %mul3A_562 = arith.constant 2 : i32
        %mul3A_563 = arith.muli %mul3A_562, %scan3A_225 : i32
        %get3A_564 = arith.index_cast %mul3A_563 : i32 to index
        %get3A_565 = arith.constant 240 : index
        %get3A_566 = tpu.vector_load %arg12[%get3A_564, %get3A_565] {strides = array<i32>} : memref<32x512xf32, #tpu.memory_space<vmem>>, vector<1x16xf32>,
        %get3A_567 = vector.shape_cast %get3A_566 : vector<1x16xf32> to vector<16xf32>
        %mul3A_568 = arith.constant 2 : i32
        %mul3A_569 = arith.muli %mul3A_568, %scan3A_225 : i32
        %add3A_570 = arith.constant 1 : i32
        %add3A_571 = arith.addi %mul3A_569, %add3A_570 : i32
        %get3A_572 = arith.index_cast %add3A_571 : i32 to index
        %get3A_573 = arith.constant 240 : index
        %get3A_574 = tpu.vector_load %arg12[%get3A_572, %get3A_573] {strides = array<i32>} : memref<32x512xf32, #tpu.memory_space<vmem>>, vector<1x16xf32>,
        %get3A_575 = vector.shape_cast %get3A_574 : vector<1x16xf32> to vector<16xf32>
        %mul3A_576 = arith.mulf %get3A_228, %get3A_567 : vector<16xf32>
        %mul3A_577 = arith.mulf %get3A_232, %get3A_575 : vector<16xf32>
        %add3A_578 = arith.addf %mul3A_576, %mul3A_577 : vector<16xf32>
        %swap3A_579 = arith.index_cast %scan3A_225 : i32 to index
        %swap3A_580 = arith.constant 240 : index
        %swap3A_581 = tpu.vector_load %arg16[%swap3A_579, %swap3A_580] {strides = array<i32>} : memref<16x512xf32, #tpu.memory_space<vmem>>, vector<1x16xf32>,
        %swap3A_582 = vector.shape_cast %swap3A_581 : vector<1x16xf32> to vector<16xf32>
        %swap3A_583 = vector.shape_cast %add3A_578 : vector<16xf32> to vector<1x16xf32>
        tpu.vector_store %arg16[%swap3A_579, %swap3A_580], %swap3A_583 {strides = array<i32>} : memref<16x512xf32, #tpu.memory_space<vmem>>, vector<1x16xf32>,
        %mul3A_584 = arith.constant 2 : i32
        %mul3A_585 = arith.muli %mul3A_584, %scan3A_225 : i32
        %get3A_586 = arith.index_cast %mul3A_585 : i32 to index
        %get3A_587 = arith.constant 256 : index
        %get3A_588 = tpu.vector_load %arg12[%get3A_586, %get3A_587] {strides = array<i32>} : memref<32x512xf32, #tpu.memory_space<vmem>>, vector<1x16xf32>,
        %get3A_589 = vector.shape_cast %get3A_588 : vector<1x16xf32> to vector<16xf32>
        %mul3A_590 = arith.constant 2 : i32
        %mul3A_591 = arith.muli %mul3A_590, %scan3A_225 : i32
        %add3A_592 = arith.constant 1 : i32
        %add3A_593 = arith.addi %mul3A_591, %add3A_592 : i32
        %get3A_594 = arith.index_cast %add3A_593 : i32 to index
        %get3A_595 = arith.constant 256 : index
        %get3A_596 = tpu.vector_load %arg12[%get3A_594, %get3A_595] {strides = array<i32>} : memref<32x512xf32, #tpu.memory_space<vmem>>, vector<1x16xf32>,
        %get3A_597 = vector.shape_cast %get3A_596 : vector<1x16xf32> to vector<16xf32>
        %mul3A_598 = arith.mulf %get3A_228, %get3A_589 : vector<16xf32>
        %mul3A_599 = arith.mulf %get3A_232, %get3A_597 : vector<16xf32>
        %add3A_600 = arith.addf %mul3A_598, %mul3A_599 : vector<16xf32>
        %swap3A_601 = arith.index_cast %scan3A_225 : i32 to index
        %swap3A_602 = arith.constant 256 : index
        %swap3A_603 = tpu.vector_load %arg16[%swap3A_601, %swap3A_602] {strides = array<i32>} : memref<16x512xf32, #tpu.memory_space<vmem>>, vector<1x16xf32>,
        %swap3A_604 = vector.shape_cast %swap3A_603 : vector<1x16xf32> to vector<16xf32>
        %swap3A_605 = vector.shape_cast %add3A_600 : vector<16xf32> to vector<1x16xf32>
        tpu.vector_store %arg16[%swap3A_601, %swap3A_602], %swap3A_605 {strides = array<i32>} : memref<16x512xf32, #tpu.memory_space<vmem>>, vector<1x16xf32>,
        %mul3A_606 = arith.constant 2 : i32
        %mul3A_607 = arith.muli %mul3A_606, %scan3A_225 : i32
        %get3A_608 = arith.index_cast %mul3A_607 : i32 to index
        %get3A_609 = arith.constant 272 : index
        %get3A_610 = tpu.vector_load %arg12[%get3A_608, %get3A_609] {strides = array<i32>} : memref<32x512xf32, #tpu.memory_space<vmem>>, vector<1x16xf32>,
        %get3A_611 = vector.shape_cast %get3A_610 : vector<1x16xf32> to vector<16xf32>
        %mul3A_612 = arith.constant 2 : i32
        %mul3A_613 = arith.muli %mul3A_612, %scan3A_225 : i32
        %add3A_614 = arith.constant 1 : i32
        %add3A_615 = arith.addi %mul3A_613, %add3A_614 : i32
        %get3A_616 = arith.index_cast %add3A_615 : i32 to index
        %get3A_617 = arith.constant 272 : index
        %get3A_618 = tpu.vector_load %arg12[%get3A_616, %get3A_617] {strides = array<i32>} : memref<32x512xf32, #tpu.memory_space<vmem>>, vector<1x16xf32>,
        %get3A_619 = vector.shape_cast %get3A_618 : vector<1x16xf32> to vector<16xf32>
        %mul3A_620 = arith.mulf %get3A_228, %get3A_611 : vector<16xf32>
        %mul3A_621 = arith.mulf %get3A_232, %get3A_619 : vector<16xf32>
        %add3A_622 = arith.addf %mul3A_620, %mul3A_621 : vector<16xf32>
        %swap3A_623 = arith.index_cast %scan3A_225 : i32 to index
        %swap3A_624 = arith.constant 272 : index
        %swap3A_625 = tpu.vector_load %arg16[%swap3A_623, %swap3A_624] {strides = array<i32>} : memref<16x512xf32, #tpu.memory_space<vmem>>, vector<1x16xf32>,
        %swap3A_626 = vector.shape_cast %swap3A_625 : vector<1x16xf32> to vector<16xf32>
        %swap3A_627 = vector.shape_cast %add3A_622 : vector<16xf32> to vector<1x16xf32>
        tpu.vector_store %arg16[%swap3A_623, %swap3A_624], %swap3A_627 {strides = array<i32>} : memref<16x512xf32, #tpu.memory_space<vmem>>, vector<1x16xf32>,
        %mul3A_628 = arith.constant 2 : i32
        %mul3A_629 = arith.muli %mul3A_628, %scan3A_225 : i32
        %get3A_630 = arith.index_cast %mul3A_629 : i32 to index
        %get3A_631 = arith.constant 288 : index
        %get3A_632 = tpu.vector_load %arg12[%get3A_630, %get3A_631] {strides = array<i32>} : memref<32x512xf32, #tpu.memory_space<vmem>>, vector<1x16xf32>,
        %get3A_633 = vector.shape_cast %get3A_632 : vector<1x16xf32> to vector<16xf32>
        %mul3A_634 = arith.constant 2 : i32
        %mul3A_635 = arith.muli %mul3A_634, %scan3A_225 : i32
        %add3A_636 = arith.constant 1 : i32
        %add3A_637 = arith.addi %mul3A_635, %add3A_636 : i32
        %get3A_638 = arith.index_cast %add3A_637 : i32 to index
        %get3A_639 = arith.constant 288 : index
        %get3A_640 = tpu.vector_load %arg12[%get3A_638, %get3A_639] {strides = array<i32>} : memref<32x512xf32, #tpu.memory_space<vmem>>, vector<1x16xf32>,
        %get3A_641 = vector.shape_cast %get3A_640 : vector<1x16xf32> to vector<16xf32>
        %mul3A_642 = arith.mulf %get3A_228, %get3A_633 : vector<16xf32>
        %mul3A_643 = arith.mulf %get3A_232, %get3A_641 : vector<16xf32>
        %add3A_644 = arith.addf %mul3A_642, %mul3A_643 : vector<16xf32>
        %swap3A_645 = arith.index_cast %scan3A_225 : i32 to index
        %swap3A_646 = arith.constant 288 : index
        %swap3A_647 = tpu.vector_load %arg16[%swap3A_645, %swap3A_646] {strides = array<i32>} : memref<16x512xf32, #tpu.memory_space<vmem>>, vector<1x16xf32>,
        %swap3A_648 = vector.shape_cast %swap3A_647 : vector<1x16xf32> to vector<16xf32>
        %swap3A_649 = vector.shape_cast %add3A_644 : vector<16xf32> to vector<1x16xf32>
        tpu.vector_store %arg16[%swap3A_645, %swap3A_646], %swap3A_649 {strides = array<i32>} : memref<16x512xf32, #tpu.memory_space<vmem>>, vector<1x16xf32>,
        %mul3A_650 = arith.constant 2 : i32
        %mul3A_651 = arith.muli %mul3A_650, %scan3A_225 : i32
        %get3A_652 = arith.index_cast %mul3A_651 : i32 to index
        %get3A_653 = arith.constant 304 : index
        %get3A_654 = tpu.vector_load %arg12[%get3A_652, %get3A_653] {strides = array<i32>} : memref<32x512xf32, #tpu.memory_space<vmem>>, vector<1x16xf32>,
        %get3A_655 = vector.shape_cast %get3A_654 : vector<1x16xf32> to vector<16xf32>
        %mul3A_656 = arith.constant 2 : i32
        %mul3A_657 = arith.muli %mul3A_656, %scan3A_225 : i32
        %add3A_658 = arith.constant 1 : i32
        %add3A_659 = arith.addi %mul3A_657, %add3A_658 : i32
        %get3A_660 = arith.index_cast %add3A_659 : i32 to index
        %get3A_661 = arith.constant 304 : index
        %get3A_662 = tpu.vector_load %arg12[%get3A_660, %get3A_661] {strides = array<i32>} : memref<32x512xf32, #tpu.memory_space<vmem>>, vector<1x16xf32>,
        %get3A_663 = vector.shape_cast %get3A_662 : vector<1x16xf32> to vector<16xf32>
        %mul3A_664 = arith.mulf %get3A_228, %get3A_655 : vector<16xf32>
        %mul3A_665 = arith.mulf %get3A_232, %get3A_663 : vector<16xf32>
        %add3A_666 = arith.addf %mul3A_664, %mul3A_665 : vector<16xf32>
        %swap3A_667 = arith.index_cast %scan3A_225 : i32 to index
        %swap3A_668 = arith.constant 304 : index
        %swap3A_669 = tpu.vector_load %arg16[%swap3A_667, %swap3A_668] {strides = array<i32>} : memref<16x512xf32, #tpu.memory_space<vmem>>, vector<1x16xf32>,
        %swap3A_670 = vector.shape_cast %swap3A_669 : vector<1x16xf32> to vector<16xf32>
        %swap3A_671 = vector.shape_cast %add3A_666 : vector<16xf32> to vector<1x16xf32>
        tpu.vector_store %arg16[%swap3A_667, %swap3A_668], %swap3A_671 {strides = array<i32>} : memref<16x512xf32, #tpu.memory_space<vmem>>, vector<1x16xf32>,
        %mul3A_672 = arith.constant 2 : i32
        %mul3A_673 = arith.muli %mul3A_672, %scan3A_225 : i32
        %get3A_674 = arith.index_cast %mul3A_673 : i32 to index
        %get3A_675 = arith.constant 320 : index
        %get3A_676 = tpu.vector_load %arg12[%get3A_674, %get3A_675] {strides = array<i32>} : memref<32x512xf32, #tpu.memory_space<vmem>>, vector<1x16xf32>,
        %get3A_677 = vector.shape_cast %get3A_676 : vector<1x16xf32> to vector<16xf32>
        %mul3A_678 = arith.constant 2 : i32
        %mul3A_679 = arith.muli %mul3A_678, %scan3A_225 : i32
        %add3A_680 = arith.constant 1 : i32
        %add3A_681 = arith.addi %mul3A_679, %add3A_680 : i32
        %get3A_682 = arith.index_cast %add3A_681 : i32 to index
        %get3A_683 = arith.constant 320 : index
        %get3A_684 = tpu.vector_load %arg12[%get3A_682, %get3A_683] {strides = array<i32>} : memref<32x512xf32, #tpu.memory_space<vmem>>, vector<1x16xf32>,
        %get3A_685 = vector.shape_cast %get3A_684 : vector<1x16xf32> to vector<16xf32>
        %mul3A_686 = arith.mulf %get3A_228, %get3A_677 : vector<16xf32>
        %mul3A_687 = arith.mulf %get3A_232, %get3A_685 : vector<16xf32>
        %add3A_688 = arith.addf %mul3A_686, %mul3A_687 : vector<16xf32>
        %swap3A_689 = arith.index_cast %scan3A_225 : i32 to index
        %swap3A_690 = arith.constant 320 : index
        %swap3A_691 = tpu.vector_load %arg16[%swap3A_689, %swap3A_690] {strides = array<i32>} : memref<16x512xf32, #tpu.memory_space<vmem>>, vector<1x16xf32>,
        %swap3A_692 = vector.shape_cast %swap3A_691 : vector<1x16xf32> to vector<16xf32>
        %swap3A_693 = vector.shape_cast %add3A_688 : vector<16xf32> to vector<1x16xf32>
        tpu.vector_store %arg16[%swap3A_689, %swap3A_690], %swap3A_693 {strides = array<i32>} : memref<16x512xf32, #tpu.memory_space<vmem>>, vector<1x16xf32>,
        %mul3A_694 = arith.constant 2 : i32
        %mul3A_695 = arith.muli %mul3A_694, %scan3A_225 : i32
        %get3A_696 = arith.index_cast %mul3A_695 : i32 to index
        %get3A_697 = arith.constant 336 : index
        %get3A_698 = tpu.vector_load %arg12[%get3A_696, %get3A_697] {strides = array<i32>} : memref<32x512xf32, #tpu.memory_space<vmem>>, vector<1x16xf32>,
        %get3A_699 = vector.shape_cast %get3A_698 : vector<1x16xf32> to vector<16xf32>
        %mul3A_700 = arith.constant 2 : i32
        %mul3A_701 = arith.muli %mul3A_700, %scan3A_225 : i32
        %add3A_702 = arith.constant 1 : i32
        %add3A_703 = arith.addi %mul3A_701, %add3A_702 : i32
        %get3A_704 = arith.index_cast %add3A_703 : i32 to index
        %get3A_705 = arith.constant 336 : index
        %get3A_706 = tpu.vector_load %arg12[%get3A_704, %get3A_705] {strides = array<i32>} : memref<32x512xf32, #tpu.memory_space<vmem>>, vector<1x16xf32>,
        %get3A_707 = vector.shape_cast %get3A_706 : vector<1x16xf32> to vector<16xf32>
        %mul3A_708 = arith.mulf %get3A_228, %get3A_699 : vector<16xf32>
        %mul3A_709 = arith.mulf %get3A_232, %get3A_707 : vector<16xf32>
        %add3A_710 = arith.addf %mul3A_708, %mul3A_709 : vector<16xf32>
        %swap3A_711 = arith.index_cast %scan3A_225 : i32 to index
        %swap3A_712 = arith.constant 336 : index
        %swap3A_713 = tpu.vector_load %arg16[%swap3A_711, %swap3A_712] {strides = array<i32>} : memref<16x512xf32, #tpu.memory_space<vmem>>, vector<1x16xf32>,
        %swap3A_714 = vector.shape_cast %swap3A_713 : vector<1x16xf32> to vector<16xf32>
        %swap3A_715 = vector.shape_cast %add3A_710 : vector<16xf32> to vector<1x16xf32>
        tpu.vector_store %arg16[%swap3A_711, %swap3A_712], %swap3A_715 {strides = array<i32>} : memref<16x512xf32, #tpu.memory_space<vmem>>, vector<1x16xf32>,
        %mul3A_716 = arith.constant 2 : i32
        %mul3A_717 = arith.muli %mul3A_716, %scan3A_225 : i32
        %get3A_718 = arith.index_cast %mul3A_717 : i32 to index
        %get3A_719 = arith.constant 352 : index
        %get3A_720 = tpu.vector_load %arg12[%get3A_718, %get3A_719] {strides = array<i32>} : memref<32x512xf32, #tpu.memory_space<vmem>>, vector<1x16xf32>,
        %get3A_721 = vector.shape_cast %get3A_720 : vector<1x16xf32> to vector<16xf32>
        %mul3A_722 = arith.constant 2 : i32
        %mul3A_723 = arith.muli %mul3A_722, %scan3A_225 : i32
        %add3A_724 = arith.constant 1 : i32
        %add3A_725 = arith.addi %mul3A_723, %add3A_724 : i32
        %get3A_726 = arith.index_cast %add3A_725 : i32 to index
        %get3A_727 = arith.constant 352 : index
        %get3A_728 = tpu.vector_load %arg12[%get3A_726, %get3A_727] {strides = array<i32>} : memref<32x512xf32, #tpu.memory_space<vmem>>, vector<1x16xf32>,
        %get3A_729 = vector.shape_cast %get3A_728 : vector<1x16xf32> to vector<16xf32>
        %mul3A_730 = arith.mulf %get3A_228, %get3A_721 : vector<16xf32>
        %mul3A_731 = arith.mulf %get3A_232, %get3A_729 : vector<16xf32>
        %add3A_732 = arith.addf %mul3A_730, %mul3A_731 : vector<16xf32>
        %swap3A_733 = arith.index_cast %scan3A_225 : i32 to index
        %swap3A_734 = arith.constant 352 : index
        %swap3A_735 = tpu.vector_load %arg16[%swap3A_733, %swap3A_734] {strides = array<i32>} : memref<16x512xf32, #tpu.memory_space<vmem>>, vector<1x16xf32>,
        %swap3A_736 = vector.shape_cast %swap3A_735 : vector<1x16xf32> to vector<16xf32>
        %swap3A_737 = vector.shape_cast %add3A_732 : vector<16xf32> to vector<1x16xf32>
        tpu.vector_store %arg16[%swap3A_733, %swap3A_734], %swap3A_737 {strides = array<i32>} : memref<16x512xf32, #tpu.memory_space<vmem>>, vector<1x16xf32>,
        %mul3A_738 = arith.constant 2 : i32
        %mul3A_739 = arith.muli %mul3A_738, %scan3A_225 : i32
        %get3A_740 = arith.index_cast %mul3A_739 : i32 to index
        %get3A_741 = arith.constant 368 : index
        %get3A_742 = tpu.vector_load %arg12[%get3A_740, %get3A_741] {strides = array<i32>} : memref<32x512xf32, #tpu.memory_space<vmem>>, vector<1x16xf32>,
        %get3A_743 = vector.shape_cast %get3A_742 : vector<1x16xf32> to vector<16xf32>
        %mul3A_744 = arith.constant 2 : i32
        %mul3A_745 = arith.muli %mul3A_744, %scan3A_225 : i32
        %add3A_746 = arith.constant 1 : i32
        %add3A_747 = arith.addi %mul3A_745, %add3A_746 : i32
        %get3A_748 = arith.index_cast %add3A_747 : i32 to index
        %get3A_749 = arith.constant 368 : index
        %get3A_750 = tpu.vector_load %arg12[%get3A_748, %get3A_749] {strides = array<i32>} : memref<32x512xf32, #tpu.memory_space<vmem>>, vector<1x16xf32>,
        %get3A_751 = vector.shape_cast %get3A_750 : vector<1x16xf32> to vector<16xf32>
        %mul3A_752 = arith.mulf %get3A_228, %get3A_743 : vector<16xf32>
        %mul3A_753 = arith.mulf %get3A_232, %get3A_751 : vector<16xf32>
        %add3A_754 = arith.addf %mul3A_752, %mul3A_753 : vector<16xf32>
        %swap3A_755 = arith.index_cast %scan3A_225 : i32 to index
        %swap3A_756 = arith.constant 368 : index
        %swap3A_757 = tpu.vector_load %arg16[%swap3A_755, %swap3A_756] {strides = array<i32>} : memref<16x512xf32, #tpu.memory_space<vmem>>, vector<1x16xf32>,
        %swap3A_758 = vector.shape_cast %swap3A_757 : vector<1x16xf32> to vector<16xf32>
        %swap3A_759 = vector.shape_cast %add3A_754 : vector<16xf32> to vector<1x16xf32>
        tpu.vector_store %arg16[%swap3A_755, %swap3A_756], %swap3A_759 {strides = array<i32>} : memref<16x512xf32, #tpu.memory_space<vmem>>, vector<1x16xf32>,
        %mul3A_760 = arith.constant 2 : i32
        %mul3A_761 = arith.muli %mul3A_760, %scan3A_225 : i32
        %get3A_762 = arith.index_cast %mul3A_761 : i32 to index
        %get3A_763 = arith.constant 384 : index
        %get3A_764 = tpu.vector_load %arg12[%get3A_762, %get3A_763] {strides = array<i32>} : memref<32x512xf32, #tpu.memory_space<vmem>>, vector<1x16xf32>,
        %get3A_765 = vector.shape_cast %get3A_764 : vector<1x16xf32> to vector<16xf32>
        %mul3A_766 = arith.constant 2 : i32
        %mul3A_767 = arith.muli %mul3A_766, %scan3A_225 : i32
        %add3A_768 = arith.constant 1 : i32
        %add3A_769 = arith.addi %mul3A_767, %add3A_768 : i32
        %get3A_770 = arith.index_cast %add3A_769 : i32 to index
        %get3A_771 = arith.constant 384 : index
        %get3A_772 = tpu.vector_load %arg12[%get3A_770, %get3A_771] {strides = array<i32>} : memref<32x512xf32, #tpu.memory_space<vmem>>, vector<1x16xf32>,
        %get3A_773 = vector.shape_cast %get3A_772 : vector<1x16xf32> to vector<16xf32>
        %mul3A_774 = arith.mulf %get3A_228, %get3A_765 : vector<16xf32>
        %mul3A_775 = arith.mulf %get3A_232, %get3A_773 : vector<16xf32>
        %add3A_776 = arith.addf %mul3A_774, %mul3A_775 : vector<16xf32>
        %swap3A_777 = arith.index_cast %scan3A_225 : i32 to index
        %swap3A_778 = arith.constant 384 : index
        %swap3A_779 = tpu.vector_load %arg16[%swap3A_777, %swap3A_778] {strides = array<i32>} : memref<16x512xf32, #tpu.memory_space<vmem>>, vector<1x16xf32>,
        %swap3A_780 = vector.shape_cast %swap3A_779 : vector<1x16xf32> to vector<16xf32>
        %swap3A_781 = vector.shape_cast %add3A_776 : vector<16xf32> to vector<1x16xf32>
        tpu.vector_store %arg16[%swap3A_777, %swap3A_778], %swap3A_781 {strides = array<i32>} : memref<16x512xf32, #tpu.memory_space<vmem>>, vector<1x16xf32>,
        %mul3A_782 = arith.constant 2 : i32
        %mul3A_783 = arith.muli %mul3A_782, %scan3A_225 : i32
        %get3A_784 = arith.index_cast %mul3A_783 : i32 to index
        %get3A_785 = arith.constant 400 : index
        %get3A_786 = tpu.vector_load %arg12[%get3A_784, %get3A_785] {strides = array<i32>} : memref<32x512xf32, #tpu.memory_space<vmem>>, vector<1x16xf32>,
        %get3A_787 = vector.shape_cast %get3A_786 : vector<1x16xf32> to vector<16xf32>
        %mul3A_788 = arith.constant 2 : i32
        %mul3A_789 = arith.muli %mul3A_788, %scan3A_225 : i32
        %add3A_790 = arith.constant 1 : i32
        %add3A_791 = arith.addi %mul3A_789, %add3A_790 : i32
        %get3A_792 = arith.index_cast %add3A_791 : i32 to index
        %get3A_793 = arith.constant 400 : index
        %get3A_794 = tpu.vector_load %arg12[%get3A_792, %get3A_793] {strides = array<i32>} : memref<32x512xf32, #tpu.memory_space<vmem>>, vector<1x16xf32>,
        %get3A_795 = vector.shape_cast %get3A_794 : vector<1x16xf32> to vector<16xf32>
        %mul3A_796 = arith.mulf %get3A_228, %get3A_787 : vector<16xf32>
        %mul3A_797 = arith.mulf %get3A_232, %get3A_795 : vector<16xf32>
        %add3A_798 = arith.addf %mul3A_796, %mul3A_797 : vector<16xf32>
        %swap3A_799 = arith.index_cast %scan3A_225 : i32 to index
        %swap3A_800 = arith.constant 400 : index
        %swap3A_801 = tpu.vector_load %arg16[%swap3A_799, %swap3A_800] {strides = array<i32>} : memref<16x512xf32, #tpu.memory_space<vmem>>, vector<1x16xf32>,
        %swap3A_802 = vector.shape_cast %swap3A_801 : vector<1x16xf32> to vector<16xf32>
        %swap3A_803 = vector.shape_cast %add3A_798 : vector<16xf32> to vector<1x16xf32>
        tpu.vector_store %arg16[%swap3A_799, %swap3A_800], %swap3A_803 {strides = array<i32>} : memref<16x512xf32, #tpu.memory_space<vmem>>, vector<1x16xf32>,
        %mul3A_804 = arith.constant 2 : i32
        %mul3A_805 = arith.muli %mul3A_804, %scan3A_225 : i32
        %get3A_806 = arith.index_cast %mul3A_805 : i32 to index
        %get3A_807 = arith.constant 416 : index
        %get3A_808 = tpu.vector_load %arg12[%get3A_806, %get3A_807] {strides = array<i32>} : memref<32x512xf32, #tpu.memory_space<vmem>>, vector<1x16xf32>,
        %get3A_809 = vector.shape_cast %get3A_808 : vector<1x16xf32> to vector<16xf32>
        %mul3A_810 = arith.constant 2 : i32
        %mul3A_811 = arith.muli %mul3A_810, %scan3A_225 : i32
        %add3A_812 = arith.constant 1 : i32
        %add3A_813 = arith.addi %mul3A_811, %add3A_812 : i32
        %get3A_814 = arith.index_cast %add3A_813 : i32 to index
        %get3A_815 = arith.constant 416 : index
        %get3A_816 = tpu.vector_load %arg12[%get3A_814, %get3A_815] {strides = array<i32>} : memref<32x512xf32, #tpu.memory_space<vmem>>, vector<1x16xf32>,
        %get3A_817 = vector.shape_cast %get3A_816 : vector<1x16xf32> to vector<16xf32>
        %mul3A_818 = arith.mulf %get3A_228, %get3A_809 : vector<16xf32>
        %mul3A_819 = arith.mulf %get3A_232, %get3A_817 : vector<16xf32>
        %add3A_820 = arith.addf %mul3A_818, %mul3A_819 : vector<16xf32>
        %swap3A_821 = arith.index_cast %scan3A_225 : i32 to index
        %swap3A_822 = arith.constant 416 : index
        %swap3A_823 = tpu.vector_load %arg16[%swap3A_821, %swap3A_822] {strides = array<i32>} : memref<16x512xf32, #tpu.memory_space<vmem>>, vector<1x16xf32>,
        %swap3A_824 = vector.shape_cast %swap3A_823 : vector<1x16xf32> to vector<16xf32>
        %swap3A_825 = vector.shape_cast %add3A_820 : vector<16xf32> to vector<1x16xf32>
        tpu.vector_store %arg16[%swap3A_821, %swap3A_822], %swap3A_825 {strides = array<i32>} : memref<16x512xf32, #tpu.memory_space<vmem>>, vector<1x16xf32>,
        %mul3A_826 = arith.constant 2 : i32
        %mul3A_827 = arith.muli %mul3A_826, %scan3A_225 : i32
        %get3A_828 = arith.index_cast %mul3A_827 : i32 to index
        %get3A_829 = arith.constant 432 : index
        %get3A_830 = tpu.vector_load %arg12[%get3A_828, %get3A_829] {strides = array<i32>} : memref<32x512xf32, #tpu.memory_space<vmem>>, vector<1x16xf32>,
        %get3A_831 = vector.shape_cast %get3A_830 : vector<1x16xf32> to vector<16xf32>
        %mul3A_832 = arith.constant 2 : i32
        %mul3A_833 = arith.muli %mul3A_832, %scan3A_225 : i32
        %add3A_834 = arith.constant 1 : i32
        %add3A_835 = arith.addi %mul3A_833, %add3A_834 : i32
        %get3A_836 = arith.index_cast %add3A_835 : i32 to index
        %get3A_837 = arith.constant 432 : index
        %get3A_838 = tpu.vector_load %arg12[%get3A_836, %get3A_837] {strides = array<i32>} : memref<32x512xf32, #tpu.memory_space<vmem>>, vector<1x16xf32>,
        %get3A_839 = vector.shape_cast %get3A_838 : vector<1x16xf32> to vector<16xf32>
        %mul3A_840 = arith.mulf %get3A_228, %get3A_831 : vector<16xf32>
        %mul3A_841 = arith.mulf %get3A_232, %get3A_839 : vector<16xf32>
        %add3A_842 = arith.addf %mul3A_840, %mul3A_841 : vector<16xf32>
        %swap3A_843 = arith.index_cast %scan3A_225 : i32 to index
        %swap3A_844 = arith.constant 432 : index
        %swap3A_845 = tpu.vector_load %arg16[%swap3A_843, %swap3A_844] {strides = array<i32>} : memref<16x512xf32, #tpu.memory_space<vmem>>, vector<1x16xf32>,
        %swap3A_846 = vector.shape_cast %swap3A_845 : vector<1x16xf32> to vector<16xf32>
        %swap3A_847 = vector.shape_cast %add3A_842 : vector<16xf32> to vector<1x16xf32>
        tpu.vector_store %arg16[%swap3A_843, %swap3A_844], %swap3A_847 {strides = array<i32>} : memref<16x512xf32, #tpu.memory_space<vmem>>, vector<1x16xf32>,
        %mul3A_848 = arith.constant 2 : i32
        %mul3A_849 = arith.muli %mul3A_848, %scan3A_225 : i32
        %get3A_850 = arith.index_cast %mul3A_849 : i32 to index
        %get3A_851 = arith.constant 448 : index
        %get3A_852 = tpu.vector_load %arg12[%get3A_850, %get3A_851] {strides = array<i32>} : memref<32x512xf32, #tpu.memory_space<vmem>>, vector<1x16xf32>,
        %get3A_853 = vector.shape_cast %get3A_852 : vector<1x16xf32> to vector<16xf32>
        %mul3A_854 = arith.constant 2 : i32
        %mul3A_855 = arith.muli %mul3A_854, %scan3A_225 : i32
        %add3A_856 = arith.constant 1 : i32
        %add3A_857 = arith.addi %mul3A_855, %add3A_856 : i32
        %get3A_858 = arith.index_cast %add3A_857 : i32 to index
        %get3A_859 = arith.constant 448 : index
        %get3A_860 = tpu.vector_load %arg12[%get3A_858, %get3A_859] {strides = array<i32>} : memref<32x512xf32, #tpu.memory_space<vmem>>, vector<1x16xf32>,
        %get3A_861 = vector.shape_cast %get3A_860 : vector<1x16xf32> to vector<16xf32>
        %mul3A_862 = arith.mulf %get3A_228, %get3A_853 : vector<16xf32>
        %mul3A_863 = arith.mulf %get3A_232, %get3A_861 : vector<16xf32>
        %add3A_864 = arith.addf %mul3A_862, %mul3A_863 : vector<16xf32>
        %swap3A_865 = arith.index_cast %scan3A_225 : i32 to index
        %swap3A_866 = arith.constant 448 : index
        %swap3A_867 = tpu.vector_load %arg16[%swap3A_865, %swap3A_866] {strides = array<i32>} : memref<16x512xf32, #tpu.memory_space<vmem>>, vector<1x16xf32>,
        %swap3A_868 = vector.shape_cast %swap3A_867 : vector<1x16xf32> to vector<16xf32>
        %swap3A_869 = vector.shape_cast %add3A_864 : vector<16xf32> to vector<1x16xf32>
        tpu.vector_store %arg16[%swap3A_865, %swap3A_866], %swap3A_869 {strides = array<i32>} : memref<16x512xf32, #tpu.memory_space<vmem>>, vector<1x16xf32>,
        %mul3A_870 = arith.constant 2 : i32
        %mul3A_871 = arith.muli %mul3A_870, %scan3A_225 : i32
        %get3A_872 = arith.index_cast %mul3A_871 : i32 to index
        %get3A_873 = arith.constant 464 : index
        %get3A_874 = tpu.vector_load %arg12[%get3A_872, %get3A_873] {strides = array<i32>} : memref<32x512xf32, #tpu.memory_space<vmem>>, vector<1x16xf32>,
        %get3A_875 = vector.shape_cast %get3A_874 : vector<1x16xf32> to vector<16xf32>
        %mul3A_876 = arith.constant 2 : i32
        %mul3A_877 = arith.muli %mul3A_876, %scan3A_225 : i32
        %add3A_878 = arith.constant 1 : i32
        %add3A_879 = arith.addi %mul3A_877, %add3A_878 : i32
        %get3A_880 = arith.index_cast %add3A_879 : i32 to index
        %get3A_881 = arith.constant 464 : index
        %get3A_882 = tpu.vector_load %arg12[%get3A_880, %get3A_881] {strides = array<i32>} : memref<32x512xf32, #tpu.memory_space<vmem>>, vector<1x16xf32>,
        %get3A_883 = vector.shape_cast %get3A_882 : vector<1x16xf32> to vector<16xf32>
        %mul3A_884 = arith.mulf %get3A_228, %get3A_875 : vector<16xf32>
        %mul3A_885 = arith.mulf %get3A_232, %get3A_883 : vector<16xf32>
        %add3A_886 = arith.addf %mul3A_884, %mul3A_885 : vector<16xf32>
        %swap3A_887 = arith.index_cast %scan3A_225 : i32 to index
        %swap3A_888 = arith.constant 464 : index
        %swap3A_889 = tpu.vector_load %arg16[%swap3A_887, %swap3A_888] {strides = array<i32>} : memref<16x512xf32, #tpu.memory_space<vmem>>, vector<1x16xf32>,
        %swap3A_890 = vector.shape_cast %swap3A_889 : vector<1x16xf32> to vector<16xf32>
        %swap3A_891 = vector.shape_cast %add3A_886 : vector<16xf32> to vector<1x16xf32>
        tpu.vector_store %arg16[%swap3A_887, %swap3A_888], %swap3A_891 {strides = array<i32>} : memref<16x512xf32, #tpu.memory_space<vmem>>, vector<1x16xf32>,
        %mul3A_892 = arith.constant 2 : i32
        %mul3A_893 = arith.muli %mul3A_892, %scan3A_225 : i32
        %get3A_894 = arith.index_cast %mul3A_893 : i32 to index
        %get3A_895 = arith.constant 480 : index
        %get3A_896 = tpu.vector_load %arg12[%get3A_894, %get3A_895] {strides = array<i32>} : memref<32x512xf32, #tpu.memory_space<vmem>>, vector<1x16xf32>,
        %get3A_897 = vector.shape_cast %get3A_896 : vector<1x16xf32> to vector<16xf32>
        %mul3A_898 = arith.constant 2 : i32
        %mul3A_899 = arith.muli %mul3A_898, %scan3A_225 : i32
        %add3A_900 = arith.constant 1 : i32
        %add3A_901 = arith.addi %mul3A_899, %add3A_900 : i32
        %get3A_902 = arith.index_cast %add3A_901 : i32 to index
        %get3A_903 = arith.constant 480 : index
        %get3A_904 = tpu.vector_load %arg12[%get3A_902, %get3A_903] {strides = array<i32>} : memref<32x512xf32, #tpu.memory_space<vmem>>, vector<1x16xf32>,
        %get3A_905 = vector.shape_cast %get3A_904 : vector<1x16xf32> to vector<16xf32>
        %mul3A_906 = arith.mulf %get3A_228, %get3A_897 : vector<16xf32>
        %mul3A_907 = arith.mulf %get3A_232, %get3A_905 : vector<16xf32>
        %add3A_908 = arith.addf %mul3A_906, %mul3A_907 : vector<16xf32>
        %swap3A_909 = arith.index_cast %scan3A_225 : i32 to index
        %swap3A_910 = arith.constant 480 : index
        %swap3A_911 = tpu.vector_load %arg16[%swap3A_909, %swap3A_910] {strides = array<i32>} : memref<16x512xf32, #tpu.memory_space<vmem>>, vector<1x16xf32>,
        %swap3A_912 = vector.shape_cast %swap3A_911 : vector<1x16xf32> to vector<16xf32>
        %swap3A_913 = vector.shape_cast %add3A_908 : vector<16xf32> to vector<1x16xf32>
        tpu.vector_store %arg16[%swap3A_909, %swap3A_910], %swap3A_913 {strides = array<i32>} : memref<16x512xf32, #tpu.memory_space<vmem>>, vector<1x16xf32>,
        %mul3A_914 = arith.constant 2 : i32
        %mul3A_915 = arith.muli %mul3A_914, %scan3A_225 : i32
        %get3A_916 = arith.index_cast %mul3A_915 : i32 to index
        %get3A_917 = arith.constant 496 : index
        %get3A_918 = tpu.vector_load %arg12[%get3A_916, %get3A_917] {strides = array<i32>} : memref<32x512xf32, #tpu.memory_space<vmem>>, vector<1x16xf32>,
        %get3A_919 = vector.shape_cast %get3A_918 : vector<1x16xf32> to vector<16xf32>
        %mul3A_920 = arith.constant 2 : i32
        %mul3A_921 = arith.muli %mul3A_920, %scan3A_225 : i32
        %add3A_922 = arith.constant 1 : i32
        %add3A_923 = arith.addi %mul3A_921, %add3A_922 : i32
        %get3A_924 = arith.index_cast %add3A_923 : i32 to index
        %get3A_925 = arith.constant 496 : index
        %get3A_926 = tpu.vector_load %arg12[%get3A_924, %get3A_925] {strides = array<i32>} : memref<32x512xf32, #tpu.memory_space<vmem>>, vector<1x16xf32>,
        %get3A_927 = vector.shape_cast %get3A_926 : vector<1x16xf32> to vector<16xf32>
        %mul3A_928 = arith.mulf %get3A_228, %get3A_919 : vector<16xf32>
        %mul3A_929 = arith.mulf %get3A_232, %get3A_927 : vector<16xf32>
        %add3A_930 = arith.addf %mul3A_928, %mul3A_929 : vector<16xf32>
        %swap3A_931 = arith.index_cast %scan3A_225 : i32 to index
        %swap3A_932 = arith.constant 496 : index
        %swap3A_933 = tpu.vector_load %arg16[%swap3A_931, %swap3A_932] {strides = array<i32>} : memref<16x512xf32, #tpu.memory_space<vmem>>, vector<1x16xf32>,
        %swap3A_934 = vector.shape_cast %swap3A_933 : vector<1x16xf32> to vector<16xf32>
        %swap3A_935 = vector.shape_cast %add3A_930 : vector<16xf32> to vector<1x16xf32>
        tpu.vector_store %arg16[%swap3A_931, %swap3A_932], %swap3A_935 {strides = array<i32>} : memref<16x512xf32, #tpu.memory_space<vmem>>, vector<1x16xf32>,
      }
      %scan3A_133 = arith.constant 16 : i32
      %dma_start3A_134 = arith.constant 0 : i32
      %dma_start3A_135 = tpu.memref_slice %arg5[%add3A_111, %dma_start3A_134] : memref<18432x512xf32, #tpu.memory_space<hbm>> -> memref<16x512xf32, #tpu.memory_space<hbm>>
      %dma_start3A_136 = arith.constant 0 : i32
      %dma_start3A_137 = tpu.memref_slice %arg5[%add3A_111, %dma_start3A_136] : memref<18432x512xf32, #tpu.memory_space<hbm>> -> memref<16x512xf32, #tpu.memory_space<hbm>>
      tpu.enqueue_dma source(%arg16 : memref<16x512xf32, #tpu.memory_space<vmem>>) target(%dma_start3A_137 : memref<16x512xf32, #tpu.memory_space<hbm>>) target_semaphore(%arg24 : memref<!tpu.dma_semaphore, #tpu.memory_space<semaphore_mem>>)
      %add3A_138 = arith.constant 4 : i32
      %add3A_139 = arith.addi %add3A_108, %add3A_138 : i32
      %lt3A_140 = arith.constant 36 : i32
      %lt3A_141 = arith.cmpi slt, %add3A_139, %lt3A_140 : i32
      %convert_element_type3A_142 = arith.extui %lt3A_141 : i1 to i32
      %cond3A_143 = arith.constant 0 : i32
      %cond3A_144 = arith.cmpi ne, %convert_element_type3A_142, %cond3A_143 : i32
      scf.if %cond3A_144 {
        %add3A_225 = arith.constant 4 : i32
        %add3A_226 = arith.addi %add3A_108, %add3A_225 : i32
        %mul3A_227 = arith.constant 2 : i32
        %mul3A_228 = arith.muli %add3A_226, %mul3A_227 : i32
        %mul3A_229 = arith.constant 16 : i32
        %mul3A_230 = arith.muli %mul3A_228, %mul3A_229 : i32
        %dma_start3A_231 = tpu.memref_slice %arg6[%mul3A_230] : memref<1152xi32, #tpu.memory_space<vmem>> -> memref<32xi32, #tpu.memory_space<vmem>>
        %dma_start3A_232 = arith.constant 0 : i32
        %dma_start3A_233 = arith.constant 0 : i32
        %dma_start3A_234 = tpu.memref_slice %arg2[%dma_start3A_232, %dma_start3A_233] : memref<32768x512xf32, #tpu.memory_space<hbm>> -> memref<32768x512xf32, #tpu.memory_space<hbm>>
        tpu.enqueue_indirect_dma source(%dma_start3A_234 : memref<32768x512xf32, #tpu.memory_space<hbm>>) target(%arg12 : memref<32x512xf32, #tpu.memory_space<vmem>>) offsets(%dma_start3A_231 : memref<32xi32, #tpu.memory_space<vmem>>) semaphore(%arg20 : memref<!tpu.dma_semaphore, #tpu.memory_space<semaphore_mem>>)
        %mul3A_235 = arith.constant 16 : i32
        %mul3A_236 = arith.muli %add3A_226, %mul3A_235 : i32
        %add3A_237 = arith.addi %mul3A_2, %mul3A_236 : i32
        %dma_start3A_238 = arith.constant 0 : i32
        %dma_start3A_239 = tpu.memref_slice %arg4[%add3A_237, %dma_start3A_238] : memref<18432x32xf32, #tpu.memory_space<hbm>> -> memref<16x32xf32, #tpu.memory_space<hbm>>
        %dma_start3A_240 = arith.constant 0 : i32
        %dma_start3A_241 = tpu.memref_slice %arg4[%add3A_237, %dma_start3A_240] : memref<18432x32xf32, #tpu.memory_space<hbm>> -> memref<16x32xf32, #tpu.memory_space<hbm>>
        tpu.enqueue_dma source(%dma_start3A_241 : memref<16x32xf32, #tpu.memory_space<hbm>>) target(%arg8 : memref<16x32xf32, #tpu.memory_space<vmem>>) target_semaphore(%arg20 : memref<!tpu.dma_semaphore, #tpu.memory_space<semaphore_mem>>)
      } else {
      }
      %mul3A_145 = arith.constant 4 : i32
      %mul3A_146 = arith.muli %mul3A_145, %scan3A_68 : i32
      %add3A_147 = arith.constant 2 : i32
      %add3A_148 = arith.addi %mul3A_146, %add3A_147 : i32
      %mul3A_149 = arith.constant 16 : i32
      %mul3A_150 = arith.muli %add3A_148, %mul3A_149 : i32
      %add3A_151 = arith.addi %mul3A_2, %mul3A_150 : i32
      %dma_wait3A_152 = arith.constant 0 : i32
      %dma_wait3A_153 = tpu.memref_slice %arg6[%dma_wait3A_152] : memref<1152xi32, #tpu.memory_space<vmem>> -> memref<32xi32, #tpu.memory_space<vmem>>
      %dma_wait3A_154 = arith.constant 0 : i32
      %dma_wait3A_155 = arith.constant 0 : i32
      %dma_wait3A_156 = tpu.memref_slice %arg2[%dma_wait3A_154, %dma_wait3A_155] : memref<32768x512xf32, #tpu.memory_space<hbm>> -> memref<32768x512xf32, #tpu.memory_space<hbm>>
      tpu.wait_indirect_dma semaphore(%arg21 : memref<!tpu.dma_semaphore, #tpu.memory_space<semaphore_mem>>) src(%dma_wait3A_156 : memref<32768x512xf32, #tpu.memory_space<hbm>>) dst(%arg13 : memref<32x512xf32, #tpu.memory_space<vmem>>)
      %dma_wait3A_157 = arith.constant 0 : i32
      %dma_wait3A_158 = arith.constant 0 : i32
      %dma_wait3A_159 = tpu.memref_slice %arg4[%dma_wait3A_157, %dma_wait3A_158] : memref<18432x32xf32, #tpu.memory_space<hbm>> -> memref<16x32xf32, #tpu.memory_space<hbm>>
      %dma_wait3A_160 = arith.constant 0 : i32
      %dma_wait3A_161 = arith.constant 0 : i32
      %dma_wait3A_162 = tpu.memref_slice %arg4[%dma_wait3A_160, %dma_wait3A_161] : memref<18432x32xf32, #tpu.memory_space<hbm>> -> memref<16x32xf32, #tpu.memory_space<hbm>>
      tpu.wait_dma2 semaphore(%arg21 : memref<!tpu.dma_semaphore, #tpu.memory_space<semaphore_mem>>) src(%dma_wait3A_162 : memref<16x32xf32, #tpu.memory_space<hbm>>) dst(%arg9 : memref<16x32xf32, #tpu.memory_space<vmem>>)
      %gt3A_163 = arith.constant 0 : i32
      %gt3A_164 = arith.cmpi sgt, %scan3A_68, %gt3A_163 : i32
      %convert_element_type3A_165 = arith.extui %gt3A_164 : i1 to i32
      %cond3A_166 = arith.constant 0 : i32
      %cond3A_167 = arith.cmpi ne, %convert_element_type3A_165, %cond3A_166 : i32
      scf.if %cond3A_167 {
        %dma_wait3A_225 = arith.constant 0 : i32
        %dma_wait3A_226 = tpu.memref_slice %arg5[%add3A_151, %dma_wait3A_225] : memref<18432x512xf32, #tpu.memory_space<hbm>> -> memref<16x512xf32, #tpu.memory_space<hbm>>
        %dma_wait3A_227 = arith.constant 0 : i32
        %dma_wait3A_228 = tpu.memref_slice %arg5[%add3A_151, %dma_wait3A_227] : memref<18432x512xf32, #tpu.memory_space<hbm>> -> memref<16x512xf32, #tpu.memory_space<hbm>>
        tpu.wait_dma2 semaphore(%arg25 : memref<!tpu.dma_semaphore, #tpu.memory_space<semaphore_mem>>) src(%arg17 : memref<16x512xf32, #tpu.memory_space<vmem>>) dst(%dma_wait3A_228 : memref<16x512xf32, #tpu.memory_space<hbm>>)
      } else {
      }
      %scan3A_168 = arith.constant 0 : i32
      %scan3A_169 = arith.constant 0 : i32
      %scan3A_170 = arith.constant 16 : i32
      %scan3A_171 = arith.addi %scan3A_169, %scan3A_170 : i32
      %scan3A_172 = arith.constant 1 : i32
      scf.for %scan3A_225 = %scan3A_169 to %scan3A_171 step %scan3A_172  : i32 {
        %get3A = arith.index_cast %scan3A_225 : i32 to index
        %get3A_226 = arith.constant 0 : index
        %get3A_227 = tpu.vector_load %arg9[%get3A, %get3A_226] {strides = array<i32>} : memref<16x32xf32, #tpu.memory_space<vmem>>, vector<1x16xf32>,
        %get3A_228 = vector.shape_cast %get3A_227 : vector<1x16xf32> to vector<16xf32>
        %get3A_229 = arith.index_cast %scan3A_225 : i32 to index
        %get3A_230 = arith.constant 16 : index
        %get3A_231 = tpu.vector_load %arg9[%get3A_229, %get3A_230] {strides = array<i32>} : memref<16x32xf32, #tpu.memory_space<vmem>>, vector<1x16xf32>,
        %get3A_232 = vector.shape_cast %get3A_231 : vector<1x16xf32> to vector<16xf32>
        %mul3A_233 = arith.constant 2 : i32
        %mul3A_234 = arith.muli %mul3A_233, %scan3A_225 : i32
        %get3A_235 = arith.index_cast %mul3A_234 : i32 to index
        %get3A_236 = arith.constant 0 : index
        %get3A_237 = tpu.vector_load %arg13[%get3A_235, %get3A_236] {strides = array<i32>} : memref<32x512xf32, #tpu.memory_space<vmem>>, vector<1x16xf32>,
        %get3A_238 = vector.shape_cast %get3A_237 : vector<1x16xf32> to vector<16xf32>
        %mul3A_239 = arith.constant 2 : i32
        %mul3A_240 = arith.muli %mul3A_239, %scan3A_225 : i32
        %add3A_241 = arith.constant 1 : i32
        %add3A_242 = arith.addi %mul3A_240, %add3A_241 : i32
        %get3A_243 = arith.index_cast %add3A_242 : i32 to index
        %get3A_244 = arith.constant 0 : index
        %get3A_245 = tpu.vector_load %arg13[%get3A_243, %get3A_244] {strides = array<i32>} : memref<32x512xf32, #tpu.memory_space<vmem>>, vector<1x16xf32>,
        %get3A_246 = vector.shape_cast %get3A_245 : vector<1x16xf32> to vector<16xf32>
        %mul3A_247 = arith.mulf %get3A_228, %get3A_238 : vector<16xf32>
        %mul3A_248 = arith.mulf %get3A_232, %get3A_246 : vector<16xf32>
        %add3A_249 = arith.addf %mul3A_247, %mul3A_248 : vector<16xf32>
        %swap3A = arith.index_cast %scan3A_225 : i32 to index
        %swap3A_250 = arith.constant 0 : index
        %swap3A_251 = tpu.vector_load %arg17[%swap3A, %swap3A_250] {strides = array<i32>} : memref<16x512xf32, #tpu.memory_space<vmem>>, vector<1x16xf32>,
        %swap3A_252 = vector.shape_cast %swap3A_251 : vector<1x16xf32> to vector<16xf32>
        %swap3A_253 = vector.shape_cast %add3A_249 : vector<16xf32> to vector<1x16xf32>
        tpu.vector_store %arg17[%swap3A, %swap3A_250], %swap3A_253 {strides = array<i32>} : memref<16x512xf32, #tpu.memory_space<vmem>>, vector<1x16xf32>,
        %mul3A_254 = arith.constant 2 : i32
        %mul3A_255 = arith.muli %mul3A_254, %scan3A_225 : i32
        %get3A_256 = arith.index_cast %mul3A_255 : i32 to index
        %get3A_257 = arith.constant 16 : index
        %get3A_258 = tpu.vector_load %arg13[%get3A_256, %get3A_257] {strides = array<i32>} : memref<32x512xf32, #tpu.memory_space<vmem>>, vector<1x16xf32>,
        %get3A_259 = vector.shape_cast %get3A_258 : vector<1x16xf32> to vector<16xf32>
        %mul3A_260 = arith.constant 2 : i32
        %mul3A_261 = arith.muli %mul3A_260, %scan3A_225 : i32
        %add3A_262 = arith.constant 1 : i32
        %add3A_263 = arith.addi %mul3A_261, %add3A_262 : i32
        %get3A_264 = arith.index_cast %add3A_263 : i32 to index
        %get3A_265 = arith.constant 16 : index
        %get3A_266 = tpu.vector_load %arg13[%get3A_264, %get3A_265] {strides = array<i32>} : memref<32x512xf32, #tpu.memory_space<vmem>>, vector<1x16xf32>,
        %get3A_267 = vector.shape_cast %get3A_266 : vector<1x16xf32> to vector<16xf32>
        %mul3A_268 = arith.mulf %get3A_228, %get3A_259 : vector<16xf32>
        %mul3A_269 = arith.mulf %get3A_232, %get3A_267 : vector<16xf32>
        %add3A_270 = arith.addf %mul3A_268, %mul3A_269 : vector<16xf32>
        %swap3A_271 = arith.index_cast %scan3A_225 : i32 to index
        %swap3A_272 = arith.constant 16 : index
        %swap3A_273 = tpu.vector_load %arg17[%swap3A_271, %swap3A_272] {strides = array<i32>} : memref<16x512xf32, #tpu.memory_space<vmem>>, vector<1x16xf32>,
        %swap3A_274 = vector.shape_cast %swap3A_273 : vector<1x16xf32> to vector<16xf32>
        %swap3A_275 = vector.shape_cast %add3A_270 : vector<16xf32> to vector<1x16xf32>
        tpu.vector_store %arg17[%swap3A_271, %swap3A_272], %swap3A_275 {strides = array<i32>} : memref<16x512xf32, #tpu.memory_space<vmem>>, vector<1x16xf32>,
        %mul3A_276 = arith.constant 2 : i32
        %mul3A_277 = arith.muli %mul3A_276, %scan3A_225 : i32
        %get3A_278 = arith.index_cast %mul3A_277 : i32 to index
        %get3A_279 = arith.constant 32 : index
        %get3A_280 = tpu.vector_load %arg13[%get3A_278, %get3A_279] {strides = array<i32>} : memref<32x512xf32, #tpu.memory_space<vmem>>, vector<1x16xf32>,
        %get3A_281 = vector.shape_cast %get3A_280 : vector<1x16xf32> to vector<16xf32>
        %mul3A_282 = arith.constant 2 : i32
        %mul3A_283 = arith.muli %mul3A_282, %scan3A_225 : i32
        %add3A_284 = arith.constant 1 : i32
        %add3A_285 = arith.addi %mul3A_283, %add3A_284 : i32
        %get3A_286 = arith.index_cast %add3A_285 : i32 to index
        %get3A_287 = arith.constant 32 : index
        %get3A_288 = tpu.vector_load %arg13[%get3A_286, %get3A_287] {strides = array<i32>} : memref<32x512xf32, #tpu.memory_space<vmem>>, vector<1x16xf32>,
        %get3A_289 = vector.shape_cast %get3A_288 : vector<1x16xf32> to vector<16xf32>
        %mul3A_290 = arith.mulf %get3A_228, %get3A_281 : vector<16xf32>
        %mul3A_291 = arith.mulf %get3A_232, %get3A_289 : vector<16xf32>
        %add3A_292 = arith.addf %mul3A_290, %mul3A_291 : vector<16xf32>
        %swap3A_293 = arith.index_cast %scan3A_225 : i32 to index
        %swap3A_294 = arith.constant 32 : index
        %swap3A_295 = tpu.vector_load %arg17[%swap3A_293, %swap3A_294] {strides = array<i32>} : memref<16x512xf32, #tpu.memory_space<vmem>>, vector<1x16xf32>,
        %swap3A_296 = vector.shape_cast %swap3A_295 : vector<1x16xf32> to vector<16xf32>
        %swap3A_297 = vector.shape_cast %add3A_292 : vector<16xf32> to vector<1x16xf32>
        tpu.vector_store %arg17[%swap3A_293, %swap3A_294], %swap3A_297 {strides = array<i32>} : memref<16x512xf32, #tpu.memory_space<vmem>>, vector<1x16xf32>,
        %mul3A_298 = arith.constant 2 : i32
        %mul3A_299 = arith.muli %mul3A_298, %scan3A_225 : i32
        %get3A_300 = arith.index_cast %mul3A_299 : i32 to index
        %get3A_301 = arith.constant 48 : index
        %get3A_302 = tpu.vector_load %arg13[%get3A_300, %get3A_301] {strides = array<i32>} : memref<32x512xf32, #tpu.memory_space<vmem>>, vector<1x16xf32>,
        %get3A_303 = vector.shape_cast %get3A_302 : vector<1x16xf32> to vector<16xf32>
        %mul3A_304 = arith.constant 2 : i32
        %mul3A_305 = arith.muli %mul3A_304, %scan3A_225 : i32
        %add3A_306 = arith.constant 1 : i32
        %add3A_307 = arith.addi %mul3A_305, %add3A_306 : i32
        %get3A_308 = arith.index_cast %add3A_307 : i32 to index
        %get3A_309 = arith.constant 48 : index
        %get3A_310 = tpu.vector_load %arg13[%get3A_308, %get3A_309] {strides = array<i32>} : memref<32x512xf32, #tpu.memory_space<vmem>>, vector<1x16xf32>,
        %get3A_311 = vector.shape_cast %get3A_310 : vector<1x16xf32> to vector<16xf32>
        %mul3A_312 = arith.mulf %get3A_228, %get3A_303 : vector<16xf32>
        %mul3A_313 = arith.mulf %get3A_232, %get3A_311 : vector<16xf32>
        %add3A_314 = arith.addf %mul3A_312, %mul3A_313 : vector<16xf32>
        %swap3A_315 = arith.index_cast %scan3A_225 : i32 to index
        %swap3A_316 = arith.constant 48 : index
        %swap3A_317 = tpu.vector_load %arg17[%swap3A_315, %swap3A_316] {strides = array<i32>} : memref<16x512xf32, #tpu.memory_space<vmem>>, vector<1x16xf32>,
        %swap3A_318 = vector.shape_cast %swap3A_317 : vector<1x16xf32> to vector<16xf32>
        %swap3A_319 = vector.shape_cast %add3A_314 : vector<16xf32> to vector<1x16xf32>
        tpu.vector_store %arg17[%swap3A_315, %swap3A_316], %swap3A_319 {strides = array<i32>} : memref<16x512xf32, #tpu.memory_space<vmem>>, vector<1x16xf32>,
        %mul3A_320 = arith.constant 2 : i32
        %mul3A_321 = arith.muli %mul3A_320, %scan3A_225 : i32
        %get3A_322 = arith.index_cast %mul3A_321 : i32 to index
        %get3A_323 = arith.constant 64 : index
        %get3A_324 = tpu.vector_load %arg13[%get3A_322, %get3A_323] {strides = array<i32>} : memref<32x512xf32, #tpu.memory_space<vmem>>, vector<1x16xf32>,
        %get3A_325 = vector.shape_cast %get3A_324 : vector<1x16xf32> to vector<16xf32>
        %mul3A_326 = arith.constant 2 : i32
        %mul3A_327 = arith.muli %mul3A_326, %scan3A_225 : i32
        %add3A_328 = arith.constant 1 : i32
        %add3A_329 = arith.addi %mul3A_327, %add3A_328 : i32
        %get3A_330 = arith.index_cast %add3A_329 : i32 to index
        %get3A_331 = arith.constant 64 : index
        %get3A_332 = tpu.vector_load %arg13[%get3A_330, %get3A_331] {strides = array<i32>} : memref<32x512xf32, #tpu.memory_space<vmem>>, vector<1x16xf32>,
        %get3A_333 = vector.shape_cast %get3A_332 : vector<1x16xf32> to vector<16xf32>
        %mul3A_334 = arith.mulf %get3A_228, %get3A_325 : vector<16xf32>
        %mul3A_335 = arith.mulf %get3A_232, %get3A_333 : vector<16xf32>
        %add3A_336 = arith.addf %mul3A_334, %mul3A_335 : vector<16xf32>
        %swap3A_337 = arith.index_cast %scan3A_225 : i32 to index
        %swap3A_338 = arith.constant 64 : index
        %swap3A_339 = tpu.vector_load %arg17[%swap3A_337, %swap3A_338] {strides = array<i32>} : memref<16x512xf32, #tpu.memory_space<vmem>>, vector<1x16xf32>,
        %swap3A_340 = vector.shape_cast %swap3A_339 : vector<1x16xf32> to vector<16xf32>
        %swap3A_341 = vector.shape_cast %add3A_336 : vector<16xf32> to vector<1x16xf32>
        tpu.vector_store %arg17[%swap3A_337, %swap3A_338], %swap3A_341 {strides = array<i32>} : memref<16x512xf32, #tpu.memory_space<vmem>>, vector<1x16xf32>,
        %mul3A_342 = arith.constant 2 : i32
        %mul3A_343 = arith.muli %mul3A_342, %scan3A_225 : i32
        %get3A_344 = arith.index_cast %mul3A_343 : i32 to index
        %get3A_345 = arith.constant 80 : index
        %get3A_346 = tpu.vector_load %arg13[%get3A_344, %get3A_345] {strides = array<i32>} : memref<32x512xf32, #tpu.memory_space<vmem>>, vector<1x16xf32>,
        %get3A_347 = vector.shape_cast %get3A_346 : vector<1x16xf32> to vector<16xf32>
        %mul3A_348 = arith.constant 2 : i32
        %mul3A_349 = arith.muli %mul3A_348, %scan3A_225 : i32
        %add3A_350 = arith.constant 1 : i32
        %add3A_351 = arith.addi %mul3A_349, %add3A_350 : i32
        %get3A_352 = arith.index_cast %add3A_351 : i32 to index
        %get3A_353 = arith.constant 80 : index
        %get3A_354 = tpu.vector_load %arg13[%get3A_352, %get3A_353] {strides = array<i32>} : memref<32x512xf32, #tpu.memory_space<vmem>>, vector<1x16xf32>,
        %get3A_355 = vector.shape_cast %get3A_354 : vector<1x16xf32> to vector<16xf32>
        %mul3A_356 = arith.mulf %get3A_228, %get3A_347 : vector<16xf32>
        %mul3A_357 = arith.mulf %get3A_232, %get3A_355 : vector<16xf32>
        %add3A_358 = arith.addf %mul3A_356, %mul3A_357 : vector<16xf32>
        %swap3A_359 = arith.index_cast %scan3A_225 : i32 to index
        %swap3A_360 = arith.constant 80 : index
        %swap3A_361 = tpu.vector_load %arg17[%swap3A_359, %swap3A_360] {strides = array<i32>} : memref<16x512xf32, #tpu.memory_space<vmem>>, vector<1x16xf32>,
        %swap3A_362 = vector.shape_cast %swap3A_361 : vector<1x16xf32> to vector<16xf32>
        %swap3A_363 = vector.shape_cast %add3A_358 : vector<16xf32> to vector<1x16xf32>
        tpu.vector_store %arg17[%swap3A_359, %swap3A_360], %swap3A_363 {strides = array<i32>} : memref<16x512xf32, #tpu.memory_space<vmem>>, vector<1x16xf32>,
        %mul3A_364 = arith.constant 2 : i32
        %mul3A_365 = arith.muli %mul3A_364, %scan3A_225 : i32
        %get3A_366 = arith.index_cast %mul3A_365 : i32 to index
        %get3A_367 = arith.constant 96 : index
        %get3A_368 = tpu.vector_load %arg13[%get3A_366, %get3A_367] {strides = array<i32>} : memref<32x512xf32, #tpu.memory_space<vmem>>, vector<1x16xf32>,
        %get3A_369 = vector.shape_cast %get3A_368 : vector<1x16xf32> to vector<16xf32>
        %mul3A_370 = arith.constant 2 : i32
        %mul3A_371 = arith.muli %mul3A_370, %scan3A_225 : i32
        %add3A_372 = arith.constant 1 : i32
        %add3A_373 = arith.addi %mul3A_371, %add3A_372 : i32
        %get3A_374 = arith.index_cast %add3A_373 : i32 to index
        %get3A_375 = arith.constant 96 : index
        %get3A_376 = tpu.vector_load %arg13[%get3A_374, %get3A_375] {strides = array<i32>} : memref<32x512xf32, #tpu.memory_space<vmem>>, vector<1x16xf32>,
        %get3A_377 = vector.shape_cast %get3A_376 : vector<1x16xf32> to vector<16xf32>
        %mul3A_378 = arith.mulf %get3A_228, %get3A_369 : vector<16xf32>
        %mul3A_379 = arith.mulf %get3A_232, %get3A_377 : vector<16xf32>
        %add3A_380 = arith.addf %mul3A_378, %mul3A_379 : vector<16xf32>
        %swap3A_381 = arith.index_cast %scan3A_225 : i32 to index
        %swap3A_382 = arith.constant 96 : index
        %swap3A_383 = tpu.vector_load %arg17[%swap3A_381, %swap3A_382] {strides = array<i32>} : memref<16x512xf32, #tpu.memory_space<vmem>>, vector<1x16xf32>,
        %swap3A_384 = vector.shape_cast %swap3A_383 : vector<1x16xf32> to vector<16xf32>
        %swap3A_385 = vector.shape_cast %add3A_380 : vector<16xf32> to vector<1x16xf32>
        tpu.vector_store %arg17[%swap3A_381, %swap3A_382], %swap3A_385 {strides = array<i32>} : memref<16x512xf32, #tpu.memory_space<vmem>>, vector<1x16xf32>,
        %mul3A_386 = arith.constant 2 : i32
        %mul3A_387 = arith.muli %mul3A_386, %scan3A_225 : i32
        %get3A_388 = arith.index_cast %mul3A_387 : i32 to index
        %get3A_389 = arith.constant 112 : index
        %get3A_390 = tpu.vector_load %arg13[%get3A_388, %get3A_389] {strides = array<i32>} : memref<32x512xf32, #tpu.memory_space<vmem>>, vector<1x16xf32>,
        %get3A_391 = vector.shape_cast %get3A_390 : vector<1x16xf32> to vector<16xf32>
        %mul3A_392 = arith.constant 2 : i32
        %mul3A_393 = arith.muli %mul3A_392, %scan3A_225 : i32
        %add3A_394 = arith.constant 1 : i32
        %add3A_395 = arith.addi %mul3A_393, %add3A_394 : i32
        %get3A_396 = arith.index_cast %add3A_395 : i32 to index
        %get3A_397 = arith.constant 112 : index
        %get3A_398 = tpu.vector_load %arg13[%get3A_396, %get3A_397] {strides = array<i32>} : memref<32x512xf32, #tpu.memory_space<vmem>>, vector<1x16xf32>,
        %get3A_399 = vector.shape_cast %get3A_398 : vector<1x16xf32> to vector<16xf32>
        %mul3A_400 = arith.mulf %get3A_228, %get3A_391 : vector<16xf32>
        %mul3A_401 = arith.mulf %get3A_232, %get3A_399 : vector<16xf32>
        %add3A_402 = arith.addf %mul3A_400, %mul3A_401 : vector<16xf32>
        %swap3A_403 = arith.index_cast %scan3A_225 : i32 to index
        %swap3A_404 = arith.constant 112 : index
        %swap3A_405 = tpu.vector_load %arg17[%swap3A_403, %swap3A_404] {strides = array<i32>} : memref<16x512xf32, #tpu.memory_space<vmem>>, vector<1x16xf32>,
        %swap3A_406 = vector.shape_cast %swap3A_405 : vector<1x16xf32> to vector<16xf32>
        %swap3A_407 = vector.shape_cast %add3A_402 : vector<16xf32> to vector<1x16xf32>
        tpu.vector_store %arg17[%swap3A_403, %swap3A_404], %swap3A_407 {strides = array<i32>} : memref<16x512xf32, #tpu.memory_space<vmem>>, vector<1x16xf32>,
        %mul3A_408 = arith.constant 2 : i32
        %mul3A_409 = arith.muli %mul3A_408, %scan3A_225 : i32
        %get3A_410 = arith.index_cast %mul3A_409 : i32 to index
        %get3A_411 = arith.constant 128 : index
        %get3A_412 = tpu.vector_load %arg13[%get3A_410, %get3A_411] {strides = array<i32>} : memref<32x512xf32, #tpu.memory_space<vmem>>, vector<1x16xf32>,
        %get3A_413 = vector.shape_cast %get3A_412 : vector<1x16xf32> to vector<16xf32>
        %mul3A_414 = arith.constant 2 : i32
        %mul3A_415 = arith.muli %mul3A_414, %scan3A_225 : i32
        %add3A_416 = arith.constant 1 : i32
        %add3A_417 = arith.addi %mul3A_415, %add3A_416 : i32
        %get3A_418 = arith.index_cast %add3A_417 : i32 to index
        %get3A_419 = arith.constant 128 : index
        %get3A_420 = tpu.vector_load %arg13[%get3A_418, %get3A_419] {strides = array<i32>} : memref<32x512xf32, #tpu.memory_space<vmem>>, vector<1x16xf32>,
        %get3A_421 = vector.shape_cast %get3A_420 : vector<1x16xf32> to vector<16xf32>
        %mul3A_422 = arith.mulf %get3A_228, %get3A_413 : vector<16xf32>
        %mul3A_423 = arith.mulf %get3A_232, %get3A_421 : vector<16xf32>
        %add3A_424 = arith.addf %mul3A_422, %mul3A_423 : vector<16xf32>
        %swap3A_425 = arith.index_cast %scan3A_225 : i32 to index
        %swap3A_426 = arith.constant 128 : index
        %swap3A_427 = tpu.vector_load %arg17[%swap3A_425, %swap3A_426] {strides = array<i32>} : memref<16x512xf32, #tpu.memory_space<vmem>>, vector<1x16xf32>,
        %swap3A_428 = vector.shape_cast %swap3A_427 : vector<1x16xf32> to vector<16xf32>
        %swap3A_429 = vector.shape_cast %add3A_424 : vector<16xf32> to vector<1x16xf32>
        tpu.vector_store %arg17[%swap3A_425, %swap3A_426], %swap3A_429 {strides = array<i32>} : memref<16x512xf32, #tpu.memory_space<vmem>>, vector<1x16xf32>,
        %mul3A_430 = arith.constant 2 : i32
        %mul3A_431 = arith.muli %mul3A_430, %scan3A_225 : i32
        %get3A_432 = arith.index_cast %mul3A_431 : i32 to index
        %get3A_433 = arith.constant 144 : index
        %get3A_434 = tpu.vector_load %arg13[%get3A_432, %get3A_433] {strides = array<i32>} : memref<32x512xf32, #tpu.memory_space<vmem>>, vector<1x16xf32>,
        %get3A_435 = vector.shape_cast %get3A_434 : vector<1x16xf32> to vector<16xf32>
        %mul3A_436 = arith.constant 2 : i32
        %mul3A_437 = arith.muli %mul3A_436, %scan3A_225 : i32
        %add3A_438 = arith.constant 1 : i32
        %add3A_439 = arith.addi %mul3A_437, %add3A_438 : i32
        %get3A_440 = arith.index_cast %add3A_439 : i32 to index
        %get3A_441 = arith.constant 144 : index
        %get3A_442 = tpu.vector_load %arg13[%get3A_440, %get3A_441] {strides = array<i32>} : memref<32x512xf32, #tpu.memory_space<vmem>>, vector<1x16xf32>,
        %get3A_443 = vector.shape_cast %get3A_442 : vector<1x16xf32> to vector<16xf32>
        %mul3A_444 = arith.mulf %get3A_228, %get3A_435 : vector<16xf32>
        %mul3A_445 = arith.mulf %get3A_232, %get3A_443 : vector<16xf32>
        %add3A_446 = arith.addf %mul3A_444, %mul3A_445 : vector<16xf32>
        %swap3A_447 = arith.index_cast %scan3A_225 : i32 to index
        %swap3A_448 = arith.constant 144 : index
        %swap3A_449 = tpu.vector_load %arg17[%swap3A_447, %swap3A_448] {strides = array<i32>} : memref<16x512xf32, #tpu.memory_space<vmem>>, vector<1x16xf32>,
        %swap3A_450 = vector.shape_cast %swap3A_449 : vector<1x16xf32> to vector<16xf32>
        %swap3A_451 = vector.shape_cast %add3A_446 : vector<16xf32> to vector<1x16xf32>
        tpu.vector_store %arg17[%swap3A_447, %swap3A_448], %swap3A_451 {strides = array<i32>} : memref<16x512xf32, #tpu.memory_space<vmem>>, vector<1x16xf32>,
        %mul3A_452 = arith.constant 2 : i32
        %mul3A_453 = arith.muli %mul3A_452, %scan3A_225 : i32
        %get3A_454 = arith.index_cast %mul3A_453 : i32 to index
        %get3A_455 = arith.constant 160 : index
        %get3A_456 = tpu.vector_load %arg13[%get3A_454, %get3A_455] {strides = array<i32>} : memref<32x512xf32, #tpu.memory_space<vmem>>, vector<1x16xf32>,
        %get3A_457 = vector.shape_cast %get3A_456 : vector<1x16xf32> to vector<16xf32>
        %mul3A_458 = arith.constant 2 : i32
        %mul3A_459 = arith.muli %mul3A_458, %scan3A_225 : i32
        %add3A_460 = arith.constant 1 : i32
        %add3A_461 = arith.addi %mul3A_459, %add3A_460 : i32
        %get3A_462 = arith.index_cast %add3A_461 : i32 to index
        %get3A_463 = arith.constant 160 : index
        %get3A_464 = tpu.vector_load %arg13[%get3A_462, %get3A_463] {strides = array<i32>} : memref<32x512xf32, #tpu.memory_space<vmem>>, vector<1x16xf32>,
        %get3A_465 = vector.shape_cast %get3A_464 : vector<1x16xf32> to vector<16xf32>
        %mul3A_466 = arith.mulf %get3A_228, %get3A_457 : vector<16xf32>
        %mul3A_467 = arith.mulf %get3A_232, %get3A_465 : vector<16xf32>
        %add3A_468 = arith.addf %mul3A_466, %mul3A_467 : vector<16xf32>
        %swap3A_469 = arith.index_cast %scan3A_225 : i32 to index
        %swap3A_470 = arith.constant 160 : index
        %swap3A_471 = tpu.vector_load %arg17[%swap3A_469, %swap3A_470] {strides = array<i32>} : memref<16x512xf32, #tpu.memory_space<vmem>>, vector<1x16xf32>,
        %swap3A_472 = vector.shape_cast %swap3A_471 : vector<1x16xf32> to vector<16xf32>
        %swap3A_473 = vector.shape_cast %add3A_468 : vector<16xf32> to vector<1x16xf32>
        tpu.vector_store %arg17[%swap3A_469, %swap3A_470], %swap3A_473 {strides = array<i32>} : memref<16x512xf32, #tpu.memory_space<vmem>>, vector<1x16xf32>,
        %mul3A_474 = arith.constant 2 : i32
        %mul3A_475 = arith.muli %mul3A_474, %scan3A_225 : i32
        %get3A_476 = arith.index_cast %mul3A_475 : i32 to index
        %get3A_477 = arith.constant 176 : index
        %get3A_478 = tpu.vector_load %arg13[%get3A_476, %get3A_477] {strides = array<i32>} : memref<32x512xf32, #tpu.memory_space<vmem>>, vector<1x16xf32>,
        %get3A_479 = vector.shape_cast %get3A_478 : vector<1x16xf32> to vector<16xf32>
        %mul3A_480 = arith.constant 2 : i32
        %mul3A_481 = arith.muli %mul3A_480, %scan3A_225 : i32
        %add3A_482 = arith.constant 1 : i32
        %add3A_483 = arith.addi %mul3A_481, %add3A_482 : i32
        %get3A_484 = arith.index_cast %add3A_483 : i32 to index
        %get3A_485 = arith.constant 176 : index
        %get3A_486 = tpu.vector_load %arg13[%get3A_484, %get3A_485] {strides = array<i32>} : memref<32x512xf32, #tpu.memory_space<vmem>>, vector<1x16xf32>,
        %get3A_487 = vector.shape_cast %get3A_486 : vector<1x16xf32> to vector<16xf32>
        %mul3A_488 = arith.mulf %get3A_228, %get3A_479 : vector<16xf32>
        %mul3A_489 = arith.mulf %get3A_232, %get3A_487 : vector<16xf32>
        %add3A_490 = arith.addf %mul3A_488, %mul3A_489 : vector<16xf32>
        %swap3A_491 = arith.index_cast %scan3A_225 : i32 to index
        %swap3A_492 = arith.constant 176 : index
        %swap3A_493 = tpu.vector_load %arg17[%swap3A_491, %swap3A_492] {strides = array<i32>} : memref<16x512xf32, #tpu.memory_space<vmem>>, vector<1x16xf32>,
        %swap3A_494 = vector.shape_cast %swap3A_493 : vector<1x16xf32> to vector<16xf32>
        %swap3A_495 = vector.shape_cast %add3A_490 : vector<16xf32> to vector<1x16xf32>
        tpu.vector_store %arg17[%swap3A_491, %swap3A_492], %swap3A_495 {strides = array<i32>} : memref<16x512xf32, #tpu.memory_space<vmem>>, vector<1x16xf32>,
        %mul3A_496 = arith.constant 2 : i32
        %mul3A_497 = arith.muli %mul3A_496, %scan3A_225 : i32
        %get3A_498 = arith.index_cast %mul3A_497 : i32 to index
        %get3A_499 = arith.constant 192 : index
        %get3A_500 = tpu.vector_load %arg13[%get3A_498, %get3A_499] {strides = array<i32>} : memref<32x512xf32, #tpu.memory_space<vmem>>, vector<1x16xf32>,
        %get3A_501 = vector.shape_cast %get3A_500 : vector<1x16xf32> to vector<16xf32>
        %mul3A_502 = arith.constant 2 : i32
        %mul3A_503 = arith.muli %mul3A_502, %scan3A_225 : i32
        %add3A_504 = arith.constant 1 : i32
        %add3A_505 = arith.addi %mul3A_503, %add3A_504 : i32
        %get3A_506 = arith.index_cast %add3A_505 : i32 to index
        %get3A_507 = arith.constant 192 : index
        %get3A_508 = tpu.vector_load %arg13[%get3A_506, %get3A_507] {strides = array<i32>} : memref<32x512xf32, #tpu.memory_space<vmem>>, vector<1x16xf32>,
        %get3A_509 = vector.shape_cast %get3A_508 : vector<1x16xf32> to vector<16xf32>
        %mul3A_510 = arith.mulf %get3A_228, %get3A_501 : vector<16xf32>
        %mul3A_511 = arith.mulf %get3A_232, %get3A_509 : vector<16xf32>
        %add3A_512 = arith.addf %mul3A_510, %mul3A_511 : vector<16xf32>
        %swap3A_513 = arith.index_cast %scan3A_225 : i32 to index
        %swap3A_514 = arith.constant 192 : index
        %swap3A_515 = tpu.vector_load %arg17[%swap3A_513, %swap3A_514] {strides = array<i32>} : memref<16x512xf32, #tpu.memory_space<vmem>>, vector<1x16xf32>,
        %swap3A_516 = vector.shape_cast %swap3A_515 : vector<1x16xf32> to vector<16xf32>
        %swap3A_517 = vector.shape_cast %add3A_512 : vector<16xf32> to vector<1x16xf32>
        tpu.vector_store %arg17[%swap3A_513, %swap3A_514], %swap3A_517 {strides = array<i32>} : memref<16x512xf32, #tpu.memory_space<vmem>>, vector<1x16xf32>,
        %mul3A_518 = arith.constant 2 : i32
        %mul3A_519 = arith.muli %mul3A_518, %scan3A_225 : i32
        %get3A_520 = arith.index_cast %mul3A_519 : i32 to index
        %get3A_521 = arith.constant 208 : index
        %get3A_522 = tpu.vector_load %arg13[%get3A_520, %get3A_521] {strides = array<i32>} : memref<32x512xf32, #tpu.memory_space<vmem>>, vector<1x16xf32>,
        %get3A_523 = vector.shape_cast %get3A_522 : vector<1x16xf32> to vector<16xf32>
        %mul3A_524 = arith.constant 2 : i32
        %mul3A_525 = arith.muli %mul3A_524, %scan3A_225 : i32
        %add3A_526 = arith.constant 1 : i32
        %add3A_527 = arith.addi %mul3A_525, %add3A_526 : i32
        %get3A_528 = arith.index_cast %add3A_527 : i32 to index
        %get3A_529 = arith.constant 208 : index
        %get3A_530 = tpu.vector_load %arg13[%get3A_528, %get3A_529] {strides = array<i32>} : memref<32x512xf32, #tpu.memory_space<vmem>>, vector<1x16xf32>,
        %get3A_531 = vector.shape_cast %get3A_530 : vector<1x16xf32> to vector<16xf32>
        %mul3A_532 = arith.mulf %get3A_228, %get3A_523 : vector<16xf32>
        %mul3A_533 = arith.mulf %get3A_232, %get3A_531 : vector<16xf32>
        %add3A_534 = arith.addf %mul3A_532, %mul3A_533 : vector<16xf32>
        %swap3A_535 = arith.index_cast %scan3A_225 : i32 to index
        %swap3A_536 = arith.constant 208 : index
        %swap3A_537 = tpu.vector_load %arg17[%swap3A_535, %swap3A_536] {strides = array<i32>} : memref<16x512xf32, #tpu.memory_space<vmem>>, vector<1x16xf32>,
        %swap3A_538 = vector.shape_cast %swap3A_537 : vector<1x16xf32> to vector<16xf32>
        %swap3A_539 = vector.shape_cast %add3A_534 : vector<16xf32> to vector<1x16xf32>
        tpu.vector_store %arg17[%swap3A_535, %swap3A_536], %swap3A_539 {strides = array<i32>} : memref<16x512xf32, #tpu.memory_space<vmem>>, vector<1x16xf32>,
        %mul3A_540 = arith.constant 2 : i32
        %mul3A_541 = arith.muli %mul3A_540, %scan3A_225 : i32
        %get3A_542 = arith.index_cast %mul3A_541 : i32 to index
        %get3A_543 = arith.constant 224 : index
        %get3A_544 = tpu.vector_load %arg13[%get3A_542, %get3A_543] {strides = array<i32>} : memref<32x512xf32, #tpu.memory_space<vmem>>, vector<1x16xf32>,
        %get3A_545 = vector.shape_cast %get3A_544 : vector<1x16xf32> to vector<16xf32>
        %mul3A_546 = arith.constant 2 : i32
        %mul3A_547 = arith.muli %mul3A_546, %scan3A_225 : i32
        %add3A_548 = arith.constant 1 : i32
        %add3A_549 = arith.addi %mul3A_547, %add3A_548 : i32
        %get3A_550 = arith.index_cast %add3A_549 : i32 to index
        %get3A_551 = arith.constant 224 : index
        %get3A_552 = tpu.vector_load %arg13[%get3A_550, %get3A_551] {strides = array<i32>} : memref<32x512xf32, #tpu.memory_space<vmem>>, vector<1x16xf32>,
        %get3A_553 = vector.shape_cast %get3A_552 : vector<1x16xf32> to vector<16xf32>
        %mul3A_554 = arith.mulf %get3A_228, %get3A_545 : vector<16xf32>
        %mul3A_555 = arith.mulf %get3A_232, %get3A_553 : vector<16xf32>
        %add3A_556 = arith.addf %mul3A_554, %mul3A_555 : vector<16xf32>
        %swap3A_557 = arith.index_cast %scan3A_225 : i32 to index
        %swap3A_558 = arith.constant 224 : index
        %swap3A_559 = tpu.vector_load %arg17[%swap3A_557, %swap3A_558] {strides = array<i32>} : memref<16x512xf32, #tpu.memory_space<vmem>>, vector<1x16xf32>,
        %swap3A_560 = vector.shape_cast %swap3A_559 : vector<1x16xf32> to vector<16xf32>
        %swap3A_561 = vector.shape_cast %add3A_556 : vector<16xf32> to vector<1x16xf32>
        tpu.vector_store %arg17[%swap3A_557, %swap3A_558], %swap3A_561 {strides = array<i32>} : memref<16x512xf32, #tpu.memory_space<vmem>>, vector<1x16xf32>,
        %mul3A_562 = arith.constant 2 : i32
        %mul3A_563 = arith.muli %mul3A_562, %scan3A_225 : i32
        %get3A_564 = arith.index_cast %mul3A_563 : i32 to index
        %get3A_565 = arith.constant 240 : index
        %get3A_566 = tpu.vector_load %arg13[%get3A_564, %get3A_565] {strides = array<i32>} : memref<32x512xf32, #tpu.memory_space<vmem>>, vector<1x16xf32>,
        %get3A_567 = vector.shape_cast %get3A_566 : vector<1x16xf32> to vector<16xf32>
        %mul3A_568 = arith.constant 2 : i32
        %mul3A_569 = arith.muli %mul3A_568, %scan3A_225 : i32
        %add3A_570 = arith.constant 1 : i32
        %add3A_571 = arith.addi %mul3A_569, %add3A_570 : i32
        %get3A_572 = arith.index_cast %add3A_571 : i32 to index
        %get3A_573 = arith.constant 240 : index
        %get3A_574 = tpu.vector_load %arg13[%get3A_572, %get3A_573] {strides = array<i32>} : memref<32x512xf32, #tpu.memory_space<vmem>>, vector<1x16xf32>,
        %get3A_575 = vector.shape_cast %get3A_574 : vector<1x16xf32> to vector<16xf32>
        %mul3A_576 = arith.mulf %get3A_228, %get3A_567 : vector<16xf32>
        %mul3A_577 = arith.mulf %get3A_232, %get3A_575 : vector<16xf32>
        %add3A_578 = arith.addf %mul3A_576, %mul3A_577 : vector<16xf32>
        %swap3A_579 = arith.index_cast %scan3A_225 : i32 to index
        %swap3A_580 = arith.constant 240 : index
        %swap3A_581 = tpu.vector_load %arg17[%swap3A_579, %swap3A_580] {strides = array<i32>} : memref<16x512xf32, #tpu.memory_space<vmem>>, vector<1x16xf32>,
        %swap3A_582 = vector.shape_cast %swap3A_581 : vector<1x16xf32> to vector<16xf32>
        %swap3A_583 = vector.shape_cast %add3A_578 : vector<16xf32> to vector<1x16xf32>
        tpu.vector_store %arg17[%swap3A_579, %swap3A_580], %swap3A_583 {strides = array<i32>} : memref<16x512xf32, #tpu.memory_space<vmem>>, vector<1x16xf32>,
        %mul3A_584 = arith.constant 2 : i32
        %mul3A_585 = arith.muli %mul3A_584, %scan3A_225 : i32
        %get3A_586 = arith.index_cast %mul3A_585 : i32 to index
        %get3A_587 = arith.constant 256 : index
        %get3A_588 = tpu.vector_load %arg13[%get3A_586, %get3A_587] {strides = array<i32>} : memref<32x512xf32, #tpu.memory_space<vmem>>, vector<1x16xf32>,
        %get3A_589 = vector.shape_cast %get3A_588 : vector<1x16xf32> to vector<16xf32>
        %mul3A_590 = arith.constant 2 : i32
        %mul3A_591 = arith.muli %mul3A_590, %scan3A_225 : i32
        %add3A_592 = arith.constant 1 : i32
        %add3A_593 = arith.addi %mul3A_591, %add3A_592 : i32
        %get3A_594 = arith.index_cast %add3A_593 : i32 to index
        %get3A_595 = arith.constant 256 : index
        %get3A_596 = tpu.vector_load %arg13[%get3A_594, %get3A_595] {strides = array<i32>} : memref<32x512xf32, #tpu.memory_space<vmem>>, vector<1x16xf32>,
        %get3A_597 = vector.shape_cast %get3A_596 : vector<1x16xf32> to vector<16xf32>
        %mul3A_598 = arith.mulf %get3A_228, %get3A_589 : vector<16xf32>
        %mul3A_599 = arith.mulf %get3A_232, %get3A_597 : vector<16xf32>
        %add3A_600 = arith.addf %mul3A_598, %mul3A_599 : vector<16xf32>
        %swap3A_601 = arith.index_cast %scan3A_225 : i32 to index
        %swap3A_602 = arith.constant 256 : index
        %swap3A_603 = tpu.vector_load %arg17[%swap3A_601, %swap3A_602] {strides = array<i32>} : memref<16x512xf32, #tpu.memory_space<vmem>>, vector<1x16xf32>,
        %swap3A_604 = vector.shape_cast %swap3A_603 : vector<1x16xf32> to vector<16xf32>
        %swap3A_605 = vector.shape_cast %add3A_600 : vector<16xf32> to vector<1x16xf32>
        tpu.vector_store %arg17[%swap3A_601, %swap3A_602], %swap3A_605 {strides = array<i32>} : memref<16x512xf32, #tpu.memory_space<vmem>>, vector<1x16xf32>,
        %mul3A_606 = arith.constant 2 : i32
        %mul3A_607 = arith.muli %mul3A_606, %scan3A_225 : i32
        %get3A_608 = arith.index_cast %mul3A_607 : i32 to index
        %get3A_609 = arith.constant 272 : index
        %get3A_610 = tpu.vector_load %arg13[%get3A_608, %get3A_609] {strides = array<i32>} : memref<32x512xf32, #tpu.memory_space<vmem>>, vector<1x16xf32>,
        %get3A_611 = vector.shape_cast %get3A_610 : vector<1x16xf32> to vector<16xf32>
        %mul3A_612 = arith.constant 2 : i32
        %mul3A_613 = arith.muli %mul3A_612, %scan3A_225 : i32
        %add3A_614 = arith.constant 1 : i32
        %add3A_615 = arith.addi %mul3A_613, %add3A_614 : i32
        %get3A_616 = arith.index_cast %add3A_615 : i32 to index
        %get3A_617 = arith.constant 272 : index
        %get3A_618 = tpu.vector_load %arg13[%get3A_616, %get3A_617] {strides = array<i32>} : memref<32x512xf32, #tpu.memory_space<vmem>>, vector<1x16xf32>,
        %get3A_619 = vector.shape_cast %get3A_618 : vector<1x16xf32> to vector<16xf32>
        %mul3A_620 = arith.mulf %get3A_228, %get3A_611 : vector<16xf32>
        %mul3A_621 = arith.mulf %get3A_232, %get3A_619 : vector<16xf32>
        %add3A_622 = arith.addf %mul3A_620, %mul3A_621 : vector<16xf32>
        %swap3A_623 = arith.index_cast %scan3A_225 : i32 to index
        %swap3A_624 = arith.constant 272 : index
        %swap3A_625 = tpu.vector_load %arg17[%swap3A_623, %swap3A_624] {strides = array<i32>} : memref<16x512xf32, #tpu.memory_space<vmem>>, vector<1x16xf32>,
        %swap3A_626 = vector.shape_cast %swap3A_625 : vector<1x16xf32> to vector<16xf32>
        %swap3A_627 = vector.shape_cast %add3A_622 : vector<16xf32> to vector<1x16xf32>
        tpu.vector_store %arg17[%swap3A_623, %swap3A_624], %swap3A_627 {strides = array<i32>} : memref<16x512xf32, #tpu.memory_space<vmem>>, vector<1x16xf32>,
        %mul3A_628 = arith.constant 2 : i32
        %mul3A_629 = arith.muli %mul3A_628, %scan3A_225 : i32
        %get3A_630 = arith.index_cast %mul3A_629 : i32 to index
        %get3A_631 = arith.constant 288 : index
        %get3A_632 = tpu.vector_load %arg13[%get3A_630, %get3A_631] {strides = array<i32>} : memref<32x512xf32, #tpu.memory_space<vmem>>, vector<1x16xf32>,
        %get3A_633 = vector.shape_cast %get3A_632 : vector<1x16xf32> to vector<16xf32>
        %mul3A_634 = arith.constant 2 : i32
        %mul3A_635 = arith.muli %mul3A_634, %scan3A_225 : i32
        %add3A_636 = arith.constant 1 : i32
        %add3A_637 = arith.addi %mul3A_635, %add3A_636 : i32
        %get3A_638 = arith.index_cast %add3A_637 : i32 to index
        %get3A_639 = arith.constant 288 : index
        %get3A_640 = tpu.vector_load %arg13[%get3A_638, %get3A_639] {strides = array<i32>} : memref<32x512xf32, #tpu.memory_space<vmem>>, vector<1x16xf32>,
        %get3A_641 = vector.shape_cast %get3A_640 : vector<1x16xf32> to vector<16xf32>
        %mul3A_642 = arith.mulf %get3A_228, %get3A_633 : vector<16xf32>
        %mul3A_643 = arith.mulf %get3A_232, %get3A_641 : vector<16xf32>
        %add3A_644 = arith.addf %mul3A_642, %mul3A_643 : vector<16xf32>
        %swap3A_645 = arith.index_cast %scan3A_225 : i32 to index
        %swap3A_646 = arith.constant 288 : index
        %swap3A_647 = tpu.vector_load %arg17[%swap3A_645, %swap3A_646] {strides = array<i32>} : memref<16x512xf32, #tpu.memory_space<vmem>>, vector<1x16xf32>,
        %swap3A_648 = vector.shape_cast %swap3A_647 : vector<1x16xf32> to vector<16xf32>
        %swap3A_649 = vector.shape_cast %add3A_644 : vector<16xf32> to vector<1x16xf32>
        tpu.vector_store %arg17[%swap3A_645, %swap3A_646], %swap3A_649 {strides = array<i32>} : memref<16x512xf32, #tpu.memory_space<vmem>>, vector<1x16xf32>,
        %mul3A_650 = arith.constant 2 : i32
        %mul3A_651 = arith.muli %mul3A_650, %scan3A_225 : i32
        %get3A_652 = arith.index_cast %mul3A_651 : i32 to index
        %get3A_653 = arith.constant 304 : index
        %get3A_654 = tpu.vector_load %arg13[%get3A_652, %get3A_653] {strides = array<i32>} : memref<32x512xf32, #tpu.memory_space<vmem>>, vector<1x16xf32>,
        %get3A_655 = vector.shape_cast %get3A_654 : vector<1x16xf32> to vector<16xf32>
        %mul3A_656 = arith.constant 2 : i32
        %mul3A_657 = arith.muli %mul3A_656, %scan3A_225 : i32
        %add3A_658 = arith.constant 1 : i32
        %add3A_659 = arith.addi %mul3A_657, %add3A_658 : i32
        %get3A_660 = arith.index_cast %add3A_659 : i32 to index
        %get3A_661 = arith.constant 304 : index
        %get3A_662 = tpu.vector_load %arg13[%get3A_660, %get3A_661] {strides = array<i32>} : memref<32x512xf32, #tpu.memory_space<vmem>>, vector<1x16xf32>,
        %get3A_663 = vector.shape_cast %get3A_662 : vector<1x16xf32> to vector<16xf32>
        %mul3A_664 = arith.mulf %get3A_228, %get3A_655 : vector<16xf32>
        %mul3A_665 = arith.mulf %get3A_232, %get3A_663 : vector<16xf32>
        %add3A_666 = arith.addf %mul3A_664, %mul3A_665 : vector<16xf32>
        %swap3A_667 = arith.index_cast %scan3A_225 : i32 to index
        %swap3A_668 = arith.constant 304 : index
        %swap3A_669 = tpu.vector_load %arg17[%swap3A_667, %swap3A_668] {strides = array<i32>} : memref<16x512xf32, #tpu.memory_space<vmem>>, vector<1x16xf32>,
        %swap3A_670 = vector.shape_cast %swap3A_669 : vector<1x16xf32> to vector<16xf32>
        %swap3A_671 = vector.shape_cast %add3A_666 : vector<16xf32> to vector<1x16xf32>
        tpu.vector_store %arg17[%swap3A_667, %swap3A_668], %swap3A_671 {strides = array<i32>} : memref<16x512xf32, #tpu.memory_space<vmem>>, vector<1x16xf32>,
        %mul3A_672 = arith.constant 2 : i32
        %mul3A_673 = arith.muli %mul3A_672, %scan3A_225 : i32
        %get3A_674 = arith.index_cast %mul3A_673 : i32 to index
        %get3A_675 = arith.constant 320 : index
        %get3A_676 = tpu.vector_load %arg13[%get3A_674, %get3A_675] {strides = array<i32>} : memref<32x512xf32, #tpu.memory_space<vmem>>, vector<1x16xf32>,
        %get3A_677 = vector.shape_cast %get3A_676 : vector<1x16xf32> to vector<16xf32>
        %mul3A_678 = arith.constant 2 : i32
        %mul3A_679 = arith.muli %mul3A_678, %scan3A_225 : i32
        %add3A_680 = arith.constant 1 : i32
        %add3A_681 = arith.addi %mul3A_679, %add3A_680 : i32
        %get3A_682 = arith.index_cast %add3A_681 : i32 to index
        %get3A_683 = arith.constant 320 : index
        %get3A_684 = tpu.vector_load %arg13[%get3A_682, %get3A_683] {strides = array<i32>} : memref<32x512xf32, #tpu.memory_space<vmem>>, vector<1x16xf32>,
        %get3A_685 = vector.shape_cast %get3A_684 : vector<1x16xf32> to vector<16xf32>
        %mul3A_686 = arith.mulf %get3A_228, %get3A_677 : vector<16xf32>
        %mul3A_687 = arith.mulf %get3A_232, %get3A_685 : vector<16xf32>
        %add3A_688 = arith.addf %mul3A_686, %mul3A_687 : vector<16xf32>
        %swap3A_689 = arith.index_cast %scan3A_225 : i32 to index
        %swap3A_690 = arith.constant 320 : index
        %swap3A_691 = tpu.vector_load %arg17[%swap3A_689, %swap3A_690] {strides = array<i32>} : memref<16x512xf32, #tpu.memory_space<vmem>>, vector<1x16xf32>,
        %swap3A_692 = vector.shape_cast %swap3A_691 : vector<1x16xf32> to vector<16xf32>
        %swap3A_693 = vector.shape_cast %add3A_688 : vector<16xf32> to vector<1x16xf32>
        tpu.vector_store %arg17[%swap3A_689, %swap3A_690], %swap3A_693 {strides = array<i32>} : memref<16x512xf32, #tpu.memory_space<vmem>>, vector<1x16xf32>,
        %mul3A_694 = arith.constant 2 : i32
        %mul3A_695 = arith.muli %mul3A_694, %scan3A_225 : i32
        %get3A_696 = arith.index_cast %mul3A_695 : i32 to index
        %get3A_697 = arith.constant 336 : index
        %get3A_698 = tpu.vector_load %arg13[%get3A_696, %get3A_697] {strides = array<i32>} : memref<32x512xf32, #tpu.memory_space<vmem>>, vector<1x16xf32>,
        %get3A_699 = vector.shape_cast %get3A_698 : vector<1x16xf32> to vector<16xf32>
        %mul3A_700 = arith.constant 2 : i32
        %mul3A_701 = arith.muli %mul3A_700, %scan3A_225 : i32
        %add3A_702 = arith.constant 1 : i32
        %add3A_703 = arith.addi %mul3A_701, %add3A_702 : i32
        %get3A_704 = arith.index_cast %add3A_703 : i32 to index
        %get3A_705 = arith.constant 336 : index
        %get3A_706 = tpu.vector_load %arg13[%get3A_704, %get3A_705] {strides = array<i32>} : memref<32x512xf32, #tpu.memory_space<vmem>>, vector<1x16xf32>,
        %get3A_707 = vector.shape_cast %get3A_706 : vector<1x16xf32> to vector<16xf32>
        %mul3A_708 = arith.mulf %get3A_228, %get3A_699 : vector<16xf32>
        %mul3A_709 = arith.mulf %get3A_232, %get3A_707 : vector<16xf32>
        %add3A_710 = arith.addf %mul3A_708, %mul3A_709 : vector<16xf32>
        %swap3A_711 = arith.index_cast %scan3A_225 : i32 to index
        %swap3A_712 = arith.constant 336 : index
        %swap3A_713 = tpu.vector_load %arg17[%swap3A_711, %swap3A_712] {strides = array<i32>} : memref<16x512xf32, #tpu.memory_space<vmem>>, vector<1x16xf32>,
        %swap3A_714 = vector.shape_cast %swap3A_713 : vector<1x16xf32> to vector<16xf32>
        %swap3A_715 = vector.shape_cast %add3A_710 : vector<16xf32> to vector<1x16xf32>
        tpu.vector_store %arg17[%swap3A_711, %swap3A_712], %swap3A_715 {strides = array<i32>} : memref<16x512xf32, #tpu.memory_space<vmem>>, vector<1x16xf32>,
        %mul3A_716 = arith.constant 2 : i32
        %mul3A_717 = arith.muli %mul3A_716, %scan3A_225 : i32
        %get3A_718 = arith.index_cast %mul3A_717 : i32 to index
        %get3A_719 = arith.constant 352 : index
        %get3A_720 = tpu.vector_load %arg13[%get3A_718, %get3A_719] {strides = array<i32>} : memref<32x512xf32, #tpu.memory_space<vmem>>, vector<1x16xf32>,
        %get3A_721 = vector.shape_cast %get3A_720 : vector<1x16xf32> to vector<16xf32>
        %mul3A_722 = arith.constant 2 : i32
        %mul3A_723 = arith.muli %mul3A_722, %scan3A_225 : i32
        %add3A_724 = arith.constant 1 : i32
        %add3A_725 = arith.addi %mul3A_723, %add3A_724 : i32
        %get3A_726 = arith.index_cast %add3A_725 : i32 to index
        %get3A_727 = arith.constant 352 : index
        %get3A_728 = tpu.vector_load %arg13[%get3A_726, %get3A_727] {strides = array<i32>} : memref<32x512xf32, #tpu.memory_space<vmem>>, vector<1x16xf32>,
        %get3A_729 = vector.shape_cast %get3A_728 : vector<1x16xf32> to vector<16xf32>
        %mul3A_730 = arith.mulf %get3A_228, %get3A_721 : vector<16xf32>
        %mul3A_731 = arith.mulf %get3A_232, %get3A_729 : vector<16xf32>
        %add3A_732 = arith.addf %mul3A_730, %mul3A_731 : vector<16xf32>
        %swap3A_733 = arith.index_cast %scan3A_225 : i32 to index
        %swap3A_734 = arith.constant 352 : index
        %swap3A_735 = tpu.vector_load %arg17[%swap3A_733, %swap3A_734] {strides = array<i32>} : memref<16x512xf32, #tpu.memory_space<vmem>>, vector<1x16xf32>,
        %swap3A_736 = vector.shape_cast %swap3A_735 : vector<1x16xf32> to vector<16xf32>
        %swap3A_737 = vector.shape_cast %add3A_732 : vector<16xf32> to vector<1x16xf32>
        tpu.vector_store %arg17[%swap3A_733, %swap3A_734], %swap3A_737 {strides = array<i32>} : memref<16x512xf32, #tpu.memory_space<vmem>>, vector<1x16xf32>,
        %mul3A_738 = arith.constant 2 : i32
        %mul3A_739 = arith.muli %mul3A_738, %scan3A_225 : i32
        %get3A_740 = arith.index_cast %mul3A_739 : i32 to index
        %get3A_741 = arith.constant 368 : index
        %get3A_742 = tpu.vector_load %arg13[%get3A_740, %get3A_741] {strides = array<i32>} : memref<32x512xf32, #tpu.memory_space<vmem>>, vector<1x16xf32>,
        %get3A_743 = vector.shape_cast %get3A_742 : vector<1x16xf32> to vector<16xf32>
        %mul3A_744 = arith.constant 2 : i32
        %mul3A_745 = arith.muli %mul3A_744, %scan3A_225 : i32
        %add3A_746 = arith.constant 1 : i32
        %add3A_747 = arith.addi %mul3A_745, %add3A_746 : i32
        %get3A_748 = arith.index_cast %add3A_747 : i32 to index
        %get3A_749 = arith.constant 368 : index
        %get3A_750 = tpu.vector_load %arg13[%get3A_748, %get3A_749] {strides = array<i32>} : memref<32x512xf32, #tpu.memory_space<vmem>>, vector<1x16xf32>,
        %get3A_751 = vector.shape_cast %get3A_750 : vector<1x16xf32> to vector<16xf32>
        %mul3A_752 = arith.mulf %get3A_228, %get3A_743 : vector<16xf32>
        %mul3A_753 = arith.mulf %get3A_232, %get3A_751 : vector<16xf32>
        %add3A_754 = arith.addf %mul3A_752, %mul3A_753 : vector<16xf32>
        %swap3A_755 = arith.index_cast %scan3A_225 : i32 to index
        %swap3A_756 = arith.constant 368 : index
        %swap3A_757 = tpu.vector_load %arg17[%swap3A_755, %swap3A_756] {strides = array<i32>} : memref<16x512xf32, #tpu.memory_space<vmem>>, vector<1x16xf32>,
        %swap3A_758 = vector.shape_cast %swap3A_757 : vector<1x16xf32> to vector<16xf32>
        %swap3A_759 = vector.shape_cast %add3A_754 : vector<16xf32> to vector<1x16xf32>
        tpu.vector_store %arg17[%swap3A_755, %swap3A_756], %swap3A_759 {strides = array<i32>} : memref<16x512xf32, #tpu.memory_space<vmem>>, vector<1x16xf32>,
        %mul3A_760 = arith.constant 2 : i32
        %mul3A_761 = arith.muli %mul3A_760, %scan3A_225 : i32
        %get3A_762 = arith.index_cast %mul3A_761 : i32 to index
        %get3A_763 = arith.constant 384 : index
        %get3A_764 = tpu.vector_load %arg13[%get3A_762, %get3A_763] {strides = array<i32>} : memref<32x512xf32, #tpu.memory_space<vmem>>, vector<1x16xf32>,
        %get3A_765 = vector.shape_cast %get3A_764 : vector<1x16xf32> to vector<16xf32>
        %mul3A_766 = arith.constant 2 : i32
        %mul3A_767 = arith.muli %mul3A_766, %scan3A_225 : i32
        %add3A_768 = arith.constant 1 : i32
        %add3A_769 = arith.addi %mul3A_767, %add3A_768 : i32
        %get3A_770 = arith.index_cast %add3A_769 : i32 to index
        %get3A_771 = arith.constant 384 : index
        %get3A_772 = tpu.vector_load %arg13[%get3A_770, %get3A_771] {strides = array<i32>} : memref<32x512xf32, #tpu.memory_space<vmem>>, vector<1x16xf32>,
        %get3A_773 = vector.shape_cast %get3A_772 : vector<1x16xf32> to vector<16xf32>
        %mul3A_774 = arith.mulf %get3A_228, %get3A_765 : vector<16xf32>
        %mul3A_775 = arith.mulf %get3A_232, %get3A_773 : vector<16xf32>
        %add3A_776 = arith.addf %mul3A_774, %mul3A_775 : vector<16xf32>
        %swap3A_777 = arith.index_cast %scan3A_225 : i32 to index
        %swap3A_778 = arith.constant 384 : index
        %swap3A_779 = tpu.vector_load %arg17[%swap3A_777, %swap3A_778] {strides = array<i32>} : memref<16x512xf32, #tpu.memory_space<vmem>>, vector<1x16xf32>,
        %swap3A_780 = vector.shape_cast %swap3A_779 : vector<1x16xf32> to vector<16xf32>
        %swap3A_781 = vector.shape_cast %add3A_776 : vector<16xf32> to vector<1x16xf32>
        tpu.vector_store %arg17[%swap3A_777, %swap3A_778], %swap3A_781 {strides = array<i32>} : memref<16x512xf32, #tpu.memory_space<vmem>>, vector<1x16xf32>,
        %mul3A_782 = arith.constant 2 : i32
        %mul3A_783 = arith.muli %mul3A_782, %scan3A_225 : i32
        %get3A_784 = arith.index_cast %mul3A_783 : i32 to index
        %get3A_785 = arith.constant 400 : index
        %get3A_786 = tpu.vector_load %arg13[%get3A_784, %get3A_785] {strides = array<i32>} : memref<32x512xf32, #tpu.memory_space<vmem>>, vector<1x16xf32>,
        %get3A_787 = vector.shape_cast %get3A_786 : vector<1x16xf32> to vector<16xf32>
        %mul3A_788 = arith.constant 2 : i32
        %mul3A_789 = arith.muli %mul3A_788, %scan3A_225 : i32
        %add3A_790 = arith.constant 1 : i32
        %add3A_791 = arith.addi %mul3A_789, %add3A_790 : i32
        %get3A_792 = arith.index_cast %add3A_791 : i32 to index
        %get3A_793 = arith.constant 400 : index
        %get3A_794 = tpu.vector_load %arg13[%get3A_792, %get3A_793] {strides = array<i32>} : memref<32x512xf32, #tpu.memory_space<vmem>>, vector<1x16xf32>,
        %get3A_795 = vector.shape_cast %get3A_794 : vector<1x16xf32> to vector<16xf32>
        %mul3A_796 = arith.mulf %get3A_228, %get3A_787 : vector<16xf32>
        %mul3A_797 = arith.mulf %get3A_232, %get3A_795 : vector<16xf32>
        %add3A_798 = arith.addf %mul3A_796, %mul3A_797 : vector<16xf32>
        %swap3A_799 = arith.index_cast %scan3A_225 : i32 to index
        %swap3A_800 = arith.constant 400 : index
        %swap3A_801 = tpu.vector_load %arg17[%swap3A_799, %swap3A_800] {strides = array<i32>} : memref<16x512xf32, #tpu.memory_space<vmem>>, vector<1x16xf32>,
        %swap3A_802 = vector.shape_cast %swap3A_801 : vector<1x16xf32> to vector<16xf32>
        %swap3A_803 = vector.shape_cast %add3A_798 : vector<16xf32> to vector<1x16xf32>
        tpu.vector_store %arg17[%swap3A_799, %swap3A_800], %swap3A_803 {strides = array<i32>} : memref<16x512xf32, #tpu.memory_space<vmem>>, vector<1x16xf32>,
        %mul3A_804 = arith.constant 2 : i32
        %mul3A_805 = arith.muli %mul3A_804, %scan3A_225 : i32
        %get3A_806 = arith.index_cast %mul3A_805 : i32 to index
        %get3A_807 = arith.constant 416 : index
        %get3A_808 = tpu.vector_load %arg13[%get3A_806, %get3A_807] {strides = array<i32>} : memref<32x512xf32, #tpu.memory_space<vmem>>, vector<1x16xf32>,
        %get3A_809 = vector.shape_cast %get3A_808 : vector<1x16xf32> to vector<16xf32>
        %mul3A_810 = arith.constant 2 : i32
        %mul3A_811 = arith.muli %mul3A_810, %scan3A_225 : i32
        %add3A_812 = arith.constant 1 : i32
        %add3A_813 = arith.addi %mul3A_811, %add3A_812 : i32
        %get3A_814 = arith.index_cast %add3A_813 : i32 to index
        %get3A_815 = arith.constant 416 : index
        %get3A_816 = tpu.vector_load %arg13[%get3A_814, %get3A_815] {strides = array<i32>} : memref<32x512xf32, #tpu.memory_space<vmem>>, vector<1x16xf32>,
        %get3A_817 = vector.shape_cast %get3A_816 : vector<1x16xf32> to vector<16xf32>
        %mul3A_818 = arith.mulf %get3A_228, %get3A_809 : vector<16xf32>
        %mul3A_819 = arith.mulf %get3A_232, %get3A_817 : vector<16xf32>
        %add3A_820 = arith.addf %mul3A_818, %mul3A_819 : vector<16xf32>
        %swap3A_821 = arith.index_cast %scan3A_225 : i32 to index
        %swap3A_822 = arith.constant 416 : index
        %swap3A_823 = tpu.vector_load %arg17[%swap3A_821, %swap3A_822] {strides = array<i32>} : memref<16x512xf32, #tpu.memory_space<vmem>>, vector<1x16xf32>,
        %swap3A_824 = vector.shape_cast %swap3A_823 : vector<1x16xf32> to vector<16xf32>
        %swap3A_825 = vector.shape_cast %add3A_820 : vector<16xf32> to vector<1x16xf32>
        tpu.vector_store %arg17[%swap3A_821, %swap3A_822], %swap3A_825 {strides = array<i32>} : memref<16x512xf32, #tpu.memory_space<vmem>>, vector<1x16xf32>,
        %mul3A_826 = arith.constant 2 : i32
        %mul3A_827 = arith.muli %mul3A_826, %scan3A_225 : i32
        %get3A_828 = arith.index_cast %mul3A_827 : i32 to index
        %get3A_829 = arith.constant 432 : index
        %get3A_830 = tpu.vector_load %arg13[%get3A_828, %get3A_829] {strides = array<i32>} : memref<32x512xf32, #tpu.memory_space<vmem>>, vector<1x16xf32>,
        %get3A_831 = vector.shape_cast %get3A_830 : vector<1x16xf32> to vector<16xf32>
        %mul3A_832 = arith.constant 2 : i32
        %mul3A_833 = arith.muli %mul3A_832, %scan3A_225 : i32
        %add3A_834 = arith.constant 1 : i32
        %add3A_835 = arith.addi %mul3A_833, %add3A_834 : i32
        %get3A_836 = arith.index_cast %add3A_835 : i32 to index
        %get3A_837 = arith.constant 432 : index
        %get3A_838 = tpu.vector_load %arg13[%get3A_836, %get3A_837] {strides = array<i32>} : memref<32x512xf32, #tpu.memory_space<vmem>>, vector<1x16xf32>,
        %get3A_839 = vector.shape_cast %get3A_838 : vector<1x16xf32> to vector<16xf32>
        %mul3A_840 = arith.mulf %get3A_228, %get3A_831 : vector<16xf32>
        %mul3A_841 = arith.mulf %get3A_232, %get3A_839 : vector<16xf32>
        %add3A_842 = arith.addf %mul3A_840, %mul3A_841 : vector<16xf32>
        %swap3A_843 = arith.index_cast %scan3A_225 : i32 to index
        %swap3A_844 = arith.constant 432 : index
        %swap3A_845 = tpu.vector_load %arg17[%swap3A_843, %swap3A_844] {strides = array<i32>} : memref<16x512xf32, #tpu.memory_space<vmem>>, vector<1x16xf32>,
        %swap3A_846 = vector.shape_cast %swap3A_845 : vector<1x16xf32> to vector<16xf32>
        %swap3A_847 = vector.shape_cast %add3A_842 : vector<16xf32> to vector<1x16xf32>
        tpu.vector_store %arg17[%swap3A_843, %swap3A_844], %swap3A_847 {strides = array<i32>} : memref<16x512xf32, #tpu.memory_space<vmem>>, vector<1x16xf32>,
        %mul3A_848 = arith.constant 2 : i32
        %mul3A_849 = arith.muli %mul3A_848, %scan3A_225 : i32
        %get3A_850 = arith.index_cast %mul3A_849 : i32 to index
        %get3A_851 = arith.constant 448 : index
        %get3A_852 = tpu.vector_load %arg13[%get3A_850, %get3A_851] {strides = array<i32>} : memref<32x512xf32, #tpu.memory_space<vmem>>, vector<1x16xf32>,
        %get3A_853 = vector.shape_cast %get3A_852 : vector<1x16xf32> to vector<16xf32>
        %mul3A_854 = arith.constant 2 : i32
        %mul3A_855 = arith.muli %mul3A_854, %scan3A_225 : i32
        %add3A_856 = arith.constant 1 : i32
        %add3A_857 = arith.addi %mul3A_855, %add3A_856 : i32
        %get3A_858 = arith.index_cast %add3A_857 : i32 to index
        %get3A_859 = arith.constant 448 : index
        %get3A_860 = tpu.vector_load %arg13[%get3A_858, %get3A_859] {strides = array<i32>} : memref<32x512xf32, #tpu.memory_space<vmem>>, vector<1x16xf32>,
        %get3A_861 = vector.shape_cast %get3A_860 : vector<1x16xf32> to vector<16xf32>
        %mul3A_862 = arith.mulf %get3A_228, %get3A_853 : vector<16xf32>
        %mul3A_863 = arith.mulf %get3A_232, %get3A_861 : vector<16xf32>
        %add3A_864 = arith.addf %mul3A_862, %mul3A_863 : vector<16xf32>
        %swap3A_865 = arith.index_cast %scan3A_225 : i32 to index
        %swap3A_866 = arith.constant 448 : index
        %swap3A_867 = tpu.vector_load %arg17[%swap3A_865, %swap3A_866] {strides = array<i32>} : memref<16x512xf32, #tpu.memory_space<vmem>>, vector<1x16xf32>,
        %swap3A_868 = vector.shape_cast %swap3A_867 : vector<1x16xf32> to vector<16xf32>
        %swap3A_869 = vector.shape_cast %add3A_864 : vector<16xf32> to vector<1x16xf32>
        tpu.vector_store %arg17[%swap3A_865, %swap3A_866], %swap3A_869 {strides = array<i32>} : memref<16x512xf32, #tpu.memory_space<vmem>>, vector<1x16xf32>,
        %mul3A_870 = arith.constant 2 : i32
        %mul3A_871 = arith.muli %mul3A_870, %scan3A_225 : i32
        %get3A_872 = arith.index_cast %mul3A_871 : i32 to index
        %get3A_873 = arith.constant 464 : index
        %get3A_874 = tpu.vector_load %arg13[%get3A_872, %get3A_873] {strides = array<i32>} : memref<32x512xf32, #tpu.memory_space<vmem>>, vector<1x16xf32>,
        %get3A_875 = vector.shape_cast %get3A_874 : vector<1x16xf32> to vector<16xf32>
        %mul3A_876 = arith.constant 2 : i32
        %mul3A_877 = arith.muli %mul3A_876, %scan3A_225 : i32
        %add3A_878 = arith.constant 1 : i32
        %add3A_879 = arith.addi %mul3A_877, %add3A_878 : i32
        %get3A_880 = arith.index_cast %add3A_879 : i32 to index
        %get3A_881 = arith.constant 464 : index
        %get3A_882 = tpu.vector_load %arg13[%get3A_880, %get3A_881] {strides = array<i32>} : memref<32x512xf32, #tpu.memory_space<vmem>>, vector<1x16xf32>,
        %get3A_883 = vector.shape_cast %get3A_882 : vector<1x16xf32> to vector<16xf32>
        %mul3A_884 = arith.mulf %get3A_228, %get3A_875 : vector<16xf32>
        %mul3A_885 = arith.mulf %get3A_232, %get3A_883 : vector<16xf32>
        %add3A_886 = arith.addf %mul3A_884, %mul3A_885 : vector<16xf32>
        %swap3A_887 = arith.index_cast %scan3A_225 : i32 to index
        %swap3A_888 = arith.constant 464 : index
        %swap3A_889 = tpu.vector_load %arg17[%swap3A_887, %swap3A_888] {strides = array<i32>} : memref<16x512xf32, #tpu.memory_space<vmem>>, vector<1x16xf32>,
        %swap3A_890 = vector.shape_cast %swap3A_889 : vector<1x16xf32> to vector<16xf32>
        %swap3A_891 = vector.shape_cast %add3A_886 : vector<16xf32> to vector<1x16xf32>
        tpu.vector_store %arg17[%swap3A_887, %swap3A_888], %swap3A_891 {strides = array<i32>} : memref<16x512xf32, #tpu.memory_space<vmem>>, vector<1x16xf32>,
        %mul3A_892 = arith.constant 2 : i32
        %mul3A_893 = arith.muli %mul3A_892, %scan3A_225 : i32
        %get3A_894 = arith.index_cast %mul3A_893 : i32 to index
        %get3A_895 = arith.constant 480 : index
        %get3A_896 = tpu.vector_load %arg13[%get3A_894, %get3A_895] {strides = array<i32>} : memref<32x512xf32, #tpu.memory_space<vmem>>, vector<1x16xf32>,
        %get3A_897 = vector.shape_cast %get3A_896 : vector<1x16xf32> to vector<16xf32>
        %mul3A_898 = arith.constant 2 : i32
        %mul3A_899 = arith.muli %mul3A_898, %scan3A_225 : i32
        %add3A_900 = arith.constant 1 : i32
        %add3A_901 = arith.addi %mul3A_899, %add3A_900 : i32
        %get3A_902 = arith.index_cast %add3A_901 : i32 to index
        %get3A_903 = arith.constant 480 : index
        %get3A_904 = tpu.vector_load %arg13[%get3A_902, %get3A_903] {strides = array<i32>} : memref<32x512xf32, #tpu.memory_space<vmem>>, vector<1x16xf32>,
        %get3A_905 = vector.shape_cast %get3A_904 : vector<1x16xf32> to vector<16xf32>
        %mul3A_906 = arith.mulf %get3A_228, %get3A_897 : vector<16xf32>
        %mul3A_907 = arith.mulf %get3A_232, %get3A_905 : vector<16xf32>
        %add3A_908 = arith.addf %mul3A_906, %mul3A_907 : vector<16xf32>
        %swap3A_909 = arith.index_cast %scan3A_225 : i32 to index
        %swap3A_910 = arith.constant 480 : index
        %swap3A_911 = tpu.vector_load %arg17[%swap3A_909, %swap3A_910] {strides = array<i32>} : memref<16x512xf32, #tpu.memory_space<vmem>>, vector<1x16xf32>,
        %swap3A_912 = vector.shape_cast %swap3A_911 : vector<1x16xf32> to vector<16xf32>
        %swap3A_913 = vector.shape_cast %add3A_908 : vector<16xf32> to vector<1x16xf32>
        tpu.vector_store %arg17[%swap3A_909, %swap3A_910], %swap3A_913 {strides = array<i32>} : memref<16x512xf32, #tpu.memory_space<vmem>>, vector<1x16xf32>,
        %mul3A_914 = arith.constant 2 : i32
        %mul3A_915 = arith.muli %mul3A_914, %scan3A_225 : i32
        %get3A_916 = arith.index_cast %mul3A_915 : i32 to index
        %get3A_917 = arith.constant 496 : index
        %get3A_918 = tpu.vector_load %arg13[%get3A_916, %get3A_917] {strides = array<i32>} : memref<32x512xf32, #tpu.memory_space<vmem>>, vector<1x16xf32>,
        %get3A_919 = vector.shape_cast %get3A_918 : vector<1x16xf32> to vector<16xf32>
        %mul3A_920 = arith.constant 2 : i32
        %mul3A_921 = arith.muli %mul3A_920, %scan3A_225 : i32
        %add3A_922 = arith.constant 1 : i32
        %add3A_923 = arith.addi %mul3A_921, %add3A_922 : i32
        %get3A_924 = arith.index_cast %add3A_923 : i32 to index
        %get3A_925 = arith.constant 496 : index
        %get3A_926 = tpu.vector_load %arg13[%get3A_924, %get3A_925] {strides = array<i32>} : memref<32x512xf32, #tpu.memory_space<vmem>>, vector<1x16xf32>,
        %get3A_927 = vector.shape_cast %get3A_926 : vector<1x16xf32> to vector<16xf32>
        %mul3A_928 = arith.mulf %get3A_228, %get3A_919 : vector<16xf32>
        %mul3A_929 = arith.mulf %get3A_232, %get3A_927 : vector<16xf32>
        %add3A_930 = arith.addf %mul3A_928, %mul3A_929 : vector<16xf32>
        %swap3A_931 = arith.index_cast %scan3A_225 : i32 to index
        %swap3A_932 = arith.constant 496 : index
        %swap3A_933 = tpu.vector_load %arg17[%swap3A_931, %swap3A_932] {strides = array<i32>} : memref<16x512xf32, #tpu.memory_space<vmem>>, vector<1x16xf32>,
        %swap3A_934 = vector.shape_cast %swap3A_933 : vector<1x16xf32> to vector<16xf32>
        %swap3A_935 = vector.shape_cast %add3A_930 : vector<16xf32> to vector<1x16xf32>
        tpu.vector_store %arg17[%swap3A_931, %swap3A_932], %swap3A_935 {strides = array<i32>} : memref<16x512xf32, #tpu.memory_space<vmem>>, vector<1x16xf32>,
      }
      %scan3A_173 = arith.constant 16 : i32
      %dma_start3A_174 = arith.constant 0 : i32
      %dma_start3A_175 = tpu.memref_slice %arg5[%add3A_151, %dma_start3A_174] : memref<18432x512xf32, #tpu.memory_space<hbm>> -> memref<16x512xf32, #tpu.memory_space<hbm>>
      %dma_start3A_176 = arith.constant 0 : i32
      %dma_start3A_177 = tpu.memref_slice %arg5[%add3A_151, %dma_start3A_176] : memref<18432x512xf32, #tpu.memory_space<hbm>> -> memref<16x512xf32, #tpu.memory_space<hbm>>
      tpu.enqueue_dma source(%arg17 : memref<16x512xf32, #tpu.memory_space<vmem>>) target(%dma_start3A_177 : memref<16x512xf32, #tpu.memory_space<hbm>>) target_semaphore(%arg25 : memref<!tpu.dma_semaphore, #tpu.memory_space<semaphore_mem>>)
      %add3A_178 = arith.constant 4 : i32
      %add3A_179 = arith.addi %add3A_148, %add3A_178 : i32
      %lt3A_180 = arith.constant 36 : i32
      %lt3A_181 = arith.cmpi slt, %add3A_179, %lt3A_180 : i32
      %convert_element_type3A_182 = arith.extui %lt3A_181 : i1 to i32
      %cond3A_183 = arith.constant 0 : i32
      %cond3A_184 = arith.cmpi ne, %convert_element_type3A_182, %cond3A_183 : i32
      scf.if %cond3A_184 {
        %add3A_225 = arith.constant 4 : i32
        %add3A_226 = arith.addi %add3A_148, %add3A_225 : i32
        %mul3A_227 = arith.constant 2 : i32
        %mul3A_228 = arith.muli %add3A_226, %mul3A_227 : i32
        %mul3A_229 = arith.constant 16 : i32
        %mul3A_230 = arith.muli %mul3A_228, %mul3A_229 : i32
        %dma_start3A_231 = tpu.memref_slice %arg6[%mul3A_230] : memref<1152xi32, #tpu.memory_space<vmem>> -> memref<32xi32, #tpu.memory_space<vmem>>
        %dma_start3A_232 = arith.constant 0 : i32
        %dma_start3A_233 = arith.constant 0 : i32
        %dma_start3A_234 = tpu.memref_slice %arg2[%dma_start3A_232, %dma_start3A_233] : memref<32768x512xf32, #tpu.memory_space<hbm>> -> memref<32768x512xf32, #tpu.memory_space<hbm>>
        tpu.enqueue_indirect_dma source(%dma_start3A_234 : memref<32768x512xf32, #tpu.memory_space<hbm>>) target(%arg13 : memref<32x512xf32, #tpu.memory_space<vmem>>) offsets(%dma_start3A_231 : memref<32xi32, #tpu.memory_space<vmem>>) semaphore(%arg21 : memref<!tpu.dma_semaphore, #tpu.memory_space<semaphore_mem>>)
        %mul3A_235 = arith.constant 16 : i32
        %mul3A_236 = arith.muli %add3A_226, %mul3A_235 : i32
        %add3A_237 = arith.addi %mul3A_2, %mul3A_236 : i32
        %dma_start3A_238 = arith.constant 0 : i32
        %dma_start3A_239 = tpu.memref_slice %arg4[%add3A_237, %dma_start3A_238] : memref<18432x32xf32, #tpu.memory_space<hbm>> -> memref<16x32xf32, #tpu.memory_space<hbm>>
        %dma_start3A_240 = arith.constant 0 : i32
        %dma_start3A_241 = tpu.memref_slice %arg4[%add3A_237, %dma_start3A_240] : memref<18432x32xf32, #tpu.memory_space<hbm>> -> memref<16x32xf32, #tpu.memory_space<hbm>>
        tpu.enqueue_dma source(%dma_start3A_241 : memref<16x32xf32, #tpu.memory_space<hbm>>) target(%arg9 : memref<16x32xf32, #tpu.memory_space<vmem>>) target_semaphore(%arg21 : memref<!tpu.dma_semaphore, #tpu.memory_space<semaphore_mem>>)
      } else {
      }
      %mul3A_185 = arith.constant 4 : i32
      %mul3A_186 = arith.muli %mul3A_185, %scan3A_68 : i32
      %add3A_187 = arith.constant 3 : i32
      %add3A_188 = arith.addi %mul3A_186, %add3A_187 : i32
      %mul3A_189 = arith.constant 16 : i32
      %mul3A_190 = arith.muli %add3A_188, %mul3A_189 : i32
      %add3A_191 = arith.addi %mul3A_2, %mul3A_190 : i32
      %dma_wait3A_192 = arith.constant 0 : i32
      %dma_wait3A_193 = tpu.memref_slice %arg6[%dma_wait3A_192] : memref<1152xi32, #tpu.memory_space<vmem>> -> memref<32xi32, #tpu.memory_space<vmem>>
      %dma_wait3A_194 = arith.constant 0 : i32
      %dma_wait3A_195 = arith.constant 0 : i32
      %dma_wait3A_196 = tpu.memref_slice %arg2[%dma_wait3A_194, %dma_wait3A_195] : memref<32768x512xf32, #tpu.memory_space<hbm>> -> memref<32768x512xf32, #tpu.memory_space<hbm>>
      tpu.wait_indirect_dma semaphore(%arg22 : memref<!tpu.dma_semaphore, #tpu.memory_space<semaphore_mem>>) src(%dma_wait3A_196 : memref<32768x512xf32, #tpu.memory_space<hbm>>) dst(%arg14 : memref<32x512xf32, #tpu.memory_space<vmem>>)
      %dma_wait3A_197 = arith.constant 0 : i32
      %dma_wait3A_198 = arith.constant 0 : i32
      %dma_wait3A_199 = tpu.memref_slice %arg4[%dma_wait3A_197, %dma_wait3A_198] : memref<18432x32xf32, #tpu.memory_space<hbm>> -> memref<16x32xf32, #tpu.memory_space<hbm>>
      %dma_wait3A_200 = arith.constant 0 : i32
      %dma_wait3A_201 = arith.constant 0 : i32
      %dma_wait3A_202 = tpu.memref_slice %arg4[%dma_wait3A_200, %dma_wait3A_201] : memref<18432x32xf32, #tpu.memory_space<hbm>> -> memref<16x32xf32, #tpu.memory_space<hbm>>
      tpu.wait_dma2 semaphore(%arg22 : memref<!tpu.dma_semaphore, #tpu.memory_space<semaphore_mem>>) src(%dma_wait3A_202 : memref<16x32xf32, #tpu.memory_space<hbm>>) dst(%arg10 : memref<16x32xf32, #tpu.memory_space<vmem>>)
      %gt3A_203 = arith.constant 0 : i32
      %gt3A_204 = arith.cmpi sgt, %scan3A_68, %gt3A_203 : i32
      %convert_element_type3A_205 = arith.extui %gt3A_204 : i1 to i32
      %cond3A_206 = arith.constant 0 : i32
      %cond3A_207 = arith.cmpi ne, %convert_element_type3A_205, %cond3A_206 : i32
      scf.if %cond3A_207 {
        %dma_wait3A_225 = arith.constant 0 : i32
        %dma_wait3A_226 = tpu.memref_slice %arg5[%add3A_191, %dma_wait3A_225] : memref<18432x512xf32, #tpu.memory_space<hbm>> -> memref<16x512xf32, #tpu.memory_space<hbm>>
        %dma_wait3A_227 = arith.constant 0 : i32
        %dma_wait3A_228 = tpu.memref_slice %arg5[%add3A_191, %dma_wait3A_227] : memref<18432x512xf32, #tpu.memory_space<hbm>> -> memref<16x512xf32, #tpu.memory_space<hbm>>
        tpu.wait_dma2 semaphore(%arg26 : memref<!tpu.dma_semaphore, #tpu.memory_space<semaphore_mem>>) src(%arg18 : memref<16x512xf32, #tpu.memory_space<vmem>>) dst(%dma_wait3A_228 : memref<16x512xf32, #tpu.memory_space<hbm>>)
      } else {
      }
      %scan3A_208 = arith.constant 0 : i32
      %scan3A_209 = arith.constant 0 : i32
      %scan3A_210 = arith.constant 16 : i32
      %scan3A_211 = arith.addi %scan3A_209, %scan3A_210 : i32
      %scan3A_212 = arith.constant 1 : i32
      scf.for %scan3A_225 = %scan3A_209 to %scan3A_211 step %scan3A_212  : i32 {
        %get3A = arith.index_cast %scan3A_225 : i32 to index
        %get3A_226 = arith.constant 0 : index
        %get3A_227 = tpu.vector_load %arg10[%get3A, %get3A_226] {strides = array<i32>} : memref<16x32xf32, #tpu.memory_space<vmem>>, vector<1x16xf32>,
        %get3A_228 = vector.shape_cast %get3A_227 : vector<1x16xf32> to vector<16xf32>
        %get3A_229 = arith.index_cast %scan3A_225 : i32 to index
        %get3A_230 = arith.constant 16 : index
        %get3A_231 = tpu.vector_load %arg10[%get3A_229, %get3A_230] {strides = array<i32>} : memref<16x32xf32, #tpu.memory_space<vmem>>, vector<1x16xf32>,
        %get3A_232 = vector.shape_cast %get3A_231 : vector<1x16xf32> to vector<16xf32>
        %mul3A_233 = arith.constant 2 : i32
        %mul3A_234 = arith.muli %mul3A_233, %scan3A_225 : i32
        %get3A_235 = arith.index_cast %mul3A_234 : i32 to index
        %get3A_236 = arith.constant 0 : index
        %get3A_237 = tpu.vector_load %arg14[%get3A_235, %get3A_236] {strides = array<i32>} : memref<32x512xf32, #tpu.memory_space<vmem>>, vector<1x16xf32>,
        %get3A_238 = vector.shape_cast %get3A_237 : vector<1x16xf32> to vector<16xf32>
        %mul3A_239 = arith.constant 2 : i32
        %mul3A_240 = arith.muli %mul3A_239, %scan3A_225 : i32
        %add3A_241 = arith.constant 1 : i32
        %add3A_242 = arith.addi %mul3A_240, %add3A_241 : i32
        %get3A_243 = arith.index_cast %add3A_242 : i32 to index
        %get3A_244 = arith.constant 0 : index
        %get3A_245 = tpu.vector_load %arg14[%get3A_243, %get3A_244] {strides = array<i32>} : memref<32x512xf32, #tpu.memory_space<vmem>>, vector<1x16xf32>,
        %get3A_246 = vector.shape_cast %get3A_245 : vector<1x16xf32> to vector<16xf32>
        %mul3A_247 = arith.mulf %get3A_228, %get3A_238 : vector<16xf32>
        %mul3A_248 = arith.mulf %get3A_232, %get3A_246 : vector<16xf32>
        %add3A_249 = arith.addf %mul3A_247, %mul3A_248 : vector<16xf32>
        %swap3A = arith.index_cast %scan3A_225 : i32 to index
        %swap3A_250 = arith.constant 0 : index
        %swap3A_251 = tpu.vector_load %arg18[%swap3A, %swap3A_250] {strides = array<i32>} : memref<16x512xf32, #tpu.memory_space<vmem>>, vector<1x16xf32>,
        %swap3A_252 = vector.shape_cast %swap3A_251 : vector<1x16xf32> to vector<16xf32>
        %swap3A_253 = vector.shape_cast %add3A_249 : vector<16xf32> to vector<1x16xf32>
        tpu.vector_store %arg18[%swap3A, %swap3A_250], %swap3A_253 {strides = array<i32>} : memref<16x512xf32, #tpu.memory_space<vmem>>, vector<1x16xf32>,
        %mul3A_254 = arith.constant 2 : i32
        %mul3A_255 = arith.muli %mul3A_254, %scan3A_225 : i32
        %get3A_256 = arith.index_cast %mul3A_255 : i32 to index
        %get3A_257 = arith.constant 16 : index
        %get3A_258 = tpu.vector_load %arg14[%get3A_256, %get3A_257] {strides = array<i32>} : memref<32x512xf32, #tpu.memory_space<vmem>>, vector<1x16xf32>,
        %get3A_259 = vector.shape_cast %get3A_258 : vector<1x16xf32> to vector<16xf32>
        %mul3A_260 = arith.constant 2 : i32
        %mul3A_261 = arith.muli %mul3A_260, %scan3A_225 : i32
        %add3A_262 = arith.constant 1 : i32
        %add3A_263 = arith.addi %mul3A_261, %add3A_262 : i32
        %get3A_264 = arith.index_cast %add3A_263 : i32 to index
        %get3A_265 = arith.constant 16 : index
        %get3A_266 = tpu.vector_load %arg14[%get3A_264, %get3A_265] {strides = array<i32>} : memref<32x512xf32, #tpu.memory_space<vmem>>, vector<1x16xf32>,
        %get3A_267 = vector.shape_cast %get3A_266 : vector<1x16xf32> to vector<16xf32>
        %mul3A_268 = arith.mulf %get3A_228, %get3A_259 : vector<16xf32>
        %mul3A_269 = arith.mulf %get3A_232, %get3A_267 : vector<16xf32>
        %add3A_270 = arith.addf %mul3A_268, %mul3A_269 : vector<16xf32>
        %swap3A_271 = arith.index_cast %scan3A_225 : i32 to index
        %swap3A_272 = arith.constant 16 : index
        %swap3A_273 = tpu.vector_load %arg18[%swap3A_271, %swap3A_272] {strides = array<i32>} : memref<16x512xf32, #tpu.memory_space<vmem>>, vector<1x16xf32>,
        %swap3A_274 = vector.shape_cast %swap3A_273 : vector<1x16xf32> to vector<16xf32>
        %swap3A_275 = vector.shape_cast %add3A_270 : vector<16xf32> to vector<1x16xf32>
        tpu.vector_store %arg18[%swap3A_271, %swap3A_272], %swap3A_275 {strides = array<i32>} : memref<16x512xf32, #tpu.memory_space<vmem>>, vector<1x16xf32>,
        %mul3A_276 = arith.constant 2 : i32
        %mul3A_277 = arith.muli %mul3A_276, %scan3A_225 : i32
        %get3A_278 = arith.index_cast %mul3A_277 : i32 to index
        %get3A_279 = arith.constant 32 : index
        %get3A_280 = tpu.vector_load %arg14[%get3A_278, %get3A_279] {strides = array<i32>} : memref<32x512xf32, #tpu.memory_space<vmem>>, vector<1x16xf32>,
        %get3A_281 = vector.shape_cast %get3A_280 : vector<1x16xf32> to vector<16xf32>
        %mul3A_282 = arith.constant 2 : i32
        %mul3A_283 = arith.muli %mul3A_282, %scan3A_225 : i32
        %add3A_284 = arith.constant 1 : i32
        %add3A_285 = arith.addi %mul3A_283, %add3A_284 : i32
        %get3A_286 = arith.index_cast %add3A_285 : i32 to index
        %get3A_287 = arith.constant 32 : index
        %get3A_288 = tpu.vector_load %arg14[%get3A_286, %get3A_287] {strides = array<i32>} : memref<32x512xf32, #tpu.memory_space<vmem>>, vector<1x16xf32>,
        %get3A_289 = vector.shape_cast %get3A_288 : vector<1x16xf32> to vector<16xf32>
        %mul3A_290 = arith.mulf %get3A_228, %get3A_281 : vector<16xf32>
        %mul3A_291 = arith.mulf %get3A_232, %get3A_289 : vector<16xf32>
        %add3A_292 = arith.addf %mul3A_290, %mul3A_291 : vector<16xf32>
        %swap3A_293 = arith.index_cast %scan3A_225 : i32 to index
        %swap3A_294 = arith.constant 32 : index
        %swap3A_295 = tpu.vector_load %arg18[%swap3A_293, %swap3A_294] {strides = array<i32>} : memref<16x512xf32, #tpu.memory_space<vmem>>, vector<1x16xf32>,
        %swap3A_296 = vector.shape_cast %swap3A_295 : vector<1x16xf32> to vector<16xf32>
        %swap3A_297 = vector.shape_cast %add3A_292 : vector<16xf32> to vector<1x16xf32>
        tpu.vector_store %arg18[%swap3A_293, %swap3A_294], %swap3A_297 {strides = array<i32>} : memref<16x512xf32, #tpu.memory_space<vmem>>, vector<1x16xf32>,
        %mul3A_298 = arith.constant 2 : i32
        %mul3A_299 = arith.muli %mul3A_298, %scan3A_225 : i32
        %get3A_300 = arith.index_cast %mul3A_299 : i32 to index
        %get3A_301 = arith.constant 48 : index
        %get3A_302 = tpu.vector_load %arg14[%get3A_300, %get3A_301] {strides = array<i32>} : memref<32x512xf32, #tpu.memory_space<vmem>>, vector<1x16xf32>,
        %get3A_303 = vector.shape_cast %get3A_302 : vector<1x16xf32> to vector<16xf32>
        %mul3A_304 = arith.constant 2 : i32
        %mul3A_305 = arith.muli %mul3A_304, %scan3A_225 : i32
        %add3A_306 = arith.constant 1 : i32
        %add3A_307 = arith.addi %mul3A_305, %add3A_306 : i32
        %get3A_308 = arith.index_cast %add3A_307 : i32 to index
        %get3A_309 = arith.constant 48 : index
        %get3A_310 = tpu.vector_load %arg14[%get3A_308, %get3A_309] {strides = array<i32>} : memref<32x512xf32, #tpu.memory_space<vmem>>, vector<1x16xf32>,
        %get3A_311 = vector.shape_cast %get3A_310 : vector<1x16xf32> to vector<16xf32>
        %mul3A_312 = arith.mulf %get3A_228, %get3A_303 : vector<16xf32>
        %mul3A_313 = arith.mulf %get3A_232, %get3A_311 : vector<16xf32>
        %add3A_314 = arith.addf %mul3A_312, %mul3A_313 : vector<16xf32>
        %swap3A_315 = arith.index_cast %scan3A_225 : i32 to index
        %swap3A_316 = arith.constant 48 : index
        %swap3A_317 = tpu.vector_load %arg18[%swap3A_315, %swap3A_316] {strides = array<i32>} : memref<16x512xf32, #tpu.memory_space<vmem>>, vector<1x16xf32>,
        %swap3A_318 = vector.shape_cast %swap3A_317 : vector<1x16xf32> to vector<16xf32>
        %swap3A_319 = vector.shape_cast %add3A_314 : vector<16xf32> to vector<1x16xf32>
        tpu.vector_store %arg18[%swap3A_315, %swap3A_316], %swap3A_319 {strides = array<i32>} : memref<16x512xf32, #tpu.memory_space<vmem>>, vector<1x16xf32>,
        %mul3A_320 = arith.constant 2 : i32
        %mul3A_321 = arith.muli %mul3A_320, %scan3A_225 : i32
        %get3A_322 = arith.index_cast %mul3A_321 : i32 to index
        %get3A_323 = arith.constant 64 : index
        %get3A_324 = tpu.vector_load %arg14[%get3A_322, %get3A_323] {strides = array<i32>} : memref<32x512xf32, #tpu.memory_space<vmem>>, vector<1x16xf32>,
        %get3A_325 = vector.shape_cast %get3A_324 : vector<1x16xf32> to vector<16xf32>
        %mul3A_326 = arith.constant 2 : i32
        %mul3A_327 = arith.muli %mul3A_326, %scan3A_225 : i32
        %add3A_328 = arith.constant 1 : i32
        %add3A_329 = arith.addi %mul3A_327, %add3A_328 : i32
        %get3A_330 = arith.index_cast %add3A_329 : i32 to index
        %get3A_331 = arith.constant 64 : index
        %get3A_332 = tpu.vector_load %arg14[%get3A_330, %get3A_331] {strides = array<i32>} : memref<32x512xf32, #tpu.memory_space<vmem>>, vector<1x16xf32>,
        %get3A_333 = vector.shape_cast %get3A_332 : vector<1x16xf32> to vector<16xf32>
        %mul3A_334 = arith.mulf %get3A_228, %get3A_325 : vector<16xf32>
        %mul3A_335 = arith.mulf %get3A_232, %get3A_333 : vector<16xf32>
        %add3A_336 = arith.addf %mul3A_334, %mul3A_335 : vector<16xf32>
        %swap3A_337 = arith.index_cast %scan3A_225 : i32 to index
        %swap3A_338 = arith.constant 64 : index
        %swap3A_339 = tpu.vector_load %arg18[%swap3A_337, %swap3A_338] {strides = array<i32>} : memref<16x512xf32, #tpu.memory_space<vmem>>, vector<1x16xf32>,
        %swap3A_340 = vector.shape_cast %swap3A_339 : vector<1x16xf32> to vector<16xf32>
        %swap3A_341 = vector.shape_cast %add3A_336 : vector<16xf32> to vector<1x16xf32>
        tpu.vector_store %arg18[%swap3A_337, %swap3A_338], %swap3A_341 {strides = array<i32>} : memref<16x512xf32, #tpu.memory_space<vmem>>, vector<1x16xf32>,
        %mul3A_342 = arith.constant 2 : i32
        %mul3A_343 = arith.muli %mul3A_342, %scan3A_225 : i32
        %get3A_344 = arith.index_cast %mul3A_343 : i32 to index
        %get3A_345 = arith.constant 80 : index
        %get3A_346 = tpu.vector_load %arg14[%get3A_344, %get3A_345] {strides = array<i32>} : memref<32x512xf32, #tpu.memory_space<vmem>>, vector<1x16xf32>,
        %get3A_347 = vector.shape_cast %get3A_346 : vector<1x16xf32> to vector<16xf32>
        %mul3A_348 = arith.constant 2 : i32
        %mul3A_349 = arith.muli %mul3A_348, %scan3A_225 : i32
        %add3A_350 = arith.constant 1 : i32
        %add3A_351 = arith.addi %mul3A_349, %add3A_350 : i32
        %get3A_352 = arith.index_cast %add3A_351 : i32 to index
        %get3A_353 = arith.constant 80 : index
        %get3A_354 = tpu.vector_load %arg14[%get3A_352, %get3A_353] {strides = array<i32>} : memref<32x512xf32, #tpu.memory_space<vmem>>, vector<1x16xf32>,
        %get3A_355 = vector.shape_cast %get3A_354 : vector<1x16xf32> to vector<16xf32>
        %mul3A_356 = arith.mulf %get3A_228, %get3A_347 : vector<16xf32>
        %mul3A_357 = arith.mulf %get3A_232, %get3A_355 : vector<16xf32>
        %add3A_358 = arith.addf %mul3A_356, %mul3A_357 : vector<16xf32>
        %swap3A_359 = arith.index_cast %scan3A_225 : i32 to index
        %swap3A_360 = arith.constant 80 : index
        %swap3A_361 = tpu.vector_load %arg18[%swap3A_359, %swap3A_360] {strides = array<i32>} : memref<16x512xf32, #tpu.memory_space<vmem>>, vector<1x16xf32>,
        %swap3A_362 = vector.shape_cast %swap3A_361 : vector<1x16xf32> to vector<16xf32>
        %swap3A_363 = vector.shape_cast %add3A_358 : vector<16xf32> to vector<1x16xf32>
        tpu.vector_store %arg18[%swap3A_359, %swap3A_360], %swap3A_363 {strides = array<i32>} : memref<16x512xf32, #tpu.memory_space<vmem>>, vector<1x16xf32>,
        %mul3A_364 = arith.constant 2 : i32
        %mul3A_365 = arith.muli %mul3A_364, %scan3A_225 : i32
        %get3A_366 = arith.index_cast %mul3A_365 : i32 to index
        %get3A_367 = arith.constant 96 : index
        %get3A_368 = tpu.vector_load %arg14[%get3A_366, %get3A_367] {strides = array<i32>} : memref<32x512xf32, #tpu.memory_space<vmem>>, vector<1x16xf32>,
        %get3A_369 = vector.shape_cast %get3A_368 : vector<1x16xf32> to vector<16xf32>
        %mul3A_370 = arith.constant 2 : i32
        %mul3A_371 = arith.muli %mul3A_370, %scan3A_225 : i32
        %add3A_372 = arith.constant 1 : i32
        %add3A_373 = arith.addi %mul3A_371, %add3A_372 : i32
        %get3A_374 = arith.index_cast %add3A_373 : i32 to index
        %get3A_375 = arith.constant 96 : index
        %get3A_376 = tpu.vector_load %arg14[%get3A_374, %get3A_375] {strides = array<i32>} : memref<32x512xf32, #tpu.memory_space<vmem>>, vector<1x16xf32>,
        %get3A_377 = vector.shape_cast %get3A_376 : vector<1x16xf32> to vector<16xf32>
        %mul3A_378 = arith.mulf %get3A_228, %get3A_369 : vector<16xf32>
        %mul3A_379 = arith.mulf %get3A_232, %get3A_377 : vector<16xf32>
        %add3A_380 = arith.addf %mul3A_378, %mul3A_379 : vector<16xf32>
        %swap3A_381 = arith.index_cast %scan3A_225 : i32 to index
        %swap3A_382 = arith.constant 96 : index
        %swap3A_383 = tpu.vector_load %arg18[%swap3A_381, %swap3A_382] {strides = array<i32>} : memref<16x512xf32, #tpu.memory_space<vmem>>, vector<1x16xf32>,
        %swap3A_384 = vector.shape_cast %swap3A_383 : vector<1x16xf32> to vector<16xf32>
        %swap3A_385 = vector.shape_cast %add3A_380 : vector<16xf32> to vector<1x16xf32>
        tpu.vector_store %arg18[%swap3A_381, %swap3A_382], %swap3A_385 {strides = array<i32>} : memref<16x512xf32, #tpu.memory_space<vmem>>, vector<1x16xf32>,
        %mul3A_386 = arith.constant 2 : i32
        %mul3A_387 = arith.muli %mul3A_386, %scan3A_225 : i32
        %get3A_388 = arith.index_cast %mul3A_387 : i32 to index
        %get3A_389 = arith.constant 112 : index
        %get3A_390 = tpu.vector_load %arg14[%get3A_388, %get3A_389] {strides = array<i32>} : memref<32x512xf32, #tpu.memory_space<vmem>>, vector<1x16xf32>,
        %get3A_391 = vector.shape_cast %get3A_390 : vector<1x16xf32> to vector<16xf32>
        %mul3A_392 = arith.constant 2 : i32
        %mul3A_393 = arith.muli %mul3A_392, %scan3A_225 : i32
        %add3A_394 = arith.constant 1 : i32
        %add3A_395 = arith.addi %mul3A_393, %add3A_394 : i32
        %get3A_396 = arith.index_cast %add3A_395 : i32 to index
        %get3A_397 = arith.constant 112 : index
        %get3A_398 = tpu.vector_load %arg14[%get3A_396, %get3A_397] {strides = array<i32>} : memref<32x512xf32, #tpu.memory_space<vmem>>, vector<1x16xf32>,
        %get3A_399 = vector.shape_cast %get3A_398 : vector<1x16xf32> to vector<16xf32>
        %mul3A_400 = arith.mulf %get3A_228, %get3A_391 : vector<16xf32>
        %mul3A_401 = arith.mulf %get3A_232, %get3A_399 : vector<16xf32>
        %add3A_402 = arith.addf %mul3A_400, %mul3A_401 : vector<16xf32>
        %swap3A_403 = arith.index_cast %scan3A_225 : i32 to index
        %swap3A_404 = arith.constant 112 : index
        %swap3A_405 = tpu.vector_load %arg18[%swap3A_403, %swap3A_404] {strides = array<i32>} : memref<16x512xf32, #tpu.memory_space<vmem>>, vector<1x16xf32>,
        %swap3A_406 = vector.shape_cast %swap3A_405 : vector<1x16xf32> to vector<16xf32>
        %swap3A_407 = vector.shape_cast %add3A_402 : vector<16xf32> to vector<1x16xf32>
        tpu.vector_store %arg18[%swap3A_403, %swap3A_404], %swap3A_407 {strides = array<i32>} : memref<16x512xf32, #tpu.memory_space<vmem>>, vector<1x16xf32>,
        %mul3A_408 = arith.constant 2 : i32
        %mul3A_409 = arith.muli %mul3A_408, %scan3A_225 : i32
        %get3A_410 = arith.index_cast %mul3A_409 : i32 to index
        %get3A_411 = arith.constant 128 : index
        %get3A_412 = tpu.vector_load %arg14[%get3A_410, %get3A_411] {strides = array<i32>} : memref<32x512xf32, #tpu.memory_space<vmem>>, vector<1x16xf32>,
        %get3A_413 = vector.shape_cast %get3A_412 : vector<1x16xf32> to vector<16xf32>
        %mul3A_414 = arith.constant 2 : i32
        %mul3A_415 = arith.muli %mul3A_414, %scan3A_225 : i32
        %add3A_416 = arith.constant 1 : i32
        %add3A_417 = arith.addi %mul3A_415, %add3A_416 : i32
        %get3A_418 = arith.index_cast %add3A_417 : i32 to index
        %get3A_419 = arith.constant 128 : index
        %get3A_420 = tpu.vector_load %arg14[%get3A_418, %get3A_419] {strides = array<i32>} : memref<32x512xf32, #tpu.memory_space<vmem>>, vector<1x16xf32>,
        %get3A_421 = vector.shape_cast %get3A_420 : vector<1x16xf32> to vector<16xf32>
        %mul3A_422 = arith.mulf %get3A_228, %get3A_413 : vector<16xf32>
        %mul3A_423 = arith.mulf %get3A_232, %get3A_421 : vector<16xf32>
        %add3A_424 = arith.addf %mul3A_422, %mul3A_423 : vector<16xf32>
        %swap3A_425 = arith.index_cast %scan3A_225 : i32 to index
        %swap3A_426 = arith.constant 128 : index
        %swap3A_427 = tpu.vector_load %arg18[%swap3A_425, %swap3A_426] {strides = array<i32>} : memref<16x512xf32, #tpu.memory_space<vmem>>, vector<1x16xf32>,
        %swap3A_428 = vector.shape_cast %swap3A_427 : vector<1x16xf32> to vector<16xf32>
        %swap3A_429 = vector.shape_cast %add3A_424 : vector<16xf32> to vector<1x16xf32>
        tpu.vector_store %arg18[%swap3A_425, %swap3A_426], %swap3A_429 {strides = array<i32>} : memref<16x512xf32, #tpu.memory_space<vmem>>, vector<1x16xf32>,
        %mul3A_430 = arith.constant 2 : i32
        %mul3A_431 = arith.muli %mul3A_430, %scan3A_225 : i32
        %get3A_432 = arith.index_cast %mul3A_431 : i32 to index
        %get3A_433 = arith.constant 144 : index
        %get3A_434 = tpu.vector_load %arg14[%get3A_432, %get3A_433] {strides = array<i32>} : memref<32x512xf32, #tpu.memory_space<vmem>>, vector<1x16xf32>,
        %get3A_435 = vector.shape_cast %get3A_434 : vector<1x16xf32> to vector<16xf32>
        %mul3A_436 = arith.constant 2 : i32
        %mul3A_437 = arith.muli %mul3A_436, %scan3A_225 : i32
        %add3A_438 = arith.constant 1 : i32
        %add3A_439 = arith.addi %mul3A_437, %add3A_438 : i32
        %get3A_440 = arith.index_cast %add3A_439 : i32 to index
        %get3A_441 = arith.constant 144 : index
        %get3A_442 = tpu.vector_load %arg14[%get3A_440, %get3A_441] {strides = array<i32>} : memref<32x512xf32, #tpu.memory_space<vmem>>, vector<1x16xf32>,
        %get3A_443 = vector.shape_cast %get3A_442 : vector<1x16xf32> to vector<16xf32>
        %mul3A_444 = arith.mulf %get3A_228, %get3A_435 : vector<16xf32>
        %mul3A_445 = arith.mulf %get3A_232, %get3A_443 : vector<16xf32>
        %add3A_446 = arith.addf %mul3A_444, %mul3A_445 : vector<16xf32>
        %swap3A_447 = arith.index_cast %scan3A_225 : i32 to index
        %swap3A_448 = arith.constant 144 : index
        %swap3A_449 = tpu.vector_load %arg18[%swap3A_447, %swap3A_448] {strides = array<i32>} : memref<16x512xf32, #tpu.memory_space<vmem>>, vector<1x16xf32>,
        %swap3A_450 = vector.shape_cast %swap3A_449 : vector<1x16xf32> to vector<16xf32>
        %swap3A_451 = vector.shape_cast %add3A_446 : vector<16xf32> to vector<1x16xf32>
        tpu.vector_store %arg18[%swap3A_447, %swap3A_448], %swap3A_451 {strides = array<i32>} : memref<16x512xf32, #tpu.memory_space<vmem>>, vector<1x16xf32>,
        %mul3A_452 = arith.constant 2 : i32
        %mul3A_453 = arith.muli %mul3A_452, %scan3A_225 : i32
        %get3A_454 = arith.index_cast %mul3A_453 : i32 to index
        %get3A_455 = arith.constant 160 : index
        %get3A_456 = tpu.vector_load %arg14[%get3A_454, %get3A_455] {strides = array<i32>} : memref<32x512xf32, #tpu.memory_space<vmem>>, vector<1x16xf32>,
        %get3A_457 = vector.shape_cast %get3A_456 : vector<1x16xf32> to vector<16xf32>
        %mul3A_458 = arith.constant 2 : i32
        %mul3A_459 = arith.muli %mul3A_458, %scan3A_225 : i32
        %add3A_460 = arith.constant 1 : i32
        %add3A_461 = arith.addi %mul3A_459, %add3A_460 : i32
        %get3A_462 = arith.index_cast %add3A_461 : i32 to index
        %get3A_463 = arith.constant 160 : index
        %get3A_464 = tpu.vector_load %arg14[%get3A_462, %get3A_463] {strides = array<i32>} : memref<32x512xf32, #tpu.memory_space<vmem>>, vector<1x16xf32>,
        %get3A_465 = vector.shape_cast %get3A_464 : vector<1x16xf32> to vector<16xf32>
        %mul3A_466 = arith.mulf %get3A_228, %get3A_457 : vector<16xf32>
        %mul3A_467 = arith.mulf %get3A_232, %get3A_465 : vector<16xf32>
        %add3A_468 = arith.addf %mul3A_466, %mul3A_467 : vector<16xf32>
        %swap3A_469 = arith.index_cast %scan3A_225 : i32 to index
        %swap3A_470 = arith.constant 160 : index
        %swap3A_471 = tpu.vector_load %arg18[%swap3A_469, %swap3A_470] {strides = array<i32>} : memref<16x512xf32, #tpu.memory_space<vmem>>, vector<1x16xf32>,
        %swap3A_472 = vector.shape_cast %swap3A_471 : vector<1x16xf32> to vector<16xf32>
        %swap3A_473 = vector.shape_cast %add3A_468 : vector<16xf32> to vector<1x16xf32>
        tpu.vector_store %arg18[%swap3A_469, %swap3A_470], %swap3A_473 {strides = array<i32>} : memref<16x512xf32, #tpu.memory_space<vmem>>, vector<1x16xf32>,
        %mul3A_474 = arith.constant 2 : i32
        %mul3A_475 = arith.muli %mul3A_474, %scan3A_225 : i32
        %get3A_476 = arith.index_cast %mul3A_475 : i32 to index
        %get3A_477 = arith.constant 176 : index
        %get3A_478 = tpu.vector_load %arg14[%get3A_476, %get3A_477] {strides = array<i32>} : memref<32x512xf32, #tpu.memory_space<vmem>>, vector<1x16xf32>,
        %get3A_479 = vector.shape_cast %get3A_478 : vector<1x16xf32> to vector<16xf32>
        %mul3A_480 = arith.constant 2 : i32
        %mul3A_481 = arith.muli %mul3A_480, %scan3A_225 : i32
        %add3A_482 = arith.constant 1 : i32
        %add3A_483 = arith.addi %mul3A_481, %add3A_482 : i32
        %get3A_484 = arith.index_cast %add3A_483 : i32 to index
        %get3A_485 = arith.constant 176 : index
        %get3A_486 = tpu.vector_load %arg14[%get3A_484, %get3A_485] {strides = array<i32>} : memref<32x512xf32, #tpu.memory_space<vmem>>, vector<1x16xf32>,
        %get3A_487 = vector.shape_cast %get3A_486 : vector<1x16xf32> to vector<16xf32>
        %mul3A_488 = arith.mulf %get3A_228, %get3A_479 : vector<16xf32>
        %mul3A_489 = arith.mulf %get3A_232, %get3A_487 : vector<16xf32>
        %add3A_490 = arith.addf %mul3A_488, %mul3A_489 : vector<16xf32>
        %swap3A_491 = arith.index_cast %scan3A_225 : i32 to index
        %swap3A_492 = arith.constant 176 : index
        %swap3A_493 = tpu.vector_load %arg18[%swap3A_491, %swap3A_492] {strides = array<i32>} : memref<16x512xf32, #tpu.memory_space<vmem>>, vector<1x16xf32>,
        %swap3A_494 = vector.shape_cast %swap3A_493 : vector<1x16xf32> to vector<16xf32>
        %swap3A_495 = vector.shape_cast %add3A_490 : vector<16xf32> to vector<1x16xf32>
        tpu.vector_store %arg18[%swap3A_491, %swap3A_492], %swap3A_495 {strides = array<i32>} : memref<16x512xf32, #tpu.memory_space<vmem>>, vector<1x16xf32>,
        %mul3A_496 = arith.constant 2 : i32
        %mul3A_497 = arith.muli %mul3A_496, %scan3A_225 : i32
        %get3A_498 = arith.index_cast %mul3A_497 : i32 to index
        %get3A_499 = arith.constant 192 : index
        %get3A_500 = tpu.vector_load %arg14[%get3A_498, %get3A_499] {strides = array<i32>} : memref<32x512xf32, #tpu.memory_space<vmem>>, vector<1x16xf32>,
        %get3A_501 = vector.shape_cast %get3A_500 : vector<1x16xf32> to vector<16xf32>
        %mul3A_502 = arith.constant 2 : i32
        %mul3A_503 = arith.muli %mul3A_502, %scan3A_225 : i32
        %add3A_504 = arith.constant 1 : i32
        %add3A_505 = arith.addi %mul3A_503, %add3A_504 : i32
        %get3A_506 = arith.index_cast %add3A_505 : i32 to index
        %get3A_507 = arith.constant 192 : index
        %get3A_508 = tpu.vector_load %arg14[%get3A_506, %get3A_507] {strides = array<i32>} : memref<32x512xf32, #tpu.memory_space<vmem>>, vector<1x16xf32>,
        %get3A_509 = vector.shape_cast %get3A_508 : vector<1x16xf32> to vector<16xf32>
        %mul3A_510 = arith.mulf %get3A_228, %get3A_501 : vector<16xf32>
        %mul3A_511 = arith.mulf %get3A_232, %get3A_509 : vector<16xf32>
        %add3A_512 = arith.addf %mul3A_510, %mul3A_511 : vector<16xf32>
        %swap3A_513 = arith.index_cast %scan3A_225 : i32 to index
        %swap3A_514 = arith.constant 192 : index
        %swap3A_515 = tpu.vector_load %arg18[%swap3A_513, %swap3A_514] {strides = array<i32>} : memref<16x512xf32, #tpu.memory_space<vmem>>, vector<1x16xf32>,
        %swap3A_516 = vector.shape_cast %swap3A_515 : vector<1x16xf32> to vector<16xf32>
        %swap3A_517 = vector.shape_cast %add3A_512 : vector<16xf32> to vector<1x16xf32>
        tpu.vector_store %arg18[%swap3A_513, %swap3A_514], %swap3A_517 {strides = array<i32>} : memref<16x512xf32, #tpu.memory_space<vmem>>, vector<1x16xf32>,
        %mul3A_518 = arith.constant 2 : i32
        %mul3A_519 = arith.muli %mul3A_518, %scan3A_225 : i32
        %get3A_520 = arith.index_cast %mul3A_519 : i32 to index
        %get3A_521 = arith.constant 208 : index
        %get3A_522 = tpu.vector_load %arg14[%get3A_520, %get3A_521] {strides = array<i32>} : memref<32x512xf32, #tpu.memory_space<vmem>>, vector<1x16xf32>,
        %get3A_523 = vector.shape_cast %get3A_522 : vector<1x16xf32> to vector<16xf32>
        %mul3A_524 = arith.constant 2 : i32
        %mul3A_525 = arith.muli %mul3A_524, %scan3A_225 : i32
        %add3A_526 = arith.constant 1 : i32
        %add3A_527 = arith.addi %mul3A_525, %add3A_526 : i32
        %get3A_528 = arith.index_cast %add3A_527 : i32 to index
        %get3A_529 = arith.constant 208 : index
        %get3A_530 = tpu.vector_load %arg14[%get3A_528, %get3A_529] {strides = array<i32>} : memref<32x512xf32, #tpu.memory_space<vmem>>, vector<1x16xf32>,
        %get3A_531 = vector.shape_cast %get3A_530 : vector<1x16xf32> to vector<16xf32>
        %mul3A_532 = arith.mulf %get3A_228, %get3A_523 : vector<16xf32>
        %mul3A_533 = arith.mulf %get3A_232, %get3A_531 : vector<16xf32>
        %add3A_534 = arith.addf %mul3A_532, %mul3A_533 : vector<16xf32>
        %swap3A_535 = arith.index_cast %scan3A_225 : i32 to index
        %swap3A_536 = arith.constant 208 : index
        %swap3A_537 = tpu.vector_load %arg18[%swap3A_535, %swap3A_536] {strides = array<i32>} : memref<16x512xf32, #tpu.memory_space<vmem>>, vector<1x16xf32>,
        %swap3A_538 = vector.shape_cast %swap3A_537 : vector<1x16xf32> to vector<16xf32>
        %swap3A_539 = vector.shape_cast %add3A_534 : vector<16xf32> to vector<1x16xf32>
        tpu.vector_store %arg18[%swap3A_535, %swap3A_536], %swap3A_539 {strides = array<i32>} : memref<16x512xf32, #tpu.memory_space<vmem>>, vector<1x16xf32>,
        %mul3A_540 = arith.constant 2 : i32
        %mul3A_541 = arith.muli %mul3A_540, %scan3A_225 : i32
        %get3A_542 = arith.index_cast %mul3A_541 : i32 to index
        %get3A_543 = arith.constant 224 : index
        %get3A_544 = tpu.vector_load %arg14[%get3A_542, %get3A_543] {strides = array<i32>} : memref<32x512xf32, #tpu.memory_space<vmem>>, vector<1x16xf32>,
        %get3A_545 = vector.shape_cast %get3A_544 : vector<1x16xf32> to vector<16xf32>
        %mul3A_546 = arith.constant 2 : i32
        %mul3A_547 = arith.muli %mul3A_546, %scan3A_225 : i32
        %add3A_548 = arith.constant 1 : i32
        %add3A_549 = arith.addi %mul3A_547, %add3A_548 : i32
        %get3A_550 = arith.index_cast %add3A_549 : i32 to index
        %get3A_551 = arith.constant 224 : index
        %get3A_552 = tpu.vector_load %arg14[%get3A_550, %get3A_551] {strides = array<i32>} : memref<32x512xf32, #tpu.memory_space<vmem>>, vector<1x16xf32>,
        %get3A_553 = vector.shape_cast %get3A_552 : vector<1x16xf32> to vector<16xf32>
        %mul3A_554 = arith.mulf %get3A_228, %get3A_545 : vector<16xf32>
        %mul3A_555 = arith.mulf %get3A_232, %get3A_553 : vector<16xf32>
        %add3A_556 = arith.addf %mul3A_554, %mul3A_555 : vector<16xf32>
        %swap3A_557 = arith.index_cast %scan3A_225 : i32 to index
        %swap3A_558 = arith.constant 224 : index
        %swap3A_559 = tpu.vector_load %arg18[%swap3A_557, %swap3A_558] {strides = array<i32>} : memref<16x512xf32, #tpu.memory_space<vmem>>, vector<1x16xf32>,
        %swap3A_560 = vector.shape_cast %swap3A_559 : vector<1x16xf32> to vector<16xf32>
        %swap3A_561 = vector.shape_cast %add3A_556 : vector<16xf32> to vector<1x16xf32>
        tpu.vector_store %arg18[%swap3A_557, %swap3A_558], %swap3A_561 {strides = array<i32>} : memref<16x512xf32, #tpu.memory_space<vmem>>, vector<1x16xf32>,
        %mul3A_562 = arith.constant 2 : i32
        %mul3A_563 = arith.muli %mul3A_562, %scan3A_225 : i32
        %get3A_564 = arith.index_cast %mul3A_563 : i32 to index
        %get3A_565 = arith.constant 240 : index
        %get3A_566 = tpu.vector_load %arg14[%get3A_564, %get3A_565] {strides = array<i32>} : memref<32x512xf32, #tpu.memory_space<vmem>>, vector<1x16xf32>,
        %get3A_567 = vector.shape_cast %get3A_566 : vector<1x16xf32> to vector<16xf32>
        %mul3A_568 = arith.constant 2 : i32
        %mul3A_569 = arith.muli %mul3A_568, %scan3A_225 : i32
        %add3A_570 = arith.constant 1 : i32
        %add3A_571 = arith.addi %mul3A_569, %add3A_570 : i32
        %get3A_572 = arith.index_cast %add3A_571 : i32 to index
        %get3A_573 = arith.constant 240 : index
        %get3A_574 = tpu.vector_load %arg14[%get3A_572, %get3A_573] {strides = array<i32>} : memref<32x512xf32, #tpu.memory_space<vmem>>, vector<1x16xf32>,
        %get3A_575 = vector.shape_cast %get3A_574 : vector<1x16xf32> to vector<16xf32>
        %mul3A_576 = arith.mulf %get3A_228, %get3A_567 : vector<16xf32>
        %mul3A_577 = arith.mulf %get3A_232, %get3A_575 : vector<16xf32>
        %add3A_578 = arith.addf %mul3A_576, %mul3A_577 : vector<16xf32>
        %swap3A_579 = arith.index_cast %scan3A_225 : i32 to index
        %swap3A_580 = arith.constant 240 : index
        %swap3A_581 = tpu.vector_load %arg18[%swap3A_579, %swap3A_580] {strides = array<i32>} : memref<16x512xf32, #tpu.memory_space<vmem>>, vector<1x16xf32>,
        %swap3A_582 = vector.shape_cast %swap3A_581 : vector<1x16xf32> to vector<16xf32>
        %swap3A_583 = vector.shape_cast %add3A_578 : vector<16xf32> to vector<1x16xf32>
        tpu.vector_store %arg18[%swap3A_579, %swap3A_580], %swap3A_583 {strides = array<i32>} : memref<16x512xf32, #tpu.memory_space<vmem>>, vector<1x16xf32>,
        %mul3A_584 = arith.constant 2 : i32
        %mul3A_585 = arith.muli %mul3A_584, %scan3A_225 : i32
        %get3A_586 = arith.index_cast %mul3A_585 : i32 to index
        %get3A_587 = arith.constant 256 : index
        %get3A_588 = tpu.vector_load %arg14[%get3A_586, %get3A_587] {strides = array<i32>} : memref<32x512xf32, #tpu.memory_space<vmem>>, vector<1x16xf32>,
        %get3A_589 = vector.shape_cast %get3A_588 : vector<1x16xf32> to vector<16xf32>
        %mul3A_590 = arith.constant 2 : i32
        %mul3A_591 = arith.muli %mul3A_590, %scan3A_225 : i32
        %add3A_592 = arith.constant 1 : i32
        %add3A_593 = arith.addi %mul3A_591, %add3A_592 : i32
        %get3A_594 = arith.index_cast %add3A_593 : i32 to index
        %get3A_595 = arith.constant 256 : index
        %get3A_596 = tpu.vector_load %arg14[%get3A_594, %get3A_595] {strides = array<i32>} : memref<32x512xf32, #tpu.memory_space<vmem>>, vector<1x16xf32>,
        %get3A_597 = vector.shape_cast %get3A_596 : vector<1x16xf32> to vector<16xf32>
        %mul3A_598 = arith.mulf %get3A_228, %get3A_589 : vector<16xf32>
        %mul3A_599 = arith.mulf %get3A_232, %get3A_597 : vector<16xf32>
        %add3A_600 = arith.addf %mul3A_598, %mul3A_599 : vector<16xf32>
        %swap3A_601 = arith.index_cast %scan3A_225 : i32 to index
        %swap3A_602 = arith.constant 256 : index
        %swap3A_603 = tpu.vector_load %arg18[%swap3A_601, %swap3A_602] {strides = array<i32>} : memref<16x512xf32, #tpu.memory_space<vmem>>, vector<1x16xf32>,
        %swap3A_604 = vector.shape_cast %swap3A_603 : vector<1x16xf32> to vector<16xf32>
        %swap3A_605 = vector.shape_cast %add3A_600 : vector<16xf32> to vector<1x16xf32>
        tpu.vector_store %arg18[%swap3A_601, %swap3A_602], %swap3A_605 {strides = array<i32>} : memref<16x512xf32, #tpu.memory_space<vmem>>, vector<1x16xf32>,
        %mul3A_606 = arith.constant 2 : i32
        %mul3A_607 = arith.muli %mul3A_606, %scan3A_225 : i32
        %get3A_608 = arith.index_cast %mul3A_607 : i32 to index
        %get3A_609 = arith.constant 272 : index
        %get3A_610 = tpu.vector_load %arg14[%get3A_608, %get3A_609] {strides = array<i32>} : memref<32x512xf32, #tpu.memory_space<vmem>>, vector<1x16xf32>,
        %get3A_611 = vector.shape_cast %get3A_610 : vector<1x16xf32> to vector<16xf32>
        %mul3A_612 = arith.constant 2 : i32
        %mul3A_613 = arith.muli %mul3A_612, %scan3A_225 : i32
        %add3A_614 = arith.constant 1 : i32
        %add3A_615 = arith.addi %mul3A_613, %add3A_614 : i32
        %get3A_616 = arith.index_cast %add3A_615 : i32 to index
        %get3A_617 = arith.constant 272 : index
        %get3A_618 = tpu.vector_load %arg14[%get3A_616, %get3A_617] {strides = array<i32>} : memref<32x512xf32, #tpu.memory_space<vmem>>, vector<1x16xf32>,
        %get3A_619 = vector.shape_cast %get3A_618 : vector<1x16xf32> to vector<16xf32>
        %mul3A_620 = arith.mulf %get3A_228, %get3A_611 : vector<16xf32>
        %mul3A_621 = arith.mulf %get3A_232, %get3A_619 : vector<16xf32>
        %add3A_622 = arith.addf %mul3A_620, %mul3A_621 : vector<16xf32>
        %swap3A_623 = arith.index_cast %scan3A_225 : i32 to index
        %swap3A_624 = arith.constant 272 : index
        %swap3A_625 = tpu.vector_load %arg18[%swap3A_623, %swap3A_624] {strides = array<i32>} : memref<16x512xf32, #tpu.memory_space<vmem>>, vector<1x16xf32>,
        %swap3A_626 = vector.shape_cast %swap3A_625 : vector<1x16xf32> to vector<16xf32>
        %swap3A_627 = vector.shape_cast %add3A_622 : vector<16xf32> to vector<1x16xf32>
        tpu.vector_store %arg18[%swap3A_623, %swap3A_624], %swap3A_627 {strides = array<i32>} : memref<16x512xf32, #tpu.memory_space<vmem>>, vector<1x16xf32>,
        %mul3A_628 = arith.constant 2 : i32
        %mul3A_629 = arith.muli %mul3A_628, %scan3A_225 : i32
        %get3A_630 = arith.index_cast %mul3A_629 : i32 to index
        %get3A_631 = arith.constant 288 : index
        %get3A_632 = tpu.vector_load %arg14[%get3A_630, %get3A_631] {strides = array<i32>} : memref<32x512xf32, #tpu.memory_space<vmem>>, vector<1x16xf32>,
        %get3A_633 = vector.shape_cast %get3A_632 : vector<1x16xf32> to vector<16xf32>
        %mul3A_634 = arith.constant 2 : i32
        %mul3A_635 = arith.muli %mul3A_634, %scan3A_225 : i32
        %add3A_636 = arith.constant 1 : i32
        %add3A_637 = arith.addi %mul3A_635, %add3A_636 : i32
        %get3A_638 = arith.index_cast %add3A_637 : i32 to index
        %get3A_639 = arith.constant 288 : index
        %get3A_640 = tpu.vector_load %arg14[%get3A_638, %get3A_639] {strides = array<i32>} : memref<32x512xf32, #tpu.memory_space<vmem>>, vector<1x16xf32>,
        %get3A_641 = vector.shape_cast %get3A_640 : vector<1x16xf32> to vector<16xf32>
        %mul3A_642 = arith.mulf %get3A_228, %get3A_633 : vector<16xf32>
        %mul3A_643 = arith.mulf %get3A_232, %get3A_641 : vector<16xf32>
        %add3A_644 = arith.addf %mul3A_642, %mul3A_643 : vector<16xf32>
        %swap3A_645 = arith.index_cast %scan3A_225 : i32 to index
        %swap3A_646 = arith.constant 288 : index
        %swap3A_647 = tpu.vector_load %arg18[%swap3A_645, %swap3A_646] {strides = array<i32>} : memref<16x512xf32, #tpu.memory_space<vmem>>, vector<1x16xf32>,
        %swap3A_648 = vector.shape_cast %swap3A_647 : vector<1x16xf32> to vector<16xf32>
        %swap3A_649 = vector.shape_cast %add3A_644 : vector<16xf32> to vector<1x16xf32>
        tpu.vector_store %arg18[%swap3A_645, %swap3A_646], %swap3A_649 {strides = array<i32>} : memref<16x512xf32, #tpu.memory_space<vmem>>, vector<1x16xf32>,
        %mul3A_650 = arith.constant 2 : i32
        %mul3A_651 = arith.muli %mul3A_650, %scan3A_225 : i32
        %get3A_652 = arith.index_cast %mul3A_651 : i32 to index
        %get3A_653 = arith.constant 304 : index
        %get3A_654 = tpu.vector_load %arg14[%get3A_652, %get3A_653] {strides = array<i32>} : memref<32x512xf32, #tpu.memory_space<vmem>>, vector<1x16xf32>,
        %get3A_655 = vector.shape_cast %get3A_654 : vector<1x16xf32> to vector<16xf32>
        %mul3A_656 = arith.constant 2 : i32
        %mul3A_657 = arith.muli %mul3A_656, %scan3A_225 : i32
        %add3A_658 = arith.constant 1 : i32
        %add3A_659 = arith.addi %mul3A_657, %add3A_658 : i32
        %get3A_660 = arith.index_cast %add3A_659 : i32 to index
        %get3A_661 = arith.constant 304 : index
        %get3A_662 = tpu.vector_load %arg14[%get3A_660, %get3A_661] {strides = array<i32>} : memref<32x512xf32, #tpu.memory_space<vmem>>, vector<1x16xf32>,
        %get3A_663 = vector.shape_cast %get3A_662 : vector<1x16xf32> to vector<16xf32>
        %mul3A_664 = arith.mulf %get3A_228, %get3A_655 : vector<16xf32>
        %mul3A_665 = arith.mulf %get3A_232, %get3A_663 : vector<16xf32>
        %add3A_666 = arith.addf %mul3A_664, %mul3A_665 : vector<16xf32>
        %swap3A_667 = arith.index_cast %scan3A_225 : i32 to index
        %swap3A_668 = arith.constant 304 : index
        %swap3A_669 = tpu.vector_load %arg18[%swap3A_667, %swap3A_668] {strides = array<i32>} : memref<16x512xf32, #tpu.memory_space<vmem>>, vector<1x16xf32>,
        %swap3A_670 = vector.shape_cast %swap3A_669 : vector<1x16xf32> to vector<16xf32>
        %swap3A_671 = vector.shape_cast %add3A_666 : vector<16xf32> to vector<1x16xf32>
        tpu.vector_store %arg18[%swap3A_667, %swap3A_668], %swap3A_671 {strides = array<i32>} : memref<16x512xf32, #tpu.memory_space<vmem>>, vector<1x16xf32>,
        %mul3A_672 = arith.constant 2 : i32
        %mul3A_673 = arith.muli %mul3A_672, %scan3A_225 : i32
        %get3A_674 = arith.index_cast %mul3A_673 : i32 to index
        %get3A_675 = arith.constant 320 : index
        %get3A_676 = tpu.vector_load %arg14[%get3A_674, %get3A_675] {strides = array<i32>} : memref<32x512xf32, #tpu.memory_space<vmem>>, vector<1x16xf32>,
        %get3A_677 = vector.shape_cast %get3A_676 : vector<1x16xf32> to vector<16xf32>
        %mul3A_678 = arith.constant 2 : i32
        %mul3A_679 = arith.muli %mul3A_678, %scan3A_225 : i32
        %add3A_680 = arith.constant 1 : i32
        %add3A_681 = arith.addi %mul3A_679, %add3A_680 : i32
        %get3A_682 = arith.index_cast %add3A_681 : i32 to index
        %get3A_683 = arith.constant 320 : index
        %get3A_684 = tpu.vector_load %arg14[%get3A_682, %get3A_683] {strides = array<i32>} : memref<32x512xf32, #tpu.memory_space<vmem>>, vector<1x16xf32>,
        %get3A_685 = vector.shape_cast %get3A_684 : vector<1x16xf32> to vector<16xf32>
        %mul3A_686 = arith.mulf %get3A_228, %get3A_677 : vector<16xf32>
        %mul3A_687 = arith.mulf %get3A_232, %get3A_685 : vector<16xf32>
        %add3A_688 = arith.addf %mul3A_686, %mul3A_687 : vector<16xf32>
        %swap3A_689 = arith.index_cast %scan3A_225 : i32 to index
        %swap3A_690 = arith.constant 320 : index
        %swap3A_691 = tpu.vector_load %arg18[%swap3A_689, %swap3A_690] {strides = array<i32>} : memref<16x512xf32, #tpu.memory_space<vmem>>, vector<1x16xf32>,
        %swap3A_692 = vector.shape_cast %swap3A_691 : vector<1x16xf32> to vector<16xf32>
        %swap3A_693 = vector.shape_cast %add3A_688 : vector<16xf32> to vector<1x16xf32>
        tpu.vector_store %arg18[%swap3A_689, %swap3A_690], %swap3A_693 {strides = array<i32>} : memref<16x512xf32, #tpu.memory_space<vmem>>, vector<1x16xf32>,
        %mul3A_694 = arith.constant 2 : i32
        %mul3A_695 = arith.muli %mul3A_694, %scan3A_225 : i32
        %get3A_696 = arith.index_cast %mul3A_695 : i32 to index
        %get3A_697 = arith.constant 336 : index
        %get3A_698 = tpu.vector_load %arg14[%get3A_696, %get3A_697] {strides = array<i32>} : memref<32x512xf32, #tpu.memory_space<vmem>>, vector<1x16xf32>,
        %get3A_699 = vector.shape_cast %get3A_698 : vector<1x16xf32> to vector<16xf32>
        %mul3A_700 = arith.constant 2 : i32
        %mul3A_701 = arith.muli %mul3A_700, %scan3A_225 : i32
        %add3A_702 = arith.constant 1 : i32
        %add3A_703 = arith.addi %mul3A_701, %add3A_702 : i32
        %get3A_704 = arith.index_cast %add3A_703 : i32 to index
        %get3A_705 = arith.constant 336 : index
        %get3A_706 = tpu.vector_load %arg14[%get3A_704, %get3A_705] {strides = array<i32>} : memref<32x512xf32, #tpu.memory_space<vmem>>, vector<1x16xf32>,
        %get3A_707 = vector.shape_cast %get3A_706 : vector<1x16xf32> to vector<16xf32>
        %mul3A_708 = arith.mulf %get3A_228, %get3A_699 : vector<16xf32>
        %mul3A_709 = arith.mulf %get3A_232, %get3A_707 : vector<16xf32>
        %add3A_710 = arith.addf %mul3A_708, %mul3A_709 : vector<16xf32>
        %swap3A_711 = arith.index_cast %scan3A_225 : i32 to index
        %swap3A_712 = arith.constant 336 : index
        %swap3A_713 = tpu.vector_load %arg18[%swap3A_711, %swap3A_712] {strides = array<i32>} : memref<16x512xf32, #tpu.memory_space<vmem>>, vector<1x16xf32>,
        %swap3A_714 = vector.shape_cast %swap3A_713 : vector<1x16xf32> to vector<16xf32>
        %swap3A_715 = vector.shape_cast %add3A_710 : vector<16xf32> to vector<1x16xf32>
        tpu.vector_store %arg18[%swap3A_711, %swap3A_712], %swap3A_715 {strides = array<i32>} : memref<16x512xf32, #tpu.memory_space<vmem>>, vector<1x16xf32>,
        %mul3A_716 = arith.constant 2 : i32
        %mul3A_717 = arith.muli %mul3A_716, %scan3A_225 : i32
        %get3A_718 = arith.index_cast %mul3A_717 : i32 to index
        %get3A_719 = arith.constant 352 : index
        %get3A_720 = tpu.vector_load %arg14[%get3A_718, %get3A_719] {strides = array<i32>} : memref<32x512xf32, #tpu.memory_space<vmem>>, vector<1x16xf32>,
        %get3A_721 = vector.shape_cast %get3A_720 : vector<1x16xf32> to vector<16xf32>
        %mul3A_722 = arith.constant 2 : i32
        %mul3A_723 = arith.muli %mul3A_722, %scan3A_225 : i32
        %add3A_724 = arith.constant 1 : i32
        %add3A_725 = arith.addi %mul3A_723, %add3A_724 : i32
        %get3A_726 = arith.index_cast %add3A_725 : i32 to index
        %get3A_727 = arith.constant 352 : index
        %get3A_728 = tpu.vector_load %arg14[%get3A_726, %get3A_727] {strides = array<i32>} : memref<32x512xf32, #tpu.memory_space<vmem>>, vector<1x16xf32>,
        %get3A_729 = vector.shape_cast %get3A_728 : vector<1x16xf32> to vector<16xf32>
        %mul3A_730 = arith.mulf %get3A_228, %get3A_721 : vector<16xf32>
        %mul3A_731 = arith.mulf %get3A_232, %get3A_729 : vector<16xf32>
        %add3A_732 = arith.addf %mul3A_730, %mul3A_731 : vector<16xf32>
        %swap3A_733 = arith.index_cast %scan3A_225 : i32 to index
        %swap3A_734 = arith.constant 352 : index
        %swap3A_735 = tpu.vector_load %arg18[%swap3A_733, %swap3A_734] {strides = array<i32>} : memref<16x512xf32, #tpu.memory_space<vmem>>, vector<1x16xf32>,
        %swap3A_736 = vector.shape_cast %swap3A_735 : vector<1x16xf32> to vector<16xf32>
        %swap3A_737 = vector.shape_cast %add3A_732 : vector<16xf32> to vector<1x16xf32>
        tpu.vector_store %arg18[%swap3A_733, %swap3A_734], %swap3A_737 {strides = array<i32>} : memref<16x512xf32, #tpu.memory_space<vmem>>, vector<1x16xf32>,
        %mul3A_738 = arith.constant 2 : i32
        %mul3A_739 = arith.muli %mul3A_738, %scan3A_225 : i32
        %get3A_740 = arith.index_cast %mul3A_739 : i32 to index
        %get3A_741 = arith.constant 368 : index
        %get3A_742 = tpu.vector_load %arg14[%get3A_740, %get3A_741] {strides = array<i32>} : memref<32x512xf32, #tpu.memory_space<vmem>>, vector<1x16xf32>,
        %get3A_743 = vector.shape_cast %get3A_742 : vector<1x16xf32> to vector<16xf32>
        %mul3A_744 = arith.constant 2 : i32
        %mul3A_745 = arith.muli %mul3A_744, %scan3A_225 : i32
        %add3A_746 = arith.constant 1 : i32
        %add3A_747 = arith.addi %mul3A_745, %add3A_746 : i32
        %get3A_748 = arith.index_cast %add3A_747 : i32 to index
        %get3A_749 = arith.constant 368 : index
        %get3A_750 = tpu.vector_load %arg14[%get3A_748, %get3A_749] {strides = array<i32>} : memref<32x512xf32, #tpu.memory_space<vmem>>, vector<1x16xf32>,
        %get3A_751 = vector.shape_cast %get3A_750 : vector<1x16xf32> to vector<16xf32>
        %mul3A_752 = arith.mulf %get3A_228, %get3A_743 : vector<16xf32>
        %mul3A_753 = arith.mulf %get3A_232, %get3A_751 : vector<16xf32>
        %add3A_754 = arith.addf %mul3A_752, %mul3A_753 : vector<16xf32>
        %swap3A_755 = arith.index_cast %scan3A_225 : i32 to index
        %swap3A_756 = arith.constant 368 : index
        %swap3A_757 = tpu.vector_load %arg18[%swap3A_755, %swap3A_756] {strides = array<i32>} : memref<16x512xf32, #tpu.memory_space<vmem>>, vector<1x16xf32>,
        %swap3A_758 = vector.shape_cast %swap3A_757 : vector<1x16xf32> to vector<16xf32>
        %swap3A_759 = vector.shape_cast %add3A_754 : vector<16xf32> to vector<1x16xf32>
        tpu.vector_store %arg18[%swap3A_755, %swap3A_756], %swap3A_759 {strides = array<i32>} : memref<16x512xf32, #tpu.memory_space<vmem>>, vector<1x16xf32>,
        %mul3A_760 = arith.constant 2 : i32
        %mul3A_761 = arith.muli %mul3A_760, %scan3A_225 : i32
        %get3A_762 = arith.index_cast %mul3A_761 : i32 to index
        %get3A_763 = arith.constant 384 : index
        %get3A_764 = tpu.vector_load %arg14[%get3A_762, %get3A_763] {strides = array<i32>} : memref<32x512xf32, #tpu.memory_space<vmem>>, vector<1x16xf32>,
        %get3A_765 = vector.shape_cast %get3A_764 : vector<1x16xf32> to vector<16xf32>
        %mul3A_766 = arith.constant 2 : i32
        %mul3A_767 = arith.muli %mul3A_766, %scan3A_225 : i32
        %add3A_768 = arith.constant 1 : i32
        %add3A_769 = arith.addi %mul3A_767, %add3A_768 : i32
        %get3A_770 = arith.index_cast %add3A_769 : i32 to index
        %get3A_771 = arith.constant 384 : index
        %get3A_772 = tpu.vector_load %arg14[%get3A_770, %get3A_771] {strides = array<i32>} : memref<32x512xf32, #tpu.memory_space<vmem>>, vector<1x16xf32>,
        %get3A_773 = vector.shape_cast %get3A_772 : vector<1x16xf32> to vector<16xf32>
        %mul3A_774 = arith.mulf %get3A_228, %get3A_765 : vector<16xf32>
        %mul3A_775 = arith.mulf %get3A_232, %get3A_773 : vector<16xf32>
        %add3A_776 = arith.addf %mul3A_774, %mul3A_775 : vector<16xf32>
        %swap3A_777 = arith.index_cast %scan3A_225 : i32 to index
        %swap3A_778 = arith.constant 384 : index
        %swap3A_779 = tpu.vector_load %arg18[%swap3A_777, %swap3A_778] {strides = array<i32>} : memref<16x512xf32, #tpu.memory_space<vmem>>, vector<1x16xf32>,
        %swap3A_780 = vector.shape_cast %swap3A_779 : vector<1x16xf32> to vector<16xf32>
        %swap3A_781 = vector.shape_cast %add3A_776 : vector<16xf32> to vector<1x16xf32>
        tpu.vector_store %arg18[%swap3A_777, %swap3A_778], %swap3A_781 {strides = array<i32>} : memref<16x512xf32, #tpu.memory_space<vmem>>, vector<1x16xf32>,
        %mul3A_782 = arith.constant 2 : i32
        %mul3A_783 = arith.muli %mul3A_782, %scan3A_225 : i32
        %get3A_784 = arith.index_cast %mul3A_783 : i32 to index
        %get3A_785 = arith.constant 400 : index
        %get3A_786 = tpu.vector_load %arg14[%get3A_784, %get3A_785] {strides = array<i32>} : memref<32x512xf32, #tpu.memory_space<vmem>>, vector<1x16xf32>,
        %get3A_787 = vector.shape_cast %get3A_786 : vector<1x16xf32> to vector<16xf32>
        %mul3A_788 = arith.constant 2 : i32
        %mul3A_789 = arith.muli %mul3A_788, %scan3A_225 : i32
        %add3A_790 = arith.constant 1 : i32
        %add3A_791 = arith.addi %mul3A_789, %add3A_790 : i32
        %get3A_792 = arith.index_cast %add3A_791 : i32 to index
        %get3A_793 = arith.constant 400 : index
        %get3A_794 = tpu.vector_load %arg14[%get3A_792, %get3A_793] {strides = array<i32>} : memref<32x512xf32, #tpu.memory_space<vmem>>, vector<1x16xf32>,
        %get3A_795 = vector.shape_cast %get3A_794 : vector<1x16xf32> to vector<16xf32>
        %mul3A_796 = arith.mulf %get3A_228, %get3A_787 : vector<16xf32>
        %mul3A_797 = arith.mulf %get3A_232, %get3A_795 : vector<16xf32>
        %add3A_798 = arith.addf %mul3A_796, %mul3A_797 : vector<16xf32>
        %swap3A_799 = arith.index_cast %scan3A_225 : i32 to index
        %swap3A_800 = arith.constant 400 : index
        %swap3A_801 = tpu.vector_load %arg18[%swap3A_799, %swap3A_800] {strides = array<i32>} : memref<16x512xf32, #tpu.memory_space<vmem>>, vector<1x16xf32>,
        %swap3A_802 = vector.shape_cast %swap3A_801 : vector<1x16xf32> to vector<16xf32>
        %swap3A_803 = vector.shape_cast %add3A_798 : vector<16xf32> to vector<1x16xf32>
        tpu.vector_store %arg18[%swap3A_799, %swap3A_800], %swap3A_803 {strides = array<i32>} : memref<16x512xf32, #tpu.memory_space<vmem>>, vector<1x16xf32>,
        %mul3A_804 = arith.constant 2 : i32
        %mul3A_805 = arith.muli %mul3A_804, %scan3A_225 : i32
        %get3A_806 = arith.index_cast %mul3A_805 : i32 to index
        %get3A_807 = arith.constant 416 : index
        %get3A_808 = tpu.vector_load %arg14[%get3A_806, %get3A_807] {strides = array<i32>} : memref<32x512xf32, #tpu.memory_space<vmem>>, vector<1x16xf32>,
        %get3A_809 = vector.shape_cast %get3A_808 : vector<1x16xf32> to vector<16xf32>
        %mul3A_810 = arith.constant 2 : i32
        %mul3A_811 = arith.muli %mul3A_810, %scan3A_225 : i32
        %add3A_812 = arith.constant 1 : i32
        %add3A_813 = arith.addi %mul3A_811, %add3A_812 : i32
        %get3A_814 = arith.index_cast %add3A_813 : i32 to index
        %get3A_815 = arith.constant 416 : index
        %get3A_816 = tpu.vector_load %arg14[%get3A_814, %get3A_815] {strides = array<i32>} : memref<32x512xf32, #tpu.memory_space<vmem>>, vector<1x16xf32>,
        %get3A_817 = vector.shape_cast %get3A_816 : vector<1x16xf32> to vector<16xf32>
        %mul3A_818 = arith.mulf %get3A_228, %get3A_809 : vector<16xf32>
        %mul3A_819 = arith.mulf %get3A_232, %get3A_817 : vector<16xf32>
        %add3A_820 = arith.addf %mul3A_818, %mul3A_819 : vector<16xf32>
        %swap3A_821 = arith.index_cast %scan3A_225 : i32 to index
        %swap3A_822 = arith.constant 416 : index
        %swap3A_823 = tpu.vector_load %arg18[%swap3A_821, %swap3A_822] {strides = array<i32>} : memref<16x512xf32, #tpu.memory_space<vmem>>, vector<1x16xf32>,
        %swap3A_824 = vector.shape_cast %swap3A_823 : vector<1x16xf32> to vector<16xf32>
        %swap3A_825 = vector.shape_cast %add3A_820 : vector<16xf32> to vector<1x16xf32>
        tpu.vector_store %arg18[%swap3A_821, %swap3A_822], %swap3A_825 {strides = array<i32>} : memref<16x512xf32, #tpu.memory_space<vmem>>, vector<1x16xf32>,
        %mul3A_826 = arith.constant 2 : i32
        %mul3A_827 = arith.muli %mul3A_826, %scan3A_225 : i32
        %get3A_828 = arith.index_cast %mul3A_827 : i32 to index
        %get3A_829 = arith.constant 432 : index
        %get3A_830 = tpu.vector_load %arg14[%get3A_828, %get3A_829] {strides = array<i32>} : memref<32x512xf32, #tpu.memory_space<vmem>>, vector<1x16xf32>,
        %get3A_831 = vector.shape_cast %get3A_830 : vector<1x16xf32> to vector<16xf32>
        %mul3A_832 = arith.constant 2 : i32
        %mul3A_833 = arith.muli %mul3A_832, %scan3A_225 : i32
        %add3A_834 = arith.constant 1 : i32
        %add3A_835 = arith.addi %mul3A_833, %add3A_834 : i32
        %get3A_836 = arith.index_cast %add3A_835 : i32 to index
        %get3A_837 = arith.constant 432 : index
        %get3A_838 = tpu.vector_load %arg14[%get3A_836, %get3A_837] {strides = array<i32>} : memref<32x512xf32, #tpu.memory_space<vmem>>, vector<1x16xf32>,
        %get3A_839 = vector.shape_cast %get3A_838 : vector<1x16xf32> to vector<16xf32>
        %mul3A_840 = arith.mulf %get3A_228, %get3A_831 : vector<16xf32>
        %mul3A_841 = arith.mulf %get3A_232, %get3A_839 : vector<16xf32>
        %add3A_842 = arith.addf %mul3A_840, %mul3A_841 : vector<16xf32>
        %swap3A_843 = arith.index_cast %scan3A_225 : i32 to index
        %swap3A_844 = arith.constant 432 : index
        %swap3A_845 = tpu.vector_load %arg18[%swap3A_843, %swap3A_844] {strides = array<i32>} : memref<16x512xf32, #tpu.memory_space<vmem>>, vector<1x16xf32>,
        %swap3A_846 = vector.shape_cast %swap3A_845 : vector<1x16xf32> to vector<16xf32>
        %swap3A_847 = vector.shape_cast %add3A_842 : vector<16xf32> to vector<1x16xf32>
        tpu.vector_store %arg18[%swap3A_843, %swap3A_844], %swap3A_847 {strides = array<i32>} : memref<16x512xf32, #tpu.memory_space<vmem>>, vector<1x16xf32>,
        %mul3A_848 = arith.constant 2 : i32
        %mul3A_849 = arith.muli %mul3A_848, %scan3A_225 : i32
        %get3A_850 = arith.index_cast %mul3A_849 : i32 to index
        %get3A_851 = arith.constant 448 : index
        %get3A_852 = tpu.vector_load %arg14[%get3A_850, %get3A_851] {strides = array<i32>} : memref<32x512xf32, #tpu.memory_space<vmem>>, vector<1x16xf32>,
        %get3A_853 = vector.shape_cast %get3A_852 : vector<1x16xf32> to vector<16xf32>
        %mul3A_854 = arith.constant 2 : i32
        %mul3A_855 = arith.muli %mul3A_854, %scan3A_225 : i32
        %add3A_856 = arith.constant 1 : i32
        %add3A_857 = arith.addi %mul3A_855, %add3A_856 : i32
        %get3A_858 = arith.index_cast %add3A_857 : i32 to index
        %get3A_859 = arith.constant 448 : index
        %get3A_860 = tpu.vector_load %arg14[%get3A_858, %get3A_859] {strides = array<i32>} : memref<32x512xf32, #tpu.memory_space<vmem>>, vector<1x16xf32>,
        %get3A_861 = vector.shape_cast %get3A_860 : vector<1x16xf32> to vector<16xf32>
        %mul3A_862 = arith.mulf %get3A_228, %get3A_853 : vector<16xf32>
        %mul3A_863 = arith.mulf %get3A_232, %get3A_861 : vector<16xf32>
        %add3A_864 = arith.addf %mul3A_862, %mul3A_863 : vector<16xf32>
        %swap3A_865 = arith.index_cast %scan3A_225 : i32 to index
        %swap3A_866 = arith.constant 448 : index
        %swap3A_867 = tpu.vector_load %arg18[%swap3A_865, %swap3A_866] {strides = array<i32>} : memref<16x512xf32, #tpu.memory_space<vmem>>, vector<1x16xf32>,
        %swap3A_868 = vector.shape_cast %swap3A_867 : vector<1x16xf32> to vector<16xf32>
        %swap3A_869 = vector.shape_cast %add3A_864 : vector<16xf32> to vector<1x16xf32>
        tpu.vector_store %arg18[%swap3A_865, %swap3A_866], %swap3A_869 {strides = array<i32>} : memref<16x512xf32, #tpu.memory_space<vmem>>, vector<1x16xf32>,
        %mul3A_870 = arith.constant 2 : i32
        %mul3A_871 = arith.muli %mul3A_870, %scan3A_225 : i32
        %get3A_872 = arith.index_cast %mul3A_871 : i32 to index
        %get3A_873 = arith.constant 464 : index
        %get3A_874 = tpu.vector_load %arg14[%get3A_872, %get3A_873] {strides = array<i32>} : memref<32x512xf32, #tpu.memory_space<vmem>>, vector<1x16xf32>,
        %get3A_875 = vector.shape_cast %get3A_874 : vector<1x16xf32> to vector<16xf32>
        %mul3A_876 = arith.constant 2 : i32
        %mul3A_877 = arith.muli %mul3A_876, %scan3A_225 : i32
        %add3A_878 = arith.constant 1 : i32
        %add3A_879 = arith.addi %mul3A_877, %add3A_878 : i32
        %get3A_880 = arith.index_cast %add3A_879 : i32 to index
        %get3A_881 = arith.constant 464 : index
        %get3A_882 = tpu.vector_load %arg14[%get3A_880, %get3A_881] {strides = array<i32>} : memref<32x512xf32, #tpu.memory_space<vmem>>, vector<1x16xf32>,
        %get3A_883 = vector.shape_cast %get3A_882 : vector<1x16xf32> to vector<16xf32>
        %mul3A_884 = arith.mulf %get3A_228, %get3A_875 : vector<16xf32>
        %mul3A_885 = arith.mulf %get3A_232, %get3A_883 : vector<16xf32>
        %add3A_886 = arith.addf %mul3A_884, %mul3A_885 : vector<16xf32>
        %swap3A_887 = arith.index_cast %scan3A_225 : i32 to index
        %swap3A_888 = arith.constant 464 : index
        %swap3A_889 = tpu.vector_load %arg18[%swap3A_887, %swap3A_888] {strides = array<i32>} : memref<16x512xf32, #tpu.memory_space<vmem>>, vector<1x16xf32>,
        %swap3A_890 = vector.shape_cast %swap3A_889 : vector<1x16xf32> to vector<16xf32>
        %swap3A_891 = vector.shape_cast %add3A_886 : vector<16xf32> to vector<1x16xf32>
        tpu.vector_store %arg18[%swap3A_887, %swap3A_888], %swap3A_891 {strides = array<i32>} : memref<16x512xf32, #tpu.memory_space<vmem>>, vector<1x16xf32>,
        %mul3A_892 = arith.constant 2 : i32
        %mul3A_893 = arith.muli %mul3A_892, %scan3A_225 : i32
        %get3A_894 = arith.index_cast %mul3A_893 : i32 to index
        %get3A_895 = arith.constant 480 : index
        %get3A_896 = tpu.vector_load %arg14[%get3A_894, %get3A_895] {strides = array<i32>} : memref<32x512xf32, #tpu.memory_space<vmem>>, vector<1x16xf32>,
        %get3A_897 = vector.shape_cast %get3A_896 : vector<1x16xf32> to vector<16xf32>
        %mul3A_898 = arith.constant 2 : i32
        %mul3A_899 = arith.muli %mul3A_898, %scan3A_225 : i32
        %add3A_900 = arith.constant 1 : i32
        %add3A_901 = arith.addi %mul3A_899, %add3A_900 : i32
        %get3A_902 = arith.index_cast %add3A_901 : i32 to index
        %get3A_903 = arith.constant 480 : index
        %get3A_904 = tpu.vector_load %arg14[%get3A_902, %get3A_903] {strides = array<i32>} : memref<32x512xf32, #tpu.memory_space<vmem>>, vector<1x16xf32>,
        %get3A_905 = vector.shape_cast %get3A_904 : vector<1x16xf32> to vector<16xf32>
        %mul3A_906 = arith.mulf %get3A_228, %get3A_897 : vector<16xf32>
        %mul3A_907 = arith.mulf %get3A_232, %get3A_905 : vector<16xf32>
        %add3A_908 = arith.addf %mul3A_906, %mul3A_907 : vector<16xf32>
        %swap3A_909 = arith.index_cast %scan3A_225 : i32 to index
        %swap3A_910 = arith.constant 480 : index
        %swap3A_911 = tpu.vector_load %arg18[%swap3A_909, %swap3A_910] {strides = array<i32>} : memref<16x512xf32, #tpu.memory_space<vmem>>, vector<1x16xf32>,
        %swap3A_912 = vector.shape_cast %swap3A_911 : vector<1x16xf32> to vector<16xf32>
        %swap3A_913 = vector.shape_cast %add3A_908 : vector<16xf32> to vector<1x16xf32>
        tpu.vector_store %arg18[%swap3A_909, %swap3A_910], %swap3A_913 {strides = array<i32>} : memref<16x512xf32, #tpu.memory_space<vmem>>, vector<1x16xf32>,
        %mul3A_914 = arith.constant 2 : i32
        %mul3A_915 = arith.muli %mul3A_914, %scan3A_225 : i32
        %get3A_916 = arith.index_cast %mul3A_915 : i32 to index
        %get3A_917 = arith.constant 496 : index
        %get3A_918 = tpu.vector_load %arg14[%get3A_916, %get3A_917] {strides = array<i32>} : memref<32x512xf32, #tpu.memory_space<vmem>>, vector<1x16xf32>,
        %get3A_919 = vector.shape_cast %get3A_918 : vector<1x16xf32> to vector<16xf32>
        %mul3A_920 = arith.constant 2 : i32
        %mul3A_921 = arith.muli %mul3A_920, %scan3A_225 : i32
        %add3A_922 = arith.constant 1 : i32
        %add3A_923 = arith.addi %mul3A_921, %add3A_922 : i32
        %get3A_924 = arith.index_cast %add3A_923 : i32 to index
        %get3A_925 = arith.constant 496 : index
        %get3A_926 = tpu.vector_load %arg14[%get3A_924, %get3A_925] {strides = array<i32>} : memref<32x512xf32, #tpu.memory_space<vmem>>, vector<1x16xf32>,
        %get3A_927 = vector.shape_cast %get3A_926 : vector<1x16xf32> to vector<16xf32>
        %mul3A_928 = arith.mulf %get3A_228, %get3A_919 : vector<16xf32>
        %mul3A_929 = arith.mulf %get3A_232, %get3A_927 : vector<16xf32>
        %add3A_930 = arith.addf %mul3A_928, %mul3A_929 : vector<16xf32>
        %swap3A_931 = arith.index_cast %scan3A_225 : i32 to index
        %swap3A_932 = arith.constant 496 : index
        %swap3A_933 = tpu.vector_load %arg18[%swap3A_931, %swap3A_932] {strides = array<i32>} : memref<16x512xf32, #tpu.memory_space<vmem>>, vector<1x16xf32>,
        %swap3A_934 = vector.shape_cast %swap3A_933 : vector<1x16xf32> to vector<16xf32>
        %swap3A_935 = vector.shape_cast %add3A_930 : vector<16xf32> to vector<1x16xf32>
        tpu.vector_store %arg18[%swap3A_931, %swap3A_932], %swap3A_935 {strides = array<i32>} : memref<16x512xf32, #tpu.memory_space<vmem>>, vector<1x16xf32>,
      }
      %scan3A_213 = arith.constant 16 : i32
      %dma_start3A_214 = arith.constant 0 : i32
      %dma_start3A_215 = tpu.memref_slice %arg5[%add3A_191, %dma_start3A_214] : memref<18432x512xf32, #tpu.memory_space<hbm>> -> memref<16x512xf32, #tpu.memory_space<hbm>>
      %dma_start3A_216 = arith.constant 0 : i32
      %dma_start3A_217 = tpu.memref_slice %arg5[%add3A_191, %dma_start3A_216] : memref<18432x512xf32, #tpu.memory_space<hbm>> -> memref<16x512xf32, #tpu.memory_space<hbm>>
      tpu.enqueue_dma source(%arg18 : memref<16x512xf32, #tpu.memory_space<vmem>>) target(%dma_start3A_217 : memref<16x512xf32, #tpu.memory_space<hbm>>) target_semaphore(%arg26 : memref<!tpu.dma_semaphore, #tpu.memory_space<semaphore_mem>>)
      %add3A_218 = arith.constant 4 : i32
      %add3A_219 = arith.addi %add3A_188, %add3A_218 : i32
      %lt3A_220 = arith.constant 36 : i32
      %lt3A_221 = arith.cmpi slt, %add3A_219, %lt3A_220 : i32
      %convert_element_type3A_222 = arith.extui %lt3A_221 : i1 to i32
      %cond3A_223 = arith.constant 0 : i32
      %cond3A_224 = arith.cmpi ne, %convert_element_type3A_222, %cond3A_223 : i32
      scf.if %cond3A_224 {
        %add3A_225 = arith.constant 4 : i32
        %add3A_226 = arith.addi %add3A_188, %add3A_225 : i32
        %mul3A_227 = arith.constant 2 : i32
        %mul3A_228 = arith.muli %add3A_226, %mul3A_227 : i32
        %mul3A_229 = arith.constant 16 : i32
        %mul3A_230 = arith.muli %mul3A_228, %mul3A_229 : i32
        %dma_start3A_231 = tpu.memref_slice %arg6[%mul3A_230] : memref<1152xi32, #tpu.memory_space<vmem>> -> memref<32xi32, #tpu.memory_space<vmem>>
        %dma_start3A_232 = arith.constant 0 : i32
        %dma_start3A_233 = arith.constant 0 : i32
        %dma_start3A_234 = tpu.memref_slice %arg2[%dma_start3A_232, %dma_start3A_233] : memref<32768x512xf32, #tpu.memory_space<hbm>> -> memref<32768x512xf32, #tpu.memory_space<hbm>>
        tpu.enqueue_indirect_dma source(%dma_start3A_234 : memref<32768x512xf32, #tpu.memory_space<hbm>>) target(%arg14 : memref<32x512xf32, #tpu.memory_space<vmem>>) offsets(%dma_start3A_231 : memref<32xi32, #tpu.memory_space<vmem>>) semaphore(%arg22 : memref<!tpu.dma_semaphore, #tpu.memory_space<semaphore_mem>>)
        %mul3A_235 = arith.constant 16 : i32
        %mul3A_236 = arith.muli %add3A_226, %mul3A_235 : i32
        %add3A_237 = arith.addi %mul3A_2, %mul3A_236 : i32
        %dma_start3A_238 = arith.constant 0 : i32
        %dma_start3A_239 = tpu.memref_slice %arg4[%add3A_237, %dma_start3A_238] : memref<18432x32xf32, #tpu.memory_space<hbm>> -> memref<16x32xf32, #tpu.memory_space<hbm>>
        %dma_start3A_240 = arith.constant 0 : i32
        %dma_start3A_241 = tpu.memref_slice %arg4[%add3A_237, %dma_start3A_240] : memref<18432x32xf32, #tpu.memory_space<hbm>> -> memref<16x32xf32, #tpu.memory_space<hbm>>
        tpu.enqueue_dma source(%dma_start3A_241 : memref<16x32xf32, #tpu.memory_space<hbm>>) target(%arg10 : memref<16x32xf32, #tpu.memory_space<vmem>>) target_semaphore(%arg22 : memref<!tpu.dma_semaphore, #tpu.memory_space<semaphore_mem>>)
      } else {
      }
    }
    %scan3A_52 = arith.constant 9 : i32
    %dma_wait3A = arith.constant 0 : i32
    %dma_wait3A_53 = tpu.memref_slice %arg5[%mul3A_2, %dma_wait3A] : memref<18432x512xf32, #tpu.memory_space<hbm>> -> memref<16x512xf32, #tpu.memory_space<hbm>>
    %dma_wait3A_54 = arith.constant 0 : i32
    %dma_wait3A_55 = tpu.memref_slice %arg5[%mul3A_2, %dma_wait3A_54] : memref<18432x512xf32, #tpu.memory_space<hbm>> -> memref<16x512xf32, #tpu.memory_space<hbm>>
    tpu.wait_dma2 semaphore(%arg23 : memref<!tpu.dma_semaphore, #tpu.memory_space<semaphore_mem>>) src(%arg15 : memref<16x512xf32, #tpu.memory_space<vmem>>) dst(%dma_wait3A_55 : memref<16x512xf32, #tpu.memory_space<hbm>>)
    %dma_wait3A_56 = arith.constant 0 : i32
    %dma_wait3A_57 = tpu.memref_slice %arg5[%mul3A_2, %dma_wait3A_56] : memref<18432x512xf32, #tpu.memory_space<hbm>> -> memref<16x512xf32, #tpu.memory_space<hbm>>
    %dma_wait3A_58 = arith.constant 0 : i32
    %dma_wait3A_59 = tpu.memref_slice %arg5[%mul3A_2, %dma_wait3A_58] : memref<18432x512xf32, #tpu.memory_space<hbm>> -> memref<16x512xf32, #tpu.memory_space<hbm>>
    tpu.wait_dma2 semaphore(%arg24 : memref<!tpu.dma_semaphore, #tpu.memory_space<semaphore_mem>>) src(%arg16 : memref<16x512xf32, #tpu.memory_space<vmem>>) dst(%dma_wait3A_59 : memref<16x512xf32, #tpu.memory_space<hbm>>)
    %dma_wait3A_60 = arith.constant 0 : i32
    %dma_wait3A_61 = tpu.memref_slice %arg5[%mul3A_2, %dma_wait3A_60] : memref<18432x512xf32, #tpu.memory_space<hbm>> -> memref<16x512xf32, #tpu.memory_space<hbm>>
    %dma_wait3A_62 = arith.constant 0 : i32
    %dma_wait3A_63 = tpu.memref_slice %arg5[%mul3A_2, %dma_wait3A_62] : memref<18432x512xf32, #tpu.memory_space<hbm>> -> memref<16x512xf32, #tpu.memory_space<hbm>>
    tpu.wait_dma2 semaphore(%arg25 : memref<!tpu.dma_semaphore, #tpu.memory_space<semaphore_mem>>) src(%arg17 : memref<16x512xf32, #tpu.memory_space<vmem>>) dst(%dma_wait3A_63 : memref<16x512xf32, #tpu.memory_space<hbm>>)
    %dma_wait3A_64 = arith.constant 0 : i32
    %dma_wait3A_65 = tpu.memref_slice %arg5[%mul3A_2, %dma_wait3A_64] : memref<18432x512xf32, #tpu.memory_space<hbm>> -> memref<16x512xf32, #tpu.memory_space<hbm>>
    %dma_wait3A_66 = arith.constant 0 : i32
    %dma_wait3A_67 = tpu.memref_slice %arg5[%mul3A_2, %dma_wait3A_66] : memref<18432x512xf32, #tpu.memory_space<hbm>> -> memref<16x512xf32, #tpu.memory_space<hbm>>
    tpu.wait_dma2 semaphore(%arg26 : memref<!tpu.dma_semaphore, #tpu.memory_space<semaphore_mem>>) src(%arg18 : memref<16x512xf32, #tpu.memory_space<vmem>>) dst(%dma_wait3A_67 : memref<16x512xf32, #tpu.memory_space<hbm>>)
    return
  }
}

module attributes {stable_mosaic.version = 14 : i64} {
  func.func @_tc_body(%arg0: i32, %arg1: i32, %arg2: memref<1x256x512xf32, #tpu.memory_space<vmem>>, %arg3: memref<1x256x512xf32, #tpu.memory_space<vmem>>, %arg4: memref<1x256x512xf32, #tpu.memory_space<vmem>>, %arg5: memref<1x1x256xi32, #tpu.memory_space<vmem>>, %arg6: memref<1x1x256xf32, #tpu.memory_space<vmem>>, %arg7: memref<1x1x256xf32, #tpu.memory_space<vmem>>, %arg8: memref<1x256x512xf32, #tpu.memory_space<vmem>>) attributes {dimension_semantics = [#tpu.dimension_semantics<arbitrary>, #tpu.dimension_semantics<arbitrary>], iteration_bounds = array<i64: 7, 8>, scalar_prefetch = 0 : i64, scratch_operands = 0 : i64, tpu.core_type = #tpu.core_type<tc>, window_params = [{transform_indices = @transform_0, window_bounds = array<i64: 1, 256, 512>}, {transform_indices = @transform_1, window_bounds = array<i64: 1, 256, 512>}, {transform_indices = @transform_2, window_bounds = array<i64: 1, 256, 512>}, {transform_indices = @transform_3, window_bounds = array<i64: 1, 1, 256>}, {transform_indices = @transform_4, window_bounds = array<i64: 1, 1, 256>}, {transform_indices = @transform_5, window_bounds = array<i64: 1, 1, 256>}, {transform_indices = @transform_6, window_bounds = array<i64: 1, 256, 512>}]} {
    %get3A = arith.constant 0 : index
    %get3A_0 = arith.constant 0 : index
    %get3A_1 = arith.constant 0 : index
    %get3A_2 = vector.load %arg2[%get3A, %get3A_0, %get3A_1] : memref<1x256x512xf32, #tpu.memory_space<vmem>>, vector<1x256x512xf32>
    %get3A_3 = vector.shape_cast %get3A_2 : vector<1x256x512xf32> to vector<256x512xf32>
    %get3A_4 = arith.constant 0 : index
    %get3A_5 = arith.constant 0 : index
    %get3A_6 = arith.constant 0 : index
    %get3A_7 = vector.load %arg3[%get3A_4, %get3A_5, %get3A_6] : memref<1x256x512xf32, #tpu.memory_space<vmem>>, vector<1x256x512xf32>
    %get3A_8 = vector.shape_cast %get3A_7 : vector<1x256x512xf32> to vector<256x512xf32>
    %get3A_9 = arith.constant 0 : index
    %get3A_10 = arith.constant 0 : index
    %get3A_11 = arith.constant 0 : index
    %get3A_12 = vector.load %arg4[%get3A_9, %get3A_10, %get3A_11] : memref<1x256x512xf32, #tpu.memory_space<vmem>>, vector<1x256x512xf32>
    %get3A_13 = vector.shape_cast %get3A_12 : vector<1x256x512xf32> to vector<256x512xf32>
    %concatenate3A = tpu.concatenate %get3A_3, %get3A_8, %get3A_13 in 0 : vector<256x512xf32>, vector<256x512xf32>, vector<256x512xf32> -> vector<768x512xf32>
    %get3A_14 = arith.constant 0 : index
    %get3A_15 = arith.constant 0 : index
    %get3A_16 = arith.constant 0 : index
    %get3A_17 = vector.load %arg5[%get3A_14, %get3A_15, %get3A_16] : memref<1x1x256xi32, #tpu.memory_space<vmem>>, vector<1x1x256xi32>
    %get3A_18 = vector.shape_cast %get3A_17 : vector<1x1x256xi32> to vector<256xi32>
    %get3A_19 = arith.constant 0 : index
    %get3A_20 = arith.constant 0 : index
    %get3A_21 = arith.constant 0 : index
    %get3A_22 = vector.load %arg6[%get3A_19, %get3A_20, %get3A_21] : memref<1x1x256xf32, #tpu.memory_space<vmem>>, vector<1x1x256xf32>
    %get3A_23 = vector.shape_cast %get3A_22 : vector<1x1x256xf32> to vector<256xf32>
    %get3A_24 = arith.constant 0 : index
    %get3A_25 = arith.constant 0 : index
    %get3A_26 = arith.constant 0 : index
    %get3A_27 = vector.load %arg7[%get3A_24, %get3A_25, %get3A_26] : memref<1x1x256xf32, #tpu.memory_space<vmem>>, vector<1x1x256xf32>
    %get3A_28 = vector.shape_cast %get3A_27 : vector<1x1x256xf32> to vector<256xf32>
    %iota3A = tpu.iota {dimensions = array<i32: 1>} : vector<256x768xi32>
    %broadcast_in_dim3A = vector.shape_cast %get3A_18 : vector<256xi32> to vector<256x1xi32>
    %eq3A = vector.broadcast %broadcast_in_dim3A : vector<256x1xi32> to vector<256x768xi32>
    %eq3A_29 = arith.cmpi eq, %iota3A, %eq3A : vector<256x768xi32>
    %broadcast_in_dim3A_30 = vector.shape_cast %get3A_23 : vector<256xf32> to vector<256x1xf32>
    %jit3A = arith.constant 0.000000e+00 : f32
    %broadcast_in_dim3A_31 = vector.shape_cast %broadcast_in_dim3A_30 : vector<256x1xf32> to vector<256x1xf32>
    %broadcast_in_dim3A_32 = vector.broadcast %broadcast_in_dim3A_31 : vector<256x1xf32> to vector<256x768xf32>
    %broadcast_in_dim3A_33 = vector.broadcast %jit3A : f32 to vector<256x768xf32>
    %select_n3A = arith.select %eq3A_29, %broadcast_in_dim3A_32, %broadcast_in_dim3A_33 : vector<256x768xi1>, vector<256x768xf32>
    %broadcast_in_dim3A_34 = vector.shape_cast %get3A_18 : vector<256xi32> to vector<256x1xi32>
    %add3A = arith.constant 1 : i32
    %add3A_35 = vector.broadcast %add3A : i32 to vector<256x1xi32>
    %add3A_36 = arith.addi %broadcast_in_dim3A_34, %add3A_35 : vector<256x1xi32>
    %eq3A_37 = vector.broadcast %add3A_36 : vector<256x1xi32> to vector<256x768xi32>
    %eq3A_38 = arith.cmpi eq, %iota3A, %eq3A_37 : vector<256x768xi32>
    %broadcast_in_dim3A_39 = vector.shape_cast %get3A_28 : vector<256xf32> to vector<256x1xf32>
    %jit3A_40 = arith.constant 0.000000e+00 : f32
    %broadcast_in_dim3A_41 = vector.shape_cast %broadcast_in_dim3A_39 : vector<256x1xf32> to vector<256x1xf32>
    %broadcast_in_dim3A_42 = vector.broadcast %broadcast_in_dim3A_41 : vector<256x1xf32> to vector<256x768xf32>
    %broadcast_in_dim3A_43 = vector.broadcast %jit3A_40 : f32 to vector<256x768xf32>
    %select_n3A_44 = arith.select %eq3A_38, %broadcast_in_dim3A_42, %broadcast_in_dim3A_43 : vector<256x768xi1>, vector<256x768xf32>
    %add3A_45 = arith.addf %select_n3A, %select_n3A_44 : vector<256x768xf32>
    %dot_general3A = arith.constant dense<0.000000e+00> : vector<256x512xf32>
    %dot_general3A_46 = tpu.matmul %add3A_45, %concatenate3A, %dot_general3A {dimension_numbers = #tpu.dot_dimension_numbers<[1], [0], [0], [1], [0, 0, 1, 1], [], []>, transpose_lhs_hint = false} : vector<256x768xf32>, vector<768x512xf32>, vector<256x512xf32> -> vector<256x512xf32>
    %swap3A = arith.constant 0 : index
    %swap3A_47 = arith.constant 0 : index
    %swap3A_48 = arith.constant 0 : index
    %swap3A_49 = vector.load %arg8[%swap3A, %swap3A_47, %swap3A_48] : memref<1x256x512xf32, #tpu.memory_space<vmem>>, vector<1x256x512xf32>
    %swap3A_50 = vector.shape_cast %swap3A_49 : vector<1x256x512xf32> to vector<256x512xf32>
    %swap3A_51 = vector.shape_cast %dot_general3A_46 : vector<256x512xf32> to vector<1x256x512xf32>
    tpu.vector_store %arg8[%swap3A, %swap3A_47, %swap3A_48], %swap3A_51 {strides = array<i32>} : memref<1x256x512xf32, #tpu.memory_space<vmem>>, vector<1x256x512xf32>,
    return
  }
  func.func @transform_0(%arg0: i32, %arg1: i32) -> (i32, i32, i32) {
    %sub3A = arith.constant 1 : i32
    %sub3A_0 = arith.subi %arg1, %sub3A : i32
    %add3A = arith.constant 0 : i32
    %add3A_1 = arith.addi %sub3A_0, %add3A : i32
    %jit3A = arith.constant 0 : i32
    %jit3A_2 = arith.constant 7 : i32
    %max3A = arith.maxsi %jit3A, %add3A_1 : i32
    %min3A = arith.minsi %jit3A_2, %max3A : i32
    %c0_i32 = arith.constant 0 : i32
    %c0_i32_3 = arith.constant 0 : i32
    return %arg0, %min3A, %c0_i32 : i32, i32, i32
  }
  func.func @transform_1(%arg0: i32, %arg1: i32) -> (i32, i32, i32) {
    %sub3A = arith.constant 1 : i32
    %sub3A_0 = arith.subi %arg1, %sub3A : i32
    %add3A = arith.constant 1 : i32
    %add3A_1 = arith.addi %sub3A_0, %add3A : i32
    %jit3A = arith.constant 0 : i32
    %jit3A_2 = arith.constant 7 : i32
    %max3A = arith.maxsi %jit3A, %add3A_1 : i32
    %min3A = arith.minsi %jit3A_2, %max3A : i32
    %c0_i32 = arith.constant 0 : i32
    %c0_i32_3 = arith.constant 0 : i32
    return %arg0, %min3A, %c0_i32 : i32, i32, i32
  }
  func.func @transform_2(%arg0: i32, %arg1: i32) -> (i32, i32, i32) {
    %sub3A = arith.constant 1 : i32
    %sub3A_0 = arith.subi %arg1, %sub3A : i32
    %add3A = arith.constant 2 : i32
    %add3A_1 = arith.addi %sub3A_0, %add3A : i32
    %jit3A = arith.constant 0 : i32
    %jit3A_2 = arith.constant 7 : i32
    %max3A = arith.maxsi %jit3A, %add3A_1 : i32
    %min3A = arith.minsi %jit3A_2, %max3A : i32
    %c0_i32 = arith.constant 0 : i32
    %c0_i32_3 = arith.constant 0 : i32
    return %arg0, %min3A, %c0_i32 : i32, i32, i32
  }
  func.func @transform_3(%arg0: i32, %arg1: i32) -> (i32, i32, i32) {
    %c0_i32 = arith.constant 0 : i32
    %c0_i32_0 = arith.constant 0 : i32
    return %arg0, %c0_i32, %arg1 : i32, i32, i32
  }
  func.func @transform_4(%arg0: i32, %arg1: i32) -> (i32, i32, i32) {
    %c0_i32 = arith.constant 0 : i32
    %c0_i32_0 = arith.constant 0 : i32
    return %arg0, %c0_i32, %arg1 : i32, i32, i32
  }
  func.func @transform_5(%arg0: i32, %arg1: i32) -> (i32, i32, i32) {
    %c0_i32 = arith.constant 0 : i32
    %c0_i32_0 = arith.constant 0 : i32
    return %arg0, %c0_i32, %arg1 : i32, i32, i32
  }
  func.func @transform_6(%arg0: i32, %arg1: i32) -> (i32, i32, i32) {
    %c0_i32 = arith.constant 0 : i32
    %c0_i32_0 = arith.constant 0 : i32
    return %arg0, %arg1, %c0_i32 : i32, i32, i32
  }
}

</mosaic_0001>

<sc_bundles>
// kernel: kernel.4.cloned.1.call-start
scs
__scs_entry_jumppad:
0x0: {  	(pc) =	sbr.rel $0x88, $3  }
0x1: {  	(tag) =	ssettag $0x0;
	lr =	simm.s32 $0x1  }
0x2: {  	[smem:$0x3FA0] =	sst lr;
	_ =	strace $0xD0000000  }
0x3: {  	_ = 	snop  }
0x4: {  	_ = 	snop  }
0x5: {  	_ = 	snop  }
0x6: {  	_ = 	snop  }
0x7: {  	_ = 	snop  }
__scs_overlays_trampoline_lowered:
0x8: {  	[smem:$0x3FAF] =	sst s0  }
0x9: {  	[smem:$0x3FB0] =	sst s1  }
0xa: {  	[smem:$0x3FB1] =	sst s2  }
0xb: {  	[smem:$0x3FB2] =	sst s3  }
0xc: {  	[smem:$0x3FB3] =	sst s4  }
0xd: {  	[smem:$0x3FB4] =	sst s5  }
0xe: {  	[smem:$0x3FB5] =	sst s6  }
0xf: {  	[smem:$0x3FB6] =	sst s7  }
0x10: {  	[smem:$0x3FB7] =	sst s8  }
0x11: {  	[smem:$0x3FB8] =	sst s9;
	s0 =	simm.s32 @!p0 $0x0  }
0x12: {  	s1 =	sld [smem:$0x3F9E];
	s0 =	simm.s32 @p0 $0x1  }
0x13: {  	[smem:$0x3FB9] =	sst s0;
	s0 =	simm.s32 @!p1 $0x0  }
0x14: {  	s2 =	sld [smem:$0x3F9D];
	s0 =	simm.s32 @p1 $0x1  }
0x15: {  	[smem:$0x3FBA] =	sst s0;
	s0 =	simm.s32 @!p2 $0x0  }
0x16: {  	s3 =	sld [smem:$0x3FDB];
	s0 =	simm.s32 @p2 $0x1  }
0x17: {  	s4 =	simm.s32 $0x1BF5;
	[smem:$0x3FBC] =	sst s0  }
0x18: {  	s0 =	sld [smem:$0x3F9F];
	_ =	swait.ge [sflag:s4], $0x0  }
0x19: {  	s7 =	sld [smem:$0x3FA0]  }
0x1a: {  	s8 =	sadd.s32 $0xFFFFE003, lr  }
0x1b: {  	s9 =	sadd.s32 $0xFFFFFEF7, lr;
	s5 =	simm.s32 $0xFFFFFFFF;
	p2 =	slt.u32 s8, $0xFFFFF086  }
0x1c: {  	p1 =	slt.u32 s9, $0xF7A;
	s5 =	simm.s32 @!p2 $0x0  }
0x1d: {  	s5 =	simm.s32 @p1 $0x1;
	p0 =	seq.s32 s7, s2  }
0x1e: {  	s7 =	smul.u32 @!p0 $0xF7A, s2;
	p2 =	seq.s32 @!p0 s5, $0x0  }
0x1f: {  	s9 =	smul.u32 $0xF7A, s1;
	s8 =	simm.s32 @!p0 $0x1BF5;
	p2 =	por !p2, p0  }
0x20: {  	[sflag:s8] =	ssyncset.s32 @!p0 $0xFFFFF086;
	s6 =	sadd.s32 @!p0 s3, s7;
	s7 =	simm.s32 @!p0 $0x108  }
0x21: {  	s3 =	sadd.s32 s3, s9;
	s6 =	sadd.s32 @!p0 $0x88, s6;
	s7 =	simm.s32 @p2 $0x1082  }
0x22: {  	[simem:s7], [sflag:s8] =	dma.local @!p0 [hbm:s6], $0xF7A  }
0x23: {  	s9 =	sor.u32 $0xD0000000, s2;
	s6 =	simm.s32 $0x108;
	_ =	swait.ge @!p0 [sflag:s8], $0x0  }
0x24: {  	s3 =	sadd.s32 $0x88, s3;
	s6 =	simm.s32 @!p1 $0x1082;
	[sflag:s4] =	ssyncset.s32 $0xFFFFF086  }
0x25: {  	[simem:s6], [sflag:s4] =	dma.local [hbm:s3], $0xF7A  }
0x26: {  	[smem:$0x3FA0] =	sst s1;
	(tag) =	ssettag s2;
	_ =	strace s9  }
0x27: {  	s1 =	sld [smem:$0x3FB0]  }
0x28: {  	s2 =	sld [smem:$0x3FB1]  }
0x29: {  	s4 =	sld [smem:$0x3FB3]  }
0x2a: {  	p0 =	seq.s32 s5, $0x0;
	s5 =	sld [smem:$0x3FB4]  }
0x2b: {  	s6 =	sld [smem:$0x3FB5]  }
0x2c: {  	s7 =	sld [smem:$0x3FB6]  }
0x2d: {  	s3 =	simm.s32 $0x108;
	s8 =	sld [smem:$0x3FB7]  }
0x2e: {  	s3 =	simm.s32 @!p0 $0x1082;
	s9 =	sld [smem:$0x3FB8]  }
0x2f: {  	lr =	sadd.s32 s0, s3;
	s0 =	sld [smem:$0x3FAF]  }
0x30: {  	s3 =	sld [smem:$0x3FB2]  }
0x31: {  	[smem:$0x3FBB] =	sst s10  }
0x32: {  	s10 =	sld [smem:$0x3FB9];
	_ =	sdelay $0x3  }
0x33: {  	p0 =	seq.s32 s10, $0x1;
	s10 =	sld [smem:$0x3FBB];
	_ =	sdelay $0x3  }
0x34: {  	[smem:$0x3FBB] =	sst s10  }
0x35: {  	s10 =	sld [smem:$0x3FBA];
	_ =	sdelay $0x3  }
0x36: {  	p1 =	seq.s32 s10, $0x1;
	s10 =	sld [smem:$0x3FBB];
	_ =	sdelay $0x3  }
0x37: {  	[smem:$0x3FBB] =	sst s10  }
0x38: {  	s10 =	sld [smem:$0x3FBC]  }
0x39: {  	_ = 	snop;
	(pc) =	sbr.ind lr, $3  }
0x3a: {  	_ = 	snop  }
0x3b: {  	_ = 	snop  }
0x3c: {  	p2 =	seq.s32 s10, $0x1;
	s10 =	sld [smem:$0x3FBB]  }
0x3d: {  	_ =	shalt  }
0x3e: {  	_ =	shalt  }
0x3f: {  	_ =	shalt  }
0x40: {  	_ =	shalt  }
0x41: {  	_ =	shalt  }
0x42: {  	_ =	shalt  }
0x43: {  	_ =	shalt  }
0x44: {  	_ =	shalt  }
0x45: {  	_ =	shalt  }
0x46: {  	_ =	shalt  }
0x47: {  	_ =	shalt  }
0x48: {  	_ =	shalt  }
0x49: {  	_ =	shalt  }
0x4a: {  	_ =	shalt  }
0x4b: {  	_ =	shalt  }
0x4c: {  	_ =	shalt  }
0x4d: {  	_ =	shalt  }
0x4e: {  	_ =	shalt  }
0x4f: {  	_ =	shalt  }
0x50: {  	_ =	shalt  }
0x51: {  	_ =	shalt  }
0x52: {  	_ =	shalt  }
0x53: {  	_ =	shalt  }
0x54: {  	_ =	shalt  }
0x55: {  	_ =	shalt  }
0x56: {  	_ =	shalt  }
0x57: {  	_ =	shalt  }
0x58: {  	_ =	shalt  }
0x59: {  	_ =	shalt  }
0x5a: {  	_ =	shalt  }
0x5b: {  	_ =	shalt  }
0x5c: {  	_ =	shalt  }
0x5d: {  	_ =	shalt  }
0x5e: {  	_ =	shalt  }
0x5f: {  	_ =	shalt  }
0x60: {  	_ =	shalt  }
0x61: {  	_ =	shalt  }
0x62: {  	_ =	shalt  }
0x63: {  	_ =	shalt  }
0x64: {  	_ =	shalt  }
0x65: {  	_ =	shalt  }
0x66: {  	_ =	shalt  }
0x67: {  	_ =	shalt  }
0x68: {  	_ =	shalt  }
0x69: {  	_ =	shalt  }
0x6a: {  	_ =	shalt  }
0x6b: {  	_ =	shalt  }
0x6c: {  	_ =	shalt  }
0x6d: {  	_ =	shalt  }
0x6e: {  	_ =	shalt  }
0x6f: {  	_ =	shalt  }
0x70: {  	_ =	shalt  }
0x71: {  	_ =	shalt  }
0x72: {  	_ =	shalt  }
0x73: {  	_ =	shalt  }
0x74: {  	_ =	shalt  }
0x75: {  	_ =	shalt  }
0x76: {  	_ =	shalt  }
0x77: {  	_ =	shalt  }
0x78: {  	_ =	shalt  }
0x79: {  	_ =	shalt  }
0x7a: {  	_ =	shalt  }
0x7b: {  	_ =	shalt  }
0x7c: {  	_ =	shalt  }
0x7d: {  	_ =	shalt  }
0x7e: {  	_ =	shalt  }
0x7f: {  	_ =	shalt  }
0x80: {  	_ =	shalt  }
0x81: {  	_ =	shalt  }
0x82: {  	_ =	shalt  }
0x83: {  	_ =	shalt  }
0x84: {  	_ =	shalt  }
0x85: {  	_ =	shalt  }
0x86: {  	_ =	shalt  }
0x87: {  	_ =	shalt  }
.Lfunc_end0:
.L_simem_size_0:
called_computation_lowered:
.L_overlay_start_0:
0x88: {  	s2 =	sld [smem:$0x3FD9]  }
0x89: {  	s3 =	sld [smem:$0x3FFE];
	_ =	sdelay $0x1  }
0x8a: {  	s1 =	srdreg.scid  }
0x8b: {  	s0 =	sand.u32 $0x1, s1  }
0x8c: {  	s17 =	sshll.u32 s0, $0xA;
	s2 =	sadd.s32 s3, s2  }
0x8d: {  	s2 =	sadd.s32 s2, s17  }
0x8e: {  	[smem:$0x3FC7] =	sst s2  }
0x8f: {  	_ = 	snop  }
0x90: {  	s2 =	sld [smem:$0x3FC9];
	(tm) =	ssettm $0x1  }
0x91: {  	s18 =	sld [smem:$0x3FFB];
	_ =	sdelay $0x3  }
0x92: {  	_ =	strace s18  }
0x93: {  	s3 =	sld [smem:$0x3FFC];
	_ =	sdelay $0x3  }
0x94: {  	_ =	strace s3  }
0x95: {  	s3 =	sld [smem:$0x3FFD];
	_ =	sdelay $0x3  }
0x96: {  	_ =	strace s3  }
0x97: {  	_ =	strace $0x8FFFFFFF  }
0x98: {  	s19 =	sld [smem:$0x3FDB];
	_ =	sdelay $0x1  }
0x99: {  	s4 =	simm.s32 $_scs_section_size  }
0x9a: {  	s5 =	simm.s32 $_size__tile_overlayer_lowered;
	s6 =	simm.s32 $_tile_overlayer_lowered  }
0x9b: {  	s22 =	simm.s32 $0x1BFF;
	s21 =	sshll.u32 s6, $0x1;
	s3 =	sadd.s32 s4, s19  }
0x9c: {  	s7 =	simm.s32 $0x0;
	s20 =	sshll.u32 s5, $0x1;
	s5 =	sadd.s32 s21, s3  }
0x9d: {  	[timem:s7], [sflag:s22] =	dma.local [hbm:s5], s20  }
0x9e: {  	_ =	swait.ge [sflag:s22], s20  }
0x9f: {  	s4 =	ssub.s32 $0x0, s20;
	[sflag:s22] =	ssyncset.done $0x0  }
0xa0: {  	[sflag:s22] =	ssyncadd.s32 s4;
	_ =	sdelay $0x1  }
0xa1: {  	s23 =	simm.s32 $0x1B8B  }
0xa2: {  	_ =	swait.ge [sflag:s23], $0x1  }
0xa3: {  	[sflag:s23] =	ssyncset.done $0x0  }
0xa4: {  	s25 =	simm.s32 $0x1B8E;
	s24 =	sld [smem:$0x3FFE];
	[sflag:s23] =	ssyncadd.s32 $0xFFFFFFFF  }
0xa5: {  	s26 =	simm.s32 $execute0_lowered;
	[smem:$0x3FD2] =	sst s25  }
0xa6: {  	s5 =	sshll.u32 s26, $0x1;
	_ =	strace $0x80000046;
	[dreg:$0x1] =	wrdreg $0xFFFFFFFF  }
0xa7: {  	s28 =	simm.s32 $_size_execute0_lowered;
	s3 =	sadd.s32 s3, s5;
	[dreg:$0x0] =	wrdreg $0x0  }
0xa8: {  	s5 =	sshll.u32 s28, $0x1;
	[dreg:$0x2] =	wrdreg s3  }
0xa9: {  	[dreg:$0x3] =	wrdreg s5  }
0xaa: {  	[dreg:$0x4] =	wrdreg $0xC0  }
0xab: {  	_ =	task [dreg:s7], $0x5FFFF  }
0xac: {  	[dreg:$0x1] =	wrdreg $0xFFFFFFFF  }
0xad: {  	[dreg:$0x0] =	wrdreg $0x60  }
0xae: {  	[dreg:$0x2] =	wrdreg s2  }
0xaf: {  	[dreg:$0x3] =	wrdreg s24  }
0xb0: {  	[dreg:$0x4] =	wrdreg $0x9  }
0xb1: {  	_ =	task.clear_ibuf [dreg:s7], $0x5FFFF;
	_ =	strace $0x90000046  }
0xb2: {  	s29 =	simm.s32 $0x9;
	_ =	strace $0x80000048  }
0xb3: {  	_ =	swait.ge [sflag:s29], $0x1  }
0xb4: {  	[sflag:s29] =	ssyncadd.s32 $0xFFFFFFFF  }
0xb5: {  	_ =	strace $0x90000048  }
0xb6: {  	_ =	sfence  }
0xb7: {  	s30 =	sld [smem:$0x0];
	_ =	sdelay $0x2  }
0xb8: {  	s31 =	sshll.u32 s1, $0xD;
	s1 =	sshrl.u32 s1, $0x2  }
0xb9: {  	s3 =	sand.u32 $0x4000, s31;
	s1 =	sadd.s32 s1, s30  }
0xba: {  	s0 =	sor.u32 s3, s0;
	s1 =	sshll.u32 s1, $0x11  }
0xbb: {  	s0 =	sor.u32 s1, s0  }
0xbc: {  	s0 =	sadd.s32 $0x8F2B, s0  }
0xbd: {  	[sflag:s0] =	ssyncadd.remote.s32 $0x1  }
0xbe: {  	_ =	sfence.sel $0xFFFF  }
0xbf: {  	[dreg:$0x0] =	wrdreg $0xFFFFFFFF;
	(pc) =	sbr.abs _section_cstart, $3  }
0xc0: {  	[dreg:$0x1] =	wrdreg $0xFFFFFFFF  }
0xc1: {  	_ =	task.clear_ibuf [dreg:s7], $0x2FFFF;
	_ =	strace $0x9FFFFFFF  }
0xc2: {  	(tm) =	ssettm $0x7FFFFFFF  }
0xc3: {  	_ =	shalt  }
tec
execute0_lowered:
.L_overlay_start_1:
0x0: {  	(tag) =	ssettag $0x1  }
0x1: {  	s2 =	rddreg [dreg:$0x0];
	s0 =	srdreg.scid  }
0x2: {  	s3 =	stileid.u32;
	s1 =	rddreg [dreg:$0x1];
	s28 =	simm.s32 $0x1  }
0x3: {  	s29 =	simm.s32 $0x12480;
	s0 =	sand.u32 $0x1, s0;
	s4 =	sshll.u32 s3, $0x1  }
0x4: {  	s30 =	simm.s32 $0x2;
	s31 =	simm.s32 $0x14480;
	s6 =	sor.u32 s0, s4  }
0x5: {  	s11 =	simm.s32 $0x18480;
	s12 =	simm.s32 $0x0;
	s4 =	smul.u32 $0x90, s6  }
0x6: {  	s3 =	simm.s32 $0x0;
	s5 =	sadd.s32 $0x49C00, s1;
	s9 =	smul.u32 $0x2400, s6  }
0x7: {  	[smem:$0x7FF] =	sst s3;
	s0 =	ssub.s32 $0x2, s0;
	s24 =	smul.u32 $0x240, s6  }
0x8: {  	_ =	strace $0x80000047;
	s8 =	sshrl.u32 s0, $0x1;
	s10 =	smul.u32 $0x48000, s6  }
0x9: {  	s13 =	smul.u32 $0x12000, s6;
	s6 =	simm.s32 $0x16480;
	s0 =	ssub.s32 s0, s8  }
0xa: {  	s8 =	sadd.s32 $0x100, s2;
	s7 =	sadd.s32 s4, s1;
	s0 =	smax.u32 s0, $0x1  }
0xb: {  	s4 =	sadd.s32 $0xA00, s1;
	s7 =	sadd.s32 $0x48A00, s7;
	[dreg:$0x8] =	wrdreg s0  }
.Ltmp0:
0xc: {  	s25 =	sadd.s32 s4, s9;
	[dreg:$0x3] =	wrdreg s7;
	(pc) =	sbr.rel .LBB2_1-.Ltmp0, $4  }
0xd: {  	s14 =	sor.u32 $0x10, s24;
	s9 =	sadd.s32 $0x100, s25;
	[dreg:$0x4] =	wrdreg s25  }
0xe: {  	v2 =	vlaneseq.u32;
	s15 =	sor.u32 $0x20, s24;
	s26 =	sadd.s32 $0x200, s25;
	[dreg:$0x5] =	wrdreg s9  }
0xf: {  	vm0 =	vmmov $0xffff;
	v1 =	vshrl.u32 v2, $0x3;
	s16 =	sor.u32 $0x30, s24;
	s7 =	sadd.s32 $0x300, s25;
	[dreg:$0x6] =	wrdreg s26  }
0x10: {  	v0 =	vand.u32 $0x7, v2;
	v2 =	vor.u32 $0x8, v2;
	v1 =	vmul.u32 $0x8, v1;
	s1 =	simm.s32 $0x3;
	[dreg:$0x7] =	wrdreg s7;
	s9 =	simm.s32 $0x4  }
.LBB2_12:
0x11: {  	s0 =	simm.s32 $0x5  }
0x12: {  	_ =	swait.ge [sflag:s0], $0x2000  }
0x13: {  	[sflag:s0] =	ssyncset.done $0x0  }
0x14: {  	s24 =	simm.s32 $0x6;
	[sflag:s0] =	ssyncadd.s32 $0xFFFFE000  }
0x15: {  	_ =	swait.ge [sflag:s24], $0x2000  }
0x16: {  	[sflag:s24] =	ssyncset.done $0x0  }
0x17: {  	s25 =	simm.s32 $0x7;
	[sflag:s24] =	ssyncadd.s32 $0xFFFFE000  }
0x18: {  	_ =	swait.ge [sflag:s25], $0x2000  }
0x19: {  	[sflag:s25] =	ssyncset.done $0x0  }
0x1a: {  	s7 =	simm.s32 $0x8;
	[sflag:s25] =	ssyncadd.s32 $0xFFFFE000  }
0x1b: {  	_ =	swait.ge [sflag:s7], $0x2000  }
0x1c: {  	s12 =	rddreg [dreg:$0x9]  }
0x1d: {  	s26 =	rddreg [dreg:$0x8];
	s12 =	sadd.s32 $0x1, s12  }
0x1e: {  	p0 =	sne.s32 s12, s26  }
.Ltmp1:
0x1f: {  	_ = 	snop;
	(pc) =	sbr.rel @!p0 .LBB2_13-.Ltmp1, $3  }
0x20: {  	_ =	sdelay $0x1  }
0x21: {  	[sflag:s7] =	ssyncset.done $0x0  }
0x22: {  	[sflag:s7] =	ssyncadd.s32 $0xFFFFE000  }
.LBB2_1:
0x23: {  	[dreg:$0x9] =	wrdreg s12  }
0x24: {  	s0 =	rddreg [dreg:$0x3];
	s23 =	simm.s32 $0x9  }
0x25: {  	[tilespmem:s3], [sflag:$0x9] =	stream.linear.gather [hbm4b:s0+s3], $0x480, $0x38;
	[tilespmem:$0x1A480] =	vst v63  }
0x26: {  	_ =	swait.ge [sflag:s23], $0x480  }
0x27: {  	[sflag:s23] =	ssyncset.done $0x0  }
0x28: {  	[sflag:s23] =	ssyncadd.s32 $0xFFFFFB80  }
0x29: {  	v3 =	vld [tilespmem:$0x0];
	_ =	sdelay $0x4  }
0x2a: {  	v4 =	vshll.u32 v3, $0x2  }
0x2b: {  	v3 =	vand.u32 $0x7, v3;
	v4 =	vand.u32 $0xFFFFFFE0, v4  }
0x2c: {  	v3 =	vor.u32 v3, v4  }
0x2d: {  	v4 =	vperm.xlane v3, v0;
	_ =	sdelay $0x1  }
0x2e: {  	v4 =	vadd.s32 v1, v4;
	_ =	sdelay $0x1  }
0x2f: {  	v3 =	vperm.xlane v3, v2;
	_ =	sdelay $0x1  }
0x30: {  	s24 =	simm.s32 $0x2480;
	v3 =	vadd.s32 v1, v3  }
0x31: {  	[tilespmem:s24], [sflag:$0x1] =	stream.indirect_vreg.gather [hbm4b:s2+s3], $0x80, v4, vm0, $0xb8;
	[tilespmem:$0x1A480] =	vst v63  }
0x32: {  	s25 =	simm.s32 $0x2C80  }
0x33: {  	[tilespmem:s25], [sflag:$0x1] =	stream.indirect_vreg.gather [hbm4b:s8+s3], $0x80, v4, vm0, $0xb8;
	[tilespmem:$0x1A480] =	vst v63  }
0x34: {  	s26 =	simm.s32 $0x3480  }
0x35: {  	[tilespmem:s26], [sflag:$0x1] =	stream.indirect_vreg.gather [hbm4b:s2+s3], $0x80, v3, vm0, $0xb8;
	[tilespmem:$0x1A480] =	vst v63  }
0x36: {  	s7 =	simm.s32 $0x3C80  }
0x37: {  	[tilespmem:s7], [sflag:$0x1] =	stream.indirect_vreg.gather [hbm4b:s8+s3], $0x80, v3, vm0, $0xb8;
	[tilespmem:$0x1A480] =	vst v63  }
0x38: {  	v3 =	vld [tilespmem:$0x10];
	_ =	sdelay $0x4  }
0x39: {  	v57 =	vshll.u32 v3, $0x2  }
0x3a: {  	v3 =	vand.u32 $0x7, v3;
	v4 =	vand.u32 $0xFFFFFFE0, v57  }
0x3b: {  	v3 =	vor.u32 v3, v4  }
0x3c: {  	v4 =	vperm.xlane v3, v0;
	_ =	sdelay $0x1  }
0x3d: {  	v4 =	vadd.s32 v1, v4;
	_ =	sdelay $0x1  }
0x3e: {  	v3 =	vperm.xlane v3, v2;
	_ =	sdelay $0x1  }
0x3f: {  	s12 =	simm.s32 $0x4480;
	v3 =	vadd.s32 v1, v3  }
0x40: {  	[tilespmem:s12], [sflag:$0x1] =	stream.indirect_vreg.gather [hbm4b:s2+s3], $0x80, v4, vm0, $0xb8;
	[tilespmem:$0x1A480] =	vst v63  }
0x41: {  	s17 =	simm.s32 $0x4C80  }
0x42: {  	[tilespmem:s17], [sflag:$0x1] =	stream.indirect_vreg.gather [hbm4b:s8+s3], $0x80, v4, vm0, $0xb8;
	[tilespmem:$0x1A480] =	vst v63  }
0x43: {  	s18 =	simm.s32 $0x5480  }
0x44: {  	[tilespmem:s18], [sflag:$0x1] =	stream.indirect_vreg.gather [hbm4b:s2+s3], $0x80, v3, vm0, $0xb8;
	[tilespmem:$0x1A480] =	vst v63  }
0x45: {  	s19 =	simm.s32 $0x5C80  }
0x46: {  	[tilespmem:s19], [sflag:$0x1] =	stream.indirect_vreg.gather [hbm4b:s8+s3], $0x80, v3, vm0, $0xb8;
	[tilespmem:$0x1A480] =	vst v63  }
0x47: {  	s20 =	rddreg [dreg:$0x4];
	s7 =	simm.s32 $0x480  }
0x48: {  	[tilespmem:s7], [sflag:$0x1] =	stream.linear.gather [hbm4b:s20+s3], $0x800, $0x38;
	[tilespmem:$0x1A480] =	vst v63  }
0x49: {  	v3 =	vld [tilespmem:$0x20];
	_ =	sdelay $0x4  }
0x4a: {  	v58 =	vshll.u32 v3, $0x2  }
0x4b: {  	v3 =	vand.u32 $0x7, v3;
	v4 =	vand.u32 $0xFFFFFFE0, v58  }
0x4c: {  	v3 =	vor.u32 v3, v4  }
0x4d: {  	v4 =	vperm.xlane v3, v0;
	_ =	sdelay $0x1  }
0x4e: {  	v4 =	vadd.s32 v1, v4;
	_ =	sdelay $0x1  }
0x4f: {  	v3 =	vperm.xlane v3, v2;
	_ =	sdelay $0x1  }
0x50: {  	s21 =	simm.s32 $0x6480;
	v3 =	vadd.s32 v1, v3  }
0x51: {  	[tilespmem:s21], [sflag:$0x2] =	stream.indirect_vreg.gather [hbm4b:s2+s3], $0x80, v4, vm0, $0xb8;
	[tilespmem:$0x1A480] =	vst v63  }
0x52: {  	s22 =	simm.s32 $0x6C80  }
0x53: {  	[tilespmem:s22], [sflag:$0x2] =	stream.indirect_vreg.gather [hbm4b:s8+s3], $0x80, v4, vm0, $0xb8;
	[tilespmem:$0x1A480] =	vst v63  }
0x54: {  	s23 =	simm.s32 $0x7480  }
0x55: {  	[tilespmem:s23], [sflag:$0x2] =	stream.indirect_vreg.gather [hbm4b:s2+s3], $0x80, v3, vm0, $0xb8;
	[tilespmem:$0x1A480] =	vst v63  }
0x56: {  	s24 =	simm.s32 $0x7C80  }
0x57: {  	[tilespmem:s24], [sflag:$0x2] =	stream.indirect_vreg.gather [hbm4b:s8+s3], $0x80, v3, vm0, $0xb8;
	[tilespmem:$0x1A480] =	vst v63  }
0x58: {  	v3 =	vld [tilespmem:$0x30];
	_ =	sdelay $0x4  }
0x59: {  	v59 =	vshll.u32 v3, $0x2  }
0x5a: {  	v3 =	vand.u32 $0x7, v3;
	v4 =	vand.u32 $0xFFFFFFE0, v59  }
0x5b: {  	v3 =	vor.u32 v3, v4  }
0x5c: {  	v4 =	vperm.xlane v3, v0;
	_ =	sdelay $0x1  }
0x5d: {  	v4 =	vadd.s32 v1, v4;
	_ =	sdelay $0x1  }
0x5e: {  	v3 =	vperm.xlane v3, v2;
	_ =	sdelay $0x1  }
0x5f: {  	s25 =	simm.s32 $0x8480;
	v3 =	vadd.s32 v1, v3  }
0x60: {  	[tilespmem:s25], [sflag:$0x2] =	stream.indirect_vreg.gather [hbm4b:s2+s3], $0x80, v4, vm0, $0xb8;
	[tilespmem:$0x1A480] =	vst v63  }
0x61: {  	s26 =	simm.s32 $0x8C80  }
0x62: {  	[tilespmem:s26], [sflag:$0x2] =	stream.indirect_vreg.gather [hbm4b:s8+s3], $0x80, v4, vm0, $0xb8;
	[tilespmem:$0x1A480] =	vst v63  }
0x63: {  	s7 =	simm.s32 $0x9480  }
0x64: {  	[tilespmem:s7], [sflag:$0x2] =	stream.indirect_vreg.gather [hbm4b:s2+s3], $0x80, v3, vm0, $0xb8;
	[tilespmem:$0x1A480] =	vst v63  }
0x65: {  	s12 =	simm.s32 $0x9C80  }
0x66: {  	[tilespmem:s12], [sflag:$0x2] =	stream.indirect_vreg.gather [hbm4b:s8+s3], $0x80, v3, vm0, $0xb8;
	[tilespmem:$0x1A480] =	vst v63  }
0x67: {  	s17 =	rddreg [dreg:$0x5];
	s18 =	simm.s32 $0xC80  }
0x68: {  	[tilespmem:s18], [sflag:$0x2] =	stream.linear.gather [hbm4b:s17+s3], $0x800, $0x38;
	[tilespmem:$0x1A480] =	vst v63  }
0x69: {  	v3 =	vld [tilespmem:$0x40];
	_ =	sdelay $0x4  }
0x6a: {  	v60 =	vshll.u32 v3, $0x2  }
0x6b: {  	v3 =	vand.u32 $0x7, v3;
	v4 =	vand.u32 $0xFFFFFFE0, v60  }
0x6c: {  	v3 =	vor.u32 v3, v4  }
0x6d: {  	v4 =	vperm.xlane v3, v0;
	_ =	sdelay $0x1  }
0x6e: {  	v4 =	vadd.s32 v1, v4;
	_ =	sdelay $0x1  }
0x6f: {  	v3 =	vperm.xlane v3, v2;
	_ =	sdelay $0x1  }
0x70: {  	s19 =	simm.s32 $0xA480;
	v3 =	vadd.s32 v1, v3  }
0x71: {  	[tilespmem:s19], [sflag:$0x3] =	stream.indirect_vreg.gather [hbm4b:s2+s3], $0x80, v4, vm0, $0xb8;
	[tilespmem:$0x1A480] =	vst v63  }
0x72: {  	s20 =	simm.s32 $0xAC80  }
0x73: {  	[tilespmem:s20], [sflag:$0x3] =	stream.indirect_vreg.gather [hbm4b:s8+s3], $0x80, v4, vm0, $0xb8;
	[tilespmem:$0x1A480] =	vst v63  }
0x74: {  	s21 =	simm.s32 $0xB480  }
0x75: {  	[tilespmem:s21], [sflag:$0x3] =	stream.indirect_vreg.gather [hbm4b:s2+s3], $0x80, v3, vm0, $0xb8;
	[tilespmem:$0x1A480] =	vst v63  }
0x76: {  	s22 =	simm.s32 $0xBC80  }
0x77: {  	[tilespmem:s22], [sflag:$0x3] =	stream.indirect_vreg.gather [hbm4b:s8+s3], $0x80, v3, vm0, $0xb8;
	[tilespmem:$0x1A480] =	vst v63  }
0x78: {  	v3 =	vld [tilespmem:$0x50];
	_ =	sdelay $0x4  }
0x79: {  	v61 =	vshll.u32 v3, $0x2  }
0x7a: {  	v3 =	vand.u32 $0x7, v3;
	v4 =	vand.u32 $0xFFFFFFE0, v61  }
0x7b: {  	v3 =	vor.u32 v3, v4  }
0x7c: {  	v4 =	vperm.xlane v3, v0;
	_ =	sdelay $0x1  }
0x7d: {  	v4 =	vadd.s32 v1, v4;
	_ =	sdelay $0x1  }
0x7e: {  	v3 =	vperm.xlane v3, v2;
	_ =	sdelay $0x1  }
0x7f: {  	s23 =	simm.s32 $0xC480;
	v3 =	vadd.s32 v1, v3  }
0x80: {  	[tilespmem:s23], [sflag:$0x3] =	stream.indirect_vreg.gather [hbm4b:s2+s3], $0x80, v4, vm0, $0xb8;
	[tilespmem:$0x1A480] =	vst v63  }
0x81: {  	s24 =	simm.s32 $0xCC80  }
0x82: {  	[tilespmem:s24], [sflag:$0x3] =	stream.indirect_vreg.gather [hbm4b:s8+s3], $0x80, v4, vm0, $0xb8;
	[tilespmem:$0x1A480] =	vst v63  }
0x83: {  	s25 =	simm.s32 $0xD480  }
0x84: {  	[tilespmem:s25], [sflag:$0x3] =	stream.indirect_vreg.gather [hbm4b:s2+s3], $0x80, v3, vm0, $0xb8;
	[tilespmem:$0x1A480] =	vst v63  }
0x85: {  	s26 =	simm.s32 $0xDC80  }
0x86: {  	[tilespmem:s26], [sflag:$0x3] =	stream.indirect_vreg.gather [hbm4b:s8+s3], $0x80, v3, vm0, $0xb8;
	[tilespmem:$0x1A480] =	vst v63  }
0x87: {  	s7 =	rddreg [dreg:$0x6];
	s12 =	simm.s32 $0x1480  }
0x88: {  	[tilespmem:s12], [sflag:$0x3] =	stream.linear.gather [hbm4b:s7+s3], $0x800, $0x38;
	[tilespmem:$0x1A480] =	vst v63  }
0x89: {  	v3 =	vld [tilespmem:$0x60];
	_ =	sdelay $0x4  }
0x8a: {  	v62 =	vshll.u32 v3, $0x2  }
0x8b: {  	v3 =	vand.u32 $0x7, v3;
	v4 =	vand.u32 $0xFFFFFFE0, v62  }
0x8c: {  	v3 =	vor.u32 v3, v4  }
0x8d: {  	v4 =	vperm.xlane v3, v0;
	_ =	sdelay $0x1  }
0x8e: {  	v4 =	vadd.s32 v1, v4;
	_ =	sdelay $0x1  }
0x8f: {  	v3 =	vperm.xlane v3, v2;
	_ =	sdelay $0x1  }
0x90: {  	s17 =	simm.s32 $0xE480;
	v3 =	vadd.s32 v1, v3  }
0x91: {  	[tilespmem:s17], [sflag:$0x4] =	stream.indirect_vreg.gather [hbm4b:s2+s3], $0x80, v4, vm0, $0xb8;
	[tilespmem:$0x1A480] =	vst v63  }
0x92: {  	s18 =	simm.s32 $0xEC80  }
0x93: {  	[tilespmem:s18], [sflag:$0x4] =	stream.indirect_vreg.gather [hbm4b:s8+s3], $0x80, v4, vm0, $0xb8;
	[tilespmem:$0x1A480] =	vst v63  }
0x94: {  	s19 =	simm.s32 $0xF480  }
0x95: {  	[tilespmem:s19], [sflag:$0x4] =	stream.indirect_vreg.gather [hbm4b:s2+s3], $0x80, v3, vm0, $0xb8;
	[tilespmem:$0x1A480] =	vst v63  }
0x96: {  	s20 =	simm.s32 $0xFC80  }
0x97: {  	[tilespmem:s20], [sflag:$0x4] =	stream.indirect_vreg.gather [hbm4b:s8+s3], $0x80, v3, vm0, $0xb8;
	[tilespmem:$0x1A480] =	vst v63  }
0x98: {  	v3 =	vld [tilespmem:$0x70];
	_ =	sdelay $0x4  }
0x99: {  	v63 =	vshll.u32 v3, $0x2  }
0x9a: {  	v3 =	vand.u32 $0x7, v3;
	v4 =	vand.u32 $0xFFFFFFE0, v63  }
0x9b: {  	v3 =	vor.u32 v3, v4  }
0x9c: {  	v4 =	vperm.xlane v3, v0;
	_ =	sdelay $0x1  }
0x9d: {  	v4 =	vadd.s32 v1, v4;
	_ =	sdelay $0x1  }
0x9e: {  	v3 =	vperm.xlane v3, v2;
	_ =	sdelay $0x1  }
0x9f: {  	s21 =	simm.s32 $0x10480;
	v3 =	vadd.s32 v1, v3  }
0xa0: {  	[tilespmem:s21], [sflag:$0x4] =	stream.indirect_vreg.gather [hbm4b:s2+s3], $0x80, v4, vm0, $0xb8;
	[tilespmem:$0x1A480] =	vst v63  }
0xa1: {  	s22 =	simm.s32 $0x10C80  }
0xa2: {  	[tilespmem:s22], [sflag:$0x4] =	stream.indirect_vreg.gather [hbm4b:s8+s3], $0x80, v4, vm0, $0xb8;
	[tilespmem:$0x1A480] =	vst v63  }
0xa3: {  	s23 =	simm.s32 $0x11480  }
0xa4: {  	[tilespmem:s23], [sflag:$0x4] =	stream.indirect_vreg.gather [hbm4b:s2+s3], $0x80, v3, vm0, $0xb8;
	[tilespmem:$0x1A480] =	vst v63  }
0xa5: {  	s24 =	simm.s32 $0x11C80  }
0xa6: {  	[tilespmem:s24], [sflag:$0x4] =	stream.indirect_vreg.gather [hbm4b:s8+s3], $0x80, v3, vm0, $0xb8;
	[tilespmem:$0x1A480] =	vst v63  }
0xa7: {  	s25 =	rddreg [dreg:$0x7];
	s26 =	simm.s32 $0x1C80;
	s17 =	simm.s32 $0x0  }
0xa8: {  	[tilespmem:s26], [sflag:$0x4] =	stream.linear.gather [hbm4b:s25+s3], $0x800, $0x38;
	[tilespmem:$0x1A480] =	vst v63  }
.LBB2_2:
0xa9: {  	_ =	swait.ge [sflag:s28], $0x4000  }
0xaa: {  	[sflag:s28] =	ssyncset.done $0x0  }
0xab: {  	[sflag:s28] =	ssyncadd.s32 $0xFFFFC000  }
0xac: {  	_ =	swait.ge [sflag:s28], $0x800  }
0xad: {  	p0 =	seq.s32 s17, $0x0;
	[sflag:s28] =	ssyncset.done $0x0  }
0xae: {  	s0 =	simm.s32 @!p0 $0x5;
	[sflag:s28] =	ssyncadd.s32 $0xFFFFF800  }
0xaf: {  	s7 =	sshll.u32 s17, $0x2;
	s12 =	simm.s32 $0x0;
	_ =	swait.ge @!p0 [sflag:s0], $0x2000  }
0xb0: {  	s18 =	simm.s32 $0x0;
	s19 =	simm.s32 $0x0;
	[sflag:s0] =	ssyncset.done @!p0 $0x0  }
0xb1: {  	s20 =	simm.s32 $0x0;
	[sflag:s0] =	ssyncadd.s32 @!p0 $0xFFFFE000;
	s0 =	simm.s32 $0x0  }
.LBB2_3:
0xb2: {  	s21 =	sshra.s32 s19, $0x2  }
0xb3: {  	s22 =	sand.u32 $0x3000, s18;
	s23 =	sand.u32 $0x300, s12;
	v3 =	vld [tilespmem:s21+$0x480]  }
0xb4: {  	v4 =	vld [tilespmem:s21+$0x490];
	s22 =	sor.u32 s23, s22  }
0xb5: {  	v5 =	vld [tilespmem:s22+$0x2480]  }
0xb6: {  	v6 =	vld [tilespmem:s22+$0x2500];
	_ =	sdelay $0x4  }
0xb7: {  	v5 =	vmul.f32 v5, v3;
	v6 =	vmul.f32 v6, v4;
	_ =	sdelay $0x1  }
0xb8: {  	s24 =	sand.u32 $0x380, s20;
	s23 =	sand.u32 $0x1000, s19;
	v5 =	vadd.f32 v6, v5  }
0xb9: {  	s21 =	sor.u32 s24, s23  }
0xba: {  	[tilespmem:s21+$0x12480] =	vst v5  }
0xbb: {  	v5 =	vld [tilespmem:s22+$0x2490]  }
0xbc: {  	v33 =	vld [tilespmem:s22+$0x2510];
	_ =	sdelay $0x4  }
0xbd: {  	v5 =	vmul.f32 v5, v3;
	v6 =	vmul.f32 v33, v4;
	_ =	sdelay $0x1  }
0xbe: {  	v5 =	vadd.f32 v6, v5  }
0xbf: {  	s21 =	sadd.s32 $0x12480, s21  }
0xc0: {  	[tilespmem:s21+$0x10] =	vst v5  }
0xc1: {  	v5 =	vld [tilespmem:s22+$0x24A0]  }
0xc2: {  	v34 =	vld [tilespmem:s22+$0x2520];
	_ =	sdelay $0x4  }
0xc3: {  	v5 =	vmul.f32 v5, v3;
	v6 =	vmul.f32 v34, v4;
	_ =	sdelay $0x1  }
0xc4: {  	v5 =	vadd.f32 v6, v5;
	_ =	sdelay $0x1  }
0xc5: {  	[tilespmem:s21+$0x20] =	vst v5  }
0xc6: {  	v5 =	vld [tilespmem:s22+$0x24B0]  }
0xc7: {  	v35 =	vld [tilespmem:s22+$0x2530];
	_ =	sdelay $0x4  }
0xc8: {  	v5 =	vmul.f32 v5, v3;
	v6 =	vmul.f32 v35, v4;
	_ =	sdelay $0x1  }
0xc9: {  	v5 =	vadd.f32 v6, v5;
	_ =	sdelay $0x1  }
0xca: {  	[tilespmem:s21+$0x30] =	vst v5  }
0xcb: {  	v5 =	vld [tilespmem:s22+$0x24C0]  }
0xcc: {  	v36 =	vld [tilespmem:s22+$0x2540];
	_ =	sdelay $0x4  }
0xcd: {  	v5 =	vmul.f32 v5, v3;
	v6 =	vmul.f32 v36, v4;
	_ =	sdelay $0x1  }
0xce: {  	v5 =	vadd.f32 v6, v5;
	_ =	sdelay $0x1  }
0xcf: {  	[tilespmem:s21+$0x40] =	vst v5  }
0xd0: {  	v5 =	vld [tilespmem:s22+$0x24D0]  }
0xd1: {  	v37 =	vld [tilespmem:s22+$0x2550];
	_ =	sdelay $0x4  }
0xd2: {  	v5 =	vmul.f32 v5, v3;
	v6 =	vmul.f32 v37, v4;
	_ =	sdelay $0x1  }
0xd3: {  	v5 =	vadd.f32 v6, v5;
	_ =	sdelay $0x1  }
0xd4: {  	[tilespmem:s21+$0x50] =	vst v5  }
0xd5: {  	v5 =	vld [tilespmem:s22+$0x24E0]  }
0xd6: {  	v38 =	vld [tilespmem:s22+$0x2560];
	_ =	sdelay $0x4  }
0xd7: {  	v5 =	vmul.f32 v5, v3;
	v6 =	vmul.f32 v38, v4;
	_ =	sdelay $0x1  }
0xd8: {  	v5 =	vadd.f32 v6, v5;
	_ =	sdelay $0x1  }
0xd9: {  	[tilespmem:s21+$0x60] =	vst v5  }
0xda: {  	v5 =	vld [tilespmem:s22+$0x24F0]  }
0xdb: {  	v39 =	vld [tilespmem:s22+$0x2570];
	_ =	sdelay $0x4  }
0xdc: {  	v5 =	vmul.f32 v5, v3;
	v6 =	vmul.f32 v39, v4;
	_ =	sdelay $0x1  }
0xdd: {  	v5 =	vadd.f32 v6, v5;
	_ =	sdelay $0x1  }
0xde: {  	[tilespmem:s21+$0x70] =	vst v5  }
0xdf: {  	v5 =	vld [tilespmem:s22+$0x2880]  }
0xe0: {  	v40 =	vld [tilespmem:s22+$0x2900];
	_ =	sdelay $0x4  }
0xe1: {  	v5 =	vmul.f32 v5, v3;
	v6 =	vmul.f32 v40, v4;
	_ =	sdelay $0x1  }
0xe2: {  	v5 =	vadd.f32 v6, v5;
	_ =	sdelay $0x1  }
0xe3: {  	[tilespmem:s21+$0x400] =	vst v5  }
0xe4: {  	v5 =	vld [tilespmem:s22+$0x2890]  }
0xe5: {  	v41 =	vld [tilespmem:s22+$0x2910];
	_ =	sdelay $0x4  }
0xe6: {  	v5 =	vmul.f32 v5, v3;
	v6 =	vmul.f32 v41, v4;
	_ =	sdelay $0x1  }
0xe7: {  	v5 =	vadd.f32 v6, v5;
	_ =	sdelay $0x1  }
0xe8: {  	[tilespmem:s21+$0x410] =	vst v5  }
0xe9: {  	v5 =	vld [tilespmem:s22+$0x28A0]  }
0xea: {  	v42 =	vld [tilespmem:s22+$0x2920];
	_ =	sdelay $0x4  }
0xeb: {  	v5 =	vmul.f32 v5, v3;
	v6 =	vmul.f32 v42, v4;
	_ =	sdelay $0x1  }
0xec: {  	v5 =	vadd.f32 v6, v5;
	_ =	sdelay $0x1  }
0xed: {  	[tilespmem:s21+$0x420] =	vst v5  }
0xee: {  	v5 =	vld [tilespmem:s22+$0x28B0]  }
0xef: {  	v43 =	vld [tilespmem:s22+$0x2930];
	_ =	sdelay $0x4  }
0xf0: {  	v5 =	vmul.f32 v5, v3;
	v6 =	vmul.f32 v43, v4;
	_ =	sdelay $0x1  }
0xf1: {  	v5 =	vadd.f32 v6, v5;
	_ =	sdelay $0x1  }
0xf2: {  	[tilespmem:s21+$0x430] =	vst v5  }
0xf3: {  	v5 =	vld [tilespmem:s22+$0x28C0]  }
0xf4: {  	v44 =	vld [tilespmem:s22+$0x2940];
	_ =	sdelay $0x4  }
0xf5: {  	v5 =	vmul.f32 v5, v3;
	v6 =	vmul.f32 v44, v4;
	_ =	sdelay $0x1  }
0xf6: {  	v5 =	vadd.f32 v6, v5;
	_ =	sdelay $0x1  }
0xf7: {  	[tilespmem:s21+$0x440] =	vst v5  }
0xf8: {  	v5 =	vld [tilespmem:s22+$0x28D0]  }
0xf9: {  	v45 =	vld [tilespmem:s22+$0x2950];
	_ =	sdelay $0x4  }
0xfa: {  	v5 =	vmul.f32 v5, v3;
	v6 =	vmul.f32 v45, v4;
	_ =	sdelay $0x1  }
0xfb: {  	v5 =	vadd.f32 v6, v5;
	_ =	sdelay $0x1  }
0xfc: {  	[tilespmem:s21+$0x450] =	vst v5  }
0xfd: {  	v5 =	vld [tilespmem:s22+$0x28E0]  }
0xfe: {  	v46 =	vld [tilespmem:s22+$0x2960];
	_ =	sdelay $0x4  }
0xff: {  	v5 =	vmul.f32 v5, v3;
	v6 =	vmul.f32 v46, v4;
	_ =	sdelay $0x1  }
0x100: {  	v5 =	vadd.f32 v6, v5;
	_ =	sdelay $0x1  }
0x101: {  	[tilespmem:s21+$0x460] =	vst v5  }
0x102: {  	v5 =	vld [tilespmem:s22+$0x28F0]  }
0x103: {  	v47 =	vld [tilespmem:s22+$0x2970];
	_ =	sdelay $0x4  }
0x104: {  	v5 =	vmul.f32 v5, v3;
	v6 =	vmul.f32 v47, v4;
	_ =	sdelay $0x1  }
0x105: {  	v5 =	vadd.f32 v6, v5;
	_ =	sdelay $0x1  }
0x106: {  	[tilespmem:s21+$0x470] =	vst v5  }
0x107: {  	v5 =	vld [tilespmem:s22+$0x2C80]  }
0x108: {  	v48 =	vld [tilespmem:s22+$0x2D00];
	_ =	sdelay $0x4  }
0x109: {  	v5 =	vmul.f32 v5, v3;
	v6 =	vmul.f32 v48, v4;
	_ =	sdelay $0x1  }
0x10a: {  	v5 =	vadd.f32 v6, v5;
	_ =	sdelay $0x1  }
0x10b: {  	[tilespmem:s21+$0x800] =	vst v5  }
0x10c: {  	v5 =	vld [tilespmem:s22+$0x2C90]  }
0x10d: {  	v49 =	vld [tilespmem:s22+$0x2D10];
	_ =	sdelay $0x4  }
0x10e: {  	v5 =	vmul.f32 v5, v3;
	v6 =	vmul.f32 v49, v4;
	_ =	sdelay $0x1  }
0x10f: {  	v5 =	vadd.f32 v6, v5;
	_ =	sdelay $0x1  }
0x110: {  	[tilespmem:s21+$0x810] =	vst v5  }
0x111: {  	v5 =	vld [tilespmem:s22+$0x2CA0]  }
0x112: {  	v50 =	vld [tilespmem:s22+$0x2D20];
	_ =	sdelay $0x4  }
0x113: {  	v5 =	vmul.f32 v5, v3;
	v6 =	vmul.f32 v50, v4;
	_ =	sdelay $0x1  }
0x114: {  	v5 =	vadd.f32 v6, v5;
	_ =	sdelay $0x1  }
0x115: {  	[tilespmem:s21+$0x820] =	vst v5  }
0x116: {  	v5 =	vld [tilespmem:s22+$0x2CB0]  }
0x117: {  	v51 =	vld [tilespmem:s22+$0x2D30];
	_ =	sdelay $0x4  }
0x118: {  	v5 =	vmul.f32 v5, v3;
	v6 =	vmul.f32 v51, v4;
	_ =	sdelay $0x1  }
0x119: {  	v5 =	vadd.f32 v6, v5;
	_ =	sdelay $0x1  }
0x11a: {  	[tilespmem:s21+$0x830] =	vst v5  }
0x11b: {  	v5 =	vld [tilespmem:s22+$0x2CC0]  }
0x11c: {  	v52 =	vld [tilespmem:s22+$0x2D40];
	_ =	sdelay $0x4  }
0x11d: {  	v5 =	vmul.f32 v5, v3;
	v6 =	vmul.f32 v52, v4;
	_ =	sdelay $0x1  }
0x11e: {  	v5 =	vadd.f32 v6, v5;
	_ =	sdelay $0x1  }
0x11f: {  	[tilespmem:s21+$0x840] =	vst v5  }
0x120: {  	v5 =	vld [tilespmem:s22+$0x2CD0]  }
0x121: {  	v53 =	vld [tilespmem:s22+$0x2D50];
	_ =	sdelay $0x4  }
0x122: {  	v5 =	vmul.f32 v5, v3;
	v6 =	vmul.f32 v53, v4;
	_ =	sdelay $0x1  }
0x123: {  	v5 =	vadd.f32 v6, v5;
	_ =	sdelay $0x1  }
0x124: {  	[tilespmem:s21+$0x850] =	vst v5  }
0x125: {  	v5 =	vld [tilespmem:s22+$0x2CE0]  }
0x126: {  	v54 =	vld [tilespmem:s22+$0x2D60];
	_ =	sdelay $0x4  }
0x127: {  	v5 =	vmul.f32 v5, v3;
	v6 =	vmul.f32 v54, v4;
	_ =	sdelay $0x1  }
0x128: {  	v5 =	vadd.f32 v6, v5;
	_ =	sdelay $0x1  }
0x129: {  	[tilespmem:s21+$0x860] =	vst v5  }
0x12a: {  	v5 =	vld [tilespmem:s22+$0x2CF0]  }
0x12b: {  	v55 =	vld [tilespmem:s22+$0x2D70];
	_ =	sdelay $0x4  }
0x12c: {  	v5 =	vmul.f32 v5, v3;
	v6 =	vmul.f32 v55, v4  }
0x12d: {  	s25 =	sand.u32 $0x3, s0  }
0x12e: {  	s22 =	sshll.u32 s25, $0x8;
	v5 =	vadd.f32 v6, v5  }
0x12f: {  	s22 =	sadd.s32 s22, s18  }
0x130: {  	s26 =	sor.u32 $0xC00, s22;
	s24 =	sadd.s32 $0x80, s22;
	[tilespmem:s21+$0x870] =	vst v5  }
0x131: {  	s25 =	sor.u32 $0xC00, s24;
	v5 =	vld [tilespmem:s26+$0x2480]  }
0x132: {  	v56 =	vld [tilespmem:s25+$0x2480];
	_ =	sdelay $0x4  }
0x133: {  	v5 =	vmul.f32 v5, v3;
	v6 =	vmul.f32 v56, v4;
	_ =	sdelay $0x1  }
0x134: {  	v5 =	vadd.f32 v6, v5;
	_ =	sdelay $0x1  }
0x135: {  	s26 =	sor.u32 $0xC10, s22;
	[tilespmem:s21+$0xC00] =	vst v5  }
0x136: {  	s25 =	sor.u32 $0xC10, s24;
	v5 =	vld [tilespmem:s26+$0x2480]  }
0x137: {  	v57 =	vld [tilespmem:s25+$0x2480];
	_ =	sdelay $0x4  }
0x138: {  	v5 =	vmul.f32 v5, v3;
	v6 =	vmul.f32 v57, v4;
	_ =	sdelay $0x1  }
0x139: {  	v5 =	vadd.f32 v6, v5;
	_ =	sdelay $0x1  }
0x13a: {  	s26 =	sor.u32 $0xC20, s22;
	[tilespmem:s21+$0xC10] =	vst v5  }
0x13b: {  	s25 =	sor.u32 $0xC20, s24;
	v5 =	vld [tilespmem:s26+$0x2480]  }
0x13c: {  	v58 =	vld [tilespmem:s25+$0x2480];
	_ =	sdelay $0x4  }
0x13d: {  	v5 =	vmul.f32 v5, v3;
	v6 =	vmul.f32 v58, v4;
	_ =	sdelay $0x1  }
0x13e: {  	v5 =	vadd.f32 v6, v5;
	_ =	sdelay $0x1  }
0x13f: {  	s26 =	sor.u32 $0xC30, s22;
	[tilespmem:s21+$0xC20] =	vst v5  }
0x140: {  	s25 =	sor.u32 $0xC30, s24;
	v5 =	vld [tilespmem:s26+$0x2480]  }
0x141: {  	v59 =	vld [tilespmem:s25+$0x2480];
	_ =	sdelay $0x4  }
0x142: {  	v5 =	vmul.f32 v5, v3;
	v6 =	vmul.f32 v59, v4;
	_ =	sdelay $0x1  }
0x143: {  	v5 =	vadd.f32 v6, v5;
	_ =	sdelay $0x1  }
0x144: {  	s26 =	sor.u32 $0xC40, s22;
	[tilespmem:s21+$0xC30] =	vst v5  }
0x145: {  	s25 =	sor.u32 $0xC40, s24;
	v5 =	vld [tilespmem:s26+$0x2480]  }
0x146: {  	v60 =	vld [tilespmem:s25+$0x2480];
	_ =	sdelay $0x4  }
0x147: {  	v5 =	vmul.f32 v5, v3;
	v6 =	vmul.f32 v60, v4;
	_ =	sdelay $0x1  }
0x148: {  	v5 =	vadd.f32 v6, v5;
	_ =	sdelay $0x1  }
0x149: {  	s26 =	sor.u32 $0xC50, s22;
	[tilespmem:s21+$0xC40] =	vst v5  }
0x14a: {  	s25 =	sor.u32 $0xC50, s24;
	v5 =	vld [tilespmem:s26+$0x2480]  }
0x14b: {  	v61 =	vld [tilespmem:s25+$0x2480];
	_ =	sdelay $0x4  }
0x14c: {  	v5 =	vmul.f32 v5, v3;
	v6 =	vmul.f32 v61, v4;
	_ =	sdelay $0x1  }
0x14d: {  	v5 =	vadd.f32 v6, v5;
	_ =	sdelay $0x1  }
0x14e: {  	s26 =	sor.u32 $0xC60, s22;
	[tilespmem:s21+$0xC50] =	vst v5  }
0x14f: {  	s25 =	sor.u32 $0xC60, s24;
	v5 =	vld [tilespmem:s26+$0x2480]  }
0x150: {  	v62 =	vld [tilespmem:s25+$0x2480];
	_ =	sdelay $0x4  }
0x151: {  	v5 =	vmul.f32 v5, v3;
	v6 =	vmul.f32 v62, v4;
	_ =	sdelay $0x1  }
0x152: {  	v5 =	vadd.f32 v6, v5;
	_ =	sdelay $0x1  }
0x153: {  	s22 =	sor.u32 $0xC70, s22;
	[tilespmem:s21+$0xC60] =	vst v5  }
0x154: {  	s26 =	sor.u32 $0xC70, s24;
	v5 =	vld [tilespmem:s22+$0x2480]  }
0x155: {  	v63 =	vld [tilespmem:s26+$0x2480];
	_ =	sdelay $0x3  }
0x156: {  	p1 =	sne.s32 s20, $0x780  }
.Ltmp2:
0x157: {  	v3 =	vmul.f32 v5, v3;
	v4 =	vmul.f32 v63, v4;
	(pc) =	sbr.rel @p1 .LBB2_3-.Ltmp2, $4  }
0x158: {  	_ = 	snop  }
0x159: {  	v3 =	vadd.f32 v4, v3  }
0x15a: {  	s0 =	sadd.s32 $0x1, s0;
	s12 =	sadd.s32 $0x100, s12  }
0x15b: {  	s20 =	sadd.s32 $0x80, s20;
	s19 =	sadd.s32 $0x200, s19;
	s18 =	sadd.s32 $0x400, s18;
	[tilespmem:s21+$0xC70] =	vst v3  }
0x15c: {  	s0 =	sshll.u32 s17, $0xF  }
0x15d: {  	s0 =	sadd.s32 s10, s0  }
0x15e: {  	s0 =	sshrl.u32 s0, $0x3  }
0x15f: {  	p1 =	seq.s32 s17, $0x8;
	s0 =	sadd.s32 s5, s0  }
0x160: {  	[hbm4b:s0+s3] =	stream.linear.scatter [tilespmem:s29], [sflag:$0x5], $0x2000, $0x38;
	[tilespmem:$0x1A480] =	vst v63  }
0x161: {  	s0 =	sadd.s32 @!p1 $0x4, s7  }
0x162: {  	s12 =	sshll.u32 @!p1 s0, $0x5  }
0x163: {  	s12 =	sand.u32 @!p1 $0x3FFFFFE0, s12  }
0x164: {  	v3 =	vld @!p1 [tilespmem:s12+$0x0];
	_ =	sdelay $0x4  }
0x165: {  	v4 =	vshll.u32 @!p1 v3, $0x2  }
0x166: {  	v5 =	vlaneseq.u32 @!p1;
	v3 =	vand.u32 @!p1 $0x7, v3;
	v4 =	vand.u32 @!p1 $0xFFFFFFE0, v4  }
0x167: {  	v6 =	vshrl.u32 @!p1 v5, $0x3;
	v3 =	vor.u32 @!p1 v3, v4;
	v4 =	vand.u32 @!p1 $0x7, v5  }
0x168: {  	v6 =	vmul.u32 @!p1 $0x8, v6;
	v7 =	vperm.xlane @!p1 v3, v4;
	_ =	sdelay $0x1  }
0x169: {  	v7 =	vadd.s32 @!p1 v6, v7  }
0x16a: {  	v5 =	vor.u32 @!p1 $0x8, v5  }
0x16b: {  	v3 =	vperm.xlane @!p1 v3, v5;
	_ =	sdelay $0x1  }
0x16c: {  	vm1 =	vmmov @!p1 $0xffff;
	s18 =	simm.s32 @!p1 $0x0;
	s19 =	simm.s32 @!p1 $0x2480;
	v3 =	vadd.s32 @!p1 v6, v3  }
0x16d: {  	[tilespmem:s19], [sflag:$0x1] =	stream.indirect_vreg.gather @!p1 [hbm4b:s2+s18], $0x80, v7, vm1, $0xb8;
	[tilespmem:$0x1A480] =	vst v63  }
0x16e: {  	s19 =	simm.s32 @!p1 $0x2C80  }
0x16f: {  	[tilespmem:s19], [sflag:$0x1] =	stream.indirect_vreg.gather @!p1 [hbm4b:s8+s18], $0x80, v7, vm1, $0xb8;
	[tilespmem:$0x1A480] =	vst v63  }
0x170: {  	s19 =	simm.s32 @!p1 $0x3480  }
0x171: {  	[tilespmem:s19], [sflag:$0x1] =	stream.indirect_vreg.gather @!p1 [hbm4b:s2+s18], $0x80, v3, vm1, $0xb8;
	[tilespmem:$0x1A480] =	vst v63  }
0x172: {  	s19 =	simm.s32 @!p1 $0x3C80  }
0x173: {  	[tilespmem:s19], [sflag:$0x1] =	stream.indirect_vreg.gather @!p1 [hbm4b:s8+s18], $0x80, v3, vm1, $0xb8;
	[tilespmem:$0x1A480] =	vst v63  }
0x174: {  	v3 =	vld @!p1 [tilespmem:s12+$0x10];
	_ =	sdelay $0x4  }
0x175: {  	v7 =	vshll.u32 @!p1 v3, $0x2  }
0x176: {  	v3 =	vand.u32 @!p1 $0x7, v3;
	v7 =	vand.u32 @!p1 $0xFFFFFFE0, v7  }
0x177: {  	v3 =	vor.u32 @!p1 v3, v7  }
0x178: {  	v4 =	vperm.xlane @!p1 v3, v4;
	_ =	sdelay $0x1  }
0x179: {  	v4 =	vadd.s32 @!p1 v6, v4;
	_ =	sdelay $0x1  }
0x17a: {  	v3 =	vperm.xlane @!p1 v3, v5;
	_ =	sdelay $0x1  }
0x17b: {  	s12 =	simm.s32 @!p1 $0x4480;
	v3 =	vadd.s32 @!p1 v6, v3  }
0x17c: {  	[tilespmem:s12], [sflag:$0x1] =	stream.indirect_vreg.gather @!p1 [hbm4b:s2+s18], $0x80, v4, vm1, $0xb8;
	[tilespmem:$0x1A480] =	vst v63  }
0x17d: {  	s0 =	sshll.u32 @!p1 s0, $0xB;
	s12 =	simm.s32 @!p1 $0x4C80  }
0x17e: {  	[tilespmem:s12], [sflag:$0x1] =	stream.indirect_vreg.gather @!p1 [hbm4b:s8+s18], $0x80, v4, vm1, $0xb8;
	[tilespmem:$0x1A480] =	vst v63  }
0x17f: {  	s0 =	sadd.s32 @!p1 s13, s0;
	s12 =	simm.s32 @!p1 $0x5480  }
0x180: {  	[tilespmem:s12], [sflag:$0x1] =	stream.indirect_vreg.gather @!p1 [hbm4b:s2+s18], $0x80, v3, vm1, $0xb8;
	[tilespmem:$0x1A480] =	vst v63  }
0x181: {  	s0 =	sshrl.u32 @!p1 s0, $0x3;
	s12 =	simm.s32 @!p1 $0x5C80  }
0x182: {  	[tilespmem:s12], [sflag:$0x1] =	stream.indirect_vreg.gather @!p1 [hbm4b:s8+s18], $0x80, v3, vm1, $0xb8;
	[tilespmem:$0x1A480] =	vst v63  }
0x183: {  	s0 =	sadd.s32 @!p1 s4, s0;
	s12 =	simm.s32 @!p1 $0x480  }
0x184: {  	[tilespmem:s12], [sflag:$0x1] =	stream.linear.gather @!p1 [hbm4b:s0+s18], $0x800, $0x38;
	[tilespmem:$0x1A480] =	vst v63  }
0x185: {  	_ =	swait.ge [sflag:s30], $0x4000  }
0x186: {  	[sflag:s30] =	ssyncset.done $0x0  }
0x187: {  	[sflag:s30] =	ssyncadd.s32 $0xFFFFC000  }
0x188: {  	_ =	swait.ge [sflag:s30], $0x800  }
0x189: {  	[sflag:s30] =	ssyncset.done $0x0  }
0x18a: {  	s20 =	simm.s32 $0x0;
	s0 =	simm.s32 @!p0 $0x6;
	[sflag:s30] =	ssyncadd.s32 $0xFFFFF800  }
0x18b: {  	s21 =	simm.s32 $0x0;
	s22 =	simm.s32 $0x0;
	_ =	swait.ge @!p0 [sflag:s0], $0x2000  }
0x18c: {  	s19 =	simm.s32 $0x0;
	s18 =	sshll.u32 s17, $0x6;
	[sflag:s0] =	ssyncset.done @!p0 $0x0  }
0x18d: {  	s12 =	sadd.s32 s18, s14;
	[sflag:s0] =	ssyncadd.s32 @!p0 $0xFFFFE000;
	s0 =	simm.s32 $0x0  }
.LBB2_5:
0x18e: {  	s23 =	sshra.s32 s21, $0x2  }
0x18f: {  	s24 =	sand.u32 $0x3000, s20;
	s25 =	sand.u32 $0x300, s0;
	v3 =	vld [tilespmem:s23+$0xC80]  }
0x190: {  	v4 =	vld [tilespmem:s23+$0xC90];
	s24 =	sor.u32 s25, s24  }
0x191: {  	v5 =	vld [tilespmem:s24+$0x6480]  }
0x192: {  	v6 =	vld [tilespmem:s24+$0x6500];
	_ =	sdelay $0x4  }
0x193: {  	v5 =	vmul.f32 v5, v3;
	v6 =	vmul.f32 v6, v4;
	_ =	sdelay $0x1  }
0x194: {  	s26 =	sand.u32 $0x380, s22;
	s25 =	sand.u32 $0x1000, s21;
	v5 =	vadd.f32 v6, v5  }
0x195: {  	s23 =	sor.u32 s26, s25  }
0x196: {  	[tilespmem:s23+$0x14480] =	vst v5  }
0x197: {  	v5 =	vld [tilespmem:s24+$0x6490]  }
0x198: {  	v33 =	vld [tilespmem:s24+$0x6510];
	_ =	sdelay $0x4  }
0x199: {  	v5 =	vmul.f32 v5, v3;
	v6 =	vmul.f32 v33, v4;
	_ =	sdelay $0x1  }
0x19a: {  	v5 =	vadd.f32 v6, v5  }
0x19b: {  	s23 =	sadd.s32 $0x14480, s23  }
0x19c: {  	[tilespmem:s23+$0x10] =	vst v5  }
0x19d: {  	v5 =	vld [tilespmem:s24+$0x64A0]  }
0x19e: {  	v34 =	vld [tilespmem:s24+$0x6520];
	_ =	sdelay $0x4  }
0x19f: {  	v5 =	vmul.f32 v5, v3;
	v6 =	vmul.f32 v34, v4;
	_ =	sdelay $0x1  }
0x1a0: {  	v5 =	vadd.f32 v6, v5;
	_ =	sdelay $0x1  }
0x1a1: {  	[tilespmem:s23+$0x20] =	vst v5  }
0x1a2: {  	v5 =	vld [tilespmem:s24+$0x64B0]  }
0x1a3: {  	v35 =	vld [tilespmem:s24+$0x6530];
	_ =	sdelay $0x4  }
0x1a4: {  	v5 =	vmul.f32 v5, v3;
	v6 =	vmul.f32 v35, v4;
	_ =	sdelay $0x1  }
0x1a5: {  	v5 =	vadd.f32 v6, v5;
	_ =	sdelay $0x1  }
0x1a6: {  	[tilespmem:s23+$0x30] =	vst v5  }
0x1a7: {  	v5 =	vld [tilespmem:s24+$0x64C0]  }
0x1a8: {  	v36 =	vld [tilespmem:s24+$0x6540];
	_ =	sdelay $0x4  }
0x1a9: {  	v5 =	vmul.f32 v5, v3;
	v6 =	vmul.f32 v36, v4;
	_ =	sdelay $0x1  }
0x1aa: {  	v5 =	vadd.f32 v6, v5;
	_ =	sdelay $0x1  }
0x1ab: {  	[tilespmem:s23+$0x40] =	vst v5  }
0x1ac: {  	v5 =	vld [tilespmem:s24+$0x64D0]  }
0x1ad: {  	v37 =	vld [tilespmem:s24+$0x6550];
	_ =	sdelay $0x4  }
0x1ae: {  	v5 =	vmul.f32 v5, v3;
	v6 =	vmul.f32 v37, v4;
	_ =	sdelay $0x1  }
0x1af: {  	v5 =	vadd.f32 v6, v5;
	_ =	sdelay $0x1  }
0x1b0: {  	[tilespmem:s23+$0x50] =	vst v5  }
0x1b1: {  	v5 =	vld [tilespmem:s24+$0x64E0]  }
0x1b2: {  	v38 =	vld [tilespmem:s24+$0x6560];
	_ =	sdelay $0x4  }
0x1b3: {  	v5 =	vmul.f32 v5, v3;
	v6 =	vmul.f32 v38, v4;
	_ =	sdelay $0x1  }
0x1b4: {  	v5 =	vadd.f32 v6, v5;
	_ =	sdelay $0x1  }
0x1b5: {  	[tilespmem:s23+$0x60] =	vst v5  }
0x1b6: {  	v5 =	vld [tilespmem:s24+$0x64F0]  }
0x1b7: {  	v39 =	vld [tilespmem:s24+$0x6570];
	_ =	sdelay $0x4  }
0x1b8: {  	v5 =	vmul.f32 v5, v3;
	v6 =	vmul.f32 v39, v4;
	_ =	sdelay $0x1  }
0x1b9: {  	v5 =	vadd.f32 v6, v5;
	_ =	sdelay $0x1  }
0x1ba: {  	[tilespmem:s23+$0x70] =	vst v5  }
0x1bb: {  	v5 =	vld [tilespmem:s24+$0x6880]  }
0x1bc: {  	v40 =	vld [tilespmem:s24+$0x6900];
	_ =	sdelay $0x4  }
0x1bd: {  	v5 =	vmul.f32 v5, v3;
	v6 =	vmul.f32 v40, v4;
	_ =	sdelay $0x1  }
0x1be: {  	v5 =	vadd.f32 v6, v5;
	_ =	sdelay $0x1  }
0x1bf: {  	[tilespmem:s23+$0x400] =	vst v5  }
0x1c0: {  	v5 =	vld [tilespmem:s24+$0x6890]  }
0x1c1: {  	v41 =	vld [tilespmem:s24+$0x6910];
	_ =	sdelay $0x4  }
0x1c2: {  	v5 =	vmul.f32 v5, v3;
	v6 =	vmul.f32 v41, v4;
	_ =	sdelay $0x1  }
0x1c3: {  	v5 =	vadd.f32 v6, v5;
	_ =	sdelay $0x1  }
0x1c4: {  	[tilespmem:s23+$0x410] =	vst v5  }
0x1c5: {  	v5 =	vld [tilespmem:s24+$0x68A0]  }
0x1c6: {  	v42 =	vld [tilespmem:s24+$0x6920];
	_ =	sdelay $0x4  }
0x1c7: {  	v5 =	vmul.f32 v5, v3;
	v6 =	vmul.f32 v42, v4;
	_ =	sdelay $0x1  }
0x1c8: {  	v5 =	vadd.f32 v6, v5;
	_ =	sdelay $0x1  }
0x1c9: {  	[tilespmem:s23+$0x420] =	vst v5  }
0x1ca: {  	v5 =	vld [tilespmem:s24+$0x68B0]  }
0x1cb: {  	v43 =	vld [tilespmem:s24+$0x6930];
	_ =	sdelay $0x4  }
0x1cc: {  	v5 =	vmul.f32 v5, v3;
	v6 =	vmul.f32 v43, v4;
	_ =	sdelay $0x1  }
0x1cd: {  	v5 =	vadd.f32 v6, v5;
	_ =	sdelay $0x1  }
0x1ce: {  	[tilespmem:s23+$0x430] =	vst v5  }
0x1cf: {  	v5 =	vld [tilespmem:s24+$0x68C0]  }
0x1d0: {  	v44 =	vld [tilespmem:s24+$0x6940];
	_ =	sdelay $0x4  }
0x1d1: {  	v5 =	vmul.f32 v5, v3;
	v6 =	vmul.f32 v44, v4;
	_ =	sdelay $0x1  }
0x1d2: {  	v5 =	vadd.f32 v6, v5;
	_ =	sdelay $0x1  }
0x1d3: {  	[tilespmem:s23+$0x440] =	vst v5  }
0x1d4: {  	v5 =	vld [tilespmem:s24+$0x68D0]  }
0x1d5: {  	v45 =	vld [tilespmem:s24+$0x6950];
	_ =	sdelay $0x4  }
0x1d6: {  	v5 =	vmul.f32 v5, v3;
	v6 =	vmul.f32 v45, v4;
	_ =	sdelay $0x1  }
0x1d7: {  	v5 =	vadd.f32 v6, v5;
	_ =	sdelay $0x1  }
0x1d8: {  	[tilespmem:s23+$0x450] =	vst v5  }
0x1d9: {  	v5 =	vld [tilespmem:s24+$0x68E0]  }
0x1da: {  	v46 =	vld [tilespmem:s24+$0x6960];
	_ =	sdelay $0x4  }
0x1db: {  	v5 =	vmul.f32 v5, v3;
	v6 =	vmul.f32 v46, v4;
	_ =	sdelay $0x1  }
0x1dc: {  	v5 =	vadd.f32 v6, v5;
	_ =	sdelay $0x1  }
0x1dd: {  	[tilespmem:s23+$0x460] =	vst v5  }
0x1de: {  	v5 =	vld [tilespmem:s24+$0x68F0]  }
0x1df: {  	v47 =	vld [tilespmem:s24+$0x6970];
	_ =	sdelay $0x4  }
0x1e0: {  	v5 =	vmul.f32 v5, v3;
	v6 =	vmul.f32 v47, v4;
	_ =	sdelay $0x1  }
0x1e1: {  	v5 =	vadd.f32 v6, v5;
	_ =	sdelay $0x1  }
0x1e2: {  	[tilespmem:s23+$0x470] =	vst v5  }
0x1e3: {  	v5 =	vld [tilespmem:s24+$0x6C80]  }
0x1e4: {  	v48 =	vld [tilespmem:s24+$0x6D00];
	_ =	sdelay $0x4  }
0x1e5: {  	v5 =	vmul.f32 v5, v3;
	v6 =	vmul.f32 v48, v4;
	_ =	sdelay $0x1  }
0x1e6: {  	v5 =	vadd.f32 v6, v5;
	_ =	sdelay $0x1  }
0x1e7: {  	[tilespmem:s23+$0x800] =	vst v5  }
0x1e8: {  	v5 =	vld [tilespmem:s24+$0x6C90]  }
0x1e9: {  	v49 =	vld [tilespmem:s24+$0x6D10];
	_ =	sdelay $0x4  }
0x1ea: {  	v5 =	vmul.f32 v5, v3;
	v6 =	vmul.f32 v49, v4;
	_ =	sdelay $0x1  }
0x1eb: {  	v5 =	vadd.f32 v6, v5;
	_ =	sdelay $0x1  }
0x1ec: {  	[tilespmem:s23+$0x810] =	vst v5  }
0x1ed: {  	v5 =	vld [tilespmem:s24+$0x6CA0]  }
0x1ee: {  	v50 =	vld [tilespmem:s24+$0x6D20];
	_ =	sdelay $0x4  }
0x1ef: {  	v5 =	vmul.f32 v5, v3;
	v6 =	vmul.f32 v50, v4;
	_ =	sdelay $0x1  }
0x1f0: {  	v5 =	vadd.f32 v6, v5;
	_ =	sdelay $0x1  }
0x1f1: {  	[tilespmem:s23+$0x820] =	vst v5  }
0x1f2: {  	v5 =	vld [tilespmem:s24+$0x6CB0]  }
0x1f3: {  	v51 =	vld [tilespmem:s24+$0x6D30];
	_ =	sdelay $0x4  }
0x1f4: {  	v5 =	vmul.f32 v5, v3;
	v6 =	vmul.f32 v51, v4;
	_ =	sdelay $0x1  }
0x1f5: {  	v5 =	vadd.f32 v6, v5;
	_ =	sdelay $0x1  }
0x1f6: {  	[tilespmem:s23+$0x830] =	vst v5  }
0x1f7: {  	v5 =	vld [tilespmem:s24+$0x6CC0]  }
0x1f8: {  	v52 =	vld [tilespmem:s24+$0x6D40];
	_ =	sdelay $0x4  }
0x1f9: {  	v5 =	vmul.f32 v5, v3;
	v6 =	vmul.f32 v52, v4;
	_ =	sdelay $0x1  }
0x1fa: {  	v5 =	vadd.f32 v6, v5;
	_ =	sdelay $0x1  }
0x1fb: {  	[tilespmem:s23+$0x840] =	vst v5  }
0x1fc: {  	v5 =	vld [tilespmem:s24+$0x6CD0]  }
0x1fd: {  	v53 =	vld [tilespmem:s24+$0x6D50];
	_ =	sdelay $0x4  }
0x1fe: {  	v5 =	vmul.f32 v5, v3;
	v6 =	vmul.f32 v53, v4;
	_ =	sdelay $0x1  }
0x1ff: {  	v5 =	vadd.f32 v6, v5;
	_ =	sdelay $0x1  }
0x200: {  	[tilespmem:s23+$0x850] =	vst v5  }
0x201: {  	v5 =	vld [tilespmem:s24+$0x6CE0]  }
0x202: {  	v54 =	vld [tilespmem:s24+$0x6D60];
	_ =	sdelay $0x4  }
0x203: {  	v5 =	vmul.f32 v5, v3;
	v6 =	vmul.f32 v54, v4;
	_ =	sdelay $0x1  }
0x204: {  	v5 =	vadd.f32 v6, v5;
	_ =	sdelay $0x1  }
0x205: {  	[tilespmem:s23+$0x860] =	vst v5  }
0x206: {  	v5 =	vld [tilespmem:s24+$0x6CF0]  }
0x207: {  	v55 =	vld [tilespmem:s24+$0x6D70];
	_ =	sdelay $0x4  }
0x208: {  	v5 =	vmul.f32 v5, v3;
	v6 =	vmul.f32 v55, v4  }
0x209: {  	s25 =	sand.u32 $0x3, s19  }
0x20a: {  	s24 =	sshll.u32 s25, $0x8;
	v5 =	vadd.f32 v6, v5  }
0x20b: {  	s24 =	sadd.s32 s24, s20  }
0x20c: {  	s25 =	sor.u32 $0xC00, s24;
	s26 =	sadd.s32 $0x80, s24;
	[tilespmem:s23+$0x870] =	vst v5  }
0x20d: {  	v5 =	vld [tilespmem:s25+$0x6480];
	s25 =	sor.u32 $0xC00, s26  }
0x20e: {  	v56 =	vld [tilespmem:s25+$0x6480];
	_ =	sdelay $0x4  }
0x20f: {  	v5 =	vmul.f32 v5, v3;
	v6 =	vmul.f32 v56, v4;
	_ =	sdelay $0x1  }
0x210: {  	v5 =	vadd.f32 v6, v5;
	_ =	sdelay $0x1  }
0x211: {  	s25 =	sor.u32 $0xC10, s24;
	[tilespmem:s23+$0xC00] =	vst v5  }
0x212: {  	v5 =	vld [tilespmem:s25+$0x6480];
	s25 =	sor.u32 $0xC10, s26  }
0x213: {  	v57 =	vld [tilespmem:s25+$0x6480];
	_ =	sdelay $0x4  }
0x214: {  	v5 =	vmul.f32 v5, v3;
	v6 =	vmul.f32 v57, v4;
	_ =	sdelay $0x1  }
0x215: {  	v5 =	vadd.f32 v6, v5;
	_ =	sdelay $0x1  }
0x216: {  	s25 =	sor.u32 $0xC20, s24;
	[tilespmem:s23+$0xC10] =	vst v5  }
0x217: {  	v5 =	vld [tilespmem:s25+$0x6480];
	s25 =	sor.u32 $0xC20, s26  }
0x218: {  	v58 =	vld [tilespmem:s25+$0x6480];
	_ =	sdelay $0x4  }
0x219: {  	v5 =	vmul.f32 v5, v3;
	v6 =	vmul.f32 v58, v4;
	_ =	sdelay $0x1  }
0x21a: {  	v5 =	vadd.f32 v6, v5;
	_ =	sdelay $0x1  }
0x21b: {  	s25 =	sor.u32 $0xC30, s24;
	[tilespmem:s23+$0xC20] =	vst v5  }
0x21c: {  	v5 =	vld [tilespmem:s25+$0x6480];
	s25 =	sor.u32 $0xC30, s26  }
0x21d: {  	v59 =	vld [tilespmem:s25+$0x6480];
	_ =	sdelay $0x4  }
0x21e: {  	v5 =	vmul.f32 v5, v3;
	v6 =	vmul.f32 v59, v4;
	_ =	sdelay $0x1  }
0x21f: {  	v5 =	vadd.f32 v6, v5;
	_ =	sdelay $0x1  }
0x220: {  	s25 =	sor.u32 $0xC40, s24;
	[tilespmem:s23+$0xC30] =	vst v5  }
0x221: {  	v5 =	vld [tilespmem:s25+$0x6480];
	s25 =	sor.u32 $0xC40, s26  }
0x222: {  	v60 =	vld [tilespmem:s25+$0x6480];
	_ =	sdelay $0x4  }
0x223: {  	v5 =	vmul.f32 v5, v3;
	v6 =	vmul.f32 v60, v4;
	_ =	sdelay $0x1  }
0x224: {  	v5 =	vadd.f32 v6, v5;
	_ =	sdelay $0x1  }
0x225: {  	s25 =	sor.u32 $0xC50, s24;
	[tilespmem:s23+$0xC40] =	vst v5  }
0x226: {  	v5 =	vld [tilespmem:s25+$0x6480];
	s25 =	sor.u32 $0xC50, s26  }
0x227: {  	v61 =	vld [tilespmem:s25+$0x6480];
	_ =	sdelay $0x4  }
0x228: {  	v5 =	vmul.f32 v5, v3;
	v6 =	vmul.f32 v61, v4;
	_ =	sdelay $0x1  }
0x229: {  	v5 =	vadd.f32 v6, v5;
	_ =	sdelay $0x1  }
0x22a: {  	s25 =	sor.u32 $0xC60, s24;
	[tilespmem:s23+$0xC50] =	vst v5  }
0x22b: {  	v5 =	vld [tilespmem:s25+$0x6480];
	s25 =	sor.u32 $0xC60, s26  }
0x22c: {  	v62 =	vld [tilespmem:s25+$0x6480];
	_ =	sdelay $0x4  }
0x22d: {  	v5 =	vmul.f32 v5, v3;
	v6 =	vmul.f32 v62, v4;
	_ =	sdelay $0x1  }
0x22e: {  	v5 =	vadd.f32 v6, v5;
	_ =	sdelay $0x1  }
0x22f: {  	s24 =	sor.u32 $0xC70, s24;
	[tilespmem:s23+$0xC60] =	vst v5  }
0x230: {  	s26 =	sor.u32 $0xC70, s26;
	v5 =	vld [tilespmem:s24+$0x6480]  }
0x231: {  	v63 =	vld [tilespmem:s26+$0x6480];
	_ =	sdelay $0x3  }
0x232: {  	p2 =	sne.s32 s22, $0x780  }
.Ltmp3:
0x233: {  	v3 =	vmul.f32 v5, v3;
	v4 =	vmul.f32 v63, v4;
	(pc) =	sbr.rel @p2 .LBB2_5-.Ltmp3, $4  }
0x234: {  	_ = 	snop  }
0x235: {  	v3 =	vadd.f32 v4, v3  }
0x236: {  	s0 =	sadd.s32 $0x100, s0;
	s22 =	sadd.s32 $0x80, s22  }
0x237: {  	s21 =	sadd.s32 $0x200, s21;
	s19 =	sadd.s32 $0x1, s19;
	s20 =	sadd.s32 $0x400, s20;
	[tilespmem:s23+$0xC70] =	vst v3  }
0x238: {  	s0 =	sshll.u32 s12, $0x6  }
0x239: {  	s0 =	sadd.s32 s5, s0  }
0x23a: {  	[hbm4b:s0+s3] =	stream.linear.scatter [tilespmem:s31], [sflag:$0x6], $0x2000, $0x38;
	[tilespmem:$0x1A480] =	vst v63  }
0x23b: {  	s0 =	sadd.s32 @!p1 $0x5, s7  }
0x23c: {  	s12 =	sshll.u32 @!p1 s0, $0x5  }
0x23d: {  	s12 =	sand.u32 @!p1 $0x3FFFFFE0, s12  }
0x23e: {  	v3 =	vld @!p1 [tilespmem:s12+$0x0];
	_ =	sdelay $0x4  }
0x23f: {  	v4 =	vshll.u32 @!p1 v3, $0x2  }
0x240: {  	v5 =	vlaneseq.u32 @!p1;
	v3 =	vand.u32 @!p1 $0x7, v3;
	v4 =	vand.u32 @!p1 $0xFFFFFFE0, v4  }
0x241: {  	v6 =	vshrl.u32 @!p1 v5, $0x3;
	v3 =	vor.u32 @!p1 v3, v4;
	v4 =	vand.u32 @!p1 $0x7, v5  }
0x242: {  	v6 =	vmul.u32 @!p1 $0x8, v6;
	v7 =	vperm.xlane @!p1 v3, v4;
	_ =	sdelay $0x1  }
0x243: {  	v7 =	vadd.s32 @!p1 v6, v7  }
0x244: {  	v5 =	vor.u32 @!p1 $0x8, v5  }
0x245: {  	v3 =	vperm.xlane @!p1 v3, v5;
	_ =	sdelay $0x1  }
0x246: {  	s19 =	simm.s32 @!p1 $0x0;
	s20 =	simm.s32 @!p1 $0x6480;
	v3 =	vadd.s32 @!p1 v6, v3  }
0x247: {  	[tilespmem:s20], [sflag:$0x2] =	stream.indirect_vreg.gather @!p1 [hbm4b:s2+s19], $0x80, v7, vm1, $0xb8;
	[tilespmem:$0x1A480] =	vst v63  }
0x248: {  	s20 =	simm.s32 @!p1 $0x6C80  }
0x249: {  	[tilespmem:s20], [sflag:$0x2] =	stream.indirect_vreg.gather @!p1 [hbm4b:s8+s19], $0x80, v7, vm1, $0xb8;
	[tilespmem:$0x1A480] =	vst v63  }
0x24a: {  	s20 =	simm.s32 @!p1 $0x7480  }
0x24b: {  	[tilespmem:s20], [sflag:$0x2] =	stream.indirect_vreg.gather @!p1 [hbm4b:s2+s19], $0x80, v3, vm1, $0xb8;
	[tilespmem:$0x1A480] =	vst v63  }
0x24c: {  	s20 =	simm.s32 @!p1 $0x7C80  }
0x24d: {  	[tilespmem:s20], [sflag:$0x2] =	stream.indirect_vreg.gather @!p1 [hbm4b:s8+s19], $0x80, v3, vm1, $0xb8;
	[tilespmem:$0x1A480] =	vst v63  }
0x24e: {  	v3 =	vld @!p1 [tilespmem:s12+$0x10];
	_ =	sdelay $0x4  }
0x24f: {  	v7 =	vshll.u32 @!p1 v3, $0x2  }
0x250: {  	v3 =	vand.u32 @!p1 $0x7, v3;
	v7 =	vand.u32 @!p1 $0xFFFFFFE0, v7  }
0x251: {  	v3 =	vor.u32 @!p1 v3, v7  }
0x252: {  	v4 =	vperm.xlane @!p1 v3, v4;
	_ =	sdelay $0x1  }
0x253: {  	v4 =	vadd.s32 @!p1 v6, v4;
	_ =	sdelay $0x1  }
0x254: {  	v3 =	vperm.xlane @!p1 v3, v5;
	_ =	sdelay $0x1  }
0x255: {  	s12 =	simm.s32 @!p1 $0x8480;
	v3 =	vadd.s32 @!p1 v6, v3  }
0x256: {  	[tilespmem:s12], [sflag:$0x2] =	stream.indirect_vreg.gather @!p1 [hbm4b:s2+s19], $0x80, v4, vm1, $0xb8;
	[tilespmem:$0x1A480] =	vst v63  }
0x257: {  	s0 =	sshll.u32 @!p1 s0, $0xB;
	s12 =	simm.s32 @!p1 $0x8C80  }
0x258: {  	[tilespmem:s12], [sflag:$0x2] =	stream.indirect_vreg.gather @!p1 [hbm4b:s8+s19], $0x80, v4, vm1, $0xb8;
	[tilespmem:$0x1A480] =	vst v63  }
0x259: {  	s0 =	sadd.s32 @!p1 s13, s0;
	s12 =	simm.s32 @!p1 $0x9480  }
0x25a: {  	[tilespmem:s12], [sflag:$0x2] =	stream.indirect_vreg.gather @!p1 [hbm4b:s2+s19], $0x80, v3, vm1, $0xb8;
	[tilespmem:$0x1A480] =	vst v63  }
0x25b: {  	s0 =	sshrl.u32 @!p1 s0, $0x3;
	s12 =	simm.s32 @!p1 $0x9C80  }
0x25c: {  	[tilespmem:s12], [sflag:$0x2] =	stream.indirect_vreg.gather @!p1 [hbm4b:s8+s19], $0x80, v3, vm1, $0xb8;
	[tilespmem:$0x1A480] =	vst v63  }
0x25d: {  	s0 =	sadd.s32 @!p1 s4, s0;
	s12 =	simm.s32 @!p1 $0xC80  }
0x25e: {  	[tilespmem:s12], [sflag:$0x2] =	stream.linear.gather @!p1 [hbm4b:s0+s19], $0x800, $0x38;
	[tilespmem:$0x1A480] =	vst v63  }
0x25f: {  	_ =	swait.ge [sflag:s1], $0x4000  }
0x260: {  	[sflag:s1] =	ssyncset.done $0x0  }
0x261: {  	[sflag:s1] =	ssyncadd.s32 $0xFFFFC000  }
0x262: {  	_ =	swait.ge [sflag:s1], $0x800  }
0x263: {  	[sflag:s1] =	ssyncset.done $0x0  }
0x264: {  	s0 =	simm.s32 @!p0 $0x7;
	[sflag:s1] =	ssyncadd.s32 $0xFFFFF800  }
0x265: {  	s21 =	simm.s32 $0x0;
	s22 =	simm.s32 $0x0;
	_ =	swait.ge @!p0 [sflag:s0], $0x2000  }
0x266: {  	s20 =	simm.s32 $0x0;
	s12 =	sadd.s32 s18, s15;
	[sflag:s0] =	ssyncset.done @!p0 $0x0  }
0x267: {  	s19 =	simm.s32 $0x0;
	[sflag:s0] =	ssyncadd.s32 @!p0 $0xFFFFE000;
	s0 =	simm.s32 $0x0  }
.LBB2_7:
0x268: {  	s23 =	sshra.s32 s21, $0x2  }
0x269: {  	s24 =	sand.u32 $0x3000, s20;
	s25 =	sand.u32 $0x300, s0;
	v3 =	vld [tilespmem:s23+$0x1480]  }
0x26a: {  	v4 =	vld [tilespmem:s23+$0x1490];
	s24 =	sor.u32 s25, s24  }
0x26b: {  	v5 =	vld [tilespmem:s24+$0xA480]  }
0x26c: {  	v6 =	vld [tilespmem:s24+$0xA500];
	_ =	sdelay $0x4  }
0x26d: {  	v5 =	vmul.f32 v5, v3;
	v6 =	vmul.f32 v6, v4;
	_ =	sdelay $0x1  }
0x26e: {  	s26 =	sand.u32 $0x380, s22;
	s25 =	sand.u32 $0x1000, s21;
	v5 =	vadd.f32 v6, v5  }
0x26f: {  	s23 =	sor.u32 s26, s25  }
0x270: {  	[tilespmem:s23+$0x16480] =	vst v5  }
0x271: {  	v5 =	vld [tilespmem:s24+$0xA490]  }
0x272: {  	v33 =	vld [tilespmem:s24+$0xA510];
	_ =	sdelay $0x4  }
0x273: {  	v5 =	vmul.f32 v5, v3;
	v6 =	vmul.f32 v33, v4;
	_ =	sdelay $0x1  }
0x274: {  	v5 =	vadd.f32 v6, v5  }
0x275: {  	s23 =	sadd.s32 $0x16480, s23  }
0x276: {  	[tilespmem:s23+$0x10] =	vst v5  }
0x277: {  	v5 =	vld [tilespmem:s24+$0xA4A0]  }
0x278: {  	v34 =	vld [tilespmem:s24+$0xA520];
	_ =	sdelay $0x4  }
0x279: {  	v5 =	vmul.f32 v5, v3;
	v6 =	vmul.f32 v34, v4;
	_ =	sdelay $0x1  }
0x27a: {  	v5 =	vadd.f32 v6, v5;
	_ =	sdelay $0x1  }
0x27b: {  	[tilespmem:s23+$0x20] =	vst v5  }
0x27c: {  	v5 =	vld [tilespmem:s24+$0xA4B0]  }
0x27d: {  	v35 =	vld [tilespmem:s24+$0xA530];
	_ =	sdelay $0x4  }
0x27e: {  	v5 =	vmul.f32 v5, v3;
	v6 =	vmul.f32 v35, v4;
	_ =	sdelay $0x1  }
0x27f: {  	v5 =	vadd.f32 v6, v5;
	_ =	sdelay $0x1  }
0x280: {  	[tilespmem:s23+$0x30] =	vst v5  }
0x281: {  	v5 =	vld [tilespmem:s24+$0xA4C0]  }
0x282: {  	v36 =	vld [tilespmem:s24+$0xA540];
	_ =	sdelay $0x4  }
0x283: {  	v5 =	vmul.f32 v5, v3;
	v6 =	vmul.f32 v36, v4;
	_ =	sdelay $0x1  }
0x284: {  	v5 =	vadd.f32 v6, v5;
	_ =	sdelay $0x1  }
0x285: {  	[tilespmem:s23+$0x40] =	vst v5  }
0x286: {  	v5 =	vld [tilespmem:s24+$0xA4D0]  }
0x287: {  	v37 =	vld [tilespmem:s24+$0xA550];
	_ =	sdelay $0x4  }
0x288: {  	v5 =	vmul.f32 v5, v3;
	v6 =	vmul.f32 v37, v4;
	_ =	sdelay $0x1  }
0x289: {  	v5 =	vadd.f32 v6, v5;
	_ =	sdelay $0x1  }
0x28a: {  	[tilespmem:s23+$0x50] =	vst v5  }
0x28b: {  	v5 =	vld [tilespmem:s24+$0xA4E0]  }
0x28c: {  	v38 =	vld [tilespmem:s24+$0xA560];
	_ =	sdelay $0x4  }
0x28d: {  	v5 =	vmul.f32 v5, v3;
	v6 =	vmul.f32 v38, v4;
	_ =	sdelay $0x1  }
0x28e: {  	v5 =	vadd.f32 v6, v5;
	_ =	sdelay $0x1  }
0x28f: {  	[tilespmem:s23+$0x60] =	vst v5  }
0x290: {  	v5 =	vld [tilespmem:s24+$0xA4F0]  }
0x291: {  	v39 =	vld [tilespmem:s24+$0xA570];
	_ =	sdelay $0x4  }
0x292: {  	v5 =	vmul.f32 v5, v3;
	v6 =	vmul.f32 v39, v4;
	_ =	sdelay $0x1  }
0x293: {  	v5 =	vadd.f32 v6, v5;
	_ =	sdelay $0x1  }
0x294: {  	[tilespmem:s23+$0x70] =	vst v5  }
0x295: {  	v5 =	vld [tilespmem:s24+$0xA880]  }
0x296: {  	v40 =	vld [tilespmem:s24+$0xA900];
	_ =	sdelay $0x4  }
0x297: {  	v5 =	vmul.f32 v5, v3;
	v6 =	vmul.f32 v40, v4;
	_ =	sdelay $0x1  }
0x298: {  	v5 =	vadd.f32 v6, v5;
	_ =	sdelay $0x1  }
0x299: {  	[tilespmem:s23+$0x400] =	vst v5  }
0x29a: {  	v5 =	vld [tilespmem:s24+$0xA890]  }
0x29b: {  	v41 =	vld [tilespmem:s24+$0xA910];
	_ =	sdelay $0x4  }
0x29c: {  	v5 =	vmul.f32 v5, v3;
	v6 =	vmul.f32 v41, v4;
	_ =	sdelay $0x1  }
0x29d: {  	v5 =	vadd.f32 v6, v5;
	_ =	sdelay $0x1  }
0x29e: {  	[tilespmem:s23+$0x410] =	vst v5  }
0x29f: {  	v5 =	vld [tilespmem:s24+$0xA8A0]  }
0x2a0: {  	v42 =	vld [tilespmem:s24+$0xA920];
	_ =	sdelay $0x4  }
0x2a1: {  	v5 =	vmul.f32 v5, v3;
	v6 =	vmul.f32 v42, v4;
	_ =	sdelay $0x1  }
0x2a2: {  	v5 =	vadd.f32 v6, v5;
	_ =	sdelay $0x1  }
0x2a3: {  	[tilespmem:s23+$0x420] =	vst v5  }
0x2a4: {  	v5 =	vld [tilespmem:s24+$0xA8B0]  }
0x2a5: {  	v43 =	vld [tilespmem:s24+$0xA930];
	_ =	sdelay $0x4  }
0x2a6: {  	v5 =	vmul.f32 v5, v3;
	v6 =	vmul.f32 v43, v4;
	_ =	sdelay $0x1  }
0x2a7: {  	v5 =	vadd.f32 v6, v5;
	_ =	sdelay $0x1  }
0x2a8: {  	[tilespmem:s23+$0x430] =	vst v5  }
0x2a9: {  	v5 =	vld [tilespmem:s24+$0xA8C0]  }
0x2aa: {  	v44 =	vld [tilespmem:s24+$0xA940];
	_ =	sdelay $0x4  }
0x2ab: {  	v5 =	vmul.f32 v5, v3;
	v6 =	vmul.f32 v44, v4;
	_ =	sdelay $0x1  }
0x2ac: {  	v5 =	vadd.f32 v6, v5;
	_ =	sdelay $0x1  }
0x2ad: {  	[tilespmem:s23+$0x440] =	vst v5  }
0x2ae: {  	v5 =	vld [tilespmem:s24+$0xA8D0]  }
0x2af: {  	v45 =	vld [tilespmem:s24+$0xA950];
	_ =	sdelay $0x4  }
0x2b0: {  	v5 =	vmul.f32 v5, v3;
	v6 =	vmul.f32 v45, v4;
	_ =	sdelay $0x1  }
0x2b1: {  	v5 =	vadd.f32 v6, v5;
	_ =	sdelay $0x1  }
0x2b2: {  	[tilespmem:s23+$0x450] =	vst v5  }
0x2b3: {  	v5 =	vld [tilespmem:s24+$0xA8E0]  }
0x2b4: {  	v46 =	vld [tilespmem:s24+$0xA960];
	_ =	sdelay $0x4  }
0x2b5: {  	v5 =	vmul.f32 v5, v3;
	v6 =	vmul.f32 v46, v4;
	_ =	sdelay $0x1  }
0x2b6: {  	v5 =	vadd.f32 v6, v5;
	_ =	sdelay $0x1  }
0x2b7: {  	[tilespmem:s23+$0x460] =	vst v5  }
0x2b8: {  	v5 =	vld [tilespmem:s24+$0xA8F0]  }
0x2b9: {  	v47 =	vld [tilespmem:s24+$0xA970];
	_ =	sdelay $0x4  }
0x2ba: {  	v5 =	vmul.f32 v5, v3;
	v6 =	vmul.f32 v47, v4;
	_ =	sdelay $0x1  }
0x2bb: {  	v5 =	vadd.f32 v6, v5;
	_ =	sdelay $0x1  }
0x2bc: {  	[tilespmem:s23+$0x470] =	vst v5  }
0x2bd: {  	v5 =	vld [tilespmem:s24+$0xAC80]  }
0x2be: {  	v48 =	vld [tilespmem:s24+$0xAD00];
	_ =	sdelay $0x4  }
0x2bf: {  	v5 =	vmul.f32 v5, v3;
	v6 =	vmul.f32 v48, v4;
	_ =	sdelay $0x1  }
0x2c0: {  	v5 =	vadd.f32 v6, v5;
	_ =	sdelay $0x1  }
0x2c1: {  	[tilespmem:s23+$0x800] =	vst v5  }
0x2c2: {  	v5 =	vld [tilespmem:s24+$0xAC90]  }
0x2c3: {  	v49 =	vld [tilespmem:s24+$0xAD10];
	_ =	sdelay $0x4  }
0x2c4: {  	v5 =	vmul.f32 v5, v3;
	v6 =	vmul.f32 v49, v4;
	_ =	sdelay $0x1  }
0x2c5: {  	v5 =	vadd.f32 v6, v5;
	_ =	sdelay $0x1  }
0x2c6: {  	[tilespmem:s23+$0x810] =	vst v5  }
0x2c7: {  	v5 =	vld [tilespmem:s24+$0xACA0]  }
0x2c8: {  	v50 =	vld [tilespmem:s24+$0xAD20];
	_ =	sdelay $0x4  }
0x2c9: {  	v5 =	vmul.f32 v5, v3;
	v6 =	vmul.f32 v50, v4;
	_ =	sdelay $0x1  }
0x2ca: {  	v5 =	vadd.f32 v6, v5;
	_ =	sdelay $0x1  }
0x2cb: {  	[tilespmem:s23+$0x820] =	vst v5  }
0x2cc: {  	v5 =	vld [tilespmem:s24+$0xACB0]  }
0x2cd: {  	v51 =	vld [tilespmem:s24+$0xAD30];
	_ =	sdelay $0x4  }
0x2ce: {  	v5 =	vmul.f32 v5, v3;
	v6 =	vmul.f32 v51, v4;
	_ =	sdelay $0x1  }
0x2cf: {  	v5 =	vadd.f32 v6, v5;
	_ =	sdelay $0x1  }
0x2d0: {  	[tilespmem:s23+$0x830] =	vst v5  }
0x2d1: {  	v5 =	vld [tilespmem:s24+$0xACC0]  }
0x2d2: {  	v52 =	vld [tilespmem:s24+$0xAD40];
	_ =	sdelay $0x4  }
0x2d3: {  	v5 =	vmul.f32 v5, v3;
	v6 =	vmul.f32 v52, v4;
	_ =	sdelay $0x1  }
0x2d4: {  	v5 =	vadd.f32 v6, v5;
	_ =	sdelay $0x1  }
0x2d5: {  	[tilespmem:s23+$0x840] =	vst v5  }
0x2d6: {  	v5 =	vld [tilespmem:s24+$0xACD0]  }
0x2d7: {  	v53 =	vld [tilespmem:s24+$0xAD50];
	_ =	sdelay $0x4  }
0x2d8: {  	v5 =	vmul.f32 v5, v3;
	v6 =	vmul.f32 v53, v4;
	_ =	sdelay $0x1  }
0x2d9: {  	v5 =	vadd.f32 v6, v5;
	_ =	sdelay $0x1  }
0x2da: {  	[tilespmem:s23+$0x850] =	vst v5  }
0x2db: {  	v5 =	vld [tilespmem:s24+$0xACE0]  }
0x2dc: {  	v54 =	vld [tilespmem:s24+$0xAD60];
	_ =	sdelay $0x4  }
0x2dd: {  	v5 =	vmul.f32 v5, v3;
	v6 =	vmul.f32 v54, v4;
	_ =	sdelay $0x1  }
0x2de: {  	v5 =	vadd.f32 v6, v5;
	_ =	sdelay $0x1  }
0x2df: {  	[tilespmem:s23+$0x860] =	vst v5  }
0x2e0: {  	v5 =	vld [tilespmem:s24+$0xACF0]  }
0x2e1: {  	v55 =	vld [tilespmem:s24+$0xAD70];
	_ =	sdelay $0x4  }
0x2e2: {  	v5 =	vmul.f32 v5, v3;
	v6 =	vmul.f32 v55, v4  }
0x2e3: {  	s25 =	sand.u32 $0x3, s19  }
0x2e4: {  	s24 =	sshll.u32 s25, $0x8;
	v5 =	vadd.f32 v6, v5  }
0x2e5: {  	s24 =	sadd.s32 s24, s20  }
0x2e6: {  	s25 =	sor.u32 $0xC00, s24;
	s26 =	sadd.s32 $0x80, s24;
	[tilespmem:s23+$0x870] =	vst v5  }
0x2e7: {  	v5 =	vld [tilespmem:s25+$0xA480];
	s25 =	sor.u32 $0xC00, s26  }
0x2e8: {  	v56 =	vld [tilespmem:s25+$0xA480];
	_ =	sdelay $0x4  }
0x2e9: {  	v5 =	vmul.f32 v5, v3;
	v6 =	vmul.f32 v56, v4;
	_ =	sdelay $0x1  }
0x2ea: {  	v5 =	vadd.f32 v6, v5;
	_ =	sdelay $0x1  }
0x2eb: {  	s25 =	sor.u32 $0xC10, s24;
	[tilespmem:s23+$0xC00] =	vst v5  }
0x2ec: {  	v5 =	vld [tilespmem:s25+$0xA480];
	s25 =	sor.u32 $0xC10, s26  }
0x2ed: {  	v57 =	vld [tilespmem:s25+$0xA480];
	_ =	sdelay $0x4  }
0x2ee: {  	v5 =	vmul.f32 v5, v3;
	v6 =	vmul.f32 v57, v4;
	_ =	sdelay $0x1  }
0x2ef: {  	v5 =	vadd.f32 v6, v5;
	_ =	sdelay $0x1  }
0x2f0: {  	s25 =	sor.u32 $0xC20, s24;
	[tilespmem:s23+$0xC10] =	vst v5  }
0x2f1: {  	v5 =	vld [tilespmem:s25+$0xA480];
	s25 =	sor.u32 $0xC20, s26  }
0x2f2: {  	v58 =	vld [tilespmem:s25+$0xA480];
	_ =	sdelay $0x4  }
0x2f3: {  	v5 =	vmul.f32 v5, v3;
	v6 =	vmul.f32 v58, v4;
	_ =	sdelay $0x1  }
0x2f4: {  	v5 =	vadd.f32 v6, v5;
	_ =	sdelay $0x1  }
0x2f5: {  	s25 =	sor.u32 $0xC30, s24;
	[tilespmem:s23+$0xC20] =	vst v5  }
0x2f6: {  	v5 =	vld [tilespmem:s25+$0xA480];
	s25 =	sor.u32 $0xC30, s26  }
0x2f7: {  	v59 =	vld [tilespmem:s25+$0xA480];
	_ =	sdelay $0x4  }
0x2f8: {  	v5 =	vmul.f32 v5, v3;
	v6 =	vmul.f32 v59, v4;
	_ =	sdelay $0x1  }
0x2f9: {  	v5 =	vadd.f32 v6, v5;
	_ =	sdelay $0x1  }
0x2fa: {  	s25 =	sor.u32 $0xC40, s24;
	[tilespmem:s23+$0xC30] =	vst v5  }
0x2fb: {  	v5 =	vld [tilespmem:s25+$0xA480];
	s25 =	sor.u32 $0xC40, s26  }
0x2fc: {  	v60 =	vld [tilespmem:s25+$0xA480];
	_ =	sdelay $0x4  }
0x2fd: {  	v5 =	vmul.f32 v5, v3;
	v6 =	vmul.f32 v60, v4;
	_ =	sdelay $0x1  }
0x2fe: {  	v5 =	vadd.f32 v6, v5;
	_ =	sdelay $0x1  }
0x2ff: {  	s25 =	sor.u32 $0xC50, s24;
	[tilespmem:s23+$0xC40] =	vst v5  }
0x300: {  	v5 =	vld [tilespmem:s25+$0xA480];
	s25 =	sor.u32 $0xC50, s26  }
0x301: {  	v61 =	vld [tilespmem:s25+$0xA480];
	_ =	sdelay $0x4  }
0x302: {  	v5 =	vmul.f32 v5, v3;
	v6 =	vmul.f32 v61, v4;
	_ =	sdelay $0x1  }
0x303: {  	v5 =	vadd.f32 v6, v5;
	_ =	sdelay $0x1  }
0x304: {  	s25 =	sor.u32 $0xC60, s24;
	[tilespmem:s23+$0xC50] =	vst v5  }
0x305: {  	v5 =	vld [tilespmem:s25+$0xA480];
	s25 =	sor.u32 $0xC60, s26  }
0x306: {  	v62 =	vld [tilespmem:s25+$0xA480];
	_ =	sdelay $0x4  }
0x307: {  	v5 =	vmul.f32 v5, v3;
	v6 =	vmul.f32 v62, v4;
	_ =	sdelay $0x1  }
0x308: {  	v5 =	vadd.f32 v6, v5;
	_ =	sdelay $0x1  }
0x309: {  	s24 =	sor.u32 $0xC70, s24;
	[tilespmem:s23+$0xC60] =	vst v5  }
0x30a: {  	s26 =	sor.u32 $0xC70, s26;
	v5 =	vld [tilespmem:s24+$0xA480]  }
0x30b: {  	v63 =	vld [tilespmem:s26+$0xA480];
	_ =	sdelay $0x3  }
0x30c: {  	p2 =	sne.s32 s22, $0x780  }
.Ltmp4:
0x30d: {  	v3 =	vmul.f32 v5, v3;
	v4 =	vmul.f32 v63, v4;
	(pc) =	sbr.rel @p2 .LBB2_7-.Ltmp4, $4  }
0x30e: {  	_ = 	snop  }
0x30f: {  	v3 =	vadd.f32 v4, v3  }
0x310: {  	s0 =	sadd.s32 $0x100, s0;
	s22 =	sadd.s32 $0x80, s22  }
0x311: {  	s21 =	sadd.s32 $0x200, s21;
	s19 =	sadd.s32 $0x1, s19;
	s20 =	sadd.s32 $0x400, s20;
	[tilespmem:s23+$0xC70] =	vst v3  }
0x312: {  	s0 =	sshll.u32 s12, $0x6  }
0x313: {  	s0 =	sadd.s32 s5, s0  }
0x314: {  	[hbm4b:s0+s3] =	stream.linear.scatter [tilespmem:s6], [sflag:$0x7], $0x2000, $0x38;
	[tilespmem:$0x1A480] =	vst v63  }
0x315: {  	s0 =	sadd.s32 @!p1 $0x6, s7  }
0x316: {  	s12 =	sshll.u32 @!p1 s0, $0x5  }
0x317: {  	s12 =	sand.u32 @!p1 $0x3FFFFFE0, s12  }
0x318: {  	v3 =	vld @!p1 [tilespmem:s12+$0x0];
	_ =	sdelay $0x4  }
0x319: {  	v4 =	vshll.u32 @!p1 v3, $0x2  }
0x31a: {  	v5 =	vlaneseq.u32 @!p1;
	v3 =	vand.u32 @!p1 $0x7, v3;
	v4 =	vand.u32 @!p1 $0xFFFFFFE0, v4  }
0x31b: {  	v6 =	vshrl.u32 @!p1 v5, $0x3;
	v3 =	vor.u32 @!p1 v3, v4;
	v4 =	vand.u32 @!p1 $0x7, v5  }
0x31c: {  	v6 =	vmul.u32 @!p1 $0x8, v6;
	v7 =	vperm.xlane @!p1 v3, v4;
	_ =	sdelay $0x1  }
0x31d: {  	v7 =	vadd.s32 @!p1 v6, v7  }
0x31e: {  	v5 =	vor.u32 @!p1 $0x8, v5  }
0x31f: {  	v3 =	vperm.xlane @!p1 v3, v5;
	_ =	sdelay $0x1  }
0x320: {  	s19 =	simm.s32 @!p1 $0x0;
	s20 =	simm.s32 @!p1 $0xA480;
	v3 =	vadd.s32 @!p1 v6, v3  }
0x321: {  	[tilespmem:s20], [sflag:$0x3] =	stream.indirect_vreg.gather @!p1 [hbm4b:s2+s19], $0x80, v7, vm1, $0xb8;
	[tilespmem:$0x1A480] =	vst v63  }
0x322: {  	s20 =	simm.s32 @!p1 $0xAC80  }
0x323: {  	[tilespmem:s20], [sflag:$0x3] =	stream.indirect_vreg.gather @!p1 [hbm4b:s8+s19], $0x80, v7, vm1, $0xb8;
	[tilespmem:$0x1A480] =	vst v63  }
0x324: {  	s20 =	simm.s32 @!p1 $0xB480  }
0x325: {  	[tilespmem:s20], [sflag:$0x3] =	stream.indirect_vreg.gather @!p1 [hbm4b:s2+s19], $0x80, v3, vm1, $0xb8;
	[tilespmem:$0x1A480] =	vst v63  }
0x326: {  	s20 =	simm.s32 @!p1 $0xBC80  }
0x327: {  	[tilespmem:s20], [sflag:$0x3] =	stream.indirect_vreg.gather @!p1 [hbm4b:s8+s19], $0x80, v3, vm1, $0xb8;
	[tilespmem:$0x1A480] =	vst v63  }
0x328: {  	v3 =	vld @!p1 [tilespmem:s12+$0x10];
	_ =	sdelay $0x4  }
0x329: {  	v7 =	vshll.u32 @!p1 v3, $0x2  }
0x32a: {  	v3 =	vand.u32 @!p1 $0x7, v3;
	v7 =	vand.u32 @!p1 $0xFFFFFFE0, v7  }
0x32b: {  	v3 =	vor.u32 @!p1 v3, v7  }
0x32c: {  	v4 =	vperm.xlane @!p1 v3, v4;
	_ =	sdelay $0x1  }
0x32d: {  	v4 =	vadd.s32 @!p1 v6, v4;
	_ =	sdelay $0x1  }
0x32e: {  	v3 =	vperm.xlane @!p1 v3, v5;
	_ =	sdelay $0x1  }
0x32f: {  	s12 =	simm.s32 @!p1 $0xC480;
	v3 =	vadd.s32 @!p1 v6, v3  }
0x330: {  	[tilespmem:s12], [sflag:$0x3] =	stream.indirect_vreg.gather @!p1 [hbm4b:s2+s19], $0x80, v4, vm1, $0xb8;
	[tilespmem:$0x1A480] =	vst v63  }
0x331: {  	s0 =	sshll.u32 @!p1 s0, $0xB;
	s12 =	simm.s32 @!p1 $0xCC80  }
0x332: {  	[tilespmem:s12], [sflag:$0x3] =	stream.indirect_vreg.gather @!p1 [hbm4b:s8+s19], $0x80, v4, vm1, $0xb8;
	[tilespmem:$0x1A480] =	vst v63  }
0x333: {  	s0 =	sadd.s32 @!p1 s13, s0;
	s12 =	simm.s32 @!p1 $0xD480  }
0x334: {  	[tilespmem:s12], [sflag:$0x3] =	stream.indirect_vreg.gather @!p1 [hbm4b:s2+s19], $0x80, v3, vm1, $0xb8;
	[tilespmem:$0x1A480] =	vst v63  }
0x335: {  	s0 =	sshrl.u32 @!p1 s0, $0x3;
	s12 =	simm.s32 @!p1 $0xDC80  }
0x336: {  	[tilespmem:s12], [sflag:$0x3] =	stream.indirect_vreg.gather @!p1 [hbm4b:s8+s19], $0x80, v3, vm1, $0xb8;
	[tilespmem:$0x1A480] =	vst v63  }
0x337: {  	s0 =	sadd.s32 @!p1 s4, s0;
	s12 =	simm.s32 @!p1 $0x1480  }
0x338: {  	[tilespmem:s12], [sflag:$0x3] =	stream.linear.gather @!p1 [hbm4b:s0+s19], $0x800, $0x38;
	[tilespmem:$0x1A480] =	vst v63  }
0x339: {  	_ =	swait.ge [sflag:s9], $0x4000  }
0x33a: {  	[sflag:s9] =	ssyncset.done $0x0  }
0x33b: {  	[sflag:s9] =	ssyncadd.s32 $0xFFFFC000  }
0x33c: {  	_ =	swait.ge [sflag:s9], $0x800  }
0x33d: {  	[sflag:s9] =	ssyncset.done $0x0  }
0x33e: {  	s0 =	simm.s32 @!p0 $0x8;
	[sflag:s9] =	ssyncadd.s32 $0xFFFFF800  }
0x33f: {  	s21 =	simm.s32 $0x0;
	s20 =	simm.s32 $0x0;
	_ =	swait.ge @!p0 [sflag:s0], $0x2000  }
0x340: {  	s12 =	sadd.s32 s18, s16;
	s18 =	simm.s32 $0x0;
	[sflag:s0] =	ssyncset.done @!p0 $0x0  }
0x341: {  	s19 =	simm.s32 $0x0;
	[sflag:s0] =	ssyncadd.s32 @!p0 $0xFFFFE000;
	s0 =	simm.s32 $0x0  }
.LBB2_9:
0x342: {  	s22 =	sshra.s32 s20, $0x2  }
0x343: {  	s23 =	sand.u32 $0x3000, s19;
	s24 =	sand.u32 $0x300, s0;
	v3 =	vld [tilespmem:s22+$0x1C80]  }
0x344: {  	v4 =	vld [tilespmem:s22+$0x1C90];
	s23 =	sor.u32 s24, s23  }
0x345: {  	v5 =	vld [tilespmem:s23+$0xE480]  }
0x346: {  	v6 =	vld [tilespmem:s23+$0xE500];
	_ =	sdelay $0x4  }
0x347: {  	v5 =	vmul.f32 v5, v3;
	v6 =	vmul.f32 v6, v4;
	_ =	sdelay $0x1  }
0x348: {  	s25 =	sand.u32 $0x1000, s20;
	s26 =	sand.u32 $0x380, s21;
	v5 =	vadd.f32 v6, v5  }
0x349: {  	s22 =	sor.u32 s26, s25  }
0x34a: {  	[tilespmem:s22+$0x18480] =	vst v5  }
0x34b: {  	v5 =	vld [tilespmem:s23+$0xE490]  }
0x34c: {  	v33 =	vld [tilespmem:s23+$0xE510];
	_ =	sdelay $0x4  }
0x34d: {  	v5 =	vmul.f32 v5, v3;
	v6 =	vmul.f32 v33, v4;
	_ =	sdelay $0x1  }
0x34e: {  	v5 =	vadd.f32 v6, v5  }
0x34f: {  	s22 =	sadd.s32 $0x18480, s22  }
0x350: {  	[tilespmem:s22+$0x10] =	vst v5  }
0x351: {  	v5 =	vld [tilespmem:s23+$0xE4A0]  }
0x352: {  	v34 =	vld [tilespmem:s23+$0xE520];
	_ =	sdelay $0x4  }
0x353: {  	v5 =	vmul.f32 v5, v3;
	v6 =	vmul.f32 v34, v4;
	_ =	sdelay $0x1  }
0x354: {  	v5 =	vadd.f32 v6, v5;
	_ =	sdelay $0x1  }
0x355: {  	[tilespmem:s22+$0x20] =	vst v5  }
0x356: {  	v5 =	vld [tilespmem:s23+$0xE4B0]  }
0x357: {  	v35 =	vld [tilespmem:s23+$0xE530];
	_ =	sdelay $0x4  }
0x358: {  	v5 =	vmul.f32 v5, v3;
	v6 =	vmul.f32 v35, v4;
	_ =	sdelay $0x1  }
0x359: {  	v5 =	vadd.f32 v6, v5;
	_ =	sdelay $0x1  }
0x35a: {  	[tilespmem:s22+$0x30] =	vst v5  }
0x35b: {  	v5 =	vld [tilespmem:s23+$0xE4C0]  }
0x35c: {  	v36 =	vld [tilespmem:s23+$0xE540];
	_ =	sdelay $0x4  }
0x35d: {  	v5 =	vmul.f32 v5, v3;
	v6 =	vmul.f32 v36, v4;
	_ =	sdelay $0x1  }
0x35e: {  	v5 =	vadd.f32 v6, v5;
	_ =	sdelay $0x1  }
0x35f: {  	[tilespmem:s22+$0x40] =	vst v5  }
0x360: {  	v5 =	vld [tilespmem:s23+$0xE4D0]  }
0x361: {  	v37 =	vld [tilespmem:s23+$0xE550];
	_ =	sdelay $0x4  }
0x362: {  	v5 =	vmul.f32 v5, v3;
	v6 =	vmul.f32 v37, v4;
	_ =	sdelay $0x1  }
0x363: {  	v5 =	vadd.f32 v6, v5;
	_ =	sdelay $0x1  }
0x364: {  	[tilespmem:s22+$0x50] =	vst v5  }
0x365: {  	v5 =	vld [tilespmem:s23+$0xE4E0]  }
0x366: {  	v38 =	vld [tilespmem:s23+$0xE560];
	_ =	sdelay $0x4  }
0x367: {  	v5 =	vmul.f32 v5, v3;
	v6 =	vmul.f32 v38, v4;
	_ =	sdelay $0x1  }
0x368: {  	v5 =	vadd.f32 v6, v5;
	_ =	sdelay $0x1  }
0x369: {  	[tilespmem:s22+$0x60] =	vst v5  }
0x36a: {  	v5 =	vld [tilespmem:s23+$0xE4F0]  }
0x36b: {  	v39 =	vld [tilespmem:s23+$0xE570];
	_ =	sdelay $0x4  }
0x36c: {  	v5 =	vmul.f32 v5, v3;
	v6 =	vmul.f32 v39, v4;
	_ =	sdelay $0x1  }
0x36d: {  	v5 =	vadd.f32 v6, v5;
	_ =	sdelay $0x1  }
0x36e: {  	[tilespmem:s22+$0x70] =	vst v5  }
0x36f: {  	v5 =	vld [tilespmem:s23+$0xE880]  }
0x370: {  	v40 =	vld [tilespmem:s23+$0xE900];
	_ =	sdelay $0x4  }
0x371: {  	v5 =	vmul.f32 v5, v3;
	v6 =	vmul.f32 v40, v4;
	_ =	sdelay $0x1  }
0x372: {  	v5 =	vadd.f32 v6, v5;
	_ =	sdelay $0x1  }
0x373: {  	[tilespmem:s22+$0x400] =	vst v5  }
0x374: {  	v5 =	vld [tilespmem:s23+$0xE890]  }
0x375: {  	v41 =	vld [tilespmem:s23+$0xE910];
	_ =	sdelay $0x4  }
0x376: {  	v5 =	vmul.f32 v5, v3;
	v6 =	vmul.f32 v41, v4;
	_ =	sdelay $0x1  }
0x377: {  	v5 =	vadd.f32 v6, v5;
	_ =	sdelay $0x1  }
0x378: {  	[tilespmem:s22+$0x410] =	vst v5  }
0x379: {  	v5 =	vld [tilespmem:s23+$0xE8A0]  }
0x37a: {  	v42 =	vld [tilespmem:s23+$0xE920];
	_ =	sdelay $0x4  }
0x37b: {  	v5 =	vmul.f32 v5, v3;
	v6 =	vmul.f32 v42, v4;
	_ =	sdelay $0x1  }
0x37c: {  	v5 =	vadd.f32 v6, v5;
	_ =	sdelay $0x1  }
0x37d: {  	[tilespmem:s22+$0x420] =	vst v5  }
0x37e: {  	v5 =	vld [tilespmem:s23+$0xE8B0]  }
0x37f: {  	v43 =	vld [tilespmem:s23+$0xE930];
	_ =	sdelay $0x4  }
0x380: {  	v5 =	vmul.f32 v5, v3;
	v6 =	vmul.f32 v43, v4;
	_ =	sdelay $0x1  }
0x381: {  	v5 =	vadd.f32 v6, v5;
	_ =	sdelay $0x1  }
0x382: {  	[tilespmem:s22+$0x430] =	vst v5  }
0x383: {  	v5 =	vld [tilespmem:s23+$0xE8C0]  }
0x384: {  	v44 =	vld [tilespmem:s23+$0xE940];
	_ =	sdelay $0x4  }
0x385: {  	v5 =	vmul.f32 v5, v3;
	v6 =	vmul.f32 v44, v4;
	_ =	sdelay $0x1  }
0x386: {  	v5 =	vadd.f32 v6, v5;
	_ =	sdelay $0x1  }
0x387: {  	[tilespmem:s22+$0x440] =	vst v5  }
0x388: {  	v5 =	vld [tilespmem:s23+$0xE8D0]  }
0x389: {  	v45 =	vld [tilespmem:s23+$0xE950];
	_ =	sdelay $0x4  }
0x38a: {  	v5 =	vmul.f32 v5, v3;
	v6 =	vmul.f32 v45, v4;
	_ =	sdelay $0x1  }
0x38b: {  	v5 =	vadd.f32 v6, v5;
	_ =	sdelay $0x1  }
0x38c: {  	[tilespmem:s22+$0x450] =	vst v5  }
0x38d: {  	v5 =	vld [tilespmem:s23+$0xE8E0]  }
0x38e: {  	v46 =	vld [tilespmem:s23+$0xE960];
	_ =	sdelay $0x4  }
0x38f: {  	v5 =	vmul.f32 v5, v3;
	v6 =	vmul.f32 v46, v4;
	_ =	sdelay $0x1  }
0x390: {  	v5 =	vadd.f32 v6, v5;
	_ =	sdelay $0x1  }
0x391: {  	[tilespmem:s22+$0x460] =	vst v5  }
0x392: {  	v5 =	vld [tilespmem:s23+$0xE8F0]  }
0x393: {  	v47 =	vld [tilespmem:s23+$0xE970];
	_ =	sdelay $0x4  }
0x394: {  	v5 =	vmul.f32 v5, v3;
	v6 =	vmul.f32 v47, v4;
	_ =	sdelay $0x1  }
0x395: {  	v5 =	vadd.f32 v6, v5;
	_ =	sdelay $0x1  }
0x396: {  	[tilespmem:s22+$0x470] =	vst v5  }
0x397: {  	v5 =	vld [tilespmem:s23+$0xEC80]  }
0x398: {  	v48 =	vld [tilespmem:s23+$0xED00];
	_ =	sdelay $0x4  }
0x399: {  	v5 =	vmul.f32 v5, v3;
	v6 =	vmul.f32 v48, v4;
	_ =	sdelay $0x1  }
0x39a: {  	v5 =	vadd.f32 v6, v5;
	_ =	sdelay $0x1  }
0x39b: {  	[tilespmem:s22+$0x800] =	vst v5  }
0x39c: {  	v5 =	vld [tilespmem:s23+$0xEC90]  }
0x39d: {  	v49 =	vld [tilespmem:s23+$0xED10];
	_ =	sdelay $0x4  }
0x39e: {  	v5 =	vmul.f32 v5, v3;
	v6 =	vmul.f32 v49, v4;
	_ =	sdelay $0x1  }
0x39f: {  	v5 =	vadd.f32 v6, v5;
	_ =	sdelay $0x1  }
0x3a0: {  	[tilespmem:s22+$0x810] =	vst v5  }
0x3a1: {  	v5 =	vld [tilespmem:s23+$0xECA0]  }
0x3a2: {  	v50 =	vld [tilespmem:s23+$0xED20];
	_ =	sdelay $0x4  }
0x3a3: {  	v5 =	vmul.f32 v5, v3;
	v6 =	vmul.f32 v50, v4;
	_ =	sdelay $0x1  }
0x3a4: {  	v5 =	vadd.f32 v6, v5;
	_ =	sdelay $0x1  }
0x3a5: {  	[tilespmem:s22+$0x820] =	vst v5  }
0x3a6: {  	v5 =	vld [tilespmem:s23+$0xECB0]  }
0x3a7: {  	v51 =	vld [tilespmem:s23+$0xED30];
	_ =	sdelay $0x4  }
0x3a8: {  	v5 =	vmul.f32 v5, v3;
	v6 =	vmul.f32 v51, v4;
	_ =	sdelay $0x1  }
0x3a9: {  	v5 =	vadd.f32 v6, v5;
	_ =	sdelay $0x1  }
0x3aa: {  	[tilespmem:s22+$0x830] =	vst v5  }
0x3ab: {  	v5 =	vld [tilespmem:s23+$0xECC0]  }
0x3ac: {  	v52 =	vld [tilespmem:s23+$0xED40];
	_ =	sdelay $0x4  }
0x3ad: {  	v5 =	vmul.f32 v5, v3;
	v6 =	vmul.f32 v52, v4;
	_ =	sdelay $0x1  }
0x3ae: {  	v5 =	vadd.f32 v6, v5;
	_ =	sdelay $0x1  }
0x3af: {  	[tilespmem:s22+$0x840] =	vst v5  }
0x3b0: {  	v5 =	vld [tilespmem:s23+$0xECD0]  }
0x3b1: {  	v53 =	vld [tilespmem:s23+$0xED50];
	_ =	sdelay $0x4  }
0x3b2: {  	v5 =	vmul.f32 v5, v3;
	v6 =	vmul.f32 v53, v4;
	_ =	sdelay $0x1  }
0x3b3: {  	v5 =	vadd.f32 v6, v5;
	_ =	sdelay $0x1  }
0x3b4: {  	[tilespmem:s22+$0x850] =	vst v5  }
0x3b5: {  	v5 =	vld [tilespmem:s23+$0xECE0]  }
0x3b6: {  	v54 =	vld [tilespmem:s23+$0xED60];
	_ =	sdelay $0x4  }
0x3b7: {  	v5 =	vmul.f32 v5, v3;
	v6 =	vmul.f32 v54, v4;
	_ =	sdelay $0x1  }
0x3b8: {  	v5 =	vadd.f32 v6, v5;
	_ =	sdelay $0x1  }
0x3b9: {  	[tilespmem:s22+$0x860] =	vst v5  }
0x3ba: {  	v5 =	vld [tilespmem:s23+$0xECF0]  }
0x3bb: {  	v55 =	vld [tilespmem:s23+$0xED70];
	_ =	sdelay $0x4  }
0x3bc: {  	v5 =	vmul.f32 v5, v3;
	v6 =	vmul.f32 v55, v4  }
0x3bd: {  	s25 =	sand.u32 $0x3, s18  }
0x3be: {  	s23 =	sshll.u32 s25, $0x8;
	v5 =	vadd.f32 v6, v5  }
0x3bf: {  	s23 =	sadd.s32 s23, s19  }
0x3c0: {  	s26 =	sor.u32 $0xC00, s23;
	s25 =	sadd.s32 $0x80, s23;
	[tilespmem:s22+$0x870] =	vst v5  }
0x3c1: {  	v5 =	vld [tilespmem:s26+$0xE480];
	s26 =	sor.u32 $0xC00, s25  }
0x3c2: {  	v56 =	vld [tilespmem:s26+$0xE480];
	_ =	sdelay $0x4  }
0x3c3: {  	v5 =	vmul.f32 v5, v3;
	v6 =	vmul.f32 v56, v4;
	_ =	sdelay $0x1  }
0x3c4: {  	v5 =	vadd.f32 v6, v5;
	_ =	sdelay $0x1  }
0x3c5: {  	s26 =	sor.u32 $0xC10, s23;
	[tilespmem:s22+$0xC00] =	vst v5  }
0x3c6: {  	v5 =	vld [tilespmem:s26+$0xE480];
	s26 =	sor.u32 $0xC10, s25  }
0x3c7: {  	v57 =	vld [tilespmem:s26+$0xE480];
	_ =	sdelay $0x4  }
0x3c8: {  	v5 =	vmul.f32 v5, v3;
	v6 =	vmul.f32 v57, v4;
	_ =	sdelay $0x1  }
0x3c9: {  	v5 =	vadd.f32 v6, v5;
	_ =	sdelay $0x1  }
0x3ca: {  	s26 =	sor.u32 $0xC20, s23;
	[tilespmem:s22+$0xC10] =	vst v5  }
0x3cb: {  	v5 =	vld [tilespmem:s26+$0xE480];
	s26 =	sor.u32 $0xC20, s25  }
0x3cc: {  	v58 =	vld [tilespmem:s26+$0xE480];
	_ =	sdelay $0x4  }
0x3cd: {  	v5 =	vmul.f32 v5, v3;
	v6 =	vmul.f32 v58, v4;
	_ =	sdelay $0x1  }
0x3ce: {  	v5 =	vadd.f32 v6, v5;
	_ =	sdelay $0x1  }
0x3cf: {  	s26 =	sor.u32 $0xC30, s23;
	[tilespmem:s22+$0xC20] =	vst v5  }
0x3d0: {  	v5 =	vld [tilespmem:s26+$0xE480];
	s26 =	sor.u32 $0xC30, s25  }
0x3d1: {  	v59 =	vld [tilespmem:s26+$0xE480];
	_ =	sdelay $0x4  }
0x3d2: {  	v5 =	vmul.f32 v5, v3;
	v6 =	vmul.f32 v59, v4;
	_ =	sdelay $0x1  }
0x3d3: {  	v5 =	vadd.f32 v6, v5;
	_ =	sdelay $0x1  }
0x3d4: {  	s26 =	sor.u32 $0xC40, s23;
	[tilespmem:s22+$0xC30] =	vst v5  }
0x3d5: {  	v5 =	vld [tilespmem:s26+$0xE480];
	s26 =	sor.u32 $0xC40, s25  }
0x3d6: {  	v60 =	vld [tilespmem:s26+$0xE480];
	_ =	sdelay $0x4  }
0x3d7: {  	v5 =	vmul.f32 v5, v3;
	v6 =	vmul.f32 v60, v4;
	_ =	sdelay $0x1  }
0x3d8: {  	v5 =	vadd.f32 v6, v5;
	_ =	sdelay $0x1  }
0x3d9: {  	s26 =	sor.u32 $0xC50, s23;
	[tilespmem:s22+$0xC40] =	vst v5  }
0x3da: {  	v5 =	vld [tilespmem:s26+$0xE480];
	s26 =	sor.u32 $0xC50, s25  }
0x3db: {  	v61 =	vld [tilespmem:s26+$0xE480];
	_ =	sdelay $0x4  }
0x3dc: {  	v5 =	vmul.f32 v5, v3;
	v6 =	vmul.f32 v61, v4;
	_ =	sdelay $0x1  }
0x3dd: {  	v5 =	vadd.f32 v6, v5;
	_ =	sdelay $0x1  }
0x3de: {  	s26 =	sor.u32 $0xC60, s23;
	[tilespmem:s22+$0xC50] =	vst v5  }
0x3df: {  	v5 =	vld [tilespmem:s26+$0xE480];
	s26 =	sor.u32 $0xC60, s25  }
0x3e0: {  	v62 =	vld [tilespmem:s26+$0xE480];
	_ =	sdelay $0x4  }
0x3e1: {  	v5 =	vmul.f32 v5, v3;
	v6 =	vmul.f32 v62, v4;
	_ =	sdelay $0x1  }
0x3e2: {  	v5 =	vadd.f32 v6, v5;
	_ =	sdelay $0x1  }
0x3e3: {  	s23 =	sor.u32 $0xC70, s23;
	[tilespmem:s22+$0xC60] =	vst v5  }
0x3e4: {  	s26 =	sor.u32 $0xC70, s25;
	v5 =	vld [tilespmem:s23+$0xE480]  }
0x3e5: {  	v63 =	vld [tilespmem:s26+$0xE480];
	_ =	sdelay $0x3  }
0x3e6: {  	p0 =	sne.s32 s21, $0x780  }
.Ltmp5:
0x3e7: {  	v3 =	vmul.f32 v5, v3;
	v4 =	vmul.f32 v63, v4;
	(pc) =	sbr.rel @p0 .LBB2_9-.Ltmp5, $4  }
0x3e8: {  	_ = 	snop  }
0x3e9: {  	v3 =	vadd.f32 v4, v3  }
0x3ea: {  	s20 =	sadd.s32 $0x200, s20;
	s0 =	sadd.s32 $0x100, s0  }
0x3eb: {  	s21 =	sadd.s32 $0x80, s21;
	s18 =	sadd.s32 $0x1, s18;
	s19 =	sadd.s32 $0x400, s19;
	[tilespmem:s22+$0xC70] =	vst v3  }
.Ltmp6:
0x3ec: {  	(pc) =	sbr.rel @p1 .LBB2_12-.Ltmp6, $4  }
0x3ed: {  	_ = 	snop  }
0x3ee: {  	s0 =	sshll.u32 s12, $0x6  }
0x3ef: {  	s0 =	sadd.s32 s5, s0  }
0x3f0: {  	[hbm4b:s0+s3] =	stream.linear.scatter [tilespmem:s11], [sflag:$0x8], $0x2000, $0x38;
	[tilespmem:$0x1A480] =	vst v63  }
0x3f1: {  	s0 =	sadd.s32 $0x7, s7  }
0x3f2: {  	s7 =	sshll.u32 s0, $0x5  }
0x3f3: {  	s7 =	sand.u32 $0x3FFFFFE0, s7  }
0x3f4: {  	v3 =	vld [tilespmem:s7+$0x0];
	_ =	sdelay $0x4  }
0x3f5: {  	v4 =	vshll.u32 v3, $0x2  }
0x3f6: {  	v3 =	vand.u32 $0x7, v3;
	v4 =	vand.u32 $0xFFFFFFE0, v4  }
0x3f7: {  	v3 =	vor.u32 v3, v4  }
0x3f8: {  	v4 =	vperm.xlane v3, v0;
	_ =	sdelay $0x1  }
0x3f9: {  	v4 =	vadd.s32 v1, v4;
	_ =	sdelay $0x1  }
0x3fa: {  	v3 =	vperm.xlane v3, v2;
	_ =	sdelay $0x1  }
0x3fb: {  	s12 =	simm.s32 $0xE480;
	v3 =	vadd.s32 v1, v3  }
0x3fc: {  	[tilespmem:s12], [sflag:$0x4] =	stream.indirect_vreg.gather [hbm4b:s2+s3], $0x80, v4, vm0, $0xb8;
	[tilespmem:$0x1A480] =	vst v63  }
0x3fd: {  	s19 =	simm.s32 $0xEC80  }
0x3fe: {  	[tilespmem:s19], [sflag:$0x4] =	stream.indirect_vreg.gather [hbm4b:s8+s3], $0x80, v4, vm0, $0xb8;
	[tilespmem:$0x1A480] =	vst v63  }
0x3ff: {  	s20 =	simm.s32 $0xF480  }
0x400: {  	[tilespmem:s20], [sflag:$0x4] =	stream.indirect_vreg.gather [hbm4b:s2+s3], $0x80, v3, vm0, $0xb8;
	[tilespmem:$0x1A480] =	vst v63  }
0x401: {  	s21 =	simm.s32 $0xFC80  }
0x402: {  	[tilespmem:s21], [sflag:$0x4] =	stream.indirect_vreg.gather [hbm4b:s8+s3], $0x80, v3, vm0, $0xb8;
	[tilespmem:$0x1A480] =	vst v63  }
0x403: {  	v3 =	vld [tilespmem:s7+$0x10];
	_ =	sdelay $0x4  }
0x404: {  	v63 =	vshll.u32 v3, $0x2  }
0x405: {  	v3 =	vand.u32 $0x7, v3;
	v4 =	vand.u32 $0xFFFFFFE0, v63  }
0x406: {  	v3 =	vor.u32 v3, v4  }
0x407: {  	v4 =	vperm.xlane v3, v0;
	_ =	sdelay $0x1  }
0x408: {  	v4 =	vadd.s32 v1, v4;
	_ =	sdelay $0x1  }
0x409: {  	v3 =	vperm.xlane v3, v2;
	_ =	sdelay $0x1  }
0x40a: {  	s22 =	simm.s32 $0x10480;
	v3 =	vadd.s32 v1, v3  }
0x40b: {  	[tilespmem:s22], [sflag:$0x4] =	stream.indirect_vreg.gather [hbm4b:s2+s3], $0x80, v4, vm0, $0xb8;
	[tilespmem:$0x1A480] =	vst v63  }
0x40c: {  	s23 =	simm.s32 $0x10C80  }
0x40d: {  	[tilespmem:s23], [sflag:$0x4] =	stream.indirect_vreg.gather [hbm4b:s8+s3], $0x80, v4, vm0, $0xb8;
	[tilespmem:$0x1A480] =	vst v63  }
0x40e: {  	s24 =	simm.s32 $0x11480;
	s0 =	sshll.u32 s0, $0xB  }
0x40f: {  	[tilespmem:s24], [sflag:$0x4] =	stream.indirect_vreg.gather [hbm4b:s2+s3], $0x80, v3, vm0, $0xb8;
	[tilespmem:$0x1A480] =	vst v63  }
.Ltmp7:
0x410: {  	s0 =	sadd.s32 s13, s0;
	(pc) =	sbr.rel .LBB2_2-.Ltmp7, $4  }
0x411: {  	s25 =	simm.s32 $0x11C80;
	s0 =	sshrl.u32 s0, $0x3  }
0x412: {  	[tilespmem:s25], [sflag:$0x4] =	stream.indirect_vreg.gather [hbm4b:s8+s3], $0x80, v3, vm0, $0xb8;
	[tilespmem:$0x1A480] =	vst v63  }
0x413: {  	s26 =	simm.s32 $0x1C80;
	s17 =	sadd.s32 $0x1, s17;
	s0 =	sadd.s32 s4, s0  }
0x414: {  	[tilespmem:s26], [sflag:$0x4] =	stream.linear.gather [hbm4b:s0+s3], $0x800, $0x38;
	[tilespmem:$0x1A480] =	vst v63  }
.LBB2_13:
0x415: {  	_ =	sfence.sel $0x180000  }
0x416: {  	[bflag:$0x0] =	sbarrier.arrive $0xFFFF  }
0x417: {  	_ =	strace $0x90000047  }
0x418: {  	s0 =	stileid.u32;
	[bflag:$0x2] =	sbarrier.arrive $0xFFFF  }
0x419: {  	p0 =	sne.s32 s0, $0x0;
	s0 =	rddreg [dreg:$0x2]  }
0x41a: {  	s0 =	sadd.s32 @!p0 $0x100000, s0  }
0x41b: {  	[sflag:s0] =	ssyncadd.tile.s32 @!p0 $0x1;
	_ =	shalt  }
.Lfunc_end2:
_tile_overlayer_lowered:
.L_overlay_start_2:
0x41c: {  	(tag) =	ssettag $0x2  }
0x41d: {  	s0 =	rddreg [dreg:$0x0];
	s2 =	stileid.u32  }
0x41e: {  	s1 =	rddreg [dreg:$0x1];
	p0 =	sne.s32 s2, $0x0  }
0x41f: {  	s3 =	rddreg [dreg:$0x2];
	[bflag:$0x3] =	sbarrier.arrive $0xFFFF;
	s2 =	simm.s32 @!p0 $0x1C09  }
0x420: {  	[timem:s3], [sflag:s2] =	dma.local @!p0 [hbm:s0], s1  }
0x421: {  	s0 =	simm.s32 @!p0 $0x9  }
0x422: {  	_ =	swait.ge @!p0 [sflag:s0], s1  }
0x423: {  	s1 =	ssub.s32 @!p0 $0x0, s1;
	[sflag:s0] =	ssyncset.done @!p0 $0x0  }
0x424: {  	[sflag:s0] =	ssyncadd.s32 @!p0 s1  }
0x425: {  	[bflag:$0x3] =	sbarrier.arrive $0xFFFF  }
0x426: {  	_ =	shalt  }

</sc_bundles>
